<compile_context>
chip_gen: v7x
topology: tpu7x:2x2x1
jax: 0.10.2.dev20260603
libtpu: 0.0.44.dev20260713+nightly
codegen_flags: <defaults>
</compile_context>

<pallas_src>
import functools

import jax
import jax.numpy as jnp
from jax import lax
from jax.experimental import pallas as pl
from jax.experimental.pallas import tpu as pltpu
from jax.experimental.pallas import tpu_sc as plsc

NC, NS, L = 2, 16, 16
NW = NC * NS
CH = 128

N, E, H, G = 10000, 320000, 128, 16
NP = 10240
NR = NP // 128
DUMP = N
_nch_min = -(-E // (NW * CH))
NCH = _nch_min + (_nch_min % 2)
EP = NW * NCH * CH
ROWS_PT = NP // NS

_mesh = functools.partial(
    plsc.VectorSubcoreMesh, core_axis_name="c", subcore_axis_name="s")


def _wid():
    return lax.axis_index("c") * NS + lax.axis_index("s")


@functools.partial(
    pl.kernel,
    out_type=jax.ShapeDtypeStruct((NC, NP), jnp.float32),
    mesh=_mesh(),
    scratch_types=[
        pltpu.VMEM((NCH, CH), jnp.int32),
        pltpu.VMEM((CH,), jnp.float32),
    ] + [pltpu.SemaphoreType.DMA] * 4
      + [pltpu.VMEM_SHARED((NP,), jnp.float32)],
)
def _sc_deg(dst_hbm, ones_hbm, zz_hbm, out_hbm, didx_v, ones_v,
            s0, s1, s2, s3, acc_sh):
    c = lax.axis_index("c")
    s = lax.axis_index("s")
    ssem = (s0, s1, s2, s3)
    pltpu.sync_copy(zz_hbm.at[pl.ds(s * ROWS_PT, ROWS_PT)],
                    acc_sh.at[pl.ds(s * ROWS_PT, ROWS_PT)])
    pltpu.sync_copy(dst_hbm.at[_wid()], didx_v)
    pltpu.sync_copy(ones_hbm, ones_v)
    plsc.subcore_barrier()

    def drain(sem):
        pltpu.make_async_copy(ones_hbm, ones_v, sem).wait()

    for k in range(4):
        pltpu.async_copy(ones_v, acc_sh.at[didx_v.at[k]], ssem[k], add=True)

    def body(i, carry):
        j0 = 4 * i
        for k in range(4):
            drain(ssem[k])
            jn = jnp.minimum(j0 + 4 + k, NCH - 1)
            pltpu.async_copy(ones_v, acc_sh.at[didx_v.at[jn]],
                             ssem[k], add=True)
        return carry

    lax.fori_loop(0, NB4 - 1, body, 0)
    for k in range(4):
        drain(ssem[k])
    plsc.subcore_barrier()
    pltpu.sync_copy(acc_sh.at[pl.ds(s * ROWS_PT, ROWS_PT)],
                    out_hbm.at[c, pl.ds(s * ROWS_PT, ROWS_PT)])


NB4 = NCH // 4


@functools.partial(
    pl.kernel,
    out_type=jax.ShapeDtypeStruct((NC, NP), jnp.float32),
    mesh=_mesh(),
    scratch_types=[
        pltpu.VMEM((NCH, CH), jnp.int32),
        pltpu.VMEM((NCH, CH), jnp.int32),
    ] + [pltpu.VMEM((CH,), jnp.float32)] * 4
      + [pltpu.SemaphoreType.DMA] * 8
      + [pltpu.VMEM_SHARED((NP,), jnp.float32)],
)
def _sc_s1(src_hbm, dst_hbm, u_hbm, zz_hbm, out_hbm,
           sidx_v, didx_v, p0, p1, p2, p3,
           g0, g1, g2, g3, s0, s1, s2, s3, acc_sh):
    c = lax.axis_index("c")
    s = lax.axis_index("s")
    pay = (p0, p1, p2, p3)
    gsem = (g0, g1, g2, g3)
    ssem = (s0, s1, s2, s3)
    pltpu.sync_copy(zz_hbm.at[pl.ds(s * ROWS_PT, ROWS_PT)],
                    acc_sh.at[pl.ds(s * ROWS_PT, ROWS_PT)])
    pltpu.sync_copy(src_hbm.at[_wid()], sidx_v)
    pltpu.sync_copy(dst_hbm.at[_wid()], didx_v)
    plsc.subcore_barrier()

    def drain(buf, sem):
        pltpu.make_async_copy(u_hbm.at[pl.ds(0, CH)], buf, sem).wait()

    for k in range(4):
        pltpu.async_copy(u_hbm.at[sidx_v.at[k]], pay[k], gsem[k])

    def body(i, carry):
        j0 = 4 * i
        for k in range(4):
            drain(pay[k], gsem[k])
            pltpu.async_copy(pay[k], acc_sh.at[didx_v.at[j0 + k]],
                             ssem[k], add=True)
        for k in range(4):
            drain(pay[k], ssem[k])
            jn = jnp.minimum(j0 + 4 + k, NCH - 1)
            pltpu.async_copy(u_hbm.at[sidx_v.at[jn]], pay[k], gsem[k])
        return carry

    lax.fori_loop(0, NB4, body, 0)
    for k in range(4):
        drain(pay[k], gsem[k])
    plsc.subcore_barrier()
    pltpu.sync_copy(acc_sh.at[pl.ds(s * ROWS_PT, ROWS_PT)],
                    out_hbm.at[c, pl.ds(s * ROWS_PT, ROWS_PT)])


@functools.partial(
    pl.kernel,
    out_type=jax.ShapeDtypeStruct((NC, 2 * NP), jnp.float32),
    mesh=_mesh(),
    scratch_types=[
        pltpu.VMEM((NCH, CH), jnp.int32),
        pltpu.VMEM((NCH, CH), jnp.int32),
    ] + [pltpu.VMEM((CH,), jnp.float32)] * 4
      + [pltpu.VMEM((CH,), jnp.int32)] * 4
      + [pltpu.SemaphoreType.DMA] * 8
      + [pltpu.VMEM_SHARED((2 * NP,), jnp.float32)],
)
def _sc_s2(src_hbm, dst_hbm, w_hbm, zz_hbm, out_hbm,
           sidx_v, didx_v, p0, p1, p2, p3, i0, i1, i2, i3,
           g0, g1, g2, g3, s0, s1, s2, s3, acc_sh):
    c = lax.axis_index("c")
    s = lax.axis_index("s")
    pay = (p0, p1, p2, p3)
    idxb = (i0, i1, i2, i3)
    gsem = (g0, g1, g2, g3)
    ssem = (s0, s1, s2, s3)
    rpt = (2 * NP) // NS
    pltpu.sync_copy(zz_hbm.at[pl.ds(s * rpt, rpt)],
                    acc_sh.at[pl.ds(s * rpt, rpt)])
    pltpu.sync_copy(src_hbm.at[_wid()], sidx_v)
    pltpu.sync_copy(dst_hbm.at[_wid()], didx_v)
    plsc.subcore_barrier()

    def drain(buf, sem):
        pltpu.make_async_copy(w_hbm.at[pl.ds(0, CH)], buf, sem).wait()

    def build_idx(j, pay_k, idx_k):
        for k in range(CH // L):
            w16 = pay_k[pl.ds(k * L, L)]
            d16 = didx_v[j, pl.ds(k * L, L)]
            neg = jnp.where(w16 < 0.0, 1, 0).astype(jnp.int32)
            idx_k[pl.ds(k * L, L)] = d16 * 2 + neg

    for k in range(4):
        pltpu.async_copy(w_hbm.at[sidx_v.at[k]], pay[k], gsem[k])

    def body(i, carry):
        j0 = 4 * i
        for k in range(4):
            drain(pay[k], gsem[k])
            build_idx(j0 + k, pay[k], idxb[k])
            pltpu.async_copy(pay[k], acc_sh.at[idxb[k]], ssem[k], add=True)
        for k in range(4):
            drain(pay[k], ssem[k])
            jn = jnp.minimum(j0 + 4 + k, NCH - 1)
            pltpu.async_copy(w_hbm.at[sidx_v.at[jn]], pay[k], gsem[k])
        return carry

    lax.fori_loop(0, NB4, body, 0)
    for k in range(4):
        drain(pay[k], gsem[k])
    plsc.subcore_barrier()
    pltpu.sync_copy(acc_sh.at[pl.ds(s * rpt, rpt)],
                    out_hbm.at[c, pl.ds(s * rpt, rpt)])


CHh = 80
NCHh = (EP // NW) // CHh
BIh = 16
NBLKh = NCHh // BIh


@functools.partial(
    pl.kernel,
    out_type=jax.ShapeDtypeStruct((NC, NP, H), jnp.float32),
    mesh=_mesh(),
    scratch_types=[
        pltpu.VMEM((BIh, CHh), jnp.int32),
        pltpu.VMEM((BIh, CHh), jnp.int32),
    ] + [pltpu.VMEM((CHh, H), jnp.float32)] * 3
      + [pltpu.SemaphoreType.DMA] * 6
      + [pltpu.VMEM_SHARED((NP, H), jnp.float32)],
)
def _sc_rows(src_hbm, dst_hbm, g_hbm, zz_hbm, out_hbm,
             sidx_v, didx_v, r0, r1, r2, g0, g1, g2, s0, s1, s2, acc_sh):
    c = lax.axis_index("c")
    s = lax.axis_index("s")
    rows = (r0, r1, r2)
    gsem = (g0, g1, g2)
    ssem = (s0, s1, s2)
    pltpu.sync_copy(zz_hbm.at[pl.ds(s * ROWS_PT, ROWS_PT)],
                    acc_sh.at[pl.ds(s * ROWS_PT, ROWS_PT)])
    plsc.subcore_barrier()
    w = _wid()

    def drain(buf, sem):
        pltpu.make_async_copy(g_hbm.at[pl.ds(0, CHh)], buf, sem).wait()

    def body(b, carry):
        pltpu.sync_copy(src_hbm.at[w, pl.ds(b * BIh, BIh)], sidx_v)
        pltpu.sync_copy(dst_hbm.at[w, pl.ds(b * BIh, BIh)], didx_v)
        for j in range(3):
            pltpu.async_copy(g_hbm.at[sidx_v.at[j]], rows[j], gsem[j])
        for j in range(BIh):
            k = j % 3
            drain(rows[k], gsem[k])
            pltpu.async_copy(rows[k], acc_sh.at[didx_v.at[j]],
                             ssem[k], add=True)
            if j + 3 < BIh:
                drain(rows[k], ssem[k])
                pltpu.async_copy(g_hbm.at[sidx_v.at[j + 3]], rows[k], gsem[k])
        for j in range(BIh - 3, BIh):
            drain(rows[j % 3], ssem[j % 3])
        return carry

    lax.fori_loop(0, NBLKh, body, 0)
    plsc.subcore_barrier()
    pltpu.sync_copy(acc_sh.at[pl.ds(s * ROWS_PT, ROWS_PT)],
                    out_hbm.at[c].at[pl.ds(s * ROWS_PT, ROWS_PT)])


def _tc_prep1(degp2, x2):
    def kern(dp_ref, x_ref, dinv_ref, u_ref):
        cnt = dp_ref[0] + dp_ref[1]
        dinv = lax.rsqrt(cnt + 1.0)
        dinv_ref[...] = dinv
        u_ref[...] = dinv * x_ref[...]

    return pl.pallas_call(
        kern,
        out_shape=(jax.ShapeDtypeStruct((NR, 128), jnp.float32),
                   jax.ShapeDtypeStruct((NR, 128), jnp.float32)),
    )(degp2, x2)


def _tc_prep2(s1p2, dinv2, u2):
    def kern(sp_ref, dv_ref, u_ref, w_ref):
        dv = dv_ref[...]
        w_ref[...] = dv * dv * (sp_ref[0] + sp_ref[1] + u_ref[...])

    return pl.pallas_call(
        kern,
        out_shape=jax.ShapeDtypeStruct((NR, 128), jnp.float32),
    )(s1p2, dinv2, u2)


def _tc_expand(sPp, wB, dinvB, W0, W1, b1row):
    BR = 2048

    def kern(sp_ref, w_ref, dv_ref, w0_ref, w1_ref, b1_ref, g_ref):
        w = w_ref[...]
        dv = dv_ref[...]
        a20 = dv * (sp_ref[0, :, 0:1] + sp_ref[1, :, 0:1] + jnp.maximum(w, 0.0))
        a21 = dv * (-sp_ref[0, :, 1:2] - sp_ref[1, :, 1:2] + jnp.maximum(-w, 0.0))
        q0 = jnp.maximum(w0_ref[...], 0.0)
        q1 = jnp.maximum(-w0_ref[...], 0.0)
        b20 = jnp.dot(q0, w1_ref[...], preferred_element_type=jnp.float32)
        b21 = jnp.dot(q1, w1_ref[...], preferred_element_type=jnp.float32)
        h2 = jnp.maximum(a20 * b20 + a21 * b21 + b1_ref[...], 0.0)
        g_ref[...] = dv * h2

    return pl.pallas_call(
        kern,
        grid=(NP // BR,),
        in_specs=[
            pl.BlockSpec((NC, BR, 2), lambda i: (0, i, 0)),
            pl.BlockSpec((BR, 1), lambda i: (i, 0)),
            pl.BlockSpec((BR, 1), lambda i: (i, 0)),
            pl.BlockSpec((1, H), lambda i: (0, 0)),
            pl.BlockSpec((H, H), lambda i: (0, 0)),
            pl.BlockSpec((1, H), lambda i: (0, 0)),
        ],
        out_specs=pl.BlockSpec((BR, H), lambda i: (i, 0)),
        out_shape=jax.ShapeDtypeStruct((NP, H), jnp.float32),
    )(sPp, wB, dinvB, W0, W1, b1row)


def _tc_final(sGp, g, dinvB, batch_row, W2, b2row):
    BR = 1024

    def kern(sg_ref, g_ref, dv_ref, b_ref, w2_ref, b2_ref, out_ref,
             sums_sc, cnts_sc):
        i = pl.program_id(0)

        @pl.when(i == 0)
        def _():
            sums_sc[...] = jnp.zeros_like(sums_sc)
            cnts_sc[...] = jnp.zeros_like(cnts_sc)

        z3 = dv_ref[...] * (sg_ref[0] + sg_ref[1] + g_ref[...])
        h3 = jnp.maximum(
            jnp.dot(z3, w2_ref[...], preferred_element_type=jnp.float32)
            + b2_ref[...], 0.0)
        oh = (b_ref[...] == lax.broadcasted_iota(jnp.int32, (G, 1), 0)
              ).astype(jnp.float32)
        sums_sc[...] += jnp.dot(oh, h3, preferred_element_type=jnp.float32)
        cnts_sc[...] += jnp.sum(oh, axis=1, keepdims=True)

        @pl.when(i == pl.num_programs(0) - 1)
        def _():
            out_ref[...] = sums_sc[...] / jnp.maximum(cnts_sc[...], 1.0)

    return pl.pallas_call(
        kern,
        grid=(NP // BR,),
        in_specs=[
            pl.BlockSpec((NC, BR, H), lambda i: (0, i, 0)),
            pl.BlockSpec((BR, H), lambda i: (i, 0)),
            pl.BlockSpec((BR, 1), lambda i: (i, 0)),
            pl.BlockSpec((1, BR), lambda i: (0, i)),
            pl.BlockSpec((H, H), lambda i: (0, 0)),
            pl.BlockSpec((1, H), lambda i: (0, 0)),
        ],
        out_specs=pl.BlockSpec((G, H), lambda i: (0, 0)),
        out_shape=jax.ShapeDtypeStruct((G, H), jnp.float32),
        scratch_shapes=[pltpu.VMEM((G, H), jnp.float32),
                        pltpu.VMEM((G, 1), jnp.float32)],
    )(sGp, g, dinvB, batch_row, W2, b2row)


def kernel(x, edge_index, batch, W0, b0, W1, b1, W2, b2):
    f32 = jnp.float32
    pad_e = EP - E
    dump_idx = DUMP + (jnp.arange(pad_e, dtype=jnp.int32) % (NP - N))
    srcp = jnp.concatenate(
        [edge_index[0], dump_idx]).reshape(NW, NCH, CH)
    dstp = jnp.concatenate(
        [edge_index[1], dump_idx]).reshape(NW, NCH, CH)
    xp = jnp.pad(x[:, 0], (0, NP - N))
    batchp = jnp.pad(batch, (0, NP - N), constant_values=G).reshape(1, NP)

    ones_ch = jnp.ones((CH,), f32)
    zz1 = jnp.zeros((NP,), f32)
    zz2 = jnp.zeros((2 * NP,), f32)
    zzH = jnp.zeros((NP, H), f32)

    degp = _sc_deg(dstp, ones_ch, zz1)
    dinv2, u2 = _tc_prep1(degp.reshape(NC, NR, 128), xp.reshape(NR, 128))
    s1p = _sc_s1(srcp, dstp, u2.reshape(NP), zz1)
    w2 = _tc_prep2(s1p.reshape(NC, NR, 128), dinv2, u2)
    sPp = _sc_s2(srcp, dstp, w2.reshape(NP), zz2)
    sPp = sPp.reshape(NC, NP, 2)
    g = _tc_expand(sPp, w2.reshape(NP, 1), dinv2.reshape(NP, 1),
                   W0, W1, b1.reshape(1, H))
    sGp = _sc_rows(srcp.reshape(NW, NCHh, CHh), dstp.reshape(NW, NCHh, CHh),
                   g, zzH)
    out = _tc_final(sGp, g, dinv2.reshape(NP, 1), batchp, W2, b2.reshape(1, H))
    return out

# --- scband reference (transcript-rebuilt; emitter-appended) ---
"""Pipeline reference for scband-mpnnmodel-6957847019827 (READ-ONLY COPY).

The authoritative reference and input builder live on the scoring server;
editing this copy changes nothing except your own understanding.
"""

import jax, jax.numpy as jnp
import numpy as np

N = 10000
E = 320000
H = 128
G = 16


def setup_inputs(seed: int = 0) -> dict:
    key = jax.random.key(seed)
    ks = jax.random.split(key, 10)
    x = jax.random.normal(ks[0], (N, 1), dtype=jnp.float32)
    edge_index = jax.random.randint(ks[1], (2, E), 0, N, dtype=jnp.int32)
    batch = jnp.sort(jax.random.randint(ks[2], (N,), 0, G, dtype=jnp.int32))
    W0 = jax.random.normal(ks[3], (1, H), dtype=jnp.float32) * 0.1
    b0 = jnp.zeros((H,), dtype=jnp.float32)
    W1 = jax.random.normal(ks[4], (H, H), dtype=jnp.float32) * 0.05
    b1 = jnp.zeros((H,), dtype=jnp.float32)
    W2 = jax.random.normal(ks[5], (H, H), dtype=jnp.float32) * 0.05
    b2 = jnp.zeros((H,), dtype=jnp.float32)
    return {"x": x, "edge_index": edge_index, "batch": batch,
            "W0": W0, "b0": b0, "W1": W1, "b1": b1, "W2": W2, "b2": b2}


def gcn_conv(x, edge_index, W, b):
    # PyG GCNConv: add self-loops, symmetric normalization, linear transform, scatter-add
    n = x.shape[0]
    loop = jnp.arange(n, dtype=edge_index.dtype)
    src = jnp.concatenate([edge_index[0], loop])
    dst = jnp.concatenate([edge_index[1], loop])
    xw = x @ W
    deg = jnp.zeros((n,), dtype=x.dtype).at[dst].add(1.0)
    dinv = jnp.where(deg > 0, jax.lax.rsqrt(deg), 0.0)
    norm = dinv[src] * dinv[dst]
    msgs = xw[src] * norm[:, None]
    out = jnp.zeros((n, W.shape[1]), dtype=x.dtype).at[dst].add(msgs)
    return out + b


def reference(x, edge_index, batch, W0, b0, W1, b1, W2, b2):
    h = x
    for (W, b) in ((W0, b0), (W1, b1), (W2, b2)):
        h = jax.nn.relu(gcn_conv(h, edge_index, W, b))
    # global_mean_pool over batch ids
    sums = jax.ops.segment_sum(h, batch, num_segments=G)
    counts = jax.ops.segment_sum(jnp.ones((h.shape[0], 1), dtype=h.dtype), batch, num_segments=G)
    return sums / jnp.clip(counts, 1.0)

if __name__ == "__main__":
    import jax
    _d = setup_inputs()
    print(jax.jit(kernel)(*tuple(_d.values())))

</pallas_src>

<mosaic_0001>
#map = affine_map<(d0, d1) -> (0, 0, 0)>
#map1 = affine_map<(d0, d1) -> (0)>
#map2 = affine_map<(d0, d1) -> (0, 0)>
module attributes {stable_mosaic.version = 14 : i64} {
  func.func @_sc_s2(%arg0: i32, %arg1: i32, %arg2: memref<32x80x128xi32, #tpu.memory_space<hbm>>, %arg3: memref<32x80x128xi32, #tpu.memory_space<hbm>>, %arg4: memref<10240xf32, #tpu.memory_space<hbm>>, %arg5: memref<20480xf32, #tpu.memory_space<hbm>>, %arg6: memref<2x20480xf32, #tpu.memory_space<hbm>>, %arg7: memref<80x128xi32, #tpu.memory_space<vmem>>, %arg8: memref<80x128xi32, #tpu.memory_space<vmem>>, %arg9: memref<128xf32, #tpu.memory_space<vmem>>, %arg10: memref<128xf32, #tpu.memory_space<vmem>>, %arg11: memref<128xf32, #tpu.memory_space<vmem>>, %arg12: memref<128xf32, #tpu.memory_space<vmem>>, %arg13: memref<128xi32, #tpu.memory_space<vmem>>, %arg14: memref<128xi32, #tpu.memory_space<vmem>>, %arg15: memref<128xi32, #tpu.memory_space<vmem>>, %arg16: memref<128xi32, #tpu.memory_space<vmem>>, %arg17: memref<!tpu.dma_semaphore, #tpu.memory_space<semaphore_mem>>, %arg18: memref<!tpu.dma_semaphore, #tpu.memory_space<semaphore_mem>>, %arg19: memref<!tpu.dma_semaphore, #tpu.memory_space<semaphore_mem>>, %arg20: memref<!tpu.dma_semaphore, #tpu.memory_space<semaphore_mem>>, %arg21: memref<!tpu.dma_semaphore, #tpu.memory_space<semaphore_mem>>, %arg22: memref<!tpu.dma_semaphore, #tpu.memory_space<semaphore_mem>>, %arg23: memref<!tpu.dma_semaphore, #tpu.memory_space<semaphore_mem>>, %arg24: memref<!tpu.dma_semaphore, #tpu.memory_space<semaphore_mem>>, %arg25: memref<20480xf32, #tpu.memory_space<vmem_shared>>) attributes {dimension_semantics = [#tpu.dimension_semantics<core_parallel>, #tpu.dimension_semantics<subcore_parallel>], iteration_bounds = array<i64: 2, 16>, scalar_prefetch = 0 : i64, scratch_operands = 19 : i64, tpu.core_type = #tpu.core_type<sc_vector_subcore>, window_params = [{transform_indices = #map}, {transform_indices = #map}, {transform_indices = #map1}, {transform_indices = #map1}, {transform_indices = #map2}]} {
    %mul3A = arith.constant 1280 : i32
    %mul3A_0 = arith.muli %arg1, %mul3A : i32
    %mul3A_1 = arith.constant 1280 : i32
    %mul3A_2 = arith.muli %arg1, %mul3A_1 : i32
    "tpu.region"() ({
      %run_scoped3A = tpu.sem_alloc : memref<!tpu.dma_semaphore, #tpu.memory_space<semaphore_mem>>
      %dma_start3A_56 = tpu.memref_slice %arg25[%mul3A_2] : memref<20480xf32, #tpu.memory_space<vmem_shared>> -> memref<1280xf32, #tpu.memory_space<vmem_shared>>
      %dma_start3A_57 = tpu.memref_slice %arg5[%mul3A_0] : memref<20480xf32, #tpu.memory_space<hbm>> -> memref<1280xf32, #tpu.memory_space<hbm>>
      tpu.enqueue_dma source(%dma_start3A_57 : memref<1280xf32, #tpu.memory_space<hbm>>) target(%dma_start3A_56 : memref<1280xf32, #tpu.memory_space<vmem_shared>>) target_semaphore(%run_scoped3A : memref<!tpu.dma_semaphore, #tpu.memory_space<semaphore_mem>>)
      %dma_wait3A_58 = tpu.memref_slice %arg25[%mul3A_2] : memref<20480xf32, #tpu.memory_space<vmem_shared>> -> memref<1280xf32, #tpu.memory_space<vmem_shared>>
      %dma_wait3A_59 = tpu.memref_slice %arg5[%mul3A_0] : memref<20480xf32, #tpu.memory_space<hbm>> -> memref<1280xf32, #tpu.memory_space<hbm>>
      tpu.wait_dma2 semaphore(%run_scoped3A : memref<!tpu.dma_semaphore, #tpu.memory_space<semaphore_mem>>) src(%dma_wait3A_59 : memref<1280xf32, #tpu.memory_space<hbm>>) dst(%dma_wait3A_58 : memref<1280xf32, #tpu.memory_space<vmem_shared>>)
      tpu.yield
    }) : () -> ()
    %mul3A_3 = arith.constant 16 : i32
    %mul3A_4 = arith.muli %arg0, %mul3A_3 : i32
    %add3A = arith.addi %mul3A_4, %arg1 : i32
    "tpu.region"() ({
      %run_scoped3A = tpu.sem_alloc : memref<!tpu.dma_semaphore, #tpu.memory_space<semaphore_mem>>
      %dma_start3A_56 = arith.constant 0 : i32
      %dma_start3A_57 = arith.constant 0 : i32
      %dma_start3A_58 = tpu.memref_slice %arg2[%add3A, %dma_start3A_56, %dma_start3A_57] : memref<32x80x128xi32, #tpu.memory_space<hbm>> -> memref<1x80x128xi32, #tpu.memory_space<hbm>>
      %dma_start3A_59 = tpu.memref_squeeze %dma_start3A_58 : memref<1x80x128xi32, #tpu.memory_space<hbm>> -> memref<80x128xi32, #tpu.memory_space<hbm>>
      %dma_start3A_60 = arith.constant 0 : i32
      %dma_start3A_61 = arith.constant 0 : i32
      %dma_start3A_62 = tpu.memref_slice %arg2[%add3A, %dma_start3A_60, %dma_start3A_61] : memref<32x80x128xi32, #tpu.memory_space<hbm>> -> memref<1x80x128xi32, #tpu.memory_space<hbm>>
      %dma_start3A_63 = tpu.memref_squeeze %dma_start3A_62 : memref<1x80x128xi32, #tpu.memory_space<hbm>> -> memref<80x128xi32, #tpu.memory_space<hbm>>
      tpu.enqueue_dma source(%dma_start3A_63 : memref<80x128xi32, #tpu.memory_space<hbm>>) target(%arg7 : memref<80x128xi32, #tpu.memory_space<vmem>>) target_semaphore(%run_scoped3A : memref<!tpu.dma_semaphore, #tpu.memory_space<semaphore_mem>>)
      %dma_wait3A_64 = arith.constant 0 : i32
      %dma_wait3A_65 = arith.constant 0 : i32
      %dma_wait3A_66 = tpu.memref_slice %arg2[%add3A, %dma_wait3A_64, %dma_wait3A_65] : memref<32x80x128xi32, #tpu.memory_space<hbm>> -> memref<1x80x128xi32, #tpu.memory_space<hbm>>
      %dma_wait3A_67 = tpu.memref_squeeze %dma_wait3A_66 : memref<1x80x128xi32, #tpu.memory_space<hbm>> -> memref<80x128xi32, #tpu.memory_space<hbm>>
      %dma_wait3A_68 = arith.constant 0 : i32
      %dma_wait3A_69 = arith.constant 0 : i32
      %dma_wait3A_70 = tpu.memref_slice %arg2[%add3A, %dma_wait3A_68, %dma_wait3A_69] : memref<32x80x128xi32, #tpu.memory_space<hbm>> -> memref<1x80x128xi32, #tpu.memory_space<hbm>>
      %dma_wait3A_71 = tpu.memref_squeeze %dma_wait3A_70 : memref<1x80x128xi32, #tpu.memory_space<hbm>> -> memref<80x128xi32, #tpu.memory_space<hbm>>
      tpu.wait_dma2 semaphore(%run_scoped3A : memref<!tpu.dma_semaphore, #tpu.memory_space<semaphore_mem>>) src(%dma_wait3A_71 : memref<80x128xi32, #tpu.memory_space<hbm>>) dst(%arg7 : memref<80x128xi32, #tpu.memory_space<vmem>>)
      tpu.yield
    }) : () -> ()
    %mul3A_5 = arith.constant 16 : i32
    %mul3A_6 = arith.muli %arg0, %mul3A_5 : i32
    %add3A_7 = arith.addi %mul3A_6, %arg1 : i32
    "tpu.region"() ({
      %run_scoped3A = tpu.sem_alloc : memref<!tpu.dma_semaphore, #tpu.memory_space<semaphore_mem>>
      %dma_start3A_56 = arith.constant 0 : i32
      %dma_start3A_57 = arith.constant 0 : i32
      %dma_start3A_58 = tpu.memref_slice %arg3[%add3A_7, %dma_start3A_56, %dma_start3A_57] : memref<32x80x128xi32, #tpu.memory_space<hbm>> -> memref<1x80x128xi32, #tpu.memory_space<hbm>>
      %dma_start3A_59 = tpu.memref_squeeze %dma_start3A_58 : memref<1x80x128xi32, #tpu.memory_space<hbm>> -> memref<80x128xi32, #tpu.memory_space<hbm>>
      %dma_start3A_60 = arith.constant 0 : i32
      %dma_start3A_61 = arith.constant 0 : i32
      %dma_start3A_62 = tpu.memref_slice %arg3[%add3A_7, %dma_start3A_60, %dma_start3A_61] : memref<32x80x128xi32, #tpu.memory_space<hbm>> -> memref<1x80x128xi32, #tpu.memory_space<hbm>>
      %dma_start3A_63 = tpu.memref_squeeze %dma_start3A_62 : memref<1x80x128xi32, #tpu.memory_space<hbm>> -> memref<80x128xi32, #tpu.memory_space<hbm>>
      tpu.enqueue_dma source(%dma_start3A_63 : memref<80x128xi32, #tpu.memory_space<hbm>>) target(%arg8 : memref<80x128xi32, #tpu.memory_space<vmem>>) target_semaphore(%run_scoped3A : memref<!tpu.dma_semaphore, #tpu.memory_space<semaphore_mem>>)
      %dma_wait3A_64 = arith.constant 0 : i32
      %dma_wait3A_65 = arith.constant 0 : i32
      %dma_wait3A_66 = tpu.memref_slice %arg3[%add3A_7, %dma_wait3A_64, %dma_wait3A_65] : memref<32x80x128xi32, #tpu.memory_space<hbm>> -> memref<1x80x128xi32, #tpu.memory_space<hbm>>
      %dma_wait3A_67 = tpu.memref_squeeze %dma_wait3A_66 : memref<1x80x128xi32, #tpu.memory_space<hbm>> -> memref<80x128xi32, #tpu.memory_space<hbm>>
      %dma_wait3A_68 = arith.constant 0 : i32
      %dma_wait3A_69 = arith.constant 0 : i32
      %dma_wait3A_70 = tpu.memref_slice %arg3[%add3A_7, %dma_wait3A_68, %dma_wait3A_69] : memref<32x80x128xi32, #tpu.memory_space<hbm>> -> memref<1x80x128xi32, #tpu.memory_space<hbm>>
      %dma_wait3A_71 = tpu.memref_squeeze %dma_wait3A_70 : memref<1x80x128xi32, #tpu.memory_space<hbm>> -> memref<80x128xi32, #tpu.memory_space<hbm>>
      tpu.wait_dma2 semaphore(%run_scoped3A : memref<!tpu.dma_semaphore, #tpu.memory_space<semaphore_mem>>) src(%dma_wait3A_71 : memref<80x128xi32, #tpu.memory_space<hbm>>) dst(%arg8 : memref<80x128xi32, #tpu.memory_space<vmem>>)
      tpu.yield
    }) : () -> ()
    %barrier3A = arith.constant 0 : index
    tpu.barrier barrier_id(%barrier3A)
    %dma_start3A = arith.constant 0 : i32
    %dma_start3A_8 = arith.constant 0 : i32
    %dma_start3A_9 = tpu.memref_slice %arg7[%dma_start3A, %dma_start3A_8] : memref<80x128xi32, #tpu.memory_space<vmem>> -> memref<1x128xi32, #tpu.memory_space<vmem>>
    %dma_start3A_10 = tpu.memref_squeeze %dma_start3A_9 : memref<1x128xi32, #tpu.memory_space<vmem>> -> memref<128xi32, #tpu.memory_space<vmem>>
    %dma_start3A_11 = arith.constant 0 : i32
    %dma_start3A_12 = tpu.memref_slice %arg4[%dma_start3A_11] : memref<10240xf32, #tpu.memory_space<hbm>> -> memref<10240xf32, #tpu.memory_space<hbm>>
    tpu.enqueue_indirect_dma source(%dma_start3A_12 : memref<10240xf32, #tpu.memory_space<hbm>>) target(%arg9 : memref<128xf32, #tpu.memory_space<vmem>>) offsets(%dma_start3A_10 : memref<128xi32, #tpu.memory_space<vmem>>) semaphore(%arg17 : memref<!tpu.dma_semaphore, #tpu.memory_space<semaphore_mem>>)
    %dma_start3A_13 = arith.constant 1 : i32
    %dma_start3A_14 = arith.constant 0 : i32
    %dma_start3A_15 = tpu.memref_slice %arg7[%dma_start3A_13, %dma_start3A_14] : memref<80x128xi32, #tpu.memory_space<vmem>> -> memref<1x128xi32, #tpu.memory_space<vmem>>
    %dma_start3A_16 = tpu.memref_squeeze %dma_start3A_15 : memref<1x128xi32, #tpu.memory_space<vmem>> -> memref<128xi32, #tpu.memory_space<vmem>>
    %dma_start3A_17 = arith.constant 0 : i32
    %dma_start3A_18 = tpu.memref_slice %arg4[%dma_start3A_17] : memref<10240xf32, #tpu.memory_space<hbm>> -> memref<10240xf32, #tpu.memory_space<hbm>>
    tpu.enqueue_indirect_dma source(%dma_start3A_18 : memref<10240xf32, #tpu.memory_space<hbm>>) target(%arg10 : memref<128xf32, #tpu.memory_space<vmem>>) offsets(%dma_start3A_16 : memref<128xi32, #tpu.memory_space<vmem>>) semaphore(%arg18 : memref<!tpu.dma_semaphore, #tpu.memory_space<semaphore_mem>>)
    %dma_start3A_19 = arith.constant 2 : i32
    %dma_start3A_20 = arith.constant 0 : i32
    %dma_start3A_21 = tpu.memref_slice %arg7[%dma_start3A_19, %dma_start3A_20] : memref<80x128xi32, #tpu.memory_space<vmem>> -> memref<1x128xi32, #tpu.memory_space<vmem>>
    %dma_start3A_22 = tpu.memref_squeeze %dma_start3A_21 : memref<1x128xi32, #tpu.memory_space<vmem>> -> memref<128xi32, #tpu.memory_space<vmem>>
    %dma_start3A_23 = arith.constant 0 : i32
    %dma_start3A_24 = tpu.memref_slice %arg4[%dma_start3A_23] : memref<10240xf32, #tpu.memory_space<hbm>> -> memref<10240xf32, #tpu.memory_space<hbm>>
    tpu.enqueue_indirect_dma source(%dma_start3A_24 : memref<10240xf32, #tpu.memory_space<hbm>>) target(%arg11 : memref<128xf32, #tpu.memory_space<vmem>>) offsets(%dma_start3A_22 : memref<128xi32, #tpu.memory_space<vmem>>) semaphore(%arg19 : memref<!tpu.dma_semaphore, #tpu.memory_space<semaphore_mem>>)
    %dma_start3A_25 = arith.constant 3 : i32
    %dma_start3A_26 = arith.constant 0 : i32
    %dma_start3A_27 = tpu.memref_slice %arg7[%dma_start3A_25, %dma_start3A_26] : memref<80x128xi32, #tpu.memory_space<vmem>> -> memref<1x128xi32, #tpu.memory_space<vmem>>
    %dma_start3A_28 = tpu.memref_squeeze %dma_start3A_27 : memref<1x128xi32, #tpu.memory_space<vmem>> -> memref<128xi32, #tpu.memory_space<vmem>>
    %dma_start3A_29 = arith.constant 0 : i32
    %dma_start3A_30 = tpu.memref_slice %arg4[%dma_start3A_29] : memref<10240xf32, #tpu.memory_space<hbm>> -> memref<10240xf32, #tpu.memory_space<hbm>>
    tpu.enqueue_indirect_dma source(%dma_start3A_30 : memref<10240xf32, #tpu.memory_space<hbm>>) target(%arg12 : memref<128xf32, #tpu.memory_space<vmem>>) offsets(%dma_start3A_28 : memref<128xi32, #tpu.memory_space<vmem>>) semaphore(%arg20 : memref<!tpu.dma_semaphore, #tpu.memory_space<semaphore_mem>>)
    %scan3A = arith.constant 0 : i32
    %scan3A_31 = arith.constant 0 : i32
    %scan3A_32 = arith.constant 20 : i32
    %scan3A_33 = arith.addi %scan3A_31, %scan3A_32 : i32
    %scan3A_34 = arith.constant 1 : i32
    scf.for %scan3A_56 = %scan3A_31 to %scan3A_33 step %scan3A_34  : i32 {
      %mul3A_57 = arith.constant 4 : i32
      %mul3A_58 = arith.muli %mul3A_57, %scan3A_56 : i32
      %dma_wait3A_59 = arith.constant 0 : i32
      %dma_wait3A_60 = tpu.memref_slice %arg4[%dma_wait3A_59] : memref<10240xf32, #tpu.memory_space<hbm>> -> memref<128xf32, #tpu.memory_space<hbm>>
      %dma_wait3A_61 = arith.constant 0 : i32
      %dma_wait3A_62 = tpu.memref_slice %arg4[%dma_wait3A_61] : memref<10240xf32, #tpu.memory_space<hbm>> -> memref<128xf32, #tpu.memory_space<hbm>>
      tpu.wait_dma2 semaphore(%arg17 : memref<!tpu.dma_semaphore, #tpu.memory_space<semaphore_mem>>) src(%dma_wait3A_62 : memref<128xf32, #tpu.memory_space<hbm>>) dst(%arg9 : memref<128xf32, #tpu.memory_space<vmem>>)
      %add3A_63 = arith.constant 0 : i32
      %add3A_64 = arith.addi %mul3A_58, %add3A_63 : i32
      %get3A = arith.constant 0 : index
      %get3A_65 = tpu.vector_load %arg9[%get3A] {strides = array<i32>} : memref<128xf32, #tpu.memory_space<vmem>>, vector<16xf32>,
      %get3A_66 = vector.shape_cast %get3A_65 : vector<16xf32> to vector<16xf32>
      %get3A_67 = arith.index_cast %add3A_64 : i32 to index
      %get3A_68 = arith.constant 0 : index
      %get3A_69 = tpu.vector_load %arg8[%get3A_67, %get3A_68] {strides = array<i32>} : memref<80x128xi32, #tpu.memory_space<vmem>>, vector<1x16xi32>,
      %get3A_70 = vector.shape_cast %get3A_69 : vector<1x16xi32> to vector<16xi32>
      %lt3A = arith.constant 0.000000e+00 : f32
      %lt3A_71 = vector.broadcast %lt3A : f32 to vector<16xf32>
      %lt3A_72 = arith.cmpf olt, %get3A_66, %lt3A_71 : vector<16xf32>
      %jit3A = arith.constant 1 : i32
      %jit3A_73 = arith.constant 0 : i32
      %broadcast_in_dim3A = vector.broadcast %jit3A : i32 to vector<16xi32>
      %broadcast_in_dim3A_74 = vector.broadcast %jit3A_73 : i32 to vector<16xi32>
      %select_n3A = arith.select %lt3A_72, %broadcast_in_dim3A, %broadcast_in_dim3A_74 : vector<16xi1>, vector<16xi32>
      %mul3A_75 = arith.constant 2 : i32
      %mul3A_76 = vector.broadcast %mul3A_75 : i32 to vector<16xi32>
      %mul3A_77 = arith.muli %get3A_70, %mul3A_76 : vector<16xi32>
      %add3A_78 = arith.addi %mul3A_77, %select_n3A : vector<16xi32>
      %swap3A = arith.constant 0 : index
      %swap3A_79 = tpu.vector_load %arg13[%swap3A] {strides = array<i32>} : memref<128xi32, #tpu.memory_space<vmem>>, vector<16xi32>,
      %swap3A_80 = vector.shape_cast %swap3A_79 : vector<16xi32> to vector<16xi32>
      %swap3A_81 = vector.shape_cast %add3A_78 : vector<16xi32> to vector<16xi32>
      tpu.vector_store %arg13[%swap3A], %swap3A_81 {strides = array<i32>} : memref<128xi32, #tpu.memory_space<vmem>>, vector<16xi32>,
      %get3A_82 = arith.constant 16 : index
      %get3A_83 = tpu.vector_load %arg9[%get3A_82] {strides = array<i32>} : memref<128xf32, #tpu.memory_space<vmem>>, vector<16xf32>,
      %get3A_84 = vector.shape_cast %get3A_83 : vector<16xf32> to vector<16xf32>
      %get3A_85 = arith.index_cast %add3A_64 : i32 to index
      %get3A_86 = arith.constant 16 : index
      %get3A_87 = tpu.vector_load %arg8[%get3A_85, %get3A_86] {strides = array<i32>} : memref<80x128xi32, #tpu.memory_space<vmem>>, vector<1x16xi32>,
      %get3A_88 = vector.shape_cast %get3A_87 : vector<1x16xi32> to vector<16xi32>
      %lt3A_89 = arith.constant 0.000000e+00 : f32
      %lt3A_90 = vector.broadcast %lt3A_89 : f32 to vector<16xf32>
      %lt3A_91 = arith.cmpf olt, %get3A_84, %lt3A_90 : vector<16xf32>
      %jit3A_92 = arith.constant 1 : i32
      %jit3A_93 = arith.constant 0 : i32
      %broadcast_in_dim3A_94 = vector.broadcast %jit3A_92 : i32 to vector<16xi32>
      %broadcast_in_dim3A_95 = vector.broadcast %jit3A_93 : i32 to vector<16xi32>
      %select_n3A_96 = arith.select %lt3A_91, %broadcast_in_dim3A_94, %broadcast_in_dim3A_95 : vector<16xi1>, vector<16xi32>
      %mul3A_97 = arith.constant 2 : i32
      %mul3A_98 = vector.broadcast %mul3A_97 : i32 to vector<16xi32>
      %mul3A_99 = arith.muli %get3A_88, %mul3A_98 : vector<16xi32>
      %add3A_100 = arith.addi %mul3A_99, %select_n3A_96 : vector<16xi32>
      %swap3A_101 = arith.constant 16 : index
      %swap3A_102 = tpu.vector_load %arg13[%swap3A_101] {strides = array<i32>} : memref<128xi32, #tpu.memory_space<vmem>>, vector<16xi32>,
      %swap3A_103 = vector.shape_cast %swap3A_102 : vector<16xi32> to vector<16xi32>
      %swap3A_104 = vector.shape_cast %add3A_100 : vector<16xi32> to vector<16xi32>
      tpu.vector_store %arg13[%swap3A_101], %swap3A_104 {strides = array<i32>} : memref<128xi32, #tpu.memory_space<vmem>>, vector<16xi32>,
      %get3A_105 = arith.constant 32 : index
      %get3A_106 = tpu.vector_load %arg9[%get3A_105] {strides = array<i32>} : memref<128xf32, #tpu.memory_space<vmem>>, vector<16xf32>,
      %get3A_107 = vector.shape_cast %get3A_106 : vector<16xf32> to vector<16xf32>
      %get3A_108 = arith.index_cast %add3A_64 : i32 to index
      %get3A_109 = arith.constant 32 : index
      %get3A_110 = tpu.vector_load %arg8[%get3A_108, %get3A_109] {strides = array<i32>} : memref<80x128xi32, #tpu.memory_space<vmem>>, vector<1x16xi32>,
      %get3A_111 = vector.shape_cast %get3A_110 : vector<1x16xi32> to vector<16xi32>
      %lt3A_112 = arith.constant 0.000000e+00 : f32
      %lt3A_113 = vector.broadcast %lt3A_112 : f32 to vector<16xf32>
      %lt3A_114 = arith.cmpf olt, %get3A_107, %lt3A_113 : vector<16xf32>
      %jit3A_115 = arith.constant 1 : i32
      %jit3A_116 = arith.constant 0 : i32
      %broadcast_in_dim3A_117 = vector.broadcast %jit3A_115 : i32 to vector<16xi32>
      %broadcast_in_dim3A_118 = vector.broadcast %jit3A_116 : i32 to vector<16xi32>
      %select_n3A_119 = arith.select %lt3A_114, %broadcast_in_dim3A_117, %broadcast_in_dim3A_118 : vector<16xi1>, vector<16xi32>
      %mul3A_120 = arith.constant 2 : i32
      %mul3A_121 = vector.broadcast %mul3A_120 : i32 to vector<16xi32>
      %mul3A_122 = arith.muli %get3A_111, %mul3A_121 : vector<16xi32>
      %add3A_123 = arith.addi %mul3A_122, %select_n3A_119 : vector<16xi32>
      %swap3A_124 = arith.constant 32 : index
      %swap3A_125 = tpu.vector_load %arg13[%swap3A_124] {strides = array<i32>} : memref<128xi32, #tpu.memory_space<vmem>>, vector<16xi32>,
      %swap3A_126 = vector.shape_cast %swap3A_125 : vector<16xi32> to vector<16xi32>
      %swap3A_127 = vector.shape_cast %add3A_123 : vector<16xi32> to vector<16xi32>
      tpu.vector_store %arg13[%swap3A_124], %swap3A_127 {strides = array<i32>} : memref<128xi32, #tpu.memory_space<vmem>>, vector<16xi32>,
      %get3A_128 = arith.constant 48 : index
      %get3A_129 = tpu.vector_load %arg9[%get3A_128] {strides = array<i32>} : memref<128xf32, #tpu.memory_space<vmem>>, vector<16xf32>,
      %get3A_130 = vector.shape_cast %get3A_129 : vector<16xf32> to vector<16xf32>
      %get3A_131 = arith.index_cast %add3A_64 : i32 to index
      %get3A_132 = arith.constant 48 : index
      %get3A_133 = tpu.vector_load %arg8[%get3A_131, %get3A_132] {strides = array<i32>} : memref<80x128xi32, #tpu.memory_space<vmem>>, vector<1x16xi32>,
      %get3A_134 = vector.shape_cast %get3A_133 : vector<1x16xi32> to vector<16xi32>
      %lt3A_135 = arith.constant 0.000000e+00 : f32
      %lt3A_136 = vector.broadcast %lt3A_135 : f32 to vector<16xf32>
      %lt3A_137 = arith.cmpf olt, %get3A_130, %lt3A_136 : vector<16xf32>
      %jit3A_138 = arith.constant 1 : i32
      %jit3A_139 = arith.constant 0 : i32
      %broadcast_in_dim3A_140 = vector.broadcast %jit3A_138 : i32 to vector<16xi32>
      %broadcast_in_dim3A_141 = vector.broadcast %jit3A_139 : i32 to vector<16xi32>
      %select_n3A_142 = arith.select %lt3A_137, %broadcast_in_dim3A_140, %broadcast_in_dim3A_141 : vector<16xi1>, vector<16xi32>
      %mul3A_143 = arith.constant 2 : i32
      %mul3A_144 = vector.broadcast %mul3A_143 : i32 to vector<16xi32>
      %mul3A_145 = arith.muli %get3A_134, %mul3A_144 : vector<16xi32>
      %add3A_146 = arith.addi %mul3A_145, %select_n3A_142 : vector<16xi32>
      %swap3A_147 = arith.constant 48 : index
      %swap3A_148 = tpu.vector_load %arg13[%swap3A_147] {strides = array<i32>} : memref<128xi32, #tpu.memory_space<vmem>>, vector<16xi32>,
      %swap3A_149 = vector.shape_cast %swap3A_148 : vector<16xi32> to vector<16xi32>
      %swap3A_150 = vector.shape_cast %add3A_146 : vector<16xi32> to vector<16xi32>
      tpu.vector_store %arg13[%swap3A_147], %swap3A_150 {strides = array<i32>} : memref<128xi32, #tpu.memory_space<vmem>>, vector<16xi32>,
      %get3A_151 = arith.constant 64 : index
      %get3A_152 = tpu.vector_load %arg9[%get3A_151] {strides = array<i32>} : memref<128xf32, #tpu.memory_space<vmem>>, vector<16xf32>,
      %get3A_153 = vector.shape_cast %get3A_152 : vector<16xf32> to vector<16xf32>
      %get3A_154 = arith.index_cast %add3A_64 : i32 to index
      %get3A_155 = arith.constant 64 : index
      %get3A_156 = tpu.vector_load %arg8[%get3A_154, %get3A_155] {strides = array<i32>} : memref<80x128xi32, #tpu.memory_space<vmem>>, vector<1x16xi32>,
      %get3A_157 = vector.shape_cast %get3A_156 : vector<1x16xi32> to vector<16xi32>
      %lt3A_158 = arith.constant 0.000000e+00 : f32
      %lt3A_159 = vector.broadcast %lt3A_158 : f32 to vector<16xf32>
      %lt3A_160 = arith.cmpf olt, %get3A_153, %lt3A_159 : vector<16xf32>
      %jit3A_161 = arith.constant 1 : i32
      %jit3A_162 = arith.constant 0 : i32
      %broadcast_in_dim3A_163 = vector.broadcast %jit3A_161 : i32 to vector<16xi32>
      %broadcast_in_dim3A_164 = vector.broadcast %jit3A_162 : i32 to vector<16xi32>
      %select_n3A_165 = arith.select %lt3A_160, %broadcast_in_dim3A_163, %broadcast_in_dim3A_164 : vector<16xi1>, vector<16xi32>
      %mul3A_166 = arith.constant 2 : i32
      %mul3A_167 = vector.broadcast %mul3A_166 : i32 to vector<16xi32>
      %mul3A_168 = arith.muli %get3A_157, %mul3A_167 : vector<16xi32>
      %add3A_169 = arith.addi %mul3A_168, %select_n3A_165 : vector<16xi32>
      %swap3A_170 = arith.constant 64 : index
      %swap3A_171 = tpu.vector_load %arg13[%swap3A_170] {strides = array<i32>} : memref<128xi32, #tpu.memory_space<vmem>>, vector<16xi32>,
      %swap3A_172 = vector.shape_cast %swap3A_171 : vector<16xi32> to vector<16xi32>
      %swap3A_173 = vector.shape_cast %add3A_169 : vector<16xi32> to vector<16xi32>
      tpu.vector_store %arg13[%swap3A_170], %swap3A_173 {strides = array<i32>} : memref<128xi32, #tpu.memory_space<vmem>>, vector<16xi32>,
      %get3A_174 = arith.constant 80 : index
      %get3A_175 = tpu.vector_load %arg9[%get3A_174] {strides = array<i32>} : memref<128xf32, #tpu.memory_space<vmem>>, vector<16xf32>,
      %get3A_176 = vector.shape_cast %get3A_175 : vector<16xf32> to vector<16xf32>
      %get3A_177 = arith.index_cast %add3A_64 : i32 to index
      %get3A_178 = arith.constant 80 : index
      %get3A_179 = tpu.vector_load %arg8[%get3A_177, %get3A_178] {strides = array<i32>} : memref<80x128xi32, #tpu.memory_space<vmem>>, vector<1x16xi32>,
      %get3A_180 = vector.shape_cast %get3A_179 : vector<1x16xi32> to vector<16xi32>
      %lt3A_181 = arith.constant 0.000000e+00 : f32
      %lt3A_182 = vector.broadcast %lt3A_181 : f32 to vector<16xf32>
      %lt3A_183 = arith.cmpf olt, %get3A_176, %lt3A_182 : vector<16xf32>
      %jit3A_184 = arith.constant 1 : i32
      %jit3A_185 = arith.constant 0 : i32
      %broadcast_in_dim3A_186 = vector.broadcast %jit3A_184 : i32 to vector<16xi32>
      %broadcast_in_dim3A_187 = vector.broadcast %jit3A_185 : i32 to vector<16xi32>
      %select_n3A_188 = arith.select %lt3A_183, %broadcast_in_dim3A_186, %broadcast_in_dim3A_187 : vector<16xi1>, vector<16xi32>
      %mul3A_189 = arith.constant 2 : i32
      %mul3A_190 = vector.broadcast %mul3A_189 : i32 to vector<16xi32>
      %mul3A_191 = arith.muli %get3A_180, %mul3A_190 : vector<16xi32>
      %add3A_192 = arith.addi %mul3A_191, %select_n3A_188 : vector<16xi32>
      %swap3A_193 = arith.constant 80 : index
      %swap3A_194 = tpu.vector_load %arg13[%swap3A_193] {strides = array<i32>} : memref<128xi32, #tpu.memory_space<vmem>>, vector<16xi32>,
      %swap3A_195 = vector.shape_cast %swap3A_194 : vector<16xi32> to vector<16xi32>
      %swap3A_196 = vector.shape_cast %add3A_192 : vector<16xi32> to vector<16xi32>
      tpu.vector_store %arg13[%swap3A_193], %swap3A_196 {strides = array<i32>} : memref<128xi32, #tpu.memory_space<vmem>>, vector<16xi32>,
      %get3A_197 = arith.constant 96 : index
      %get3A_198 = tpu.vector_load %arg9[%get3A_197] {strides = array<i32>} : memref<128xf32, #tpu.memory_space<vmem>>, vector<16xf32>,
      %get3A_199 = vector.shape_cast %get3A_198 : vector<16xf32> to vector<16xf32>
      %get3A_200 = arith.index_cast %add3A_64 : i32 to index
      %get3A_201 = arith.constant 96 : index
      %get3A_202 = tpu.vector_load %arg8[%get3A_200, %get3A_201] {strides = array<i32>} : memref<80x128xi32, #tpu.memory_space<vmem>>, vector<1x16xi32>,
      %get3A_203 = vector.shape_cast %get3A_202 : vector<1x16xi32> to vector<16xi32>
      %lt3A_204 = arith.constant 0.000000e+00 : f32
      %lt3A_205 = vector.broadcast %lt3A_204 : f32 to vector<16xf32>
      %lt3A_206 = arith.cmpf olt, %get3A_199, %lt3A_205 : vector<16xf32>
      %jit3A_207 = arith.constant 1 : i32
      %jit3A_208 = arith.constant 0 : i32
      %broadcast_in_dim3A_209 = vector.broadcast %jit3A_207 : i32 to vector<16xi32>
      %broadcast_in_dim3A_210 = vector.broadcast %jit3A_208 : i32 to vector<16xi32>
      %select_n3A_211 = arith.select %lt3A_206, %broadcast_in_dim3A_209, %broadcast_in_dim3A_210 : vector<16xi1>, vector<16xi32>
      %mul3A_212 = arith.constant 2 : i32
      %mul3A_213 = vector.broadcast %mul3A_212 : i32 to vector<16xi32>
      %mul3A_214 = arith.muli %get3A_203, %mul3A_213 : vector<16xi32>
      %add3A_215 = arith.addi %mul3A_214, %select_n3A_211 : vector<16xi32>
      %swap3A_216 = arith.constant 96 : index
      %swap3A_217 = tpu.vector_load %arg13[%swap3A_216] {strides = array<i32>} : memref<128xi32, #tpu.memory_space<vmem>>, vector<16xi32>,
      %swap3A_218 = vector.shape_cast %swap3A_217 : vector<16xi32> to vector<16xi32>
      %swap3A_219 = vector.shape_cast %add3A_215 : vector<16xi32> to vector<16xi32>
      tpu.vector_store %arg13[%swap3A_216], %swap3A_219 {strides = array<i32>} : memref<128xi32, #tpu.memory_space<vmem>>, vector<16xi32>,
      %get3A_220 = arith.constant 112 : index
      %get3A_221 = tpu.vector_load %arg9[%get3A_220] {strides = array<i32>} : memref<128xf32, #tpu.memory_space<vmem>>, vector<16xf32>,
      %get3A_222 = vector.shape_cast %get3A_221 : vector<16xf32> to vector<16xf32>
      %get3A_223 = arith.index_cast %add3A_64 : i32 to index
      %get3A_224 = arith.constant 112 : index
      %get3A_225 = tpu.vector_load %arg8[%get3A_223, %get3A_224] {strides = array<i32>} : memref<80x128xi32, #tpu.memory_space<vmem>>, vector<1x16xi32>,
      %get3A_226 = vector.shape_cast %get3A_225 : vector<1x16xi32> to vector<16xi32>
      %lt3A_227 = arith.constant 0.000000e+00 : f32
      %lt3A_228 = vector.broadcast %lt3A_227 : f32 to vector<16xf32>
      %lt3A_229 = arith.cmpf olt, %get3A_222, %lt3A_228 : vector<16xf32>
      %jit3A_230 = arith.constant 1 : i32
      %jit3A_231 = arith.constant 0 : i32
      %broadcast_in_dim3A_232 = vector.broadcast %jit3A_230 : i32 to vector<16xi32>
      %broadcast_in_dim3A_233 = vector.broadcast %jit3A_231 : i32 to vector<16xi32>
      %select_n3A_234 = arith.select %lt3A_229, %broadcast_in_dim3A_232, %broadcast_in_dim3A_233 : vector<16xi1>, vector<16xi32>
      %mul3A_235 = arith.constant 2 : i32
      %mul3A_236 = vector.broadcast %mul3A_235 : i32 to vector<16xi32>
      %mul3A_237 = arith.muli %get3A_226, %mul3A_236 : vector<16xi32>
      %add3A_238 = arith.addi %mul3A_237, %select_n3A_234 : vector<16xi32>
      %swap3A_239 = arith.constant 112 : index
      %swap3A_240 = tpu.vector_load %arg13[%swap3A_239] {strides = array<i32>} : memref<128xi32, #tpu.memory_space<vmem>>, vector<16xi32>,
      %swap3A_241 = vector.shape_cast %swap3A_240 : vector<16xi32> to vector<16xi32>
      %swap3A_242 = vector.shape_cast %add3A_238 : vector<16xi32> to vector<16xi32>
      tpu.vector_store %arg13[%swap3A_239], %swap3A_242 {strides = array<i32>} : memref<128xi32, #tpu.memory_space<vmem>>, vector<16xi32>,
      %dma_start3A_243 = arith.constant 0 : i32
      %dma_start3A_244 = tpu.memref_slice %arg25[%dma_start3A_243] : memref<20480xf32, #tpu.memory_space<vmem_shared>> -> memref<20480xf32, #tpu.memory_space<vmem_shared>>
      tpu.enqueue_indirect_dma source(%arg9 : memref<128xf32, #tpu.memory_space<vmem>>) target(%dma_start3A_244 : memref<20480xf32, #tpu.memory_space<vmem_shared>>) offsets(%arg13 : memref<128xi32, #tpu.memory_space<vmem>>) semaphore(%arg21 : memref<!tpu.dma_semaphore, #tpu.memory_space<semaphore_mem>>) {add = true}
      %dma_wait3A_245 = arith.constant 0 : i32
      %dma_wait3A_246 = tpu.memref_slice %arg4[%dma_wait3A_245] : memref<10240xf32, #tpu.memory_space<hbm>> -> memref<128xf32, #tpu.memory_space<hbm>>
      %dma_wait3A_247 = arith.constant 0 : i32
      %dma_wait3A_248 = tpu.memref_slice %arg4[%dma_wait3A_247] : memref<10240xf32, #tpu.memory_space<hbm>> -> memref<128xf32, #tpu.memory_space<hbm>>
      tpu.wait_dma2 semaphore(%arg18 : memref<!tpu.dma_semaphore, #tpu.memory_space<semaphore_mem>>) src(%dma_wait3A_248 : memref<128xf32, #tpu.memory_space<hbm>>) dst(%arg10 : memref<128xf32, #tpu.memory_space<vmem>>)
      %add3A_249 = arith.constant 1 : i32
      %add3A_250 = arith.addi %mul3A_58, %add3A_249 : i32
      %get3A_251 = arith.constant 0 : index
      %get3A_252 = tpu.vector_load %arg10[%get3A_251] {strides = array<i32>} : memref<128xf32, #tpu.memory_space<vmem>>, vector<16xf32>,
      %get3A_253 = vector.shape_cast %get3A_252 : vector<16xf32> to vector<16xf32>
      %get3A_254 = arith.index_cast %add3A_250 : i32 to index
      %get3A_255 = arith.constant 0 : index
      %get3A_256 = tpu.vector_load %arg8[%get3A_254, %get3A_255] {strides = array<i32>} : memref<80x128xi32, #tpu.memory_space<vmem>>, vector<1x16xi32>,
      %get3A_257 = vector.shape_cast %get3A_256 : vector<1x16xi32> to vector<16xi32>
      %lt3A_258 = arith.constant 0.000000e+00 : f32
      %lt3A_259 = vector.broadcast %lt3A_258 : f32 to vector<16xf32>
      %lt3A_260 = arith.cmpf olt, %get3A_253, %lt3A_259 : vector<16xf32>
      %jit3A_261 = arith.constant 1 : i32
      %jit3A_262 = arith.constant 0 : i32
      %broadcast_in_dim3A_263 = vector.broadcast %jit3A_261 : i32 to vector<16xi32>
      %broadcast_in_dim3A_264 = vector.broadcast %jit3A_262 : i32 to vector<16xi32>
      %select_n3A_265 = arith.select %lt3A_260, %broadcast_in_dim3A_263, %broadcast_in_dim3A_264 : vector<16xi1>, vector<16xi32>
      %mul3A_266 = arith.constant 2 : i32
      %mul3A_267 = vector.broadcast %mul3A_266 : i32 to vector<16xi32>
      %mul3A_268 = arith.muli %get3A_257, %mul3A_267 : vector<16xi32>
      %add3A_269 = arith.addi %mul3A_268, %select_n3A_265 : vector<16xi32>
      %swap3A_270 = arith.constant 0 : index
      %swap3A_271 = tpu.vector_load %arg14[%swap3A_270] {strides = array<i32>} : memref<128xi32, #tpu.memory_space<vmem>>, vector<16xi32>,
      %swap3A_272 = vector.shape_cast %swap3A_271 : vector<16xi32> to vector<16xi32>
      %swap3A_273 = vector.shape_cast %add3A_269 : vector<16xi32> to vector<16xi32>
      tpu.vector_store %arg14[%swap3A_270], %swap3A_273 {strides = array<i32>} : memref<128xi32, #tpu.memory_space<vmem>>, vector<16xi32>,
      %get3A_274 = arith.constant 16 : index
      %get3A_275 = tpu.vector_load %arg10[%get3A_274] {strides = array<i32>} : memref<128xf32, #tpu.memory_space<vmem>>, vector<16xf32>,
      %get3A_276 = vector.shape_cast %get3A_275 : vector<16xf32> to vector<16xf32>
      %get3A_277 = arith.index_cast %add3A_250 : i32 to index
      %get3A_278 = arith.constant 16 : index
      %get3A_279 = tpu.vector_load %arg8[%get3A_277, %get3A_278] {strides = array<i32>} : memref<80x128xi32, #tpu.memory_space<vmem>>, vector<1x16xi32>,
      %get3A_280 = vector.shape_cast %get3A_279 : vector<1x16xi32> to vector<16xi32>
      %lt3A_281 = arith.constant 0.000000e+00 : f32
      %lt3A_282 = vector.broadcast %lt3A_281 : f32 to vector<16xf32>
      %lt3A_283 = arith.cmpf olt, %get3A_276, %lt3A_282 : vector<16xf32>
      %jit3A_284 = arith.constant 1 : i32
      %jit3A_285 = arith.constant 0 : i32
      %broadcast_in_dim3A_286 = vector.broadcast %jit3A_284 : i32 to vector<16xi32>
      %broadcast_in_dim3A_287 = vector.broadcast %jit3A_285 : i32 to vector<16xi32>
      %select_n3A_288 = arith.select %lt3A_283, %broadcast_in_dim3A_286, %broadcast_in_dim3A_287 : vector<16xi1>, vector<16xi32>
      %mul3A_289 = arith.constant 2 : i32
      %mul3A_290 = vector.broadcast %mul3A_289 : i32 to vector<16xi32>
      %mul3A_291 = arith.muli %get3A_280, %mul3A_290 : vector<16xi32>
      %add3A_292 = arith.addi %mul3A_291, %select_n3A_288 : vector<16xi32>
      %swap3A_293 = arith.constant 16 : index
      %swap3A_294 = tpu.vector_load %arg14[%swap3A_293] {strides = array<i32>} : memref<128xi32, #tpu.memory_space<vmem>>, vector<16xi32>,
      %swap3A_295 = vector.shape_cast %swap3A_294 : vector<16xi32> to vector<16xi32>
      %swap3A_296 = vector.shape_cast %add3A_292 : vector<16xi32> to vector<16xi32>
      tpu.vector_store %arg14[%swap3A_293], %swap3A_296 {strides = array<i32>} : memref<128xi32, #tpu.memory_space<vmem>>, vector<16xi32>,
      %get3A_297 = arith.constant 32 : index
      %get3A_298 = tpu.vector_load %arg10[%get3A_297] {strides = array<i32>} : memref<128xf32, #tpu.memory_space<vmem>>, vector<16xf32>,
      %get3A_299 = vector.shape_cast %get3A_298 : vector<16xf32> to vector<16xf32>
      %get3A_300 = arith.index_cast %add3A_250 : i32 to index
      %get3A_301 = arith.constant 32 : index
      %get3A_302 = tpu.vector_load %arg8[%get3A_300, %get3A_301] {strides = array<i32>} : memref<80x128xi32, #tpu.memory_space<vmem>>, vector<1x16xi32>,
      %get3A_303 = vector.shape_cast %get3A_302 : vector<1x16xi32> to vector<16xi32>
      %lt3A_304 = arith.constant 0.000000e+00 : f32
      %lt3A_305 = vector.broadcast %lt3A_304 : f32 to vector<16xf32>
      %lt3A_306 = arith.cmpf olt, %get3A_299, %lt3A_305 : vector<16xf32>
      %jit3A_307 = arith.constant 1 : i32
      %jit3A_308 = arith.constant 0 : i32
      %broadcast_in_dim3A_309 = vector.broadcast %jit3A_307 : i32 to vector<16xi32>
      %broadcast_in_dim3A_310 = vector.broadcast %jit3A_308 : i32 to vector<16xi32>
      %select_n3A_311 = arith.select %lt3A_306, %broadcast_in_dim3A_309, %broadcast_in_dim3A_310 : vector<16xi1>, vector<16xi32>
      %mul3A_312 = arith.constant 2 : i32
      %mul3A_313 = vector.broadcast %mul3A_312 : i32 to vector<16xi32>
      %mul3A_314 = arith.muli %get3A_303, %mul3A_313 : vector<16xi32>
      %add3A_315 = arith.addi %mul3A_314, %select_n3A_311 : vector<16xi32>
      %swap3A_316 = arith.constant 32 : index
      %swap3A_317 = tpu.vector_load %arg14[%swap3A_316] {strides = array<i32>} : memref<128xi32, #tpu.memory_space<vmem>>, vector<16xi32>,
      %swap3A_318 = vector.shape_cast %swap3A_317 : vector<16xi32> to vector<16xi32>
      %swap3A_319 = vector.shape_cast %add3A_315 : vector<16xi32> to vector<16xi32>
      tpu.vector_store %arg14[%swap3A_316], %swap3A_319 {strides = array<i32>} : memref<128xi32, #tpu.memory_space<vmem>>, vector<16xi32>,
      %get3A_320 = arith.constant 48 : index
      %get3A_321 = tpu.vector_load %arg10[%get3A_320] {strides = array<i32>} : memref<128xf32, #tpu.memory_space<vmem>>, vector<16xf32>,
      %get3A_322 = vector.shape_cast %get3A_321 : vector<16xf32> to vector<16xf32>
      %get3A_323 = arith.index_cast %add3A_250 : i32 to index
      %get3A_324 = arith.constant 48 : index
      %get3A_325 = tpu.vector_load %arg8[%get3A_323, %get3A_324] {strides = array<i32>} : memref<80x128xi32, #tpu.memory_space<vmem>>, vector<1x16xi32>,
      %get3A_326 = vector.shape_cast %get3A_325 : vector<1x16xi32> to vector<16xi32>
      %lt3A_327 = arith.constant 0.000000e+00 : f32
      %lt3A_328 = vector.broadcast %lt3A_327 : f32 to vector<16xf32>
      %lt3A_329 = arith.cmpf olt, %get3A_322, %lt3A_328 : vector<16xf32>
      %jit3A_330 = arith.constant 1 : i32
      %jit3A_331 = arith.constant 0 : i32
      %broadcast_in_dim3A_332 = vector.broadcast %jit3A_330 : i32 to vector<16xi32>
      %broadcast_in_dim3A_333 = vector.broadcast %jit3A_331 : i32 to vector<16xi32>
      %select_n3A_334 = arith.select %lt3A_329, %broadcast_in_dim3A_332, %broadcast_in_dim3A_333 : vector<16xi1>, vector<16xi32>
      %mul3A_335 = arith.constant 2 : i32
      %mul3A_336 = vector.broadcast %mul3A_335 : i32 to vector<16xi32>
      %mul3A_337 = arith.muli %get3A_326, %mul3A_336 : vector<16xi32>
      %add3A_338 = arith.addi %mul3A_337, %select_n3A_334 : vector<16xi32>
      %swap3A_339 = arith.constant 48 : index
      %swap3A_340 = tpu.vector_load %arg14[%swap3A_339] {strides = array<i32>} : memref<128xi32, #tpu.memory_space<vmem>>, vector<16xi32>,
      %swap3A_341 = vector.shape_cast %swap3A_340 : vector<16xi32> to vector<16xi32>
      %swap3A_342 = vector.shape_cast %add3A_338 : vector<16xi32> to vector<16xi32>
      tpu.vector_store %arg14[%swap3A_339], %swap3A_342 {strides = array<i32>} : memref<128xi32, #tpu.memory_space<vmem>>, vector<16xi32>,
      %get3A_343 = arith.constant 64 : index
      %get3A_344 = tpu.vector_load %arg10[%get3A_343] {strides = array<i32>} : memref<128xf32, #tpu.memory_space<vmem>>, vector<16xf32>,
      %get3A_345 = vector.shape_cast %get3A_344 : vector<16xf32> to vector<16xf32>
      %get3A_346 = arith.index_cast %add3A_250 : i32 to index
      %get3A_347 = arith.constant 64 : index
      %get3A_348 = tpu.vector_load %arg8[%get3A_346, %get3A_347] {strides = array<i32>} : memref<80x128xi32, #tpu.memory_space<vmem>>, vector<1x16xi32>,
      %get3A_349 = vector.shape_cast %get3A_348 : vector<1x16xi32> to vector<16xi32>
      %lt3A_350 = arith.constant 0.000000e+00 : f32
      %lt3A_351 = vector.broadcast %lt3A_350 : f32 to vector<16xf32>
      %lt3A_352 = arith.cmpf olt, %get3A_345, %lt3A_351 : vector<16xf32>
      %jit3A_353 = arith.constant 1 : i32
      %jit3A_354 = arith.constant 0 : i32
      %broadcast_in_dim3A_355 = vector.broadcast %jit3A_353 : i32 to vector<16xi32>
      %broadcast_in_dim3A_356 = vector.broadcast %jit3A_354 : i32 to vector<16xi32>
      %select_n3A_357 = arith.select %lt3A_352, %broadcast_in_dim3A_355, %broadcast_in_dim3A_356 : vector<16xi1>, vector<16xi32>
      %mul3A_358 = arith.constant 2 : i32
      %mul3A_359 = vector.broadcast %mul3A_358 : i32 to vector<16xi32>
      %mul3A_360 = arith.muli %get3A_349, %mul3A_359 : vector<16xi32>
      %add3A_361 = arith.addi %mul3A_360, %select_n3A_357 : vector<16xi32>
      %swap3A_362 = arith.constant 64 : index
      %swap3A_363 = tpu.vector_load %arg14[%swap3A_362] {strides = array<i32>} : memref<128xi32, #tpu.memory_space<vmem>>, vector<16xi32>,
      %swap3A_364 = vector.shape_cast %swap3A_363 : vector<16xi32> to vector<16xi32>
      %swap3A_365 = vector.shape_cast %add3A_361 : vector<16xi32> to vector<16xi32>
      tpu.vector_store %arg14[%swap3A_362], %swap3A_365 {strides = array<i32>} : memref<128xi32, #tpu.memory_space<vmem>>, vector<16xi32>,
      %get3A_366 = arith.constant 80 : index
      %get3A_367 = tpu.vector_load %arg10[%get3A_366] {strides = array<i32>} : memref<128xf32, #tpu.memory_space<vmem>>, vector<16xf32>,
      %get3A_368 = vector.shape_cast %get3A_367 : vector<16xf32> to vector<16xf32>
      %get3A_369 = arith.index_cast %add3A_250 : i32 to index
      %get3A_370 = arith.constant 80 : index
      %get3A_371 = tpu.vector_load %arg8[%get3A_369, %get3A_370] {strides = array<i32>} : memref<80x128xi32, #tpu.memory_space<vmem>>, vector<1x16xi32>,
      %get3A_372 = vector.shape_cast %get3A_371 : vector<1x16xi32> to vector<16xi32>
      %lt3A_373 = arith.constant 0.000000e+00 : f32
      %lt3A_374 = vector.broadcast %lt3A_373 : f32 to vector<16xf32>
      %lt3A_375 = arith.cmpf olt, %get3A_368, %lt3A_374 : vector<16xf32>
      %jit3A_376 = arith.constant 1 : i32
      %jit3A_377 = arith.constant 0 : i32
      %broadcast_in_dim3A_378 = vector.broadcast %jit3A_376 : i32 to vector<16xi32>
      %broadcast_in_dim3A_379 = vector.broadcast %jit3A_377 : i32 to vector<16xi32>
      %select_n3A_380 = arith.select %lt3A_375, %broadcast_in_dim3A_378, %broadcast_in_dim3A_379 : vector<16xi1>, vector<16xi32>
      %mul3A_381 = arith.constant 2 : i32
      %mul3A_382 = vector.broadcast %mul3A_381 : i32 to vector<16xi32>
      %mul3A_383 = arith.muli %get3A_372, %mul3A_382 : vector<16xi32>
      %add3A_384 = arith.addi %mul3A_383, %select_n3A_380 : vector<16xi32>
      %swap3A_385 = arith.constant 80 : index
      %swap3A_386 = tpu.vector_load %arg14[%swap3A_385] {strides = array<i32>} : memref<128xi32, #tpu.memory_space<vmem>>, vector<16xi32>,
      %swap3A_387 = vector.shape_cast %swap3A_386 : vector<16xi32> to vector<16xi32>
      %swap3A_388 = vector.shape_cast %add3A_384 : vector<16xi32> to vector<16xi32>
      tpu.vector_store %arg14[%swap3A_385], %swap3A_388 {strides = array<i32>} : memref<128xi32, #tpu.memory_space<vmem>>, vector<16xi32>,
      %get3A_389 = arith.constant 96 : index
      %get3A_390 = tpu.vector_load %arg10[%get3A_389] {strides = array<i32>} : memref<128xf32, #tpu.memory_space<vmem>>, vector<16xf32>,
      %get3A_391 = vector.shape_cast %get3A_390 : vector<16xf32> to vector<16xf32>
      %get3A_392 = arith.index_cast %add3A_250 : i32 to index
      %get3A_393 = arith.constant 96 : index
      %get3A_394 = tpu.vector_load %arg8[%get3A_392, %get3A_393] {strides = array<i32>} : memref<80x128xi32, #tpu.memory_space<vmem>>, vector<1x16xi32>,
      %get3A_395 = vector.shape_cast %get3A_394 : vector<1x16xi32> to vector<16xi32>
      %lt3A_396 = arith.constant 0.000000e+00 : f32
      %lt3A_397 = vector.broadcast %lt3A_396 : f32 to vector<16xf32>
      %lt3A_398 = arith.cmpf olt, %get3A_391, %lt3A_397 : vector<16xf32>
      %jit3A_399 = arith.constant 1 : i32
      %jit3A_400 = arith.constant 0 : i32
      %broadcast_in_dim3A_401 = vector.broadcast %jit3A_399 : i32 to vector<16xi32>
      %broadcast_in_dim3A_402 = vector.broadcast %jit3A_400 : i32 to vector<16xi32>
      %select_n3A_403 = arith.select %lt3A_398, %broadcast_in_dim3A_401, %broadcast_in_dim3A_402 : vector<16xi1>, vector<16xi32>
      %mul3A_404 = arith.constant 2 : i32
      %mul3A_405 = vector.broadcast %mul3A_404 : i32 to vector<16xi32>
      %mul3A_406 = arith.muli %get3A_395, %mul3A_405 : vector<16xi32>
      %add3A_407 = arith.addi %mul3A_406, %select_n3A_403 : vector<16xi32>
      %swap3A_408 = arith.constant 96 : index
      %swap3A_409 = tpu.vector_load %arg14[%swap3A_408] {strides = array<i32>} : memref<128xi32, #tpu.memory_space<vmem>>, vector<16xi32>,
      %swap3A_410 = vector.shape_cast %swap3A_409 : vector<16xi32> to vector<16xi32>
      %swap3A_411 = vector.shape_cast %add3A_407 : vector<16xi32> to vector<16xi32>
      tpu.vector_store %arg14[%swap3A_408], %swap3A_411 {strides = array<i32>} : memref<128xi32, #tpu.memory_space<vmem>>, vector<16xi32>,
      %get3A_412 = arith.constant 112 : index
      %get3A_413 = tpu.vector_load %arg10[%get3A_412] {strides = array<i32>} : memref<128xf32, #tpu.memory_space<vmem>>, vector<16xf32>,
      %get3A_414 = vector.shape_cast %get3A_413 : vector<16xf32> to vector<16xf32>
      %get3A_415 = arith.index_cast %add3A_250 : i32 to index
      %get3A_416 = arith.constant 112 : index
      %get3A_417 = tpu.vector_load %arg8[%get3A_415, %get3A_416] {strides = array<i32>} : memref<80x128xi32, #tpu.memory_space<vmem>>, vector<1x16xi32>,
      %get3A_418 = vector.shape_cast %get3A_417 : vector<1x16xi32> to vector<16xi32>
      %lt3A_419 = arith.constant 0.000000e+00 : f32
      %lt3A_420 = vector.broadcast %lt3A_419 : f32 to vector<16xf32>
      %lt3A_421 = arith.cmpf olt, %get3A_414, %lt3A_420 : vector<16xf32>
      %jit3A_422 = arith.constant 1 : i32
      %jit3A_423 = arith.constant 0 : i32
      %broadcast_in_dim3A_424 = vector.broadcast %jit3A_422 : i32 to vector<16xi32>
      %broadcast_in_dim3A_425 = vector.broadcast %jit3A_423 : i32 to vector<16xi32>
      %select_n3A_426 = arith.select %lt3A_421, %broadcast_in_dim3A_424, %broadcast_in_dim3A_425 : vector<16xi1>, vector<16xi32>
      %mul3A_427 = arith.constant 2 : i32
      %mul3A_428 = vector.broadcast %mul3A_427 : i32 to vector<16xi32>
      %mul3A_429 = arith.muli %get3A_418, %mul3A_428 : vector<16xi32>
      %add3A_430 = arith.addi %mul3A_429, %select_n3A_426 : vector<16xi32>
      %swap3A_431 = arith.constant 112 : index
      %swap3A_432 = tpu.vector_load %arg14[%swap3A_431] {strides = array<i32>} : memref<128xi32, #tpu.memory_space<vmem>>, vector<16xi32>,
      %swap3A_433 = vector.shape_cast %swap3A_432 : vector<16xi32> to vector<16xi32>
      %swap3A_434 = vector.shape_cast %add3A_430 : vector<16xi32> to vector<16xi32>
      tpu.vector_store %arg14[%swap3A_431], %swap3A_434 {strides = array<i32>} : memref<128xi32, #tpu.memory_space<vmem>>, vector<16xi32>,
      %dma_start3A_435 = arith.constant 0 : i32
      %dma_start3A_436 = tpu.memref_slice %arg25[%dma_start3A_435] : memref<20480xf32, #tpu.memory_space<vmem_shared>> -> memref<20480xf32, #tpu.memory_space<vmem_shared>>
      tpu.enqueue_indirect_dma source(%arg10 : memref<128xf32, #tpu.memory_space<vmem>>) target(%dma_start3A_436 : memref<20480xf32, #tpu.memory_space<vmem_shared>>) offsets(%arg14 : memref<128xi32, #tpu.memory_space<vmem>>) semaphore(%arg22 : memref<!tpu.dma_semaphore, #tpu.memory_space<semaphore_mem>>) {add = true}
      %dma_wait3A_437 = arith.constant 0 : i32
      %dma_wait3A_438 = tpu.memref_slice %arg4[%dma_wait3A_437] : memref<10240xf32, #tpu.memory_space<hbm>> -> memref<128xf32, #tpu.memory_space<hbm>>
      %dma_wait3A_439 = arith.constant 0 : i32
      %dma_wait3A_440 = tpu.memref_slice %arg4[%dma_wait3A_439] : memref<10240xf32, #tpu.memory_space<hbm>> -> memref<128xf32, #tpu.memory_space<hbm>>
      tpu.wait_dma2 semaphore(%arg19 : memref<!tpu.dma_semaphore, #tpu.memory_space<semaphore_mem>>) src(%dma_wait3A_440 : memref<128xf32, #tpu.memory_space<hbm>>) dst(%arg11 : memref<128xf32, #tpu.memory_space<vmem>>)
      %add3A_441 = arith.constant 2 : i32
      %add3A_442 = arith.addi %mul3A_58, %add3A_441 : i32
      %get3A_443 = arith.constant 0 : index
      %get3A_444 = tpu.vector_load %arg11[%get3A_443] {strides = array<i32>} : memref<128xf32, #tpu.memory_space<vmem>>, vector<16xf32>,
      %get3A_445 = vector.shape_cast %get3A_444 : vector<16xf32> to vector<16xf32>
      %get3A_446 = arith.index_cast %add3A_442 : i32 to index
      %get3A_447 = arith.constant 0 : index
      %get3A_448 = tpu.vector_load %arg8[%get3A_446, %get3A_447] {strides = array<i32>} : memref<80x128xi32, #tpu.memory_space<vmem>>, vector<1x16xi32>,
      %get3A_449 = vector.shape_cast %get3A_448 : vector<1x16xi32> to vector<16xi32>
      %lt3A_450 = arith.constant 0.000000e+00 : f32
      %lt3A_451 = vector.broadcast %lt3A_450 : f32 to vector<16xf32>
      %lt3A_452 = arith.cmpf olt, %get3A_445, %lt3A_451 : vector<16xf32>
      %jit3A_453 = arith.constant 1 : i32
      %jit3A_454 = arith.constant 0 : i32
      %broadcast_in_dim3A_455 = vector.broadcast %jit3A_453 : i32 to vector<16xi32>
      %broadcast_in_dim3A_456 = vector.broadcast %jit3A_454 : i32 to vector<16xi32>
      %select_n3A_457 = arith.select %lt3A_452, %broadcast_in_dim3A_455, %broadcast_in_dim3A_456 : vector<16xi1>, vector<16xi32>
      %mul3A_458 = arith.constant 2 : i32
      %mul3A_459 = vector.broadcast %mul3A_458 : i32 to vector<16xi32>
      %mul3A_460 = arith.muli %get3A_449, %mul3A_459 : vector<16xi32>
      %add3A_461 = arith.addi %mul3A_460, %select_n3A_457 : vector<16xi32>
      %swap3A_462 = arith.constant 0 : index
      %swap3A_463 = tpu.vector_load %arg15[%swap3A_462] {strides = array<i32>} : memref<128xi32, #tpu.memory_space<vmem>>, vector<16xi32>,
      %swap3A_464 = vector.shape_cast %swap3A_463 : vector<16xi32> to vector<16xi32>
      %swap3A_465 = vector.shape_cast %add3A_461 : vector<16xi32> to vector<16xi32>
      tpu.vector_store %arg15[%swap3A_462], %swap3A_465 {strides = array<i32>} : memref<128xi32, #tpu.memory_space<vmem>>, vector<16xi32>,
      %get3A_466 = arith.constant 16 : index
      %get3A_467 = tpu.vector_load %arg11[%get3A_466] {strides = array<i32>} : memref<128xf32, #tpu.memory_space<vmem>>, vector<16xf32>,
      %get3A_468 = vector.shape_cast %get3A_467 : vector<16xf32> to vector<16xf32>
      %get3A_469 = arith.index_cast %add3A_442 : i32 to index
      %get3A_470 = arith.constant 16 : index
      %get3A_471 = tpu.vector_load %arg8[%get3A_469, %get3A_470] {strides = array<i32>} : memref<80x128xi32, #tpu.memory_space<vmem>>, vector<1x16xi32>,
      %get3A_472 = vector.shape_cast %get3A_471 : vector<1x16xi32> to vector<16xi32>
      %lt3A_473 = arith.constant 0.000000e+00 : f32
      %lt3A_474 = vector.broadcast %lt3A_473 : f32 to vector<16xf32>
      %lt3A_475 = arith.cmpf olt, %get3A_468, %lt3A_474 : vector<16xf32>
      %jit3A_476 = arith.constant 1 : i32
      %jit3A_477 = arith.constant 0 : i32
      %broadcast_in_dim3A_478 = vector.broadcast %jit3A_476 : i32 to vector<16xi32>
      %broadcast_in_dim3A_479 = vector.broadcast %jit3A_477 : i32 to vector<16xi32>
      %select_n3A_480 = arith.select %lt3A_475, %broadcast_in_dim3A_478, %broadcast_in_dim3A_479 : vector<16xi1>, vector<16xi32>
      %mul3A_481 = arith.constant 2 : i32
      %mul3A_482 = vector.broadcast %mul3A_481 : i32 to vector<16xi32>
      %mul3A_483 = arith.muli %get3A_472, %mul3A_482 : vector<16xi32>
      %add3A_484 = arith.addi %mul3A_483, %select_n3A_480 : vector<16xi32>
      %swap3A_485 = arith.constant 16 : index
      %swap3A_486 = tpu.vector_load %arg15[%swap3A_485] {strides = array<i32>} : memref<128xi32, #tpu.memory_space<vmem>>, vector<16xi32>,
      %swap3A_487 = vector.shape_cast %swap3A_486 : vector<16xi32> to vector<16xi32>
      %swap3A_488 = vector.shape_cast %add3A_484 : vector<16xi32> to vector<16xi32>
      tpu.vector_store %arg15[%swap3A_485], %swap3A_488 {strides = array<i32>} : memref<128xi32, #tpu.memory_space<vmem>>, vector<16xi32>,
      %get3A_489 = arith.constant 32 : index
      %get3A_490 = tpu.vector_load %arg11[%get3A_489] {strides = array<i32>} : memref<128xf32, #tpu.memory_space<vmem>>, vector<16xf32>,
      %get3A_491 = vector.shape_cast %get3A_490 : vector<16xf32> to vector<16xf32>
      %get3A_492 = arith.index_cast %add3A_442 : i32 to index
      %get3A_493 = arith.constant 32 : index
      %get3A_494 = tpu.vector_load %arg8[%get3A_492, %get3A_493] {strides = array<i32>} : memref<80x128xi32, #tpu.memory_space<vmem>>, vector<1x16xi32>,
      %get3A_495 = vector.shape_cast %get3A_494 : vector<1x16xi32> to vector<16xi32>
      %lt3A_496 = arith.constant 0.000000e+00 : f32
      %lt3A_497 = vector.broadcast %lt3A_496 : f32 to vector<16xf32>
      %lt3A_498 = arith.cmpf olt, %get3A_491, %lt3A_497 : vector<16xf32>
      %jit3A_499 = arith.constant 1 : i32
      %jit3A_500 = arith.constant 0 : i32
      %broadcast_in_dim3A_501 = vector.broadcast %jit3A_499 : i32 to vector<16xi32>
      %broadcast_in_dim3A_502 = vector.broadcast %jit3A_500 : i32 to vector<16xi32>
      %select_n3A_503 = arith.select %lt3A_498, %broadcast_in_dim3A_501, %broadcast_in_dim3A_502 : vector<16xi1>, vector<16xi32>
      %mul3A_504 = arith.constant 2 : i32
      %mul3A_505 = vector.broadcast %mul3A_504 : i32 to vector<16xi32>
      %mul3A_506 = arith.muli %get3A_495, %mul3A_505 : vector<16xi32>
      %add3A_507 = arith.addi %mul3A_506, %select_n3A_503 : vector<16xi32>
      %swap3A_508 = arith.constant 32 : index
      %swap3A_509 = tpu.vector_load %arg15[%swap3A_508] {strides = array<i32>} : memref<128xi32, #tpu.memory_space<vmem>>, vector<16xi32>,
      %swap3A_510 = vector.shape_cast %swap3A_509 : vector<16xi32> to vector<16xi32>
      %swap3A_511 = vector.shape_cast %add3A_507 : vector<16xi32> to vector<16xi32>
      tpu.vector_store %arg15[%swap3A_508], %swap3A_511 {strides = array<i32>} : memref<128xi32, #tpu.memory_space<vmem>>, vector<16xi32>,
      %get3A_512 = arith.constant 48 : index
      %get3A_513 = tpu.vector_load %arg11[%get3A_512] {strides = array<i32>} : memref<128xf32, #tpu.memory_space<vmem>>, vector<16xf32>,
      %get3A_514 = vector.shape_cast %get3A_513 : vector<16xf32> to vector<16xf32>
      %get3A_515 = arith.index_cast %add3A_442 : i32 to index
      %get3A_516 = arith.constant 48 : index
      %get3A_517 = tpu.vector_load %arg8[%get3A_515, %get3A_516] {strides = array<i32>} : memref<80x128xi32, #tpu.memory_space<vmem>>, vector<1x16xi32>,
      %get3A_518 = vector.shape_cast %get3A_517 : vector<1x16xi32> to vector<16xi32>
      %lt3A_519 = arith.constant 0.000000e+00 : f32
      %lt3A_520 = vector.broadcast %lt3A_519 : f32 to vector<16xf32>
      %lt3A_521 = arith.cmpf olt, %get3A_514, %lt3A_520 : vector<16xf32>
      %jit3A_522 = arith.constant 1 : i32
      %jit3A_523 = arith.constant 0 : i32
      %broadcast_in_dim3A_524 = vector.broadcast %jit3A_522 : i32 to vector<16xi32>
      %broadcast_in_dim3A_525 = vector.broadcast %jit3A_523 : i32 to vector<16xi32>
      %select_n3A_526 = arith.select %lt3A_521, %broadcast_in_dim3A_524, %broadcast_in_dim3A_525 : vector<16xi1>, vector<16xi32>
      %mul3A_527 = arith.constant 2 : i32
      %mul3A_528 = vector.broadcast %mul3A_527 : i32 to vector<16xi32>
      %mul3A_529 = arith.muli %get3A_518, %mul3A_528 : vector<16xi32>
      %add3A_530 = arith.addi %mul3A_529, %select_n3A_526 : vector<16xi32>
      %swap3A_531 = arith.constant 48 : index
      %swap3A_532 = tpu.vector_load %arg15[%swap3A_531] {strides = array<i32>} : memref<128xi32, #tpu.memory_space<vmem>>, vector<16xi32>,
      %swap3A_533 = vector.shape_cast %swap3A_532 : vector<16xi32> to vector<16xi32>
      %swap3A_534 = vector.shape_cast %add3A_530 : vector<16xi32> to vector<16xi32>
      tpu.vector_store %arg15[%swap3A_531], %swap3A_534 {strides = array<i32>} : memref<128xi32, #tpu.memory_space<vmem>>, vector<16xi32>,
      %get3A_535 = arith.constant 64 : index
      %get3A_536 = tpu.vector_load %arg11[%get3A_535] {strides = array<i32>} : memref<128xf32, #tpu.memory_space<vmem>>, vector<16xf32>,
      %get3A_537 = vector.shape_cast %get3A_536 : vector<16xf32> to vector<16xf32>
      %get3A_538 = arith.index_cast %add3A_442 : i32 to index
      %get3A_539 = arith.constant 64 : index
      %get3A_540 = tpu.vector_load %arg8[%get3A_538, %get3A_539] {strides = array<i32>} : memref<80x128xi32, #tpu.memory_space<vmem>>, vector<1x16xi32>,
      %get3A_541 = vector.shape_cast %get3A_540 : vector<1x16xi32> to vector<16xi32>
      %lt3A_542 = arith.constant 0.000000e+00 : f32
      %lt3A_543 = vector.broadcast %lt3A_542 : f32 to vector<16xf32>
      %lt3A_544 = arith.cmpf olt, %get3A_537, %lt3A_543 : vector<16xf32>
      %jit3A_545 = arith.constant 1 : i32
      %jit3A_546 = arith.constant 0 : i32
      %broadcast_in_dim3A_547 = vector.broadcast %jit3A_545 : i32 to vector<16xi32>
      %broadcast_in_dim3A_548 = vector.broadcast %jit3A_546 : i32 to vector<16xi32>
      %select_n3A_549 = arith.select %lt3A_544, %broadcast_in_dim3A_547, %broadcast_in_dim3A_548 : vector<16xi1>, vector<16xi32>
      %mul3A_550 = arith.constant 2 : i32
      %mul3A_551 = vector.broadcast %mul3A_550 : i32 to vector<16xi32>
      %mul3A_552 = arith.muli %get3A_541, %mul3A_551 : vector<16xi32>
      %add3A_553 = arith.addi %mul3A_552, %select_n3A_549 : vector<16xi32>
      %swap3A_554 = arith.constant 64 : index
      %swap3A_555 = tpu.vector_load %arg15[%swap3A_554] {strides = array<i32>} : memref<128xi32, #tpu.memory_space<vmem>>, vector<16xi32>,
      %swap3A_556 = vector.shape_cast %swap3A_555 : vector<16xi32> to vector<16xi32>
      %swap3A_557 = vector.shape_cast %add3A_553 : vector<16xi32> to vector<16xi32>
      tpu.vector_store %arg15[%swap3A_554], %swap3A_557 {strides = array<i32>} : memref<128xi32, #tpu.memory_space<vmem>>, vector<16xi32>,
      %get3A_558 = arith.constant 80 : index
      %get3A_559 = tpu.vector_load %arg11[%get3A_558] {strides = array<i32>} : memref<128xf32, #tpu.memory_space<vmem>>, vector<16xf32>,
      %get3A_560 = vector.shape_cast %get3A_559 : vector<16xf32> to vector<16xf32>
      %get3A_561 = arith.index_cast %add3A_442 : i32 to index
      %get3A_562 = arith.constant 80 : index
      %get3A_563 = tpu.vector_load %arg8[%get3A_561, %get3A_562] {strides = array<i32>} : memref<80x128xi32, #tpu.memory_space<vmem>>, vector<1x16xi32>,
      %get3A_564 = vector.shape_cast %get3A_563 : vector<1x16xi32> to vector<16xi32>
      %lt3A_565 = arith.constant 0.000000e+00 : f32
      %lt3A_566 = vector.broadcast %lt3A_565 : f32 to vector<16xf32>
      %lt3A_567 = arith.cmpf olt, %get3A_560, %lt3A_566 : vector<16xf32>
      %jit3A_568 = arith.constant 1 : i32
      %jit3A_569 = arith.constant 0 : i32
      %broadcast_in_dim3A_570 = vector.broadcast %jit3A_568 : i32 to vector<16xi32>
      %broadcast_in_dim3A_571 = vector.broadcast %jit3A_569 : i32 to vector<16xi32>
      %select_n3A_572 = arith.select %lt3A_567, %broadcast_in_dim3A_570, %broadcast_in_dim3A_571 : vector<16xi1>, vector<16xi32>
      %mul3A_573 = arith.constant 2 : i32
      %mul3A_574 = vector.broadcast %mul3A_573 : i32 to vector<16xi32>
      %mul3A_575 = arith.muli %get3A_564, %mul3A_574 : vector<16xi32>
      %add3A_576 = arith.addi %mul3A_575, %select_n3A_572 : vector<16xi32>
      %swap3A_577 = arith.constant 80 : index
      %swap3A_578 = tpu.vector_load %arg15[%swap3A_577] {strides = array<i32>} : memref<128xi32, #tpu.memory_space<vmem>>, vector<16xi32>,
      %swap3A_579 = vector.shape_cast %swap3A_578 : vector<16xi32> to vector<16xi32>
      %swap3A_580 = vector.shape_cast %add3A_576 : vector<16xi32> to vector<16xi32>
      tpu.vector_store %arg15[%swap3A_577], %swap3A_580 {strides = array<i32>} : memref<128xi32, #tpu.memory_space<vmem>>, vector<16xi32>,
      %get3A_581 = arith.constant 96 : index
      %get3A_582 = tpu.vector_load %arg11[%get3A_581] {strides = array<i32>} : memref<128xf32, #tpu.memory_space<vmem>>, vector<16xf32>,
      %get3A_583 = vector.shape_cast %get3A_582 : vector<16xf32> to vector<16xf32>
      %get3A_584 = arith.index_cast %add3A_442 : i32 to index
      %get3A_585 = arith.constant 96 : index
      %get3A_586 = tpu.vector_load %arg8[%get3A_584, %get3A_585] {strides = array<i32>} : memref<80x128xi32, #tpu.memory_space<vmem>>, vector<1x16xi32>,
      %get3A_587 = vector.shape_cast %get3A_586 : vector<1x16xi32> to vector<16xi32>
      %lt3A_588 = arith.constant 0.000000e+00 : f32
      %lt3A_589 = vector.broadcast %lt3A_588 : f32 to vector<16xf32>
      %lt3A_590 = arith.cmpf olt, %get3A_583, %lt3A_589 : vector<16xf32>
      %jit3A_591 = arith.constant 1 : i32
      %jit3A_592 = arith.constant 0 : i32
      %broadcast_in_dim3A_593 = vector.broadcast %jit3A_591 : i32 to vector<16xi32>
      %broadcast_in_dim3A_594 = vector.broadcast %jit3A_592 : i32 to vector<16xi32>
      %select_n3A_595 = arith.select %lt3A_590, %broadcast_in_dim3A_593, %broadcast_in_dim3A_594 : vector<16xi1>, vector<16xi32>
      %mul3A_596 = arith.constant 2 : i32
      %mul3A_597 = vector.broadcast %mul3A_596 : i32 to vector<16xi32>
      %mul3A_598 = arith.muli %get3A_587, %mul3A_597 : vector<16xi32>
      %add3A_599 = arith.addi %mul3A_598, %select_n3A_595 : vector<16xi32>
      %swap3A_600 = arith.constant 96 : index
      %swap3A_601 = tpu.vector_load %arg15[%swap3A_600] {strides = array<i32>} : memref<128xi32, #tpu.memory_space<vmem>>, vector<16xi32>,
      %swap3A_602 = vector.shape_cast %swap3A_601 : vector<16xi32> to vector<16xi32>
      %swap3A_603 = vector.shape_cast %add3A_599 : vector<16xi32> to vector<16xi32>
      tpu.vector_store %arg15[%swap3A_600], %swap3A_603 {strides = array<i32>} : memref<128xi32, #tpu.memory_space<vmem>>, vector<16xi32>,
      %get3A_604 = arith.constant 112 : index
      %get3A_605 = tpu.vector_load %arg11[%get3A_604] {strides = array<i32>} : memref<128xf32, #tpu.memory_space<vmem>>, vector<16xf32>,
      %get3A_606 = vector.shape_cast %get3A_605 : vector<16xf32> to vector<16xf32>
      %get3A_607 = arith.index_cast %add3A_442 : i32 to index
      %get3A_608 = arith.constant 112 : index
      %get3A_609 = tpu.vector_load %arg8[%get3A_607, %get3A_608] {strides = array<i32>} : memref<80x128xi32, #tpu.memory_space<vmem>>, vector<1x16xi32>,
      %get3A_610 = vector.shape_cast %get3A_609 : vector<1x16xi32> to vector<16xi32>
      %lt3A_611 = arith.constant 0.000000e+00 : f32
      %lt3A_612 = vector.broadcast %lt3A_611 : f32 to vector<16xf32>
      %lt3A_613 = arith.cmpf olt, %get3A_606, %lt3A_612 : vector<16xf32>
      %jit3A_614 = arith.constant 1 : i32
      %jit3A_615 = arith.constant 0 : i32
      %broadcast_in_dim3A_616 = vector.broadcast %jit3A_614 : i32 to vector<16xi32>
      %broadcast_in_dim3A_617 = vector.broadcast %jit3A_615 : i32 to vector<16xi32>
      %select_n3A_618 = arith.select %lt3A_613, %broadcast_in_dim3A_616, %broadcast_in_dim3A_617 : vector<16xi1>, vector<16xi32>
      %mul3A_619 = arith.constant 2 : i32
      %mul3A_620 = vector.broadcast %mul3A_619 : i32 to vector<16xi32>
      %mul3A_621 = arith.muli %get3A_610, %mul3A_620 : vector<16xi32>
      %add3A_622 = arith.addi %mul3A_621, %select_n3A_618 : vector<16xi32>
      %swap3A_623 = arith.constant 112 : index
      %swap3A_624 = tpu.vector_load %arg15[%swap3A_623] {strides = array<i32>} : memref<128xi32, #tpu.memory_space<vmem>>, vector<16xi32>,
      %swap3A_625 = vector.shape_cast %swap3A_624 : vector<16xi32> to vector<16xi32>
      %swap3A_626 = vector.shape_cast %add3A_622 : vector<16xi32> to vector<16xi32>
      tpu.vector_store %arg15[%swap3A_623], %swap3A_626 {strides = array<i32>} : memref<128xi32, #tpu.memory_space<vmem>>, vector<16xi32>,
      %dma_start3A_627 = arith.constant 0 : i32
      %dma_start3A_628 = tpu.memref_slice %arg25[%dma_start3A_627] : memref<20480xf32, #tpu.memory_space<vmem_shared>> -> memref<20480xf32, #tpu.memory_space<vmem_shared>>
      tpu.enqueue_indirect_dma source(%arg11 : memref<128xf32, #tpu.memory_space<vmem>>) target(%dma_start3A_628 : memref<20480xf32, #tpu.memory_space<vmem_shared>>) offsets(%arg15 : memref<128xi32, #tpu.memory_space<vmem>>) semaphore(%arg23 : memref<!tpu.dma_semaphore, #tpu.memory_space<semaphore_mem>>) {add = true}
      %dma_wait3A_629 = arith.constant 0 : i32
      %dma_wait3A_630 = tpu.memref_slice %arg4[%dma_wait3A_629] : memref<10240xf32, #tpu.memory_space<hbm>> -> memref<128xf32, #tpu.memory_space<hbm>>
      %dma_wait3A_631 = arith.constant 0 : i32
      %dma_wait3A_632 = tpu.memref_slice %arg4[%dma_wait3A_631] : memref<10240xf32, #tpu.memory_space<hbm>> -> memref<128xf32, #tpu.memory_space<hbm>>
      tpu.wait_dma2 semaphore(%arg20 : memref<!tpu.dma_semaphore, #tpu.memory_space<semaphore_mem>>) src(%dma_wait3A_632 : memref<128xf32, #tpu.memory_space<hbm>>) dst(%arg12 : memref<128xf32, #tpu.memory_space<vmem>>)
      %add3A_633 = arith.constant 3 : i32
      %add3A_634 = arith.addi %mul3A_58, %add3A_633 : i32
      %get3A_635 = arith.constant 0 : index
      %get3A_636 = tpu.vector_load %arg12[%get3A_635] {strides = array<i32>} : memref<128xf32, #tpu.memory_space<vmem>>, vector<16xf32>,
      %get3A_637 = vector.shape_cast %get3A_636 : vector<16xf32> to vector<16xf32>
      %get3A_638 = arith.index_cast %add3A_634 : i32 to index
      %get3A_639 = arith.constant 0 : index
      %get3A_640 = tpu.vector_load %arg8[%get3A_638, %get3A_639] {strides = array<i32>} : memref<80x128xi32, #tpu.memory_space<vmem>>, vector<1x16xi32>,
      %get3A_641 = vector.shape_cast %get3A_640 : vector<1x16xi32> to vector<16xi32>
      %lt3A_642 = arith.constant 0.000000e+00 : f32
      %lt3A_643 = vector.broadcast %lt3A_642 : f32 to vector<16xf32>
      %lt3A_644 = arith.cmpf olt, %get3A_637, %lt3A_643 : vector<16xf32>
      %jit3A_645 = arith.constant 1 : i32
      %jit3A_646 = arith.constant 0 : i32
      %broadcast_in_dim3A_647 = vector.broadcast %jit3A_645 : i32 to vector<16xi32>
      %broadcast_in_dim3A_648 = vector.broadcast %jit3A_646 : i32 to vector<16xi32>
      %select_n3A_649 = arith.select %lt3A_644, %broadcast_in_dim3A_647, %broadcast_in_dim3A_648 : vector<16xi1>, vector<16xi32>
      %mul3A_650 = arith.constant 2 : i32
      %mul3A_651 = vector.broadcast %mul3A_650 : i32 to vector<16xi32>
      %mul3A_652 = arith.muli %get3A_641, %mul3A_651 : vector<16xi32>
      %add3A_653 = arith.addi %mul3A_652, %select_n3A_649 : vector<16xi32>
      %swap3A_654 = arith.constant 0 : index
      %swap3A_655 = tpu.vector_load %arg16[%swap3A_654] {strides = array<i32>} : memref<128xi32, #tpu.memory_space<vmem>>, vector<16xi32>,
      %swap3A_656 = vector.shape_cast %swap3A_655 : vector<16xi32> to vector<16xi32>
      %swap3A_657 = vector.shape_cast %add3A_653 : vector<16xi32> to vector<16xi32>
      tpu.vector_store %arg16[%swap3A_654], %swap3A_657 {strides = array<i32>} : memref<128xi32, #tpu.memory_space<vmem>>, vector<16xi32>,
      %get3A_658 = arith.constant 16 : index
      %get3A_659 = tpu.vector_load %arg12[%get3A_658] {strides = array<i32>} : memref<128xf32, #tpu.memory_space<vmem>>, vector<16xf32>,
      %get3A_660 = vector.shape_cast %get3A_659 : vector<16xf32> to vector<16xf32>
      %get3A_661 = arith.index_cast %add3A_634 : i32 to index
      %get3A_662 = arith.constant 16 : index
      %get3A_663 = tpu.vector_load %arg8[%get3A_661, %get3A_662] {strides = array<i32>} : memref<80x128xi32, #tpu.memory_space<vmem>>, vector<1x16xi32>,
      %get3A_664 = vector.shape_cast %get3A_663 : vector<1x16xi32> to vector<16xi32>
      %lt3A_665 = arith.constant 0.000000e+00 : f32
      %lt3A_666 = vector.broadcast %lt3A_665 : f32 to vector<16xf32>
      %lt3A_667 = arith.cmpf olt, %get3A_660, %lt3A_666 : vector<16xf32>
      %jit3A_668 = arith.constant 1 : i32
      %jit3A_669 = arith.constant 0 : i32
      %broadcast_in_dim3A_670 = vector.broadcast %jit3A_668 : i32 to vector<16xi32>
      %broadcast_in_dim3A_671 = vector.broadcast %jit3A_669 : i32 to vector<16xi32>
      %select_n3A_672 = arith.select %lt3A_667, %broadcast_in_dim3A_670, %broadcast_in_dim3A_671 : vector<16xi1>, vector<16xi32>
      %mul3A_673 = arith.constant 2 : i32
      %mul3A_674 = vector.broadcast %mul3A_673 : i32 to vector<16xi32>
      %mul3A_675 = arith.muli %get3A_664, %mul3A_674 : vector<16xi32>
      %add3A_676 = arith.addi %mul3A_675, %select_n3A_672 : vector<16xi32>
      %swap3A_677 = arith.constant 16 : index
      %swap3A_678 = tpu.vector_load %arg16[%swap3A_677] {strides = array<i32>} : memref<128xi32, #tpu.memory_space<vmem>>, vector<16xi32>,
      %swap3A_679 = vector.shape_cast %swap3A_678 : vector<16xi32> to vector<16xi32>
      %swap3A_680 = vector.shape_cast %add3A_676 : vector<16xi32> to vector<16xi32>
      tpu.vector_store %arg16[%swap3A_677], %swap3A_680 {strides = array<i32>} : memref<128xi32, #tpu.memory_space<vmem>>, vector<16xi32>,
      %get3A_681 = arith.constant 32 : index
      %get3A_682 = tpu.vector_load %arg12[%get3A_681] {strides = array<i32>} : memref<128xf32, #tpu.memory_space<vmem>>, vector<16xf32>,
      %get3A_683 = vector.shape_cast %get3A_682 : vector<16xf32> to vector<16xf32>
      %get3A_684 = arith.index_cast %add3A_634 : i32 to index
      %get3A_685 = arith.constant 32 : index
      %get3A_686 = tpu.vector_load %arg8[%get3A_684, %get3A_685] {strides = array<i32>} : memref<80x128xi32, #tpu.memory_space<vmem>>, vector<1x16xi32>,
      %get3A_687 = vector.shape_cast %get3A_686 : vector<1x16xi32> to vector<16xi32>
      %lt3A_688 = arith.constant 0.000000e+00 : f32
      %lt3A_689 = vector.broadcast %lt3A_688 : f32 to vector<16xf32>
      %lt3A_690 = arith.cmpf olt, %get3A_683, %lt3A_689 : vector<16xf32>
      %jit3A_691 = arith.constant 1 : i32
      %jit3A_692 = arith.constant 0 : i32
      %broadcast_in_dim3A_693 = vector.broadcast %jit3A_691 : i32 to vector<16xi32>
      %broadcast_in_dim3A_694 = vector.broadcast %jit3A_692 : i32 to vector<16xi32>
      %select_n3A_695 = arith.select %lt3A_690, %broadcast_in_dim3A_693, %broadcast_in_dim3A_694 : vector<16xi1>, vector<16xi32>
      %mul3A_696 = arith.constant 2 : i32
      %mul3A_697 = vector.broadcast %mul3A_696 : i32 to vector<16xi32>
      %mul3A_698 = arith.muli %get3A_687, %mul3A_697 : vector<16xi32>
      %add3A_699 = arith.addi %mul3A_698, %select_n3A_695 : vector<16xi32>
      %swap3A_700 = arith.constant 32 : index
      %swap3A_701 = tpu.vector_load %arg16[%swap3A_700] {strides = array<i32>} : memref<128xi32, #tpu.memory_space<vmem>>, vector<16xi32>,
      %swap3A_702 = vector.shape_cast %swap3A_701 : vector<16xi32> to vector<16xi32>
      %swap3A_703 = vector.shape_cast %add3A_699 : vector<16xi32> to vector<16xi32>
      tpu.vector_store %arg16[%swap3A_700], %swap3A_703 {strides = array<i32>} : memref<128xi32, #tpu.memory_space<vmem>>, vector<16xi32>,
      %get3A_704 = arith.constant 48 : index
      %get3A_705 = tpu.vector_load %arg12[%get3A_704] {strides = array<i32>} : memref<128xf32, #tpu.memory_space<vmem>>, vector<16xf32>,
      %get3A_706 = vector.shape_cast %get3A_705 : vector<16xf32> to vector<16xf32>
      %get3A_707 = arith.index_cast %add3A_634 : i32 to index
      %get3A_708 = arith.constant 48 : index
      %get3A_709 = tpu.vector_load %arg8[%get3A_707, %get3A_708] {strides = array<i32>} : memref<80x128xi32, #tpu.memory_space<vmem>>, vector<1x16xi32>,
      %get3A_710 = vector.shape_cast %get3A_709 : vector<1x16xi32> to vector<16xi32>
      %lt3A_711 = arith.constant 0.000000e+00 : f32
      %lt3A_712 = vector.broadcast %lt3A_711 : f32 to vector<16xf32>
      %lt3A_713 = arith.cmpf olt, %get3A_706, %lt3A_712 : vector<16xf32>
      %jit3A_714 = arith.constant 1 : i32
      %jit3A_715 = arith.constant 0 : i32
      %broadcast_in_dim3A_716 = vector.broadcast %jit3A_714 : i32 to vector<16xi32>
      %broadcast_in_dim3A_717 = vector.broadcast %jit3A_715 : i32 to vector<16xi32>
      %select_n3A_718 = arith.select %lt3A_713, %broadcast_in_dim3A_716, %broadcast_in_dim3A_717 : vector<16xi1>, vector<16xi32>
      %mul3A_719 = arith.constant 2 : i32
      %mul3A_720 = vector.broadcast %mul3A_719 : i32 to vector<16xi32>
      %mul3A_721 = arith.muli %get3A_710, %mul3A_720 : vector<16xi32>
      %add3A_722 = arith.addi %mul3A_721, %select_n3A_718 : vector<16xi32>
      %swap3A_723 = arith.constant 48 : index
      %swap3A_724 = tpu.vector_load %arg16[%swap3A_723] {strides = array<i32>} : memref<128xi32, #tpu.memory_space<vmem>>, vector<16xi32>,
      %swap3A_725 = vector.shape_cast %swap3A_724 : vector<16xi32> to vector<16xi32>
      %swap3A_726 = vector.shape_cast %add3A_722 : vector<16xi32> to vector<16xi32>
      tpu.vector_store %arg16[%swap3A_723], %swap3A_726 {strides = array<i32>} : memref<128xi32, #tpu.memory_space<vmem>>, vector<16xi32>,
      %get3A_727 = arith.constant 64 : index
      %get3A_728 = tpu.vector_load %arg12[%get3A_727] {strides = array<i32>} : memref<128xf32, #tpu.memory_space<vmem>>, vector<16xf32>,
      %get3A_729 = vector.shape_cast %get3A_728 : vector<16xf32> to vector<16xf32>
      %get3A_730 = arith.index_cast %add3A_634 : i32 to index
      %get3A_731 = arith.constant 64 : index
      %get3A_732 = tpu.vector_load %arg8[%get3A_730, %get3A_731] {strides = array<i32>} : memref<80x128xi32, #tpu.memory_space<vmem>>, vector<1x16xi32>,
      %get3A_733 = vector.shape_cast %get3A_732 : vector<1x16xi32> to vector<16xi32>
      %lt3A_734 = arith.constant 0.000000e+00 : f32
      %lt3A_735 = vector.broadcast %lt3A_734 : f32 to vector<16xf32>
      %lt3A_736 = arith.cmpf olt, %get3A_729, %lt3A_735 : vector<16xf32>
      %jit3A_737 = arith.constant 1 : i32
      %jit3A_738 = arith.constant 0 : i32
      %broadcast_in_dim3A_739 = vector.broadcast %jit3A_737 : i32 to vector<16xi32>
      %broadcast_in_dim3A_740 = vector.broadcast %jit3A_738 : i32 to vector<16xi32>
      %select_n3A_741 = arith.select %lt3A_736, %broadcast_in_dim3A_739, %broadcast_in_dim3A_740 : vector<16xi1>, vector<16xi32>
      %mul3A_742 = arith.constant 2 : i32
      %mul3A_743 = vector.broadcast %mul3A_742 : i32 to vector<16xi32>
      %mul3A_744 = arith.muli %get3A_733, %mul3A_743 : vector<16xi32>
      %add3A_745 = arith.addi %mul3A_744, %select_n3A_741 : vector<16xi32>
      %swap3A_746 = arith.constant 64 : index
      %swap3A_747 = tpu.vector_load %arg16[%swap3A_746] {strides = array<i32>} : memref<128xi32, #tpu.memory_space<vmem>>, vector<16xi32>,
      %swap3A_748 = vector.shape_cast %swap3A_747 : vector<16xi32> to vector<16xi32>
      %swap3A_749 = vector.shape_cast %add3A_745 : vector<16xi32> to vector<16xi32>
      tpu.vector_store %arg16[%swap3A_746], %swap3A_749 {strides = array<i32>} : memref<128xi32, #tpu.memory_space<vmem>>, vector<16xi32>,
      %get3A_750 = arith.constant 80 : index
      %get3A_751 = tpu.vector_load %arg12[%get3A_750] {strides = array<i32>} : memref<128xf32, #tpu.memory_space<vmem>>, vector<16xf32>,
      %get3A_752 = vector.shape_cast %get3A_751 : vector<16xf32> to vector<16xf32>
      %get3A_753 = arith.index_cast %add3A_634 : i32 to index
      %get3A_754 = arith.constant 80 : index
      %get3A_755 = tpu.vector_load %arg8[%get3A_753, %get3A_754] {strides = array<i32>} : memref<80x128xi32, #tpu.memory_space<vmem>>, vector<1x16xi32>,
      %get3A_756 = vector.shape_cast %get3A_755 : vector<1x16xi32> to vector<16xi32>
      %lt3A_757 = arith.constant 0.000000e+00 : f32
      %lt3A_758 = vector.broadcast %lt3A_757 : f32 to vector<16xf32>
      %lt3A_759 = arith.cmpf olt, %get3A_752, %lt3A_758 : vector<16xf32>
      %jit3A_760 = arith.constant 1 : i32
      %jit3A_761 = arith.constant 0 : i32
      %broadcast_in_dim3A_762 = vector.broadcast %jit3A_760 : i32 to vector<16xi32>
      %broadcast_in_dim3A_763 = vector.broadcast %jit3A_761 : i32 to vector<16xi32>
      %select_n3A_764 = arith.select %lt3A_759, %broadcast_in_dim3A_762, %broadcast_in_dim3A_763 : vector<16xi1>, vector<16xi32>
      %mul3A_765 = arith.constant 2 : i32
      %mul3A_766 = vector.broadcast %mul3A_765 : i32 to vector<16xi32>
      %mul3A_767 = arith.muli %get3A_756, %mul3A_766 : vector<16xi32>
      %add3A_768 = arith.addi %mul3A_767, %select_n3A_764 : vector<16xi32>
      %swap3A_769 = arith.constant 80 : index
      %swap3A_770 = tpu.vector_load %arg16[%swap3A_769] {strides = array<i32>} : memref<128xi32, #tpu.memory_space<vmem>>, vector<16xi32>,
      %swap3A_771 = vector.shape_cast %swap3A_770 : vector<16xi32> to vector<16xi32>
      %swap3A_772 = vector.shape_cast %add3A_768 : vector<16xi32> to vector<16xi32>
      tpu.vector_store %arg16[%swap3A_769], %swap3A_772 {strides = array<i32>} : memref<128xi32, #tpu.memory_space<vmem>>, vector<16xi32>,
      %get3A_773 = arith.constant 96 : index
      %get3A_774 = tpu.vector_load %arg12[%get3A_773] {strides = array<i32>} : memref<128xf32, #tpu.memory_space<vmem>>, vector<16xf32>,
      %get3A_775 = vector.shape_cast %get3A_774 : vector<16xf32> to vector<16xf32>
      %get3A_776 = arith.index_cast %add3A_634 : i32 to index
      %get3A_777 = arith.constant 96 : index
      %get3A_778 = tpu.vector_load %arg8[%get3A_776, %get3A_777] {strides = array<i32>} : memref<80x128xi32, #tpu.memory_space<vmem>>, vector<1x16xi32>,
      %get3A_779 = vector.shape_cast %get3A_778 : vector<1x16xi32> to vector<16xi32>
      %lt3A_780 = arith.constant 0.000000e+00 : f32
      %lt3A_781 = vector.broadcast %lt3A_780 : f32 to vector<16xf32>
      %lt3A_782 = arith.cmpf olt, %get3A_775, %lt3A_781 : vector<16xf32>
      %jit3A_783 = arith.constant 1 : i32
      %jit3A_784 = arith.constant 0 : i32
      %broadcast_in_dim3A_785 = vector.broadcast %jit3A_783 : i32 to vector<16xi32>
      %broadcast_in_dim3A_786 = vector.broadcast %jit3A_784 : i32 to vector<16xi32>
      %select_n3A_787 = arith.select %lt3A_782, %broadcast_in_dim3A_785, %broadcast_in_dim3A_786 : vector<16xi1>, vector<16xi32>
      %mul3A_788 = arith.constant 2 : i32
      %mul3A_789 = vector.broadcast %mul3A_788 : i32 to vector<16xi32>
      %mul3A_790 = arith.muli %get3A_779, %mul3A_789 : vector<16xi32>
      %add3A_791 = arith.addi %mul3A_790, %select_n3A_787 : vector<16xi32>
      %swap3A_792 = arith.constant 96 : index
      %swap3A_793 = tpu.vector_load %arg16[%swap3A_792] {strides = array<i32>} : memref<128xi32, #tpu.memory_space<vmem>>, vector<16xi32>,
      %swap3A_794 = vector.shape_cast %swap3A_793 : vector<16xi32> to vector<16xi32>
      %swap3A_795 = vector.shape_cast %add3A_791 : vector<16xi32> to vector<16xi32>
      tpu.vector_store %arg16[%swap3A_792], %swap3A_795 {strides = array<i32>} : memref<128xi32, #tpu.memory_space<vmem>>, vector<16xi32>,
      %get3A_796 = arith.constant 112 : index
      %get3A_797 = tpu.vector_load %arg12[%get3A_796] {strides = array<i32>} : memref<128xf32, #tpu.memory_space<vmem>>, vector<16xf32>,
      %get3A_798 = vector.shape_cast %get3A_797 : vector<16xf32> to vector<16xf32>
      %get3A_799 = arith.index_cast %add3A_634 : i32 to index
      %get3A_800 = arith.constant 112 : index
      %get3A_801 = tpu.vector_load %arg8[%get3A_799, %get3A_800] {strides = array<i32>} : memref<80x128xi32, #tpu.memory_space<vmem>>, vector<1x16xi32>,
      %get3A_802 = vector.shape_cast %get3A_801 : vector<1x16xi32> to vector<16xi32>
      %lt3A_803 = arith.constant 0.000000e+00 : f32
      %lt3A_804 = vector.broadcast %lt3A_803 : f32 to vector<16xf32>
      %lt3A_805 = arith.cmpf olt, %get3A_798, %lt3A_804 : vector<16xf32>
      %jit3A_806 = arith.constant 1 : i32
      %jit3A_807 = arith.constant 0 : i32
      %broadcast_in_dim3A_808 = vector.broadcast %jit3A_806 : i32 to vector<16xi32>
      %broadcast_in_dim3A_809 = vector.broadcast %jit3A_807 : i32 to vector<16xi32>
      %select_n3A_810 = arith.select %lt3A_805, %broadcast_in_dim3A_808, %broadcast_in_dim3A_809 : vector<16xi1>, vector<16xi32>
      %mul3A_811 = arith.constant 2 : i32
      %mul3A_812 = vector.broadcast %mul3A_811 : i32 to vector<16xi32>
      %mul3A_813 = arith.muli %get3A_802, %mul3A_812 : vector<16xi32>
      %add3A_814 = arith.addi %mul3A_813, %select_n3A_810 : vector<16xi32>
      %swap3A_815 = arith.constant 112 : index
      %swap3A_816 = tpu.vector_load %arg16[%swap3A_815] {strides = array<i32>} : memref<128xi32, #tpu.memory_space<vmem>>, vector<16xi32>,
      %swap3A_817 = vector.shape_cast %swap3A_816 : vector<16xi32> to vector<16xi32>
      %swap3A_818 = vector.shape_cast %add3A_814 : vector<16xi32> to vector<16xi32>
      tpu.vector_store %arg16[%swap3A_815], %swap3A_818 {strides = array<i32>} : memref<128xi32, #tpu.memory_space<vmem>>, vector<16xi32>,
      %dma_start3A_819 = arith.constant 0 : i32
      %dma_start3A_820 = tpu.memref_slice %arg25[%dma_start3A_819] : memref<20480xf32, #tpu.memory_space<vmem_shared>> -> memref<20480xf32, #tpu.memory_space<vmem_shared>>
      tpu.enqueue_indirect_dma source(%arg12 : memref<128xf32, #tpu.memory_space<vmem>>) target(%dma_start3A_820 : memref<20480xf32, #tpu.memory_space<vmem_shared>>) offsets(%arg16 : memref<128xi32, #tpu.memory_space<vmem>>) semaphore(%arg24 : memref<!tpu.dma_semaphore, #tpu.memory_space<semaphore_mem>>) {add = true}
      %dma_wait3A_821 = arith.constant 0 : i32
      %dma_wait3A_822 = tpu.memref_slice %arg4[%dma_wait3A_821] : memref<10240xf32, #tpu.memory_space<hbm>> -> memref<128xf32, #tpu.memory_space<hbm>>
      %dma_wait3A_823 = arith.constant 0 : i32
      %dma_wait3A_824 = tpu.memref_slice %arg4[%dma_wait3A_823] : memref<10240xf32, #tpu.memory_space<hbm>> -> memref<128xf32, #tpu.memory_space<hbm>>
      tpu.wait_dma2 semaphore(%arg21 : memref<!tpu.dma_semaphore, #tpu.memory_space<semaphore_mem>>) src(%dma_wait3A_824 : memref<128xf32, #tpu.memory_space<hbm>>) dst(%arg9 : memref<128xf32, #tpu.memory_space<vmem>>)
      %add3A_825 = arith.constant 4 : i32
      %add3A_826 = arith.addi %mul3A_58, %add3A_825 : i32
      %add3A_827 = arith.constant 0 : i32
      %add3A_828 = arith.addi %add3A_826, %add3A_827 : i32
      %min3A = arith.constant 79 : i32
      %min3A_829 = arith.minsi %add3A_828, %min3A : i32
      %dma_start3A_830 = arith.constant 0 : i32
      %dma_start3A_831 = tpu.memref_slice %arg7[%min3A_829, %dma_start3A_830] : memref<80x128xi32, #tpu.memory_space<vmem>> -> memref<1x128xi32, #tpu.memory_space<vmem>>
      %dma_start3A_832 = tpu.memref_squeeze %dma_start3A_831 : memref<1x128xi32, #tpu.memory_space<vmem>> -> memref<128xi32, #tpu.memory_space<vmem>>
      %dma_start3A_833 = arith.constant 0 : i32
      %dma_start3A_834 = tpu.memref_slice %arg4[%dma_start3A_833] : memref<10240xf32, #tpu.memory_space<hbm>> -> memref<10240xf32, #tpu.memory_space<hbm>>
      tpu.enqueue_indirect_dma source(%dma_start3A_834 : memref<10240xf32, #tpu.memory_space<hbm>>) target(%arg9 : memref<128xf32, #tpu.memory_space<vmem>>) offsets(%dma_start3A_832 : memref<128xi32, #tpu.memory_space<vmem>>) semaphore(%arg17 : memref<!tpu.dma_semaphore, #tpu.memory_space<semaphore_mem>>)
      %dma_wait3A_835 = arith.constant 0 : i32
      %dma_wait3A_836 = tpu.memref_slice %arg4[%dma_wait3A_835] : memref<10240xf32, #tpu.memory_space<hbm>> -> memref<128xf32, #tpu.memory_space<hbm>>
      %dma_wait3A_837 = arith.constant 0 : i32
      %dma_wait3A_838 = tpu.memref_slice %arg4[%dma_wait3A_837] : memref<10240xf32, #tpu.memory_space<hbm>> -> memref<128xf32, #tpu.memory_space<hbm>>
      tpu.wait_dma2 semaphore(%arg22 : memref<!tpu.dma_semaphore, #tpu.memory_space<semaphore_mem>>) src(%dma_wait3A_838 : memref<128xf32, #tpu.memory_space<hbm>>) dst(%arg10 : memref<128xf32, #tpu.memory_space<vmem>>)
      %add3A_839 = arith.constant 4 : i32
      %add3A_840 = arith.addi %mul3A_58, %add3A_839 : i32
      %add3A_841 = arith.constant 1 : i32
      %add3A_842 = arith.addi %add3A_840, %add3A_841 : i32
      %min3A_843 = arith.constant 79 : i32
      %min3A_844 = arith.minsi %add3A_842, %min3A_843 : i32
      %dma_start3A_845 = arith.constant 0 : i32
      %dma_start3A_846 = tpu.memref_slice %arg7[%min3A_844, %dma_start3A_845] : memref<80x128xi32, #tpu.memory_space<vmem>> -> memref<1x128xi32, #tpu.memory_space<vmem>>
      %dma_start3A_847 = tpu.memref_squeeze %dma_start3A_846 : memref<1x128xi32, #tpu.memory_space<vmem>> -> memref<128xi32, #tpu.memory_space<vmem>>
      %dma_start3A_848 = arith.constant 0 : i32
      %dma_start3A_849 = tpu.memref_slice %arg4[%dma_start3A_848] : memref<10240xf32, #tpu.memory_space<hbm>> -> memref<10240xf32, #tpu.memory_space<hbm>>
      tpu.enqueue_indirect_dma source(%dma_start3A_849 : memref<10240xf32, #tpu.memory_space<hbm>>) target(%arg10 : memref<128xf32, #tpu.memory_space<vmem>>) offsets(%dma_start3A_847 : memref<128xi32, #tpu.memory_space<vmem>>) semaphore(%arg18 : memref<!tpu.dma_semaphore, #tpu.memory_space<semaphore_mem>>)
      %dma_wait3A_850 = arith.constant 0 : i32
      %dma_wait3A_851 = tpu.memref_slice %arg4[%dma_wait3A_850] : memref<10240xf32, #tpu.memory_space<hbm>> -> memref<128xf32, #tpu.memory_space<hbm>>
      %dma_wait3A_852 = arith.constant 0 : i32
      %dma_wait3A_853 = tpu.memref_slice %arg4[%dma_wait3A_852] : memref<10240xf32, #tpu.memory_space<hbm>> -> memref<128xf32, #tpu.memory_space<hbm>>
      tpu.wait_dma2 semaphore(%arg23 : memref<!tpu.dma_semaphore, #tpu.memory_space<semaphore_mem>>) src(%dma_wait3A_853 : memref<128xf32, #tpu.memory_space<hbm>>) dst(%arg11 : memref<128xf32, #tpu.memory_space<vmem>>)
      %add3A_854 = arith.constant 4 : i32
      %add3A_855 = arith.addi %mul3A_58, %add3A_854 : i32
      %add3A_856 = arith.constant 2 : i32
      %add3A_857 = arith.addi %add3A_855, %add3A_856 : i32
      %min3A_858 = arith.constant 79 : i32
      %min3A_859 = arith.minsi %add3A_857, %min3A_858 : i32
      %dma_start3A_860 = arith.constant 0 : i32
      %dma_start3A_861 = tpu.memref_slice %arg7[%min3A_859, %dma_start3A_860] : memref<80x128xi32, #tpu.memory_space<vmem>> -> memref<1x128xi32, #tpu.memory_space<vmem>>
      %dma_start3A_862 = tpu.memref_squeeze %dma_start3A_861 : memref<1x128xi32, #tpu.memory_space<vmem>> -> memref<128xi32, #tpu.memory_space<vmem>>
      %dma_start3A_863 = arith.constant 0 : i32
      %dma_start3A_864 = tpu.memref_slice %arg4[%dma_start3A_863] : memref<10240xf32, #tpu.memory_space<hbm>> -> memref<10240xf32, #tpu.memory_space<hbm>>
      tpu.enqueue_indirect_dma source(%dma_start3A_864 : memref<10240xf32, #tpu.memory_space<hbm>>) target(%arg11 : memref<128xf32, #tpu.memory_space<vmem>>) offsets(%dma_start3A_862 : memref<128xi32, #tpu.memory_space<vmem>>) semaphore(%arg19 : memref<!tpu.dma_semaphore, #tpu.memory_space<semaphore_mem>>)
      %dma_wait3A_865 = arith.constant 0 : i32
      %dma_wait3A_866 = tpu.memref_slice %arg4[%dma_wait3A_865] : memref<10240xf32, #tpu.memory_space<hbm>> -> memref<128xf32, #tpu.memory_space<hbm>>
      %dma_wait3A_867 = arith.constant 0 : i32
      %dma_wait3A_868 = tpu.memref_slice %arg4[%dma_wait3A_867] : memref<10240xf32, #tpu.memory_space<hbm>> -> memref<128xf32, #tpu.memory_space<hbm>>
      tpu.wait_dma2 semaphore(%arg24 : memref<!tpu.dma_semaphore, #tpu.memory_space<semaphore_mem>>) src(%dma_wait3A_868 : memref<128xf32, #tpu.memory_space<hbm>>) dst(%arg12 : memref<128xf32, #tpu.memory_space<vmem>>)
      %add3A_869 = arith.constant 4 : i32
      %add3A_870 = arith.addi %mul3A_58, %add3A_869 : i32
      %add3A_871 = arith.constant 3 : i32
      %add3A_872 = arith.addi %add3A_870, %add3A_871 : i32
      %min3A_873 = arith.constant 79 : i32
      %min3A_874 = arith.minsi %add3A_872, %min3A_873 : i32
      %dma_start3A_875 = arith.constant 0 : i32
      %dma_start3A_876 = tpu.memref_slice %arg7[%min3A_874, %dma_start3A_875] : memref<80x128xi32, #tpu.memory_space<vmem>> -> memref<1x128xi32, #tpu.memory_space<vmem>>
      %dma_start3A_877 = tpu.memref_squeeze %dma_start3A_876 : memref<1x128xi32, #tpu.memory_space<vmem>> -> memref<128xi32, #tpu.memory_space<vmem>>
      %dma_start3A_878 = arith.constant 0 : i32
      %dma_start3A_879 = tpu.memref_slice %arg4[%dma_start3A_878] : memref<10240xf32, #tpu.memory_space<hbm>> -> memref<10240xf32, #tpu.memory_space<hbm>>
      tpu.enqueue_indirect_dma source(%dma_start3A_879 : memref<10240xf32, #tpu.memory_space<hbm>>) target(%arg12 : memref<128xf32, #tpu.memory_space<vmem>>) offsets(%dma_start3A_877 : memref<128xi32, #tpu.memory_space<vmem>>) semaphore(%arg20 : memref<!tpu.dma_semaphore, #tpu.memory_space<semaphore_mem>>)
    }
    %scan3A_35 = arith.constant 20 : i32
    %dma_wait3A = arith.constant 0 : i32
    %dma_wait3A_36 = tpu.memref_slice %arg4[%dma_wait3A] : memref<10240xf32, #tpu.memory_space<hbm>> -> memref<128xf32, #tpu.memory_space<hbm>>
    %dma_wait3A_37 = arith.constant 0 : i32
    %dma_wait3A_38 = tpu.memref_slice %arg4[%dma_wait3A_37] : memref<10240xf32, #tpu.memory_space<hbm>> -> memref<128xf32, #tpu.memory_space<hbm>>
    tpu.wait_dma2 semaphore(%arg17 : memref<!tpu.dma_semaphore, #tpu.memory_space<semaphore_mem>>) src(%dma_wait3A_38 : memref<128xf32, #tpu.memory_space<hbm>>) dst(%arg9 : memref<128xf32, #tpu.memory_space<vmem>>)
    %dma_wait3A_39 = arith.constant 0 : i32
    %dma_wait3A_40 = tpu.memref_slice %arg4[%dma_wait3A_39] : memref<10240xf32, #tpu.memory_space<hbm>> -> memref<128xf32, #tpu.memory_space<hbm>>
    %dma_wait3A_41 = arith.constant 0 : i32
    %dma_wait3A_42 = tpu.memref_slice %arg4[%dma_wait3A_41] : memref<10240xf32, #tpu.memory_space<hbm>> -> memref<128xf32, #tpu.memory_space<hbm>>
    tpu.wait_dma2 semaphore(%arg18 : memref<!tpu.dma_semaphore, #tpu.memory_space<semaphore_mem>>) src(%dma_wait3A_42 : memref<128xf32, #tpu.memory_space<hbm>>) dst(%arg10 : memref<128xf32, #tpu.memory_space<vmem>>)
    %dma_wait3A_43 = arith.constant 0 : i32
    %dma_wait3A_44 = tpu.memref_slice %arg4[%dma_wait3A_43] : memref<10240xf32, #tpu.memory_space<hbm>> -> memref<128xf32, #tpu.memory_space<hbm>>
    %dma_wait3A_45 = arith.constant 0 : i32
    %dma_wait3A_46 = tpu.memref_slice %arg4[%dma_wait3A_45] : memref<10240xf32, #tpu.memory_space<hbm>> -> memref<128xf32, #tpu.memory_space<hbm>>
    tpu.wait_dma2 semaphore(%arg19 : memref<!tpu.dma_semaphore, #tpu.memory_space<semaphore_mem>>) src(%dma_wait3A_46 : memref<128xf32, #tpu.memory_space<hbm>>) dst(%arg11 : memref<128xf32, #tpu.memory_space<vmem>>)
    %dma_wait3A_47 = arith.constant 0 : i32
    %dma_wait3A_48 = tpu.memref_slice %arg4[%dma_wait3A_47] : memref<10240xf32, #tpu.memory_space<hbm>> -> memref<128xf32, #tpu.memory_space<hbm>>
    %dma_wait3A_49 = arith.constant 0 : i32
    %dma_wait3A_50 = tpu.memref_slice %arg4[%dma_wait3A_49] : memref<10240xf32, #tpu.memory_space<hbm>> -> memref<128xf32, #tpu.memory_space<hbm>>
    tpu.wait_dma2 semaphore(%arg20 : memref<!tpu.dma_semaphore, #tpu.memory_space<semaphore_mem>>) src(%dma_wait3A_50 : memref<128xf32, #tpu.memory_space<hbm>>) dst(%arg12 : memref<128xf32, #tpu.memory_space<vmem>>)
    %barrier3A_51 = arith.constant 0 : index
    tpu.barrier barrier_id(%barrier3A_51)
    %mul3A_52 = arith.constant 1280 : i32
    %mul3A_53 = arith.muli %arg1, %mul3A_52 : i32
    %mul3A_54 = arith.constant 1280 : i32
    %mul3A_55 = arith.muli %arg1, %mul3A_54 : i32
    "tpu.region"() ({
      %run_scoped3A = tpu.sem_alloc : memref<!tpu.dma_semaphore, #tpu.memory_space<semaphore_mem>>
      %dma_start3A_56 = tpu.memref_slice %arg6[%arg0, %mul3A_55] : memref<2x20480xf32, #tpu.memory_space<hbm>> -> memref<1x1280xf32, #tpu.memory_space<hbm>>
      %dma_start3A_57 = tpu.memref_squeeze %dma_start3A_56 : memref<1x1280xf32, #tpu.memory_space<hbm>> -> memref<1280xf32, #tpu.memory_space<hbm>>
      %dma_start3A_58 = tpu.memref_slice %arg25[%mul3A_53] : memref<20480xf32, #tpu.memory_space<vmem_shared>> -> memref<1280xf32, #tpu.memory_space<vmem_shared>>
      tpu.enqueue_dma source(%dma_start3A_58 : memref<1280xf32, #tpu.memory_space<vmem_shared>>) target(%dma_start3A_57 : memref<1280xf32, #tpu.memory_space<hbm>>) target_semaphore(%run_scoped3A : memref<!tpu.dma_semaphore, #tpu.memory_space<semaphore_mem>>)
      %dma_wait3A_59 = tpu.memref_slice %arg6[%arg0, %mul3A_55] : memref<2x20480xf32, #tpu.memory_space<hbm>> -> memref<1x1280xf32, #tpu.memory_space<hbm>>
      %dma_wait3A_60 = tpu.memref_squeeze %dma_wait3A_59 : memref<1x1280xf32, #tpu.memory_space<hbm>> -> memref<1280xf32, #tpu.memory_space<hbm>>
      %dma_wait3A_61 = tpu.memref_slice %arg25[%mul3A_53] : memref<20480xf32, #tpu.memory_space<vmem_shared>> -> memref<1280xf32, #tpu.memory_space<vmem_shared>>
      tpu.wait_dma2 semaphore(%run_scoped3A : memref<!tpu.dma_semaphore, #tpu.memory_space<semaphore_mem>>) src(%dma_wait3A_61 : memref<1280xf32, #tpu.memory_space<vmem_shared>>) dst(%dma_wait3A_60 : memref<1280xf32, #tpu.memory_space<hbm>>)
      tpu.yield
    }) : () -> ()
    return
  }
}

#map = affine_map<(d0, d1) -> (0, 0, 0)>
#map1 = affine_map<(d0, d1) -> (0)>
#map2 = affine_map<(d0, d1) -> (0, 0)>
module attributes {stable_mosaic.version = 14 : i64} {
  func.func @_sc_deg(%arg0: i32, %arg1: i32, %arg2: memref<32x80x128xi32, #tpu.memory_space<hbm>>, %arg3: memref<128xf32, #tpu.memory_space<hbm>>, %arg4: memref<10240xf32, #tpu.memory_space<hbm>>, %arg5: memref<2x10240xf32, #tpu.memory_space<hbm>>, %arg6: memref<80x128xi32, #tpu.memory_space<vmem>>, %arg7: memref<128xf32, #tpu.memory_space<vmem>>, %arg8: memref<!tpu.dma_semaphore, #tpu.memory_space<semaphore_mem>>, %arg9: memref<!tpu.dma_semaphore, #tpu.memory_space<semaphore_mem>>, %arg10: memref<!tpu.dma_semaphore, #tpu.memory_space<semaphore_mem>>, %arg11: memref<!tpu.dma_semaphore, #tpu.memory_space<semaphore_mem>>, %arg12: memref<10240xf32, #tpu.memory_space<vmem_shared>>) attributes {dimension_semantics = [#tpu.dimension_semantics<core_parallel>, #tpu.dimension_semantics<subcore_parallel>], iteration_bounds = array<i64: 2, 16>, scalar_prefetch = 0 : i64, scratch_operands = 7 : i64, tpu.core_type = #tpu.core_type<sc_vector_subcore>, window_params = [{transform_indices = #map}, {transform_indices = #map1}, {transform_indices = #map1}, {transform_indices = #map2}]} {
    %mul3A = arith.constant 640 : i32
    %mul3A_0 = arith.muli %arg1, %mul3A : i32
    %mul3A_1 = arith.constant 640 : i32
    %mul3A_2 = arith.muli %arg1, %mul3A_1 : i32
    "tpu.region"() ({
      %run_scoped3A = tpu.sem_alloc : memref<!tpu.dma_semaphore, #tpu.memory_space<semaphore_mem>>
      %dma_start3A_38 = tpu.memref_slice %arg12[%mul3A_2] : memref<10240xf32, #tpu.memory_space<vmem_shared>> -> memref<640xf32, #tpu.memory_space<vmem_shared>>
      %dma_start3A_39 = tpu.memref_slice %arg4[%mul3A_0] : memref<10240xf32, #tpu.memory_space<hbm>> -> memref<640xf32, #tpu.memory_space<hbm>>
      tpu.enqueue_dma source(%dma_start3A_39 : memref<640xf32, #tpu.memory_space<hbm>>) target(%dma_start3A_38 : memref<640xf32, #tpu.memory_space<vmem_shared>>) target_semaphore(%run_scoped3A : memref<!tpu.dma_semaphore, #tpu.memory_space<semaphore_mem>>)
      %dma_wait3A = tpu.memref_slice %arg12[%mul3A_2] : memref<10240xf32, #tpu.memory_space<vmem_shared>> -> memref<640xf32, #tpu.memory_space<vmem_shared>>
      %dma_wait3A_40 = tpu.memref_slice %arg4[%mul3A_0] : memref<10240xf32, #tpu.memory_space<hbm>> -> memref<640xf32, #tpu.memory_space<hbm>>
      tpu.wait_dma2 semaphore(%run_scoped3A : memref<!tpu.dma_semaphore, #tpu.memory_space<semaphore_mem>>) src(%dma_wait3A_40 : memref<640xf32, #tpu.memory_space<hbm>>) dst(%dma_wait3A : memref<640xf32, #tpu.memory_space<vmem_shared>>)
      tpu.yield
    }) : () -> ()
    %mul3A_3 = arith.constant 16 : i32
    %mul3A_4 = arith.muli %arg0, %mul3A_3 : i32
    %add3A = arith.addi %mul3A_4, %arg1 : i32
    "tpu.region"() ({
      %run_scoped3A = tpu.sem_alloc : memref<!tpu.dma_semaphore, #tpu.memory_space<semaphore_mem>>
      %dma_start3A_38 = arith.constant 0 : i32
      %dma_start3A_39 = arith.constant 0 : i32
      %dma_start3A_40 = tpu.memref_slice %arg2[%add3A, %dma_start3A_38, %dma_start3A_39] : memref<32x80x128xi32, #tpu.memory_space<hbm>> -> memref<1x80x128xi32, #tpu.memory_space<hbm>>
      %dma_start3A_41 = tpu.memref_squeeze %dma_start3A_40 : memref<1x80x128xi32, #tpu.memory_space<hbm>> -> memref<80x128xi32, #tpu.memory_space<hbm>>
      %dma_start3A_42 = arith.constant 0 : i32
      %dma_start3A_43 = arith.constant 0 : i32
      %dma_start3A_44 = tpu.memref_slice %arg2[%add3A, %dma_start3A_42, %dma_start3A_43] : memref<32x80x128xi32, #tpu.memory_space<hbm>> -> memref<1x80x128xi32, #tpu.memory_space<hbm>>
      %dma_start3A_45 = tpu.memref_squeeze %dma_start3A_44 : memref<1x80x128xi32, #tpu.memory_space<hbm>> -> memref<80x128xi32, #tpu.memory_space<hbm>>
      tpu.enqueue_dma source(%dma_start3A_45 : memref<80x128xi32, #tpu.memory_space<hbm>>) target(%arg6 : memref<80x128xi32, #tpu.memory_space<vmem>>) target_semaphore(%run_scoped3A : memref<!tpu.dma_semaphore, #tpu.memory_space<semaphore_mem>>)
      %dma_wait3A = arith.constant 0 : i32
      %dma_wait3A_46 = arith.constant 0 : i32
      %dma_wait3A_47 = tpu.memref_slice %arg2[%add3A, %dma_wait3A, %dma_wait3A_46] : memref<32x80x128xi32, #tpu.memory_space<hbm>> -> memref<1x80x128xi32, #tpu.memory_space<hbm>>
      %dma_wait3A_48 = tpu.memref_squeeze %dma_wait3A_47 : memref<1x80x128xi32, #tpu.memory_space<hbm>> -> memref<80x128xi32, #tpu.memory_space<hbm>>
      %dma_wait3A_49 = arith.constant 0 : i32
      %dma_wait3A_50 = arith.constant 0 : i32
      %dma_wait3A_51 = tpu.memref_slice %arg2[%add3A, %dma_wait3A_49, %dma_wait3A_50] : memref<32x80x128xi32, #tpu.memory_space<hbm>> -> memref<1x80x128xi32, #tpu.memory_space<hbm>>
      %dma_wait3A_52 = tpu.memref_squeeze %dma_wait3A_51 : memref<1x80x128xi32, #tpu.memory_space<hbm>> -> memref<80x128xi32, #tpu.memory_space<hbm>>
      tpu.wait_dma2 semaphore(%run_scoped3A : memref<!tpu.dma_semaphore, #tpu.memory_space<semaphore_mem>>) src(%dma_wait3A_52 : memref<80x128xi32, #tpu.memory_space<hbm>>) dst(%arg6 : memref<80x128xi32, #tpu.memory_space<vmem>>)
      tpu.yield
    }) : () -> ()
    "tpu.region"() ({
      %run_scoped3A = tpu.sem_alloc : memref<!tpu.dma_semaphore, #tpu.memory_space<semaphore_mem>>
      tpu.enqueue_dma source(%arg3 : memref<128xf32, #tpu.memory_space<hbm>>) target(%arg7 : memref<128xf32, #tpu.memory_space<vmem>>) target_semaphore(%run_scoped3A : memref<!tpu.dma_semaphore, #tpu.memory_space<semaphore_mem>>)
      tpu.wait_dma2 semaphore(%run_scoped3A : memref<!tpu.dma_semaphore, #tpu.memory_space<semaphore_mem>>) src(%arg3 : memref<128xf32, #tpu.memory_space<hbm>>) dst(%arg7 : memref<128xf32, #tpu.memory_space<vmem>>)
      tpu.yield
    }) : () -> ()
    %barrier3A = arith.constant 0 : index
    tpu.barrier barrier_id(%barrier3A)
    %dma_start3A = arith.constant 0 : i32
    %dma_start3A_5 = arith.constant 0 : i32
    %dma_start3A_6 = tpu.memref_slice %arg6[%dma_start3A, %dma_start3A_5] : memref<80x128xi32, #tpu.memory_space<vmem>> -> memref<1x128xi32, #tpu.memory_space<vmem>>
    %dma_start3A_7 = tpu.memref_squeeze %dma_start3A_6 : memref<1x128xi32, #tpu.memory_space<vmem>> -> memref<128xi32, #tpu.memory_space<vmem>>
    %dma_start3A_8 = arith.constant 0 : i32
    %dma_start3A_9 = tpu.memref_slice %arg12[%dma_start3A_8] : memref<10240xf32, #tpu.memory_space<vmem_shared>> -> memref<10240xf32, #tpu.memory_space<vmem_shared>>
    tpu.enqueue_indirect_dma source(%arg7 : memref<128xf32, #tpu.memory_space<vmem>>) target(%dma_start3A_9 : memref<10240xf32, #tpu.memory_space<vmem_shared>>) offsets(%dma_start3A_7 : memref<128xi32, #tpu.memory_space<vmem>>) semaphore(%arg8 : memref<!tpu.dma_semaphore, #tpu.memory_space<semaphore_mem>>) {add = true}
    %dma_start3A_10 = arith.constant 1 : i32
    %dma_start3A_11 = arith.constant 0 : i32
    %dma_start3A_12 = tpu.memref_slice %arg6[%dma_start3A_10, %dma_start3A_11] : memref<80x128xi32, #tpu.memory_space<vmem>> -> memref<1x128xi32, #tpu.memory_space<vmem>>
    %dma_start3A_13 = tpu.memref_squeeze %dma_start3A_12 : memref<1x128xi32, #tpu.memory_space<vmem>> -> memref<128xi32, #tpu.memory_space<vmem>>
    %dma_start3A_14 = arith.constant 0 : i32
    %dma_start3A_15 = tpu.memref_slice %arg12[%dma_start3A_14] : memref<10240xf32, #tpu.memory_space<vmem_shared>> -> memref<10240xf32, #tpu.memory_space<vmem_shared>>
    tpu.enqueue_indirect_dma source(%arg7 : memref<128xf32, #tpu.memory_space<vmem>>) target(%dma_start3A_15 : memref<10240xf32, #tpu.memory_space<vmem_shared>>) offsets(%dma_start3A_13 : memref<128xi32, #tpu.memory_space<vmem>>) semaphore(%arg9 : memref<!tpu.dma_semaphore, #tpu.memory_space<semaphore_mem>>) {add = true}
    %dma_start3A_16 = arith.constant 2 : i32
    %dma_start3A_17 = arith.constant 0 : i32
    %dma_start3A_18 = tpu.memref_slice %arg6[%dma_start3A_16, %dma_start3A_17] : memref<80x128xi32, #tpu.memory_space<vmem>> -> memref<1x128xi32, #tpu.memory_space<vmem>>
    %dma_start3A_19 = tpu.memref_squeeze %dma_start3A_18 : memref<1x128xi32, #tpu.memory_space<vmem>> -> memref<128xi32, #tpu.memory_space<vmem>>
    %dma_start3A_20 = arith.constant 0 : i32
    %dma_start3A_21 = tpu.memref_slice %arg12[%dma_start3A_20] : memref<10240xf32, #tpu.memory_space<vmem_shared>> -> memref<10240xf32, #tpu.memory_space<vmem_shared>>
    tpu.enqueue_indirect_dma source(%arg7 : memref<128xf32, #tpu.memory_space<vmem>>) target(%dma_start3A_21 : memref<10240xf32, #tpu.memory_space<vmem_shared>>) offsets(%dma_start3A_19 : memref<128xi32, #tpu.memory_space<vmem>>) semaphore(%arg10 : memref<!tpu.dma_semaphore, #tpu.memory_space<semaphore_mem>>) {add = true}
    %dma_start3A_22 = arith.constant 3 : i32
    %dma_start3A_23 = arith.constant 0 : i32
    %dma_start3A_24 = tpu.memref_slice %arg6[%dma_start3A_22, %dma_start3A_23] : memref<80x128xi32, #tpu.memory_space<vmem>> -> memref<1x128xi32, #tpu.memory_space<vmem>>
    %dma_start3A_25 = tpu.memref_squeeze %dma_start3A_24 : memref<1x128xi32, #tpu.memory_space<vmem>> -> memref<128xi32, #tpu.memory_space<vmem>>
    %dma_start3A_26 = arith.constant 0 : i32
    %dma_start3A_27 = tpu.memref_slice %arg12[%dma_start3A_26] : memref<10240xf32, #tpu.memory_space<vmem_shared>> -> memref<10240xf32, #tpu.memory_space<vmem_shared>>
    tpu.enqueue_indirect_dma source(%arg7 : memref<128xf32, #tpu.memory_space<vmem>>) target(%dma_start3A_27 : memref<10240xf32, #tpu.memory_space<vmem_shared>>) offsets(%dma_start3A_25 : memref<128xi32, #tpu.memory_space<vmem>>) semaphore(%arg11 : memref<!tpu.dma_semaphore, #tpu.memory_space<semaphore_mem>>) {add = true}
    %scan3A = arith.constant 0 : i32
    %scan3A_28 = arith.constant 0 : i32
    %scan3A_29 = arith.constant 19 : i32
    %scan3A_30 = arith.addi %scan3A_28, %scan3A_29 : i32
    %scan3A_31 = arith.constant 1 : i32
    scf.for %scan3A_38 = %scan3A_28 to %scan3A_30 step %scan3A_31  : i32 {
      %mul3A_39 = arith.constant 4 : i32
      %mul3A_40 = arith.muli %mul3A_39, %scan3A_38 : i32
      tpu.wait_dma2 semaphore(%arg8 : memref<!tpu.dma_semaphore, #tpu.memory_space<semaphore_mem>>) src(%arg3 : memref<128xf32, #tpu.memory_space<hbm>>) dst(%arg7 : memref<128xf32, #tpu.memory_space<vmem>>)
      %add3A_41 = arith.constant 4 : i32
      %add3A_42 = arith.addi %mul3A_40, %add3A_41 : i32
      %add3A_43 = arith.constant 0 : i32
      %add3A_44 = arith.addi %add3A_42, %add3A_43 : i32
      %min3A = arith.constant 79 : i32
      %min3A_45 = arith.minsi %add3A_44, %min3A : i32
      %dma_start3A_46 = arith.constant 0 : i32
      %dma_start3A_47 = tpu.memref_slice %arg6[%min3A_45, %dma_start3A_46] : memref<80x128xi32, #tpu.memory_space<vmem>> -> memref<1x128xi32, #tpu.memory_space<vmem>>
      %dma_start3A_48 = tpu.memref_squeeze %dma_start3A_47 : memref<1x128xi32, #tpu.memory_space<vmem>> -> memref<128xi32, #tpu.memory_space<vmem>>
      %dma_start3A_49 = arith.constant 0 : i32
      %dma_start3A_50 = tpu.memref_slice %arg12[%dma_start3A_49] : memref<10240xf32, #tpu.memory_space<vmem_shared>> -> memref<10240xf32, #tpu.memory_space<vmem_shared>>
      tpu.enqueue_indirect_dma source(%arg7 : memref<128xf32, #tpu.memory_space<vmem>>) target(%dma_start3A_50 : memref<10240xf32, #tpu.memory_space<vmem_shared>>) offsets(%dma_start3A_48 : memref<128xi32, #tpu.memory_space<vmem>>) semaphore(%arg8 : memref<!tpu.dma_semaphore, #tpu.memory_space<semaphore_mem>>) {add = true}
      tpu.wait_dma2 semaphore(%arg9 : memref<!tpu.dma_semaphore, #tpu.memory_space<semaphore_mem>>) src(%arg3 : memref<128xf32, #tpu.memory_space<hbm>>) dst(%arg7 : memref<128xf32, #tpu.memory_space<vmem>>)
      %add3A_51 = arith.constant 4 : i32
      %add3A_52 = arith.addi %mul3A_40, %add3A_51 : i32
      %add3A_53 = arith.constant 1 : i32
      %add3A_54 = arith.addi %add3A_52, %add3A_53 : i32
      %min3A_55 = arith.constant 79 : i32
      %min3A_56 = arith.minsi %add3A_54, %min3A_55 : i32
      %dma_start3A_57 = arith.constant 0 : i32
      %dma_start3A_58 = tpu.memref_slice %arg6[%min3A_56, %dma_start3A_57] : memref<80x128xi32, #tpu.memory_space<vmem>> -> memref<1x128xi32, #tpu.memory_space<vmem>>
      %dma_start3A_59 = tpu.memref_squeeze %dma_start3A_58 : memref<1x128xi32, #tpu.memory_space<vmem>> -> memref<128xi32, #tpu.memory_space<vmem>>
      %dma_start3A_60 = arith.constant 0 : i32
      %dma_start3A_61 = tpu.memref_slice %arg12[%dma_start3A_60] : memref<10240xf32, #tpu.memory_space<vmem_shared>> -> memref<10240xf32, #tpu.memory_space<vmem_shared>>
      tpu.enqueue_indirect_dma source(%arg7 : memref<128xf32, #tpu.memory_space<vmem>>) target(%dma_start3A_61 : memref<10240xf32, #tpu.memory_space<vmem_shared>>) offsets(%dma_start3A_59 : memref<128xi32, #tpu.memory_space<vmem>>) semaphore(%arg9 : memref<!tpu.dma_semaphore, #tpu.memory_space<semaphore_mem>>) {add = true}
      tpu.wait_dma2 semaphore(%arg10 : memref<!tpu.dma_semaphore, #tpu.memory_space<semaphore_mem>>) src(%arg3 : memref<128xf32, #tpu.memory_space<hbm>>) dst(%arg7 : memref<128xf32, #tpu.memory_space<vmem>>)
      %add3A_62 = arith.constant 4 : i32
      %add3A_63 = arith.addi %mul3A_40, %add3A_62 : i32
      %add3A_64 = arith.constant 2 : i32
      %add3A_65 = arith.addi %add3A_63, %add3A_64 : i32
      %min3A_66 = arith.constant 79 : i32
      %min3A_67 = arith.minsi %add3A_65, %min3A_66 : i32
      %dma_start3A_68 = arith.constant 0 : i32
      %dma_start3A_69 = tpu.memref_slice %arg6[%min3A_67, %dma_start3A_68] : memref<80x128xi32, #tpu.memory_space<vmem>> -> memref<1x128xi32, #tpu.memory_space<vmem>>
      %dma_start3A_70 = tpu.memref_squeeze %dma_start3A_69 : memref<1x128xi32, #tpu.memory_space<vmem>> -> memref<128xi32, #tpu.memory_space<vmem>>
      %dma_start3A_71 = arith.constant 0 : i32
      %dma_start3A_72 = tpu.memref_slice %arg12[%dma_start3A_71] : memref<10240xf32, #tpu.memory_space<vmem_shared>> -> memref<10240xf32, #tpu.memory_space<vmem_shared>>
      tpu.enqueue_indirect_dma source(%arg7 : memref<128xf32, #tpu.memory_space<vmem>>) target(%dma_start3A_72 : memref<10240xf32, #tpu.memory_space<vmem_shared>>) offsets(%dma_start3A_70 : memref<128xi32, #tpu.memory_space<vmem>>) semaphore(%arg10 : memref<!tpu.dma_semaphore, #tpu.memory_space<semaphore_mem>>) {add = true}
      tpu.wait_dma2 semaphore(%arg11 : memref<!tpu.dma_semaphore, #tpu.memory_space<semaphore_mem>>) src(%arg3 : memref<128xf32, #tpu.memory_space<hbm>>) dst(%arg7 : memref<128xf32, #tpu.memory_space<vmem>>)
      %add3A_73 = arith.constant 4 : i32
      %add3A_74 = arith.addi %mul3A_40, %add3A_73 : i32
      %add3A_75 = arith.constant 3 : i32
      %add3A_76 = arith.addi %add3A_74, %add3A_75 : i32
      %min3A_77 = arith.constant 79 : i32
      %min3A_78 = arith.minsi %add3A_76, %min3A_77 : i32
      %dma_start3A_79 = arith.constant 0 : i32
      %dma_start3A_80 = tpu.memref_slice %arg6[%min3A_78, %dma_start3A_79] : memref<80x128xi32, #tpu.memory_space<vmem>> -> memref<1x128xi32, #tpu.memory_space<vmem>>
      %dma_start3A_81 = tpu.memref_squeeze %dma_start3A_80 : memref<1x128xi32, #tpu.memory_space<vmem>> -> memref<128xi32, #tpu.memory_space<vmem>>
      %dma_start3A_82 = arith.constant 0 : i32
      %dma_start3A_83 = tpu.memref_slice %arg12[%dma_start3A_82] : memref<10240xf32, #tpu.memory_space<vmem_shared>> -> memref<10240xf32, #tpu.memory_space<vmem_shared>>
      tpu.enqueue_indirect_dma source(%arg7 : memref<128xf32, #tpu.memory_space<vmem>>) target(%dma_start3A_83 : memref<10240xf32, #tpu.memory_space<vmem_shared>>) offsets(%dma_start3A_81 : memref<128xi32, #tpu.memory_space<vmem>>) semaphore(%arg11 : memref<!tpu.dma_semaphore, #tpu.memory_space<semaphore_mem>>) {add = true}
    }
    %scan3A_32 = arith.constant 19 : i32
    tpu.wait_dma2 semaphore(%arg8 : memref<!tpu.dma_semaphore, #tpu.memory_space<semaphore_mem>>) src(%arg3 : memref<128xf32, #tpu.memory_space<hbm>>) dst(%arg7 : memref<128xf32, #tpu.memory_space<vmem>>)
    tpu.wait_dma2 semaphore(%arg9 : memref<!tpu.dma_semaphore, #tpu.memory_space<semaphore_mem>>) src(%arg3 : memref<128xf32, #tpu.memory_space<hbm>>) dst(%arg7 : memref<128xf32, #tpu.memory_space<vmem>>)
    tpu.wait_dma2 semaphore(%arg10 : memref<!tpu.dma_semaphore, #tpu.memory_space<semaphore_mem>>) src(%arg3 : memref<128xf32, #tpu.memory_space<hbm>>) dst(%arg7 : memref<128xf32, #tpu.memory_space<vmem>>)
    tpu.wait_dma2 semaphore(%arg11 : memref<!tpu.dma_semaphore, #tpu.memory_space<semaphore_mem>>) src(%arg3 : memref<128xf32, #tpu.memory_space<hbm>>) dst(%arg7 : memref<128xf32, #tpu.memory_space<vmem>>)
    %barrier3A_33 = arith.constant 0 : index
    tpu.barrier barrier_id(%barrier3A_33)
    %mul3A_34 = arith.constant 640 : i32
    %mul3A_35 = arith.muli %arg1, %mul3A_34 : i32
    %mul3A_36 = arith.constant 640 : i32
    %mul3A_37 = arith.muli %arg1, %mul3A_36 : i32
    "tpu.region"() ({
      %run_scoped3A = tpu.sem_alloc : memref<!tpu.dma_semaphore, #tpu.memory_space<semaphore_mem>>
      %dma_start3A_38 = tpu.memref_slice %arg5[%arg0, %mul3A_37] : memref<2x10240xf32, #tpu.memory_space<hbm>> -> memref<1x640xf32, #tpu.memory_space<hbm>>
      %dma_start3A_39 = tpu.memref_squeeze %dma_start3A_38 : memref<1x640xf32, #tpu.memory_space<hbm>> -> memref<640xf32, #tpu.memory_space<hbm>>
      %dma_start3A_40 = tpu.memref_slice %arg12[%mul3A_35] : memref<10240xf32, #tpu.memory_space<vmem_shared>> -> memref<640xf32, #tpu.memory_space<vmem_shared>>
      tpu.enqueue_dma source(%dma_start3A_40 : memref<640xf32, #tpu.memory_space<vmem_shared>>) target(%dma_start3A_39 : memref<640xf32, #tpu.memory_space<hbm>>) target_semaphore(%run_scoped3A : memref<!tpu.dma_semaphore, #tpu.memory_space<semaphore_mem>>)
      %dma_wait3A = tpu.memref_slice %arg5[%arg0, %mul3A_37] : memref<2x10240xf32, #tpu.memory_space<hbm>> -> memref<1x640xf32, #tpu.memory_space<hbm>>
      %dma_wait3A_41 = tpu.memref_squeeze %dma_wait3A : memref<1x640xf32, #tpu.memory_space<hbm>> -> memref<640xf32, #tpu.memory_space<hbm>>
      %dma_wait3A_42 = tpu.memref_slice %arg12[%mul3A_35] : memref<10240xf32, #tpu.memory_space<vmem_shared>> -> memref<640xf32, #tpu.memory_space<vmem_shared>>
      tpu.wait_dma2 semaphore(%run_scoped3A : memref<!tpu.dma_semaphore, #tpu.memory_space<semaphore_mem>>) src(%dma_wait3A_42 : memref<640xf32, #tpu.memory_space<vmem_shared>>) dst(%dma_wait3A_41 : memref<640xf32, #tpu.memory_space<hbm>>)
      tpu.yield
    }) : () -> ()
    return
  }
}

#map = affine_map<(d0, d1) -> (0, 0, 0)>
#map1 = affine_map<(d0, d1) -> (0)>
#map2 = affine_map<(d0, d1) -> (0, 0)>
module attributes {stable_mosaic.version = 14 : i64} {
  func.func @_sc_s1(%arg0: i32, %arg1: i32, %arg2: memref<32x80x128xi32, #tpu.memory_space<hbm>>, %arg3: memref<32x80x128xi32, #tpu.memory_space<hbm>>, %arg4: memref<10240xf32, #tpu.memory_space<hbm>>, %arg5: memref<10240xf32, #tpu.memory_space<hbm>>, %arg6: memref<2x10240xf32, #tpu.memory_space<hbm>>, %arg7: memref<80x128xi32, #tpu.memory_space<vmem>>, %arg8: memref<80x128xi32, #tpu.memory_space<vmem>>, %arg9: memref<128xf32, #tpu.memory_space<vmem>>, %arg10: memref<128xf32, #tpu.memory_space<vmem>>, %arg11: memref<128xf32, #tpu.memory_space<vmem>>, %arg12: memref<128xf32, #tpu.memory_space<vmem>>, %arg13: memref<!tpu.dma_semaphore, #tpu.memory_space<semaphore_mem>>, %arg14: memref<!tpu.dma_semaphore, #tpu.memory_space<semaphore_mem>>, %arg15: memref<!tpu.dma_semaphore, #tpu.memory_space<semaphore_mem>>, %arg16: memref<!tpu.dma_semaphore, #tpu.memory_space<semaphore_mem>>, %arg17: memref<!tpu.dma_semaphore, #tpu.memory_space<semaphore_mem>>, %arg18: memref<!tpu.dma_semaphore, #tpu.memory_space<semaphore_mem>>, %arg19: memref<!tpu.dma_semaphore, #tpu.memory_space<semaphore_mem>>, %arg20: memref<!tpu.dma_semaphore, #tpu.memory_space<semaphore_mem>>, %arg21: memref<10240xf32, #tpu.memory_space<vmem_shared>>) attributes {dimension_semantics = [#tpu.dimension_semantics<core_parallel>, #tpu.dimension_semantics<subcore_parallel>], iteration_bounds = array<i64: 2, 16>, scalar_prefetch = 0 : i64, scratch_operands = 15 : i64, tpu.core_type = #tpu.core_type<sc_vector_subcore>, window_params = [{transform_indices = #map}, {transform_indices = #map}, {transform_indices = #map1}, {transform_indices = #map1}, {transform_indices = #map2}]} {
    %mul3A = arith.constant 640 : i32
    %mul3A_0 = arith.muli %arg1, %mul3A : i32
    %mul3A_1 = arith.constant 640 : i32
    %mul3A_2 = arith.muli %arg1, %mul3A_1 : i32
    "tpu.region"() ({
      %run_scoped3A = tpu.sem_alloc : memref<!tpu.dma_semaphore, #tpu.memory_space<semaphore_mem>>
      %dma_start3A_56 = tpu.memref_slice %arg21[%mul3A_2] : memref<10240xf32, #tpu.memory_space<vmem_shared>> -> memref<640xf32, #tpu.memory_space<vmem_shared>>
      %dma_start3A_57 = tpu.memref_slice %arg5[%mul3A_0] : memref<10240xf32, #tpu.memory_space<hbm>> -> memref<640xf32, #tpu.memory_space<hbm>>
      tpu.enqueue_dma source(%dma_start3A_57 : memref<640xf32, #tpu.memory_space<hbm>>) target(%dma_start3A_56 : memref<640xf32, #tpu.memory_space<vmem_shared>>) target_semaphore(%run_scoped3A : memref<!tpu.dma_semaphore, #tpu.memory_space<semaphore_mem>>)
      %dma_wait3A_58 = tpu.memref_slice %arg21[%mul3A_2] : memref<10240xf32, #tpu.memory_space<vmem_shared>> -> memref<640xf32, #tpu.memory_space<vmem_shared>>
      %dma_wait3A_59 = tpu.memref_slice %arg5[%mul3A_0] : memref<10240xf32, #tpu.memory_space<hbm>> -> memref<640xf32, #tpu.memory_space<hbm>>
      tpu.wait_dma2 semaphore(%run_scoped3A : memref<!tpu.dma_semaphore, #tpu.memory_space<semaphore_mem>>) src(%dma_wait3A_59 : memref<640xf32, #tpu.memory_space<hbm>>) dst(%dma_wait3A_58 : memref<640xf32, #tpu.memory_space<vmem_shared>>)
      tpu.yield
    }) : () -> ()
    %mul3A_3 = arith.constant 16 : i32
    %mul3A_4 = arith.muli %arg0, %mul3A_3 : i32
    %add3A = arith.addi %mul3A_4, %arg1 : i32
    "tpu.region"() ({
      %run_scoped3A = tpu.sem_alloc : memref<!tpu.dma_semaphore, #tpu.memory_space<semaphore_mem>>
      %dma_start3A_56 = arith.constant 0 : i32
      %dma_start3A_57 = arith.constant 0 : i32
      %dma_start3A_58 = tpu.memref_slice %arg2[%add3A, %dma_start3A_56, %dma_start3A_57] : memref<32x80x128xi32, #tpu.memory_space<hbm>> -> memref<1x80x128xi32, #tpu.memory_space<hbm>>
      %dma_start3A_59 = tpu.memref_squeeze %dma_start3A_58 : memref<1x80x128xi32, #tpu.memory_space<hbm>> -> memref<80x128xi32, #tpu.memory_space<hbm>>
      %dma_start3A_60 = arith.constant 0 : i32
      %dma_start3A_61 = arith.constant 0 : i32
      %dma_start3A_62 = tpu.memref_slice %arg2[%add3A, %dma_start3A_60, %dma_start3A_61] : memref<32x80x128xi32, #tpu.memory_space<hbm>> -> memref<1x80x128xi32, #tpu.memory_space<hbm>>
      %dma_start3A_63 = tpu.memref_squeeze %dma_start3A_62 : memref<1x80x128xi32, #tpu.memory_space<hbm>> -> memref<80x128xi32, #tpu.memory_space<hbm>>
      tpu.enqueue_dma source(%dma_start3A_63 : memref<80x128xi32, #tpu.memory_space<hbm>>) target(%arg7 : memref<80x128xi32, #tpu.memory_space<vmem>>) target_semaphore(%run_scoped3A : memref<!tpu.dma_semaphore, #tpu.memory_space<semaphore_mem>>)
      %dma_wait3A_64 = arith.constant 0 : i32
      %dma_wait3A_65 = arith.constant 0 : i32
      %dma_wait3A_66 = tpu.memref_slice %arg2[%add3A, %dma_wait3A_64, %dma_wait3A_65] : memref<32x80x128xi32, #tpu.memory_space<hbm>> -> memref<1x80x128xi32, #tpu.memory_space<hbm>>
      %dma_wait3A_67 = tpu.memref_squeeze %dma_wait3A_66 : memref<1x80x128xi32, #tpu.memory_space<hbm>> -> memref<80x128xi32, #tpu.memory_space<hbm>>
      %dma_wait3A_68 = arith.constant 0 : i32
      %dma_wait3A_69 = arith.constant 0 : i32
      %dma_wait3A_70 = tpu.memref_slice %arg2[%add3A, %dma_wait3A_68, %dma_wait3A_69] : memref<32x80x128xi32, #tpu.memory_space<hbm>> -> memref<1x80x128xi32, #tpu.memory_space<hbm>>
      %dma_wait3A_71 = tpu.memref_squeeze %dma_wait3A_70 : memref<1x80x128xi32, #tpu.memory_space<hbm>> -> memref<80x128xi32, #tpu.memory_space<hbm>>
      tpu.wait_dma2 semaphore(%run_scoped3A : memref<!tpu.dma_semaphore, #tpu.memory_space<semaphore_mem>>) src(%dma_wait3A_71 : memref<80x128xi32, #tpu.memory_space<hbm>>) dst(%arg7 : memref<80x128xi32, #tpu.memory_space<vmem>>)
      tpu.yield
    }) : () -> ()
    %mul3A_5 = arith.constant 16 : i32
    %mul3A_6 = arith.muli %arg0, %mul3A_5 : i32
    %add3A_7 = arith.addi %mul3A_6, %arg1 : i32
    "tpu.region"() ({
      %run_scoped3A = tpu.sem_alloc : memref<!tpu.dma_semaphore, #tpu.memory_space<semaphore_mem>>
      %dma_start3A_56 = arith.constant 0 : i32
      %dma_start3A_57 = arith.constant 0 : i32
      %dma_start3A_58 = tpu.memref_slice %arg3[%add3A_7, %dma_start3A_56, %dma_start3A_57] : memref<32x80x128xi32, #tpu.memory_space<hbm>> -> memref<1x80x128xi32, #tpu.memory_space<hbm>>
      %dma_start3A_59 = tpu.memref_squeeze %dma_start3A_58 : memref<1x80x128xi32, #tpu.memory_space<hbm>> -> memref<80x128xi32, #tpu.memory_space<hbm>>
      %dma_start3A_60 = arith.constant 0 : i32
      %dma_start3A_61 = arith.constant 0 : i32
      %dma_start3A_62 = tpu.memref_slice %arg3[%add3A_7, %dma_start3A_60, %dma_start3A_61] : memref<32x80x128xi32, #tpu.memory_space<hbm>> -> memref<1x80x128xi32, #tpu.memory_space<hbm>>
      %dma_start3A_63 = tpu.memref_squeeze %dma_start3A_62 : memref<1x80x128xi32, #tpu.memory_space<hbm>> -> memref<80x128xi32, #tpu.memory_space<hbm>>
      tpu.enqueue_dma source(%dma_start3A_63 : memref<80x128xi32, #tpu.memory_space<hbm>>) target(%arg8 : memref<80x128xi32, #tpu.memory_space<vmem>>) target_semaphore(%run_scoped3A : memref<!tpu.dma_semaphore, #tpu.memory_space<semaphore_mem>>)
      %dma_wait3A_64 = arith.constant 0 : i32
      %dma_wait3A_65 = arith.constant 0 : i32
      %dma_wait3A_66 = tpu.memref_slice %arg3[%add3A_7, %dma_wait3A_64, %dma_wait3A_65] : memref<32x80x128xi32, #tpu.memory_space<hbm>> -> memref<1x80x128xi32, #tpu.memory_space<hbm>>
      %dma_wait3A_67 = tpu.memref_squeeze %dma_wait3A_66 : memref<1x80x128xi32, #tpu.memory_space<hbm>> -> memref<80x128xi32, #tpu.memory_space<hbm>>
      %dma_wait3A_68 = arith.constant 0 : i32
      %dma_wait3A_69 = arith.constant 0 : i32
      %dma_wait3A_70 = tpu.memref_slice %arg3[%add3A_7, %dma_wait3A_68, %dma_wait3A_69] : memref<32x80x128xi32, #tpu.memory_space<hbm>> -> memref<1x80x128xi32, #tpu.memory_space<hbm>>
      %dma_wait3A_71 = tpu.memref_squeeze %dma_wait3A_70 : memref<1x80x128xi32, #tpu.memory_space<hbm>> -> memref<80x128xi32, #tpu.memory_space<hbm>>
      tpu.wait_dma2 semaphore(%run_scoped3A : memref<!tpu.dma_semaphore, #tpu.memory_space<semaphore_mem>>) src(%dma_wait3A_71 : memref<80x128xi32, #tpu.memory_space<hbm>>) dst(%arg8 : memref<80x128xi32, #tpu.memory_space<vmem>>)
      tpu.yield
    }) : () -> ()
    %barrier3A = arith.constant 0 : index
    tpu.barrier barrier_id(%barrier3A)
    %dma_start3A = arith.constant 0 : i32
    %dma_start3A_8 = arith.constant 0 : i32
    %dma_start3A_9 = tpu.memref_slice %arg7[%dma_start3A, %dma_start3A_8] : memref<80x128xi32, #tpu.memory_space<vmem>> -> memref<1x128xi32, #tpu.memory_space<vmem>>
    %dma_start3A_10 = tpu.memref_squeeze %dma_start3A_9 : memref<1x128xi32, #tpu.memory_space<vmem>> -> memref<128xi32, #tpu.memory_space<vmem>>
    %dma_start3A_11 = arith.constant 0 : i32
    %dma_start3A_12 = tpu.memref_slice %arg4[%dma_start3A_11] : memref<10240xf32, #tpu.memory_space<hbm>> -> memref<10240xf32, #tpu.memory_space<hbm>>
    tpu.enqueue_indirect_dma source(%dma_start3A_12 : memref<10240xf32, #tpu.memory_space<hbm>>) target(%arg9 : memref<128xf32, #tpu.memory_space<vmem>>) offsets(%dma_start3A_10 : memref<128xi32, #tpu.memory_space<vmem>>) semaphore(%arg13 : memref<!tpu.dma_semaphore, #tpu.memory_space<semaphore_mem>>)
    %dma_start3A_13 = arith.constant 1 : i32
    %dma_start3A_14 = arith.constant 0 : i32
    %dma_start3A_15 = tpu.memref_slice %arg7[%dma_start3A_13, %dma_start3A_14] : memref<80x128xi32, #tpu.memory_space<vmem>> -> memref<1x128xi32, #tpu.memory_space<vmem>>
    %dma_start3A_16 = tpu.memref_squeeze %dma_start3A_15 : memref<1x128xi32, #tpu.memory_space<vmem>> -> memref<128xi32, #tpu.memory_space<vmem>>
    %dma_start3A_17 = arith.constant 0 : i32
    %dma_start3A_18 = tpu.memref_slice %arg4[%dma_start3A_17] : memref<10240xf32, #tpu.memory_space<hbm>> -> memref<10240xf32, #tpu.memory_space<hbm>>
    tpu.enqueue_indirect_dma source(%dma_start3A_18 : memref<10240xf32, #tpu.memory_space<hbm>>) target(%arg10 : memref<128xf32, #tpu.memory_space<vmem>>) offsets(%dma_start3A_16 : memref<128xi32, #tpu.memory_space<vmem>>) semaphore(%arg14 : memref<!tpu.dma_semaphore, #tpu.memory_space<semaphore_mem>>)
    %dma_start3A_19 = arith.constant 2 : i32
    %dma_start3A_20 = arith.constant 0 : i32
    %dma_start3A_21 = tpu.memref_slice %arg7[%dma_start3A_19, %dma_start3A_20] : memref<80x128xi32, #tpu.memory_space<vmem>> -> memref<1x128xi32, #tpu.memory_space<vmem>>
    %dma_start3A_22 = tpu.memref_squeeze %dma_start3A_21 : memref<1x128xi32, #tpu.memory_space<vmem>> -> memref<128xi32, #tpu.memory_space<vmem>>
    %dma_start3A_23 = arith.constant 0 : i32
    %dma_start3A_24 = tpu.memref_slice %arg4[%dma_start3A_23] : memref<10240xf32, #tpu.memory_space<hbm>> -> memref<10240xf32, #tpu.memory_space<hbm>>
    tpu.enqueue_indirect_dma source(%dma_start3A_24 : memref<10240xf32, #tpu.memory_space<hbm>>) target(%arg11 : memref<128xf32, #tpu.memory_space<vmem>>) offsets(%dma_start3A_22 : memref<128xi32, #tpu.memory_space<vmem>>) semaphore(%arg15 : memref<!tpu.dma_semaphore, #tpu.memory_space<semaphore_mem>>)
    %dma_start3A_25 = arith.constant 3 : i32
    %dma_start3A_26 = arith.constant 0 : i32
    %dma_start3A_27 = tpu.memref_slice %arg7[%dma_start3A_25, %dma_start3A_26] : memref<80x128xi32, #tpu.memory_space<vmem>> -> memref<1x128xi32, #tpu.memory_space<vmem>>
    %dma_start3A_28 = tpu.memref_squeeze %dma_start3A_27 : memref<1x128xi32, #tpu.memory_space<vmem>> -> memref<128xi32, #tpu.memory_space<vmem>>
    %dma_start3A_29 = arith.constant 0 : i32
    %dma_start3A_30 = tpu.memref_slice %arg4[%dma_start3A_29] : memref<10240xf32, #tpu.memory_space<hbm>> -> memref<10240xf32, #tpu.memory_space<hbm>>
    tpu.enqueue_indirect_dma source(%dma_start3A_30 : memref<10240xf32, #tpu.memory_space<hbm>>) target(%arg12 : memref<128xf32, #tpu.memory_space<vmem>>) offsets(%dma_start3A_28 : memref<128xi32, #tpu.memory_space<vmem>>) semaphore(%arg16 : memref<!tpu.dma_semaphore, #tpu.memory_space<semaphore_mem>>)
    %scan3A = arith.constant 0 : i32
    %scan3A_31 = arith.constant 0 : i32
    %scan3A_32 = arith.constant 20 : i32
    %scan3A_33 = arith.addi %scan3A_31, %scan3A_32 : i32
    %scan3A_34 = arith.constant 1 : i32
    scf.for %scan3A_56 = %scan3A_31 to %scan3A_33 step %scan3A_34  : i32 {
      %mul3A_57 = arith.constant 4 : i32
      %mul3A_58 = arith.muli %mul3A_57, %scan3A_56 : i32
      %dma_wait3A_59 = arith.constant 0 : i32
      %dma_wait3A_60 = tpu.memref_slice %arg4[%dma_wait3A_59] : memref<10240xf32, #tpu.memory_space<hbm>> -> memref<128xf32, #tpu.memory_space<hbm>>
      %dma_wait3A_61 = arith.constant 0 : i32
      %dma_wait3A_62 = tpu.memref_slice %arg4[%dma_wait3A_61] : memref<10240xf32, #tpu.memory_space<hbm>> -> memref<128xf32, #tpu.memory_space<hbm>>
      tpu.wait_dma2 semaphore(%arg13 : memref<!tpu.dma_semaphore, #tpu.memory_space<semaphore_mem>>) src(%dma_wait3A_62 : memref<128xf32, #tpu.memory_space<hbm>>) dst(%arg9 : memref<128xf32, #tpu.memory_space<vmem>>)
      %add3A_63 = arith.constant 0 : i32
      %add3A_64 = arith.addi %mul3A_58, %add3A_63 : i32
      %dma_start3A_65 = arith.constant 0 : i32
      %dma_start3A_66 = tpu.memref_slice %arg8[%add3A_64, %dma_start3A_65] : memref<80x128xi32, #tpu.memory_space<vmem>> -> memref<1x128xi32, #tpu.memory_space<vmem>>
      %dma_start3A_67 = tpu.memref_squeeze %dma_start3A_66 : memref<1x128xi32, #tpu.memory_space<vmem>> -> memref<128xi32, #tpu.memory_space<vmem>>
      %dma_start3A_68 = arith.constant 0 : i32
      %dma_start3A_69 = tpu.memref_slice %arg21[%dma_start3A_68] : memref<10240xf32, #tpu.memory_space<vmem_shared>> -> memref<10240xf32, #tpu.memory_space<vmem_shared>>
      tpu.enqueue_indirect_dma source(%arg9 : memref<128xf32, #tpu.memory_space<vmem>>) target(%dma_start3A_69 : memref<10240xf32, #tpu.memory_space<vmem_shared>>) offsets(%dma_start3A_67 : memref<128xi32, #tpu.memory_space<vmem>>) semaphore(%arg17 : memref<!tpu.dma_semaphore, #tpu.memory_space<semaphore_mem>>) {add = true}
      %dma_wait3A_70 = arith.constant 0 : i32
      %dma_wait3A_71 = tpu.memref_slice %arg4[%dma_wait3A_70] : memref<10240xf32, #tpu.memory_space<hbm>> -> memref<128xf32, #tpu.memory_space<hbm>>
      %dma_wait3A_72 = arith.constant 0 : i32
      %dma_wait3A_73 = tpu.memref_slice %arg4[%dma_wait3A_72] : memref<10240xf32, #tpu.memory_space<hbm>> -> memref<128xf32, #tpu.memory_space<hbm>>
      tpu.wait_dma2 semaphore(%arg14 : memref<!tpu.dma_semaphore, #tpu.memory_space<semaphore_mem>>) src(%dma_wait3A_73 : memref<128xf32, #tpu.memory_space<hbm>>) dst(%arg10 : memref<128xf32, #tpu.memory_space<vmem>>)
      %add3A_74 = arith.constant 1 : i32
      %add3A_75 = arith.addi %mul3A_58, %add3A_74 : i32
      %dma_start3A_76 = arith.constant 0 : i32
      %dma_start3A_77 = tpu.memref_slice %arg8[%add3A_75, %dma_start3A_76] : memref<80x128xi32, #tpu.memory_space<vmem>> -> memref<1x128xi32, #tpu.memory_space<vmem>>
      %dma_start3A_78 = tpu.memref_squeeze %dma_start3A_77 : memref<1x128xi32, #tpu.memory_space<vmem>> -> memref<128xi32, #tpu.memory_space<vmem>>
      %dma_start3A_79 = arith.constant 0 : i32
      %dma_start3A_80 = tpu.memref_slice %arg21[%dma_start3A_79] : memref<10240xf32, #tpu.memory_space<vmem_shared>> -> memref<10240xf32, #tpu.memory_space<vmem_shared>>
      tpu.enqueue_indirect_dma source(%arg10 : memref<128xf32, #tpu.memory_space<vmem>>) target(%dma_start3A_80 : memref<10240xf32, #tpu.memory_space<vmem_shared>>) offsets(%dma_start3A_78 : memref<128xi32, #tpu.memory_space<vmem>>) semaphore(%arg18 : memref<!tpu.dma_semaphore, #tpu.memory_space<semaphore_mem>>) {add = true}
      %dma_wait3A_81 = arith.constant 0 : i32
      %dma_wait3A_82 = tpu.memref_slice %arg4[%dma_wait3A_81] : memref<10240xf32, #tpu.memory_space<hbm>> -> memref<128xf32, #tpu.memory_space<hbm>>
      %dma_wait3A_83 = arith.constant 0 : i32
      %dma_wait3A_84 = tpu.memref_slice %arg4[%dma_wait3A_83] : memref<10240xf32, #tpu.memory_space<hbm>> -> memref<128xf32, #tpu.memory_space<hbm>>
      tpu.wait_dma2 semaphore(%arg15 : memref<!tpu.dma_semaphore, #tpu.memory_space<semaphore_mem>>) src(%dma_wait3A_84 : memref<128xf32, #tpu.memory_space<hbm>>) dst(%arg11 : memref<128xf32, #tpu.memory_space<vmem>>)
      %add3A_85 = arith.constant 2 : i32
      %add3A_86 = arith.addi %mul3A_58, %add3A_85 : i32
      %dma_start3A_87 = arith.constant 0 : i32
      %dma_start3A_88 = tpu.memref_slice %arg8[%add3A_86, %dma_start3A_87] : memref<80x128xi32, #tpu.memory_space<vmem>> -> memref<1x128xi32, #tpu.memory_space<vmem>>
      %dma_start3A_89 = tpu.memref_squeeze %dma_start3A_88 : memref<1x128xi32, #tpu.memory_space<vmem>> -> memref<128xi32, #tpu.memory_space<vmem>>
      %dma_start3A_90 = arith.constant 0 : i32
      %dma_start3A_91 = tpu.memref_slice %arg21[%dma_start3A_90] : memref<10240xf32, #tpu.memory_space<vmem_shared>> -> memref<10240xf32, #tpu.memory_space<vmem_shared>>
      tpu.enqueue_indirect_dma source(%arg11 : memref<128xf32, #tpu.memory_space<vmem>>) target(%dma_start3A_91 : memref<10240xf32, #tpu.memory_space<vmem_shared>>) offsets(%dma_start3A_89 : memref<128xi32, #tpu.memory_space<vmem>>) semaphore(%arg19 : memref<!tpu.dma_semaphore, #tpu.memory_space<semaphore_mem>>) {add = true}
      %dma_wait3A_92 = arith.constant 0 : i32
      %dma_wait3A_93 = tpu.memref_slice %arg4[%dma_wait3A_92] : memref<10240xf32, #tpu.memory_space<hbm>> -> memref<128xf32, #tpu.memory_space<hbm>>
      %dma_wait3A_94 = arith.constant 0 : i32
      %dma_wait3A_95 = tpu.memref_slice %arg4[%dma_wait3A_94] : memref<10240xf32, #tpu.memory_space<hbm>> -> memref<128xf32, #tpu.memory_space<hbm>>
      tpu.wait_dma2 semaphore(%arg16 : memref<!tpu.dma_semaphore, #tpu.memory_space<semaphore_mem>>) src(%dma_wait3A_95 : memref<128xf32, #tpu.memory_space<hbm>>) dst(%arg12 : memref<128xf32, #tpu.memory_space<vmem>>)
      %add3A_96 = arith.constant 3 : i32
      %add3A_97 = arith.addi %mul3A_58, %add3A_96 : i32
      %dma_start3A_98 = arith.constant 0 : i32
      %dma_start3A_99 = tpu.memref_slice %arg8[%add3A_97, %dma_start3A_98] : memref<80x128xi32, #tpu.memory_space<vmem>> -> memref<1x128xi32, #tpu.memory_space<vmem>>
      %dma_start3A_100 = tpu.memref_squeeze %dma_start3A_99 : memref<1x128xi32, #tpu.memory_space<vmem>> -> memref<128xi32, #tpu.memory_space<vmem>>
      %dma_start3A_101 = arith.constant 0 : i32
      %dma_start3A_102 = tpu.memref_slice %arg21[%dma_start3A_101] : memref<10240xf32, #tpu.memory_space<vmem_shared>> -> memref<10240xf32, #tpu.memory_space<vmem_shared>>
      tpu.enqueue_indirect_dma source(%arg12 : memref<128xf32, #tpu.memory_space<vmem>>) target(%dma_start3A_102 : memref<10240xf32, #tpu.memory_space<vmem_shared>>) offsets(%dma_start3A_100 : memref<128xi32, #tpu.memory_space<vmem>>) semaphore(%arg20 : memref<!tpu.dma_semaphore, #tpu.memory_space<semaphore_mem>>) {add = true}
      %dma_wait3A_103 = arith.constant 0 : i32
      %dma_wait3A_104 = tpu.memref_slice %arg4[%dma_wait3A_103] : memref<10240xf32, #tpu.memory_space<hbm>> -> memref<128xf32, #tpu.memory_space<hbm>>
      %dma_wait3A_105 = arith.constant 0 : i32
      %dma_wait3A_106 = tpu.memref_slice %arg4[%dma_wait3A_105] : memref<10240xf32, #tpu.memory_space<hbm>> -> memref<128xf32, #tpu.memory_space<hbm>>
      tpu.wait_dma2 semaphore(%arg17 : memref<!tpu.dma_semaphore, #tpu.memory_space<semaphore_mem>>) src(%dma_wait3A_106 : memref<128xf32, #tpu.memory_space<hbm>>) dst(%arg9 : memref<128xf32, #tpu.memory_space<vmem>>)
      %add3A_107 = arith.constant 4 : i32
      %add3A_108 = arith.addi %mul3A_58, %add3A_107 : i32
      %add3A_109 = arith.constant 0 : i32
      %add3A_110 = arith.addi %add3A_108, %add3A_109 : i32
      %min3A = arith.constant 79 : i32
      %min3A_111 = arith.minsi %add3A_110, %min3A : i32
      %dma_start3A_112 = arith.constant 0 : i32
      %dma_start3A_113 = tpu.memref_slice %arg7[%min3A_111, %dma_start3A_112] : memref<80x128xi32, #tpu.memory_space<vmem>> -> memref<1x128xi32, #tpu.memory_space<vmem>>
      %dma_start3A_114 = tpu.memref_squeeze %dma_start3A_113 : memref<1x128xi32, #tpu.memory_space<vmem>> -> memref<128xi32, #tpu.memory_space<vmem>>
      %dma_start3A_115 = arith.constant 0 : i32
      %dma_start3A_116 = tpu.memref_slice %arg4[%dma_start3A_115] : memref<10240xf32, #tpu.memory_space<hbm>> -> memref<10240xf32, #tpu.memory_space<hbm>>
      tpu.enqueue_indirect_dma source(%dma_start3A_116 : memref<10240xf32, #tpu.memory_space<hbm>>) target(%arg9 : memref<128xf32, #tpu.memory_space<vmem>>) offsets(%dma_start3A_114 : memref<128xi32, #tpu.memory_space<vmem>>) semaphore(%arg13 : memref<!tpu.dma_semaphore, #tpu.memory_space<semaphore_mem>>)
      %dma_wait3A_117 = arith.constant 0 : i32
      %dma_wait3A_118 = tpu.memref_slice %arg4[%dma_wait3A_117] : memref<10240xf32, #tpu.memory_space<hbm>> -> memref<128xf32, #tpu.memory_space<hbm>>
      %dma_wait3A_119 = arith.constant 0 : i32
      %dma_wait3A_120 = tpu.memref_slice %arg4[%dma_wait3A_119] : memref<10240xf32, #tpu.memory_space<hbm>> -> memref<128xf32, #tpu.memory_space<hbm>>
      tpu.wait_dma2 semaphore(%arg18 : memref<!tpu.dma_semaphore, #tpu.memory_space<semaphore_mem>>) src(%dma_wait3A_120 : memref<128xf32, #tpu.memory_space<hbm>>) dst(%arg10 : memref<128xf32, #tpu.memory_space<vmem>>)
      %add3A_121 = arith.constant 4 : i32
      %add3A_122 = arith.addi %mul3A_58, %add3A_121 : i32
      %add3A_123 = arith.constant 1 : i32
      %add3A_124 = arith.addi %add3A_122, %add3A_123 : i32
      %min3A_125 = arith.constant 79 : i32
      %min3A_126 = arith.minsi %add3A_124, %min3A_125 : i32
      %dma_start3A_127 = arith.constant 0 : i32
      %dma_start3A_128 = tpu.memref_slice %arg7[%min3A_126, %dma_start3A_127] : memref<80x128xi32, #tpu.memory_space<vmem>> -> memref<1x128xi32, #tpu.memory_space<vmem>>
      %dma_start3A_129 = tpu.memref_squeeze %dma_start3A_128 : memref<1x128xi32, #tpu.memory_space<vmem>> -> memref<128xi32, #tpu.memory_space<vmem>>
      %dma_start3A_130 = arith.constant 0 : i32
      %dma_start3A_131 = tpu.memref_slice %arg4[%dma_start3A_130] : memref<10240xf32, #tpu.memory_space<hbm>> -> memref<10240xf32, #tpu.memory_space<hbm>>
      tpu.enqueue_indirect_dma source(%dma_start3A_131 : memref<10240xf32, #tpu.memory_space<hbm>>) target(%arg10 : memref<128xf32, #tpu.memory_space<vmem>>) offsets(%dma_start3A_129 : memref<128xi32, #tpu.memory_space<vmem>>) semaphore(%arg14 : memref<!tpu.dma_semaphore, #tpu.memory_space<semaphore_mem>>)
      %dma_wait3A_132 = arith.constant 0 : i32
      %dma_wait3A_133 = tpu.memref_slice %arg4[%dma_wait3A_132] : memref<10240xf32, #tpu.memory_space<hbm>> -> memref<128xf32, #tpu.memory_space<hbm>>
      %dma_wait3A_134 = arith.constant 0 : i32
      %dma_wait3A_135 = tpu.memref_slice %arg4[%dma_wait3A_134] : memref<10240xf32, #tpu.memory_space<hbm>> -> memref<128xf32, #tpu.memory_space<hbm>>
      tpu.wait_dma2 semaphore(%arg19 : memref<!tpu.dma_semaphore, #tpu.memory_space<semaphore_mem>>) src(%dma_wait3A_135 : memref<128xf32, #tpu.memory_space<hbm>>) dst(%arg11 : memref<128xf32, #tpu.memory_space<vmem>>)
      %add3A_136 = arith.constant 4 : i32
      %add3A_137 = arith.addi %mul3A_58, %add3A_136 : i32
      %add3A_138 = arith.constant 2 : i32
      %add3A_139 = arith.addi %add3A_137, %add3A_138 : i32
      %min3A_140 = arith.constant 79 : i32
      %min3A_141 = arith.minsi %add3A_139, %min3A_140 : i32
      %dma_start3A_142 = arith.constant 0 : i32
      %dma_start3A_143 = tpu.memref_slice %arg7[%min3A_141, %dma_start3A_142] : memref<80x128xi32, #tpu.memory_space<vmem>> -> memref<1x128xi32, #tpu.memory_space<vmem>>
      %dma_start3A_144 = tpu.memref_squeeze %dma_start3A_143 : memref<1x128xi32, #tpu.memory_space<vmem>> -> memref<128xi32, #tpu.memory_space<vmem>>
      %dma_start3A_145 = arith.constant 0 : i32
      %dma_start3A_146 = tpu.memref_slice %arg4[%dma_start3A_145] : memref<10240xf32, #tpu.memory_space<hbm>> -> memref<10240xf32, #tpu.memory_space<hbm>>
      tpu.enqueue_indirect_dma source(%dma_start3A_146 : memref<10240xf32, #tpu.memory_space<hbm>>) target(%arg11 : memref<128xf32, #tpu.memory_space<vmem>>) offsets(%dma_start3A_144 : memref<128xi32, #tpu.memory_space<vmem>>) semaphore(%arg15 : memref<!tpu.dma_semaphore, #tpu.memory_space<semaphore_mem>>)
      %dma_wait3A_147 = arith.constant 0 : i32
      %dma_wait3A_148 = tpu.memref_slice %arg4[%dma_wait3A_147] : memref<10240xf32, #tpu.memory_space<hbm>> -> memref<128xf32, #tpu.memory_space<hbm>>
      %dma_wait3A_149 = arith.constant 0 : i32
      %dma_wait3A_150 = tpu.memref_slice %arg4[%dma_wait3A_149] : memref<10240xf32, #tpu.memory_space<hbm>> -> memref<128xf32, #tpu.memory_space<hbm>>
      tpu.wait_dma2 semaphore(%arg20 : memref<!tpu.dma_semaphore, #tpu.memory_space<semaphore_mem>>) src(%dma_wait3A_150 : memref<128xf32, #tpu.memory_space<hbm>>) dst(%arg12 : memref<128xf32, #tpu.memory_space<vmem>>)
      %add3A_151 = arith.constant 4 : i32
      %add3A_152 = arith.addi %mul3A_58, %add3A_151 : i32
      %add3A_153 = arith.constant 3 : i32
      %add3A_154 = arith.addi %add3A_152, %add3A_153 : i32
      %min3A_155 = arith.constant 79 : i32
      %min3A_156 = arith.minsi %add3A_154, %min3A_155 : i32
      %dma_start3A_157 = arith.constant 0 : i32
      %dma_start3A_158 = tpu.memref_slice %arg7[%min3A_156, %dma_start3A_157] : memref<80x128xi32, #tpu.memory_space<vmem>> -> memref<1x128xi32, #tpu.memory_space<vmem>>
      %dma_start3A_159 = tpu.memref_squeeze %dma_start3A_158 : memref<1x128xi32, #tpu.memory_space<vmem>> -> memref<128xi32, #tpu.memory_space<vmem>>
      %dma_start3A_160 = arith.constant 0 : i32
      %dma_start3A_161 = tpu.memref_slice %arg4[%dma_start3A_160] : memref<10240xf32, #tpu.memory_space<hbm>> -> memref<10240xf32, #tpu.memory_space<hbm>>
      tpu.enqueue_indirect_dma source(%dma_start3A_161 : memref<10240xf32, #tpu.memory_space<hbm>>) target(%arg12 : memref<128xf32, #tpu.memory_space<vmem>>) offsets(%dma_start3A_159 : memref<128xi32, #tpu.memory_space<vmem>>) semaphore(%arg16 : memref<!tpu.dma_semaphore, #tpu.memory_space<semaphore_mem>>)
    }
    %scan3A_35 = arith.constant 20 : i32
    %dma_wait3A = arith.constant 0 : i32
    %dma_wait3A_36 = tpu.memref_slice %arg4[%dma_wait3A] : memref<10240xf32, #tpu.memory_space<hbm>> -> memref<128xf32, #tpu.memory_space<hbm>>
    %dma_wait3A_37 = arith.constant 0 : i32
    %dma_wait3A_38 = tpu.memref_slice %arg4[%dma_wait3A_37] : memref<10240xf32, #tpu.memory_space<hbm>> -> memref<128xf32, #tpu.memory_space<hbm>>
    tpu.wait_dma2 semaphore(%arg13 : memref<!tpu.dma_semaphore, #tpu.memory_space<semaphore_mem>>) src(%dma_wait3A_38 : memref<128xf32, #tpu.memory_space<hbm>>) dst(%arg9 : memref<128xf32, #tpu.memory_space<vmem>>)
    %dma_wait3A_39 = arith.constant 0 : i32
    %dma_wait3A_40 = tpu.memref_slice %arg4[%dma_wait3A_39] : memref<10240xf32, #tpu.memory_space<hbm>> -> memref<128xf32, #tpu.memory_space<hbm>>
    %dma_wait3A_41 = arith.constant 0 : i32
    %dma_wait3A_42 = tpu.memref_slice %arg4[%dma_wait3A_41] : memref<10240xf32, #tpu.memory_space<hbm>> -> memref<128xf32, #tpu.memory_space<hbm>>
    tpu.wait_dma2 semaphore(%arg14 : memref<!tpu.dma_semaphore, #tpu.memory_space<semaphore_mem>>) src(%dma_wait3A_42 : memref<128xf32, #tpu.memory_space<hbm>>) dst(%arg10 : memref<128xf32, #tpu.memory_space<vmem>>)
    %dma_wait3A_43 = arith.constant 0 : i32
    %dma_wait3A_44 = tpu.memref_slice %arg4[%dma_wait3A_43] : memref<10240xf32, #tpu.memory_space<hbm>> -> memref<128xf32, #tpu.memory_space<hbm>>
    %dma_wait3A_45 = arith.constant 0 : i32
    %dma_wait3A_46 = tpu.memref_slice %arg4[%dma_wait3A_45] : memref<10240xf32, #tpu.memory_space<hbm>> -> memref<128xf32, #tpu.memory_space<hbm>>
    tpu.wait_dma2 semaphore(%arg15 : memref<!tpu.dma_semaphore, #tpu.memory_space<semaphore_mem>>) src(%dma_wait3A_46 : memref<128xf32, #tpu.memory_space<hbm>>) dst(%arg11 : memref<128xf32, #tpu.memory_space<vmem>>)
    %dma_wait3A_47 = arith.constant 0 : i32
    %dma_wait3A_48 = tpu.memref_slice %arg4[%dma_wait3A_47] : memref<10240xf32, #tpu.memory_space<hbm>> -> memref<128xf32, #tpu.memory_space<hbm>>
    %dma_wait3A_49 = arith.constant 0 : i32
    %dma_wait3A_50 = tpu.memref_slice %arg4[%dma_wait3A_49] : memref<10240xf32, #tpu.memory_space<hbm>> -> memref<128xf32, #tpu.memory_space<hbm>>
    tpu.wait_dma2 semaphore(%arg16 : memref<!tpu.dma_semaphore, #tpu.memory_space<semaphore_mem>>) src(%dma_wait3A_50 : memref<128xf32, #tpu.memory_space<hbm>>) dst(%arg12 : memref<128xf32, #tpu.memory_space<vmem>>)
    %barrier3A_51 = arith.constant 0 : index
    tpu.barrier barrier_id(%barrier3A_51)
    %mul3A_52 = arith.constant 640 : i32
    %mul3A_53 = arith.muli %arg1, %mul3A_52 : i32
    %mul3A_54 = arith.constant 640 : i32
    %mul3A_55 = arith.muli %arg1, %mul3A_54 : i32
    "tpu.region"() ({
      %run_scoped3A = tpu.sem_alloc : memref<!tpu.dma_semaphore, #tpu.memory_space<semaphore_mem>>
      %dma_start3A_56 = tpu.memref_slice %arg6[%arg0, %mul3A_55] : memref<2x10240xf32, #tpu.memory_space<hbm>> -> memref<1x640xf32, #tpu.memory_space<hbm>>
      %dma_start3A_57 = tpu.memref_squeeze %dma_start3A_56 : memref<1x640xf32, #tpu.memory_space<hbm>> -> memref<640xf32, #tpu.memory_space<hbm>>
      %dma_start3A_58 = tpu.memref_slice %arg21[%mul3A_53] : memref<10240xf32, #tpu.memory_space<vmem_shared>> -> memref<640xf32, #tpu.memory_space<vmem_shared>>
      tpu.enqueue_dma source(%dma_start3A_58 : memref<640xf32, #tpu.memory_space<vmem_shared>>) target(%dma_start3A_57 : memref<640xf32, #tpu.memory_space<hbm>>) target_semaphore(%run_scoped3A : memref<!tpu.dma_semaphore, #tpu.memory_space<semaphore_mem>>)
      %dma_wait3A_59 = tpu.memref_slice %arg6[%arg0, %mul3A_55] : memref<2x10240xf32, #tpu.memory_space<hbm>> -> memref<1x640xf32, #tpu.memory_space<hbm>>
      %dma_wait3A_60 = tpu.memref_squeeze %dma_wait3A_59 : memref<1x640xf32, #tpu.memory_space<hbm>> -> memref<640xf32, #tpu.memory_space<hbm>>
      %dma_wait3A_61 = tpu.memref_slice %arg21[%mul3A_53] : memref<10240xf32, #tpu.memory_space<vmem_shared>> -> memref<640xf32, #tpu.memory_space<vmem_shared>>
      tpu.wait_dma2 semaphore(%run_scoped3A : memref<!tpu.dma_semaphore, #tpu.memory_space<semaphore_mem>>) src(%dma_wait3A_61 : memref<640xf32, #tpu.memory_space<vmem_shared>>) dst(%dma_wait3A_60 : memref<640xf32, #tpu.memory_space<hbm>>)
      tpu.yield
    }) : () -> ()
    return
  }
}

#map = affine_map<(d0, d1) -> (0, 0, 0)>
#map1 = affine_map<(d0, d1) -> (0, 0)>
module attributes {stable_mosaic.version = 14 : i64} {
  func.func @_sc_rows(%arg0: i32, %arg1: i32, %arg2: memref<32x128x80xi32, #tpu.memory_space<hbm>>, %arg3: memref<32x128x80xi32, #tpu.memory_space<hbm>>, %arg4: memref<10240x128xf32, #tpu.memory_space<hbm>>, %arg5: memref<10240x128xf32, #tpu.memory_space<hbm>>, %arg6: memref<2x10240x128xf32, #tpu.memory_space<hbm>>, %arg7: memref<16x80xi32, #tpu.memory_space<vmem>>, %arg8: memref<16x80xi32, #tpu.memory_space<vmem>>, %arg9: memref<80x128xf32, #tpu.memory_space<vmem>>, %arg10: memref<80x128xf32, #tpu.memory_space<vmem>>, %arg11: memref<80x128xf32, #tpu.memory_space<vmem>>, %arg12: memref<!tpu.dma_semaphore, #tpu.memory_space<semaphore_mem>>, %arg13: memref<!tpu.dma_semaphore, #tpu.memory_space<semaphore_mem>>, %arg14: memref<!tpu.dma_semaphore, #tpu.memory_space<semaphore_mem>>, %arg15: memref<!tpu.dma_semaphore, #tpu.memory_space<semaphore_mem>>, %arg16: memref<!tpu.dma_semaphore, #tpu.memory_space<semaphore_mem>>, %arg17: memref<!tpu.dma_semaphore, #tpu.memory_space<semaphore_mem>>, %arg18: memref<10240x128xf32, #tpu.memory_space<vmem_shared>>) attributes {dimension_semantics = [#tpu.dimension_semantics<core_parallel>, #tpu.dimension_semantics<subcore_parallel>], iteration_bounds = array<i64: 2, 16>, scalar_prefetch = 0 : i64, scratch_operands = 12 : i64, tpu.core_type = #tpu.core_type<sc_vector_subcore>, window_params = [{transform_indices = #map}, {transform_indices = #map}, {transform_indices = #map1}, {transform_indices = #map1}, {transform_indices = #map}]} {
    %mul3A = arith.constant 640 : i32
    %mul3A_0 = arith.muli %arg1, %mul3A : i32
    %mul3A_1 = arith.constant 640 : i32
    %mul3A_2 = arith.muli %arg1, %mul3A_1 : i32
    "tpu.region"() ({
      %run_scoped3A = tpu.sem_alloc : memref<!tpu.dma_semaphore, #tpu.memory_space<semaphore_mem>>
      %dma_start3A = arith.constant 0 : i32
      %dma_start3A_15 = tpu.memref_slice %arg18[%mul3A_2, %dma_start3A] : memref<10240x128xf32, #tpu.memory_space<vmem_shared>> -> memref<640x128xf32, #tpu.memory_space<vmem_shared>>
      %dma_start3A_16 = arith.constant 0 : i32
      %dma_start3A_17 = tpu.memref_slice %arg5[%mul3A_0, %dma_start3A_16] : memref<10240x128xf32, #tpu.memory_space<hbm>> -> memref<640x128xf32, #tpu.memory_space<hbm>>
      tpu.enqueue_dma source(%dma_start3A_17 : memref<640x128xf32, #tpu.memory_space<hbm>>) target(%dma_start3A_15 : memref<640x128xf32, #tpu.memory_space<vmem_shared>>) target_semaphore(%run_scoped3A : memref<!tpu.dma_semaphore, #tpu.memory_space<semaphore_mem>>)
      %dma_wait3A = arith.constant 0 : i32
      %dma_wait3A_18 = tpu.memref_slice %arg18[%mul3A_2, %dma_wait3A] : memref<10240x128xf32, #tpu.memory_space<vmem_shared>> -> memref<640x128xf32, #tpu.memory_space<vmem_shared>>
      %dma_wait3A_19 = arith.constant 0 : i32
      %dma_wait3A_20 = tpu.memref_slice %arg5[%mul3A_0, %dma_wait3A_19] : memref<10240x128xf32, #tpu.memory_space<hbm>> -> memref<640x128xf32, #tpu.memory_space<hbm>>
      tpu.wait_dma2 semaphore(%run_scoped3A : memref<!tpu.dma_semaphore, #tpu.memory_space<semaphore_mem>>) src(%dma_wait3A_20 : memref<640x128xf32, #tpu.memory_space<hbm>>) dst(%dma_wait3A_18 : memref<640x128xf32, #tpu.memory_space<vmem_shared>>)
      tpu.yield
    }) : () -> ()
    %barrier3A = arith.constant 0 : index
    tpu.barrier barrier_id(%barrier3A)
    %mul3A_3 = arith.constant 16 : i32
    %mul3A_4 = arith.muli %arg0, %mul3A_3 : i32
    %add3A = arith.addi %mul3A_4, %arg1 : i32
    %scan3A = arith.constant 0 : i32
    %scan3A_5 = arith.constant 0 : i32
    %scan3A_6 = arith.constant 8 : i32
    %scan3A_7 = arith.addi %scan3A_5, %scan3A_6 : i32
    %scan3A_8 = arith.constant 1 : i32
    scf.for %scan3A_15 = %scan3A_5 to %scan3A_7 step %scan3A_8  : i32 {
      %mul3A_16 = arith.constant 16 : i32
      %mul3A_17 = arith.muli %scan3A_15, %mul3A_16 : i32
      "tpu.region"() ({
        %run_scoped3A = tpu.sem_alloc : memref<!tpu.dma_semaphore, #tpu.memory_space<semaphore_mem>>
        %dma_start3A_434 = arith.constant 0 : i32
        %dma_start3A_435 = tpu.memref_slice %arg2[%add3A, %mul3A_17, %dma_start3A_434] : memref<32x128x80xi32, #tpu.memory_space<hbm>> -> memref<1x16x80xi32, #tpu.memory_space<hbm>>
        %dma_start3A_436 = tpu.memref_squeeze %dma_start3A_435 : memref<1x16x80xi32, #tpu.memory_space<hbm>> -> memref<16x80xi32, #tpu.memory_space<hbm>>
        %dma_start3A_437 = arith.constant 0 : i32
        %dma_start3A_438 = tpu.memref_slice %arg2[%add3A, %mul3A_17, %dma_start3A_437] : memref<32x128x80xi32, #tpu.memory_space<hbm>> -> memref<1x16x80xi32, #tpu.memory_space<hbm>>
        %dma_start3A_439 = tpu.memref_squeeze %dma_start3A_438 : memref<1x16x80xi32, #tpu.memory_space<hbm>> -> memref<16x80xi32, #tpu.memory_space<hbm>>
        tpu.enqueue_dma source(%dma_start3A_439 : memref<16x80xi32, #tpu.memory_space<hbm>>) target(%arg7 : memref<16x80xi32, #tpu.memory_space<vmem>>) target_semaphore(%run_scoped3A : memref<!tpu.dma_semaphore, #tpu.memory_space<semaphore_mem>>)
        %dma_wait3A_440 = arith.constant 0 : i32
        %dma_wait3A_441 = tpu.memref_slice %arg2[%add3A, %mul3A_17, %dma_wait3A_440] : memref<32x128x80xi32, #tpu.memory_space<hbm>> -> memref<1x16x80xi32, #tpu.memory_space<hbm>>
        %dma_wait3A_442 = tpu.memref_squeeze %dma_wait3A_441 : memref<1x16x80xi32, #tpu.memory_space<hbm>> -> memref<16x80xi32, #tpu.memory_space<hbm>>
        %dma_wait3A_443 = arith.constant 0 : i32
        %dma_wait3A_444 = tpu.memref_slice %arg2[%add3A, %mul3A_17, %dma_wait3A_443] : memref<32x128x80xi32, #tpu.memory_space<hbm>> -> memref<1x16x80xi32, #tpu.memory_space<hbm>>
        %dma_wait3A_445 = tpu.memref_squeeze %dma_wait3A_444 : memref<1x16x80xi32, #tpu.memory_space<hbm>> -> memref<16x80xi32, #tpu.memory_space<hbm>>
        tpu.wait_dma2 semaphore(%run_scoped3A : memref<!tpu.dma_semaphore, #tpu.memory_space<semaphore_mem>>) src(%dma_wait3A_445 : memref<16x80xi32, #tpu.memory_space<hbm>>) dst(%arg7 : memref<16x80xi32, #tpu.memory_space<vmem>>)
        tpu.yield
      }) : () -> ()
      %mul3A_18 = arith.constant 16 : i32
      %mul3A_19 = arith.muli %scan3A_15, %mul3A_18 : i32
      "tpu.region"() ({
        %run_scoped3A = tpu.sem_alloc : memref<!tpu.dma_semaphore, #tpu.memory_space<semaphore_mem>>
        %dma_start3A_434 = arith.constant 0 : i32
        %dma_start3A_435 = tpu.memref_slice %arg3[%add3A, %mul3A_19, %dma_start3A_434] : memref<32x128x80xi32, #tpu.memory_space<hbm>> -> memref<1x16x80xi32, #tpu.memory_space<hbm>>
        %dma_start3A_436 = tpu.memref_squeeze %dma_start3A_435 : memref<1x16x80xi32, #tpu.memory_space<hbm>> -> memref<16x80xi32, #tpu.memory_space<hbm>>
        %dma_start3A_437 = arith.constant 0 : i32
        %dma_start3A_438 = tpu.memref_slice %arg3[%add3A, %mul3A_19, %dma_start3A_437] : memref<32x128x80xi32, #tpu.memory_space<hbm>> -> memref<1x16x80xi32, #tpu.memory_space<hbm>>
        %dma_start3A_439 = tpu.memref_squeeze %dma_start3A_438 : memref<1x16x80xi32, #tpu.memory_space<hbm>> -> memref<16x80xi32, #tpu.memory_space<hbm>>
        tpu.enqueue_dma source(%dma_start3A_439 : memref<16x80xi32, #tpu.memory_space<hbm>>) target(%arg8 : memref<16x80xi32, #tpu.memory_space<vmem>>) target_semaphore(%run_scoped3A : memref<!tpu.dma_semaphore, #tpu.memory_space<semaphore_mem>>)
        %dma_wait3A_440 = arith.constant 0 : i32
        %dma_wait3A_441 = tpu.memref_slice %arg3[%add3A, %mul3A_19, %dma_wait3A_440] : memref<32x128x80xi32, #tpu.memory_space<hbm>> -> memref<1x16x80xi32, #tpu.memory_space<hbm>>
        %dma_wait3A_442 = tpu.memref_squeeze %dma_wait3A_441 : memref<1x16x80xi32, #tpu.memory_space<hbm>> -> memref<16x80xi32, #tpu.memory_space<hbm>>
        %dma_wait3A_443 = arith.constant 0 : i32
        %dma_wait3A_444 = tpu.memref_slice %arg3[%add3A, %mul3A_19, %dma_wait3A_443] : memref<32x128x80xi32, #tpu.memory_space<hbm>> -> memref<1x16x80xi32, #tpu.memory_space<hbm>>
        %dma_wait3A_445 = tpu.memref_squeeze %dma_wait3A_444 : memref<1x16x80xi32, #tpu.memory_space<hbm>> -> memref<16x80xi32, #tpu.memory_space<hbm>>
        tpu.wait_dma2 semaphore(%run_scoped3A : memref<!tpu.dma_semaphore, #tpu.memory_space<semaphore_mem>>) src(%dma_wait3A_445 : memref<16x80xi32, #tpu.memory_space<hbm>>) dst(%arg8 : memref<16x80xi32, #tpu.memory_space<vmem>>)
        tpu.yield
      }) : () -> ()
      %dma_start3A = arith.constant 0 : i32
      %dma_start3A_20 = arith.constant 0 : i32
      %dma_start3A_21 = tpu.memref_slice %arg7[%dma_start3A, %dma_start3A_20] : memref<16x80xi32, #tpu.memory_space<vmem>> -> memref<1x80xi32, #tpu.memory_space<vmem>>
      %dma_start3A_22 = tpu.memref_squeeze %dma_start3A_21 : memref<1x80xi32, #tpu.memory_space<vmem>> -> memref<80xi32, #tpu.memory_space<vmem>>
      %dma_start3A_23 = arith.constant 0 : i32
      %dma_start3A_24 = arith.constant 0 : i32
      %dma_start3A_25 = tpu.memref_slice %arg4[%dma_start3A_23, %dma_start3A_24] : memref<10240x128xf32, #tpu.memory_space<hbm>> -> memref<10240x128xf32, #tpu.memory_space<hbm>>
      tpu.enqueue_indirect_dma source(%dma_start3A_25 : memref<10240x128xf32, #tpu.memory_space<hbm>>) target(%arg9 : memref<80x128xf32, #tpu.memory_space<vmem>>) offsets(%dma_start3A_22 : memref<80xi32, #tpu.memory_space<vmem>>) semaphore(%arg12 : memref<!tpu.dma_semaphore, #tpu.memory_space<semaphore_mem>>)
      %dma_start3A_26 = arith.constant 1 : i32
      %dma_start3A_27 = arith.constant 0 : i32
      %dma_start3A_28 = tpu.memref_slice %arg7[%dma_start3A_26, %dma_start3A_27] : memref<16x80xi32, #tpu.memory_space<vmem>> -> memref<1x80xi32, #tpu.memory_space<vmem>>
      %dma_start3A_29 = tpu.memref_squeeze %dma_start3A_28 : memref<1x80xi32, #tpu.memory_space<vmem>> -> memref<80xi32, #tpu.memory_space<vmem>>
      %dma_start3A_30 = arith.constant 0 : i32
      %dma_start3A_31 = arith.constant 0 : i32
      %dma_start3A_32 = tpu.memref_slice %arg4[%dma_start3A_30, %dma_start3A_31] : memref<10240x128xf32, #tpu.memory_space<hbm>> -> memref<10240x128xf32, #tpu.memory_space<hbm>>
      tpu.enqueue_indirect_dma source(%dma_start3A_32 : memref<10240x128xf32, #tpu.memory_space<hbm>>) target(%arg10 : memref<80x128xf32, #tpu.memory_space<vmem>>) offsets(%dma_start3A_29 : memref<80xi32, #tpu.memory_space<vmem>>) semaphore(%arg13 : memref<!tpu.dma_semaphore, #tpu.memory_space<semaphore_mem>>)
      %dma_start3A_33 = arith.constant 2 : i32
      %dma_start3A_34 = arith.constant 0 : i32
      %dma_start3A_35 = tpu.memref_slice %arg7[%dma_start3A_33, %dma_start3A_34] : memref<16x80xi32, #tpu.memory_space<vmem>> -> memref<1x80xi32, #tpu.memory_space<vmem>>
      %dma_start3A_36 = tpu.memref_squeeze %dma_start3A_35 : memref<1x80xi32, #tpu.memory_space<vmem>> -> memref<80xi32, #tpu.memory_space<vmem>>
      %dma_start3A_37 = arith.constant 0 : i32
      %dma_start3A_38 = arith.constant 0 : i32
      %dma_start3A_39 = tpu.memref_slice %arg4[%dma_start3A_37, %dma_start3A_38] : memref<10240x128xf32, #tpu.memory_space<hbm>> -> memref<10240x128xf32, #tpu.memory_space<hbm>>
      tpu.enqueue_indirect_dma source(%dma_start3A_39 : memref<10240x128xf32, #tpu.memory_space<hbm>>) target(%arg11 : memref<80x128xf32, #tpu.memory_space<vmem>>) offsets(%dma_start3A_36 : memref<80xi32, #tpu.memory_space<vmem>>) semaphore(%arg14 : memref<!tpu.dma_semaphore, #tpu.memory_space<semaphore_mem>>)
      %dma_wait3A = arith.constant 0 : i32
      %dma_wait3A_40 = arith.constant 0 : i32
      %dma_wait3A_41 = tpu.memref_slice %arg4[%dma_wait3A, %dma_wait3A_40] : memref<10240x128xf32, #tpu.memory_space<hbm>> -> memref<80x128xf32, #tpu.memory_space<hbm>>
      %dma_wait3A_42 = arith.constant 0 : i32
      %dma_wait3A_43 = arith.constant 0 : i32
      %dma_wait3A_44 = tpu.memref_slice %arg4[%dma_wait3A_42, %dma_wait3A_43] : memref<10240x128xf32, #tpu.memory_space<hbm>> -> memref<80x128xf32, #tpu.memory_space<hbm>>
      tpu.wait_dma2 semaphore(%arg12 : memref<!tpu.dma_semaphore, #tpu.memory_space<semaphore_mem>>) src(%dma_wait3A_44 : memref<80x128xf32, #tpu.memory_space<hbm>>) dst(%arg9 : memref<80x128xf32, #tpu.memory_space<vmem>>)
      %dma_start3A_45 = arith.constant 0 : i32
      %dma_start3A_46 = arith.constant 0 : i32
      %dma_start3A_47 = tpu.memref_slice %arg8[%dma_start3A_45, %dma_start3A_46] : memref<16x80xi32, #tpu.memory_space<vmem>> -> memref<1x80xi32, #tpu.memory_space<vmem>>
      %dma_start3A_48 = tpu.memref_squeeze %dma_start3A_47 : memref<1x80xi32, #tpu.memory_space<vmem>> -> memref<80xi32, #tpu.memory_space<vmem>>
      %dma_start3A_49 = arith.constant 0 : i32
      %dma_start3A_50 = arith.constant 0 : i32
      %dma_start3A_51 = tpu.memref_slice %arg18[%dma_start3A_49, %dma_start3A_50] : memref<10240x128xf32, #tpu.memory_space<vmem_shared>> -> memref<10240x128xf32, #tpu.memory_space<vmem_shared>>
      tpu.enqueue_indirect_dma source(%arg9 : memref<80x128xf32, #tpu.memory_space<vmem>>) target(%dma_start3A_51 : memref<10240x128xf32, #tpu.memory_space<vmem_shared>>) offsets(%dma_start3A_48 : memref<80xi32, #tpu.memory_space<vmem>>) semaphore(%arg15 : memref<!tpu.dma_semaphore, #tpu.memory_space<semaphore_mem>>) {add = true}
      %dma_wait3A_52 = arith.constant 0 : i32
      %dma_wait3A_53 = arith.constant 0 : i32
      %dma_wait3A_54 = tpu.memref_slice %arg4[%dma_wait3A_52, %dma_wait3A_53] : memref<10240x128xf32, #tpu.memory_space<hbm>> -> memref<80x128xf32, #tpu.memory_space<hbm>>
      %dma_wait3A_55 = arith.constant 0 : i32
      %dma_wait3A_56 = arith.constant 0 : i32
      %dma_wait3A_57 = tpu.memref_slice %arg4[%dma_wait3A_55, %dma_wait3A_56] : memref<10240x128xf32, #tpu.memory_space<hbm>> -> memref<80x128xf32, #tpu.memory_space<hbm>>
      tpu.wait_dma2 semaphore(%arg15 : memref<!tpu.dma_semaphore, #tpu.memory_space<semaphore_mem>>) src(%dma_wait3A_57 : memref<80x128xf32, #tpu.memory_space<hbm>>) dst(%arg9 : memref<80x128xf32, #tpu.memory_space<vmem>>)
      %dma_start3A_58 = arith.constant 3 : i32
      %dma_start3A_59 = arith.constant 0 : i32
      %dma_start3A_60 = tpu.memref_slice %arg7[%dma_start3A_58, %dma_start3A_59] : memref<16x80xi32, #tpu.memory_space<vmem>> -> memref<1x80xi32, #tpu.memory_space<vmem>>
      %dma_start3A_61 = tpu.memref_squeeze %dma_start3A_60 : memref<1x80xi32, #tpu.memory_space<vmem>> -> memref<80xi32, #tpu.memory_space<vmem>>
      %dma_start3A_62 = arith.constant 0 : i32
      %dma_start3A_63 = arith.constant 0 : i32
      %dma_start3A_64 = tpu.memref_slice %arg4[%dma_start3A_62, %dma_start3A_63] : memref<10240x128xf32, #tpu.memory_space<hbm>> -> memref<10240x128xf32, #tpu.memory_space<hbm>>
      tpu.enqueue_indirect_dma source(%dma_start3A_64 : memref<10240x128xf32, #tpu.memory_space<hbm>>) target(%arg9 : memref<80x128xf32, #tpu.memory_space<vmem>>) offsets(%dma_start3A_61 : memref<80xi32, #tpu.memory_space<vmem>>) semaphore(%arg12 : memref<!tpu.dma_semaphore, #tpu.memory_space<semaphore_mem>>)
      %dma_wait3A_65 = arith.constant 0 : i32
      %dma_wait3A_66 = arith.constant 0 : i32
      %dma_wait3A_67 = tpu.memref_slice %arg4[%dma_wait3A_65, %dma_wait3A_66] : memref<10240x128xf32, #tpu.memory_space<hbm>> -> memref<80x128xf32, #tpu.memory_space<hbm>>
      %dma_wait3A_68 = arith.constant 0 : i32
      %dma_wait3A_69 = arith.constant 0 : i32
      %dma_wait3A_70 = tpu.memref_slice %arg4[%dma_wait3A_68, %dma_wait3A_69] : memref<10240x128xf32, #tpu.memory_space<hbm>> -> memref<80x128xf32, #tpu.memory_space<hbm>>
      tpu.wait_dma2 semaphore(%arg13 : memref<!tpu.dma_semaphore, #tpu.memory_space<semaphore_mem>>) src(%dma_wait3A_70 : memref<80x128xf32, #tpu.memory_space<hbm>>) dst(%arg10 : memref<80x128xf32, #tpu.memory_space<vmem>>)
      %dma_start3A_71 = arith.constant 1 : i32
      %dma_start3A_72 = arith.constant 0 : i32
      %dma_start3A_73 = tpu.memref_slice %arg8[%dma_start3A_71, %dma_start3A_72] : memref<16x80xi32, #tpu.memory_space<vmem>> -> memref<1x80xi32, #tpu.memory_space<vmem>>
      %dma_start3A_74 = tpu.memref_squeeze %dma_start3A_73 : memref<1x80xi32, #tpu.memory_space<vmem>> -> memref<80xi32, #tpu.memory_space<vmem>>
      %dma_start3A_75 = arith.constant 0 : i32
      %dma_start3A_76 = arith.constant 0 : i32
      %dma_start3A_77 = tpu.memref_slice %arg18[%dma_start3A_75, %dma_start3A_76] : memref<10240x128xf32, #tpu.memory_space<vmem_shared>> -> memref<10240x128xf32, #tpu.memory_space<vmem_shared>>
      tpu.enqueue_indirect_dma source(%arg10 : memref<80x128xf32, #tpu.memory_space<vmem>>) target(%dma_start3A_77 : memref<10240x128xf32, #tpu.memory_space<vmem_shared>>) offsets(%dma_start3A_74 : memref<80xi32, #tpu.memory_space<vmem>>) semaphore(%arg16 : memref<!tpu.dma_semaphore, #tpu.memory_space<semaphore_mem>>) {add = true}
      %dma_wait3A_78 = arith.constant 0 : i32
      %dma_wait3A_79 = arith.constant 0 : i32
      %dma_wait3A_80 = tpu.memref_slice %arg4[%dma_wait3A_78, %dma_wait3A_79] : memref<10240x128xf32, #tpu.memory_space<hbm>> -> memref<80x128xf32, #tpu.memory_space<hbm>>
      %dma_wait3A_81 = arith.constant 0 : i32
      %dma_wait3A_82 = arith.constant 0 : i32
      %dma_wait3A_83 = tpu.memref_slice %arg4[%dma_wait3A_81, %dma_wait3A_82] : memref<10240x128xf32, #tpu.memory_space<hbm>> -> memref<80x128xf32, #tpu.memory_space<hbm>>
      tpu.wait_dma2 semaphore(%arg16 : memref<!tpu.dma_semaphore, #tpu.memory_space<semaphore_mem>>) src(%dma_wait3A_83 : memref<80x128xf32, #tpu.memory_space<hbm>>) dst(%arg10 : memref<80x128xf32, #tpu.memory_space<vmem>>)
      %dma_start3A_84 = arith.constant 4 : i32
      %dma_start3A_85 = arith.constant 0 : i32
      %dma_start3A_86 = tpu.memref_slice %arg7[%dma_start3A_84, %dma_start3A_85] : memref<16x80xi32, #tpu.memory_space<vmem>> -> memref<1x80xi32, #tpu.memory_space<vmem>>
      %dma_start3A_87 = tpu.memref_squeeze %dma_start3A_86 : memref<1x80xi32, #tpu.memory_space<vmem>> -> memref<80xi32, #tpu.memory_space<vmem>>
      %dma_start3A_88 = arith.constant 0 : i32
      %dma_start3A_89 = arith.constant 0 : i32
      %dma_start3A_90 = tpu.memref_slice %arg4[%dma_start3A_88, %dma_start3A_89] : memref<10240x128xf32, #tpu.memory_space<hbm>> -> memref<10240x128xf32, #tpu.memory_space<hbm>>
      tpu.enqueue_indirect_dma source(%dma_start3A_90 : memref<10240x128xf32, #tpu.memory_space<hbm>>) target(%arg10 : memref<80x128xf32, #tpu.memory_space<vmem>>) offsets(%dma_start3A_87 : memref<80xi32, #tpu.memory_space<vmem>>) semaphore(%arg13 : memref<!tpu.dma_semaphore, #tpu.memory_space<semaphore_mem>>)
      %dma_wait3A_91 = arith.constant 0 : i32
      %dma_wait3A_92 = arith.constant 0 : i32
      %dma_wait3A_93 = tpu.memref_slice %arg4[%dma_wait3A_91, %dma_wait3A_92] : memref<10240x128xf32, #tpu.memory_space<hbm>> -> memref<80x128xf32, #tpu.memory_space<hbm>>
      %dma_wait3A_94 = arith.constant 0 : i32
      %dma_wait3A_95 = arith.constant 0 : i32
      %dma_wait3A_96 = tpu.memref_slice %arg4[%dma_wait3A_94, %dma_wait3A_95] : memref<10240x128xf32, #tpu.memory_space<hbm>> -> memref<80x128xf32, #tpu.memory_space<hbm>>
      tpu.wait_dma2 semaphore(%arg14 : memref<!tpu.dma_semaphore, #tpu.memory_space<semaphore_mem>>) src(%dma_wait3A_96 : memref<80x128xf32, #tpu.memory_space<hbm>>) dst(%arg11 : memref<80x128xf32, #tpu.memory_space<vmem>>)
      %dma_start3A_97 = arith.constant 2 : i32
      %dma_start3A_98 = arith.constant 0 : i32
      %dma_start3A_99 = tpu.memref_slice %arg8[%dma_start3A_97, %dma_start3A_98] : memref<16x80xi32, #tpu.memory_space<vmem>> -> memref<1x80xi32, #tpu.memory_space<vmem>>
      %dma_start3A_100 = tpu.memref_squeeze %dma_start3A_99 : memref<1x80xi32, #tpu.memory_space<vmem>> -> memref<80xi32, #tpu.memory_space<vmem>>
      %dma_start3A_101 = arith.constant 0 : i32
      %dma_start3A_102 = arith.constant 0 : i32
      %dma_start3A_103 = tpu.memref_slice %arg18[%dma_start3A_101, %dma_start3A_102] : memref<10240x128xf32, #tpu.memory_space<vmem_shared>> -> memref<10240x128xf32, #tpu.memory_space<vmem_shared>>
      tpu.enqueue_indirect_dma source(%arg11 : memref<80x128xf32, #tpu.memory_space<vmem>>) target(%dma_start3A_103 : memref<10240x128xf32, #tpu.memory_space<vmem_shared>>) offsets(%dma_start3A_100 : memref<80xi32, #tpu.memory_space<vmem>>) semaphore(%arg17 : memref<!tpu.dma_semaphore, #tpu.memory_space<semaphore_mem>>) {add = true}
      %dma_wait3A_104 = arith.constant 0 : i32
      %dma_wait3A_105 = arith.constant 0 : i32
      %dma_wait3A_106 = tpu.memref_slice %arg4[%dma_wait3A_104, %dma_wait3A_105] : memref<10240x128xf32, #tpu.memory_space<hbm>> -> memref<80x128xf32, #tpu.memory_space<hbm>>
      %dma_wait3A_107 = arith.constant 0 : i32
      %dma_wait3A_108 = arith.constant 0 : i32
      %dma_wait3A_109 = tpu.memref_slice %arg4[%dma_wait3A_107, %dma_wait3A_108] : memref<10240x128xf32, #tpu.memory_space<hbm>> -> memref<80x128xf32, #tpu.memory_space<hbm>>
      tpu.wait_dma2 semaphore(%arg17 : memref<!tpu.dma_semaphore, #tpu.memory_space<semaphore_mem>>) src(%dma_wait3A_109 : memref<80x128xf32, #tpu.memory_space<hbm>>) dst(%arg11 : memref<80x128xf32, #tpu.memory_space<vmem>>)
      %dma_start3A_110 = arith.constant 5 : i32
      %dma_start3A_111 = arith.constant 0 : i32
      %dma_start3A_112 = tpu.memref_slice %arg7[%dma_start3A_110, %dma_start3A_111] : memref<16x80xi32, #tpu.memory_space<vmem>> -> memref<1x80xi32, #tpu.memory_space<vmem>>
      %dma_start3A_113 = tpu.memref_squeeze %dma_start3A_112 : memref<1x80xi32, #tpu.memory_space<vmem>> -> memref<80xi32, #tpu.memory_space<vmem>>
      %dma_start3A_114 = arith.constant 0 : i32
      %dma_start3A_115 = arith.constant 0 : i32
      %dma_start3A_116 = tpu.memref_slice %arg4[%dma_start3A_114, %dma_start3A_115] : memref<10240x128xf32, #tpu.memory_space<hbm>> -> memref<10240x128xf32, #tpu.memory_space<hbm>>
      tpu.enqueue_indirect_dma source(%dma_start3A_116 : memref<10240x128xf32, #tpu.memory_space<hbm>>) target(%arg11 : memref<80x128xf32, #tpu.memory_space<vmem>>) offsets(%dma_start3A_113 : memref<80xi32, #tpu.memory_space<vmem>>) semaphore(%arg14 : memref<!tpu.dma_semaphore, #tpu.memory_space<semaphore_mem>>)
      %dma_wait3A_117 = arith.constant 0 : i32
      %dma_wait3A_118 = arith.constant 0 : i32
      %dma_wait3A_119 = tpu.memref_slice %arg4[%dma_wait3A_117, %dma_wait3A_118] : memref<10240x128xf32, #tpu.memory_space<hbm>> -> memref<80x128xf32, #tpu.memory_space<hbm>>
      %dma_wait3A_120 = arith.constant 0 : i32
      %dma_wait3A_121 = arith.constant 0 : i32
      %dma_wait3A_122 = tpu.memref_slice %arg4[%dma_wait3A_120, %dma_wait3A_121] : memref<10240x128xf32, #tpu.memory_space<hbm>> -> memref<80x128xf32, #tpu.memory_space<hbm>>
      tpu.wait_dma2 semaphore(%arg12 : memref<!tpu.dma_semaphore, #tpu.memory_space<semaphore_mem>>) src(%dma_wait3A_122 : memref<80x128xf32, #tpu.memory_space<hbm>>) dst(%arg9 : memref<80x128xf32, #tpu.memory_space<vmem>>)
      %dma_start3A_123 = arith.constant 3 : i32
      %dma_start3A_124 = arith.constant 0 : i32
      %dma_start3A_125 = tpu.memref_slice %arg8[%dma_start3A_123, %dma_start3A_124] : memref<16x80xi32, #tpu.memory_space<vmem>> -> memref<1x80xi32, #tpu.memory_space<vmem>>
      %dma_start3A_126 = tpu.memref_squeeze %dma_start3A_125 : memref<1x80xi32, #tpu.memory_space<vmem>> -> memref<80xi32, #tpu.memory_space<vmem>>
      %dma_start3A_127 = arith.constant 0 : i32
      %dma_start3A_128 = arith.constant 0 : i32
      %dma_start3A_129 = tpu.memref_slice %arg18[%dma_start3A_127, %dma_start3A_128] : memref<10240x128xf32, #tpu.memory_space<vmem_shared>> -> memref<10240x128xf32, #tpu.memory_space<vmem_shared>>
      tpu.enqueue_indirect_dma source(%arg9 : memref<80x128xf32, #tpu.memory_space<vmem>>) target(%dma_start3A_129 : memref<10240x128xf32, #tpu.memory_space<vmem_shared>>) offsets(%dma_start3A_126 : memref<80xi32, #tpu.memory_space<vmem>>) semaphore(%arg15 : memref<!tpu.dma_semaphore, #tpu.memory_space<semaphore_mem>>) {add = true}
      %dma_wait3A_130 = arith.constant 0 : i32
      %dma_wait3A_131 = arith.constant 0 : i32
      %dma_wait3A_132 = tpu.memref_slice %arg4[%dma_wait3A_130, %dma_wait3A_131] : memref<10240x128xf32, #tpu.memory_space<hbm>> -> memref<80x128xf32, #tpu.memory_space<hbm>>
      %dma_wait3A_133 = arith.constant 0 : i32
      %dma_wait3A_134 = arith.constant 0 : i32
      %dma_wait3A_135 = tpu.memref_slice %arg4[%dma_wait3A_133, %dma_wait3A_134] : memref<10240x128xf32, #tpu.memory_space<hbm>> -> memref<80x128xf32, #tpu.memory_space<hbm>>
      tpu.wait_dma2 semaphore(%arg15 : memref<!tpu.dma_semaphore, #tpu.memory_space<semaphore_mem>>) src(%dma_wait3A_135 : memref<80x128xf32, #tpu.memory_space<hbm>>) dst(%arg9 : memref<80x128xf32, #tpu.memory_space<vmem>>)
      %dma_start3A_136 = arith.constant 6 : i32
      %dma_start3A_137 = arith.constant 0 : i32
      %dma_start3A_138 = tpu.memref_slice %arg7[%dma_start3A_136, %dma_start3A_137] : memref<16x80xi32, #tpu.memory_space<vmem>> -> memref<1x80xi32, #tpu.memory_space<vmem>>
      %dma_start3A_139 = tpu.memref_squeeze %dma_start3A_138 : memref<1x80xi32, #tpu.memory_space<vmem>> -> memref<80xi32, #tpu.memory_space<vmem>>
      %dma_start3A_140 = arith.constant 0 : i32
      %dma_start3A_141 = arith.constant 0 : i32
      %dma_start3A_142 = tpu.memref_slice %arg4[%dma_start3A_140, %dma_start3A_141] : memref<10240x128xf32, #tpu.memory_space<hbm>> -> memref<10240x128xf32, #tpu.memory_space<hbm>>
      tpu.enqueue_indirect_dma source(%dma_start3A_142 : memref<10240x128xf32, #tpu.memory_space<hbm>>) target(%arg9 : memref<80x128xf32, #tpu.memory_space<vmem>>) offsets(%dma_start3A_139 : memref<80xi32, #tpu.memory_space<vmem>>) semaphore(%arg12 : memref<!tpu.dma_semaphore, #tpu.memory_space<semaphore_mem>>)
      %dma_wait3A_143 = arith.constant 0 : i32
      %dma_wait3A_144 = arith.constant 0 : i32
      %dma_wait3A_145 = tpu.memref_slice %arg4[%dma_wait3A_143, %dma_wait3A_144] : memref<10240x128xf32, #tpu.memory_space<hbm>> -> memref<80x128xf32, #tpu.memory_space<hbm>>
      %dma_wait3A_146 = arith.constant 0 : i32
      %dma_wait3A_147 = arith.constant 0 : i32
      %dma_wait3A_148 = tpu.memref_slice %arg4[%dma_wait3A_146, %dma_wait3A_147] : memref<10240x128xf32, #tpu.memory_space<hbm>> -> memref<80x128xf32, #tpu.memory_space<hbm>>
      tpu.wait_dma2 semaphore(%arg13 : memref<!tpu.dma_semaphore, #tpu.memory_space<semaphore_mem>>) src(%dma_wait3A_148 : memref<80x128xf32, #tpu.memory_space<hbm>>) dst(%arg10 : memref<80x128xf32, #tpu.memory_space<vmem>>)
      %dma_start3A_149 = arith.constant 4 : i32
      %dma_start3A_150 = arith.constant 0 : i32
      %dma_start3A_151 = tpu.memref_slice %arg8[%dma_start3A_149, %dma_start3A_150] : memref<16x80xi32, #tpu.memory_space<vmem>> -> memref<1x80xi32, #tpu.memory_space<vmem>>
      %dma_start3A_152 = tpu.memref_squeeze %dma_start3A_151 : memref<1x80xi32, #tpu.memory_space<vmem>> -> memref<80xi32, #tpu.memory_space<vmem>>
      %dma_start3A_153 = arith.constant 0 : i32
      %dma_start3A_154 = arith.constant 0 : i32
      %dma_start3A_155 = tpu.memref_slice %arg18[%dma_start3A_153, %dma_start3A_154] : memref<10240x128xf32, #tpu.memory_space<vmem_shared>> -> memref<10240x128xf32, #tpu.memory_space<vmem_shared>>
      tpu.enqueue_indirect_dma source(%arg10 : memref<80x128xf32, #tpu.memory_space<vmem>>) target(%dma_start3A_155 : memref<10240x128xf32, #tpu.memory_space<vmem_shared>>) offsets(%dma_start3A_152 : memref<80xi32, #tpu.memory_space<vmem>>) semaphore(%arg16 : memref<!tpu.dma_semaphore, #tpu.memory_space<semaphore_mem>>) {add = true}
      %dma_wait3A_156 = arith.constant 0 : i32
      %dma_wait3A_157 = arith.constant 0 : i32
      %dma_wait3A_158 = tpu.memref_slice %arg4[%dma_wait3A_156, %dma_wait3A_157] : memref<10240x128xf32, #tpu.memory_space<hbm>> -> memref<80x128xf32, #tpu.memory_space<hbm>>
      %dma_wait3A_159 = arith.constant 0 : i32
      %dma_wait3A_160 = arith.constant 0 : i32
      %dma_wait3A_161 = tpu.memref_slice %arg4[%dma_wait3A_159, %dma_wait3A_160] : memref<10240x128xf32, #tpu.memory_space<hbm>> -> memref<80x128xf32, #tpu.memory_space<hbm>>
      tpu.wait_dma2 semaphore(%arg16 : memref<!tpu.dma_semaphore, #tpu.memory_space<semaphore_mem>>) src(%dma_wait3A_161 : memref<80x128xf32, #tpu.memory_space<hbm>>) dst(%arg10 : memref<80x128xf32, #tpu.memory_space<vmem>>)
      %dma_start3A_162 = arith.constant 7 : i32
      %dma_start3A_163 = arith.constant 0 : i32
      %dma_start3A_164 = tpu.memref_slice %arg7[%dma_start3A_162, %dma_start3A_163] : memref<16x80xi32, #tpu.memory_space<vmem>> -> memref<1x80xi32, #tpu.memory_space<vmem>>
      %dma_start3A_165 = tpu.memref_squeeze %dma_start3A_164 : memref<1x80xi32, #tpu.memory_space<vmem>> -> memref<80xi32, #tpu.memory_space<vmem>>
      %dma_start3A_166 = arith.constant 0 : i32
      %dma_start3A_167 = arith.constant 0 : i32
      %dma_start3A_168 = tpu.memref_slice %arg4[%dma_start3A_166, %dma_start3A_167] : memref<10240x128xf32, #tpu.memory_space<hbm>> -> memref<10240x128xf32, #tpu.memory_space<hbm>>
      tpu.enqueue_indirect_dma source(%dma_start3A_168 : memref<10240x128xf32, #tpu.memory_space<hbm>>) target(%arg10 : memref<80x128xf32, #tpu.memory_space<vmem>>) offsets(%dma_start3A_165 : memref<80xi32, #tpu.memory_space<vmem>>) semaphore(%arg13 : memref<!tpu.dma_semaphore, #tpu.memory_space<semaphore_mem>>)
      %dma_wait3A_169 = arith.constant 0 : i32
      %dma_wait3A_170 = arith.constant 0 : i32
      %dma_wait3A_171 = tpu.memref_slice %arg4[%dma_wait3A_169, %dma_wait3A_170] : memref<10240x128xf32, #tpu.memory_space<hbm>> -> memref<80x128xf32, #tpu.memory_space<hbm>>
      %dma_wait3A_172 = arith.constant 0 : i32
      %dma_wait3A_173 = arith.constant 0 : i32
      %dma_wait3A_174 = tpu.memref_slice %arg4[%dma_wait3A_172, %dma_wait3A_173] : memref<10240x128xf32, #tpu.memory_space<hbm>> -> memref<80x128xf32, #tpu.memory_space<hbm>>
      tpu.wait_dma2 semaphore(%arg14 : memref<!tpu.dma_semaphore, #tpu.memory_space<semaphore_mem>>) src(%dma_wait3A_174 : memref<80x128xf32, #tpu.memory_space<hbm>>) dst(%arg11 : memref<80x128xf32, #tpu.memory_space<vmem>>)
      %dma_start3A_175 = arith.constant 5 : i32
      %dma_start3A_176 = arith.constant 0 : i32
      %dma_start3A_177 = tpu.memref_slice %arg8[%dma_start3A_175, %dma_start3A_176] : memref<16x80xi32, #tpu.memory_space<vmem>> -> memref<1x80xi32, #tpu.memory_space<vmem>>
      %dma_start3A_178 = tpu.memref_squeeze %dma_start3A_177 : memref<1x80xi32, #tpu.memory_space<vmem>> -> memref<80xi32, #tpu.memory_space<vmem>>
      %dma_start3A_179 = arith.constant 0 : i32
      %dma_start3A_180 = arith.constant 0 : i32
      %dma_start3A_181 = tpu.memref_slice %arg18[%dma_start3A_179, %dma_start3A_180] : memref<10240x128xf32, #tpu.memory_space<vmem_shared>> -> memref<10240x128xf32, #tpu.memory_space<vmem_shared>>
      tpu.enqueue_indirect_dma source(%arg11 : memref<80x128xf32, #tpu.memory_space<vmem>>) target(%dma_start3A_181 : memref<10240x128xf32, #tpu.memory_space<vmem_shared>>) offsets(%dma_start3A_178 : memref<80xi32, #tpu.memory_space<vmem>>) semaphore(%arg17 : memref<!tpu.dma_semaphore, #tpu.memory_space<semaphore_mem>>) {add = true}
      %dma_wait3A_182 = arith.constant 0 : i32
      %dma_wait3A_183 = arith.constant 0 : i32
      %dma_wait3A_184 = tpu.memref_slice %arg4[%dma_wait3A_182, %dma_wait3A_183] : memref<10240x128xf32, #tpu.memory_space<hbm>> -> memref<80x128xf32, #tpu.memory_space<hbm>>
      %dma_wait3A_185 = arith.constant 0 : i32
      %dma_wait3A_186 = arith.constant 0 : i32
      %dma_wait3A_187 = tpu.memref_slice %arg4[%dma_wait3A_185, %dma_wait3A_186] : memref<10240x128xf32, #tpu.memory_space<hbm>> -> memref<80x128xf32, #tpu.memory_space<hbm>>
      tpu.wait_dma2 semaphore(%arg17 : memref<!tpu.dma_semaphore, #tpu.memory_space<semaphore_mem>>) src(%dma_wait3A_187 : memref<80x128xf32, #tpu.memory_space<hbm>>) dst(%arg11 : memref<80x128xf32, #tpu.memory_space<vmem>>)
      %dma_start3A_188 = arith.constant 8 : i32
      %dma_start3A_189 = arith.constant 0 : i32
      %dma_start3A_190 = tpu.memref_slice %arg7[%dma_start3A_188, %dma_start3A_189] : memref<16x80xi32, #tpu.memory_space<vmem>> -> memref<1x80xi32, #tpu.memory_space<vmem>>
      %dma_start3A_191 = tpu.memref_squeeze %dma_start3A_190 : memref<1x80xi32, #tpu.memory_space<vmem>> -> memref<80xi32, #tpu.memory_space<vmem>>
      %dma_start3A_192 = arith.constant 0 : i32
      %dma_start3A_193 = arith.constant 0 : i32
      %dma_start3A_194 = tpu.memref_slice %arg4[%dma_start3A_192, %dma_start3A_193] : memref<10240x128xf32, #tpu.memory_space<hbm>> -> memref<10240x128xf32, #tpu.memory_space<hbm>>
      tpu.enqueue_indirect_dma source(%dma_start3A_194 : memref<10240x128xf32, #tpu.memory_space<hbm>>) target(%arg11 : memref<80x128xf32, #tpu.memory_space<vmem>>) offsets(%dma_start3A_191 : memref<80xi32, #tpu.memory_space<vmem>>) semaphore(%arg14 : memref<!tpu.dma_semaphore, #tpu.memory_space<semaphore_mem>>)
      %dma_wait3A_195 = arith.constant 0 : i32
      %dma_wait3A_196 = arith.constant 0 : i32
      %dma_wait3A_197 = tpu.memref_slice %arg4[%dma_wait3A_195, %dma_wait3A_196] : memref<10240x128xf32, #tpu.memory_space<hbm>> -> memref<80x128xf32, #tpu.memory_space<hbm>>
      %dma_wait3A_198 = arith.constant 0 : i32
      %dma_wait3A_199 = arith.constant 0 : i32
      %dma_wait3A_200 = tpu.memref_slice %arg4[%dma_wait3A_198, %dma_wait3A_199] : memref<10240x128xf32, #tpu.memory_space<hbm>> -> memref<80x128xf32, #tpu.memory_space<hbm>>
      tpu.wait_dma2 semaphore(%arg12 : memref<!tpu.dma_semaphore, #tpu.memory_space<semaphore_mem>>) src(%dma_wait3A_200 : memref<80x128xf32, #tpu.memory_space<hbm>>) dst(%arg9 : memref<80x128xf32, #tpu.memory_space<vmem>>)
      %dma_start3A_201 = arith.constant 6 : i32
      %dma_start3A_202 = arith.constant 0 : i32
      %dma_start3A_203 = tpu.memref_slice %arg8[%dma_start3A_201, %dma_start3A_202] : memref<16x80xi32, #tpu.memory_space<vmem>> -> memref<1x80xi32, #tpu.memory_space<vmem>>
      %dma_start3A_204 = tpu.memref_squeeze %dma_start3A_203 : memref<1x80xi32, #tpu.memory_space<vmem>> -> memref<80xi32, #tpu.memory_space<vmem>>
      %dma_start3A_205 = arith.constant 0 : i32
      %dma_start3A_206 = arith.constant 0 : i32
      %dma_start3A_207 = tpu.memref_slice %arg18[%dma_start3A_205, %dma_start3A_206] : memref<10240x128xf32, #tpu.memory_space<vmem_shared>> -> memref<10240x128xf32, #tpu.memory_space<vmem_shared>>
      tpu.enqueue_indirect_dma source(%arg9 : memref<80x128xf32, #tpu.memory_space<vmem>>) target(%dma_start3A_207 : memref<10240x128xf32, #tpu.memory_space<vmem_shared>>) offsets(%dma_start3A_204 : memref<80xi32, #tpu.memory_space<vmem>>) semaphore(%arg15 : memref<!tpu.dma_semaphore, #tpu.memory_space<semaphore_mem>>) {add = true}
      %dma_wait3A_208 = arith.constant 0 : i32
      %dma_wait3A_209 = arith.constant 0 : i32
      %dma_wait3A_210 = tpu.memref_slice %arg4[%dma_wait3A_208, %dma_wait3A_209] : memref<10240x128xf32, #tpu.memory_space<hbm>> -> memref<80x128xf32, #tpu.memory_space<hbm>>
      %dma_wait3A_211 = arith.constant 0 : i32
      %dma_wait3A_212 = arith.constant 0 : i32
      %dma_wait3A_213 = tpu.memref_slice %arg4[%dma_wait3A_211, %dma_wait3A_212] : memref<10240x128xf32, #tpu.memory_space<hbm>> -> memref<80x128xf32, #tpu.memory_space<hbm>>
      tpu.wait_dma2 semaphore(%arg15 : memref<!tpu.dma_semaphore, #tpu.memory_space<semaphore_mem>>) src(%dma_wait3A_213 : memref<80x128xf32, #tpu.memory_space<hbm>>) dst(%arg9 : memref<80x128xf32, #tpu.memory_space<vmem>>)
      %dma_start3A_214 = arith.constant 9 : i32
      %dma_start3A_215 = arith.constant 0 : i32
      %dma_start3A_216 = tpu.memref_slice %arg7[%dma_start3A_214, %dma_start3A_215] : memref<16x80xi32, #tpu.memory_space<vmem>> -> memref<1x80xi32, #tpu.memory_space<vmem>>
      %dma_start3A_217 = tpu.memref_squeeze %dma_start3A_216 : memref<1x80xi32, #tpu.memory_space<vmem>> -> memref<80xi32, #tpu.memory_space<vmem>>
      %dma_start3A_218 = arith.constant 0 : i32
      %dma_start3A_219 = arith.constant 0 : i32
      %dma_start3A_220 = tpu.memref_slice %arg4[%dma_start3A_218, %dma_start3A_219] : memref<10240x128xf32, #tpu.memory_space<hbm>> -> memref<10240x128xf32, #tpu.memory_space<hbm>>
      tpu.enqueue_indirect_dma source(%dma_start3A_220 : memref<10240x128xf32, #tpu.memory_space<hbm>>) target(%arg9 : memref<80x128xf32, #tpu.memory_space<vmem>>) offsets(%dma_start3A_217 : memref<80xi32, #tpu.memory_space<vmem>>) semaphore(%arg12 : memref<!tpu.dma_semaphore, #tpu.memory_space<semaphore_mem>>)
      %dma_wait3A_221 = arith.constant 0 : i32
      %dma_wait3A_222 = arith.constant 0 : i32
      %dma_wait3A_223 = tpu.memref_slice %arg4[%dma_wait3A_221, %dma_wait3A_222] : memref<10240x128xf32, #tpu.memory_space<hbm>> -> memref<80x128xf32, #tpu.memory_space<hbm>>
      %dma_wait3A_224 = arith.constant 0 : i32
      %dma_wait3A_225 = arith.constant 0 : i32
      %dma_wait3A_226 = tpu.memref_slice %arg4[%dma_wait3A_224, %dma_wait3A_225] : memref<10240x128xf32, #tpu.memory_space<hbm>> -> memref<80x128xf32, #tpu.memory_space<hbm>>
      tpu.wait_dma2 semaphore(%arg13 : memref<!tpu.dma_semaphore, #tpu.memory_space<semaphore_mem>>) src(%dma_wait3A_226 : memref<80x128xf32, #tpu.memory_space<hbm>>) dst(%arg10 : memref<80x128xf32, #tpu.memory_space<vmem>>)
      %dma_start3A_227 = arith.constant 7 : i32
      %dma_start3A_228 = arith.constant 0 : i32
      %dma_start3A_229 = tpu.memref_slice %arg8[%dma_start3A_227, %dma_start3A_228] : memref<16x80xi32, #tpu.memory_space<vmem>> -> memref<1x80xi32, #tpu.memory_space<vmem>>
      %dma_start3A_230 = tpu.memref_squeeze %dma_start3A_229 : memref<1x80xi32, #tpu.memory_space<vmem>> -> memref<80xi32, #tpu.memory_space<vmem>>
      %dma_start3A_231 = arith.constant 0 : i32
      %dma_start3A_232 = arith.constant 0 : i32
      %dma_start3A_233 = tpu.memref_slice %arg18[%dma_start3A_231, %dma_start3A_232] : memref<10240x128xf32, #tpu.memory_space<vmem_shared>> -> memref<10240x128xf32, #tpu.memory_space<vmem_shared>>
      tpu.enqueue_indirect_dma source(%arg10 : memref<80x128xf32, #tpu.memory_space<vmem>>) target(%dma_start3A_233 : memref<10240x128xf32, #tpu.memory_space<vmem_shared>>) offsets(%dma_start3A_230 : memref<80xi32, #tpu.memory_space<vmem>>) semaphore(%arg16 : memref<!tpu.dma_semaphore, #tpu.memory_space<semaphore_mem>>) {add = true}
      %dma_wait3A_234 = arith.constant 0 : i32
      %dma_wait3A_235 = arith.constant 0 : i32
      %dma_wait3A_236 = tpu.memref_slice %arg4[%dma_wait3A_234, %dma_wait3A_235] : memref<10240x128xf32, #tpu.memory_space<hbm>> -> memref<80x128xf32, #tpu.memory_space<hbm>>
      %dma_wait3A_237 = arith.constant 0 : i32
      %dma_wait3A_238 = arith.constant 0 : i32
      %dma_wait3A_239 = tpu.memref_slice %arg4[%dma_wait3A_237, %dma_wait3A_238] : memref<10240x128xf32, #tpu.memory_space<hbm>> -> memref<80x128xf32, #tpu.memory_space<hbm>>
      tpu.wait_dma2 semaphore(%arg16 : memref<!tpu.dma_semaphore, #tpu.memory_space<semaphore_mem>>) src(%dma_wait3A_239 : memref<80x128xf32, #tpu.memory_space<hbm>>) dst(%arg10 : memref<80x128xf32, #tpu.memory_space<vmem>>)
      %dma_start3A_240 = arith.constant 10 : i32
      %dma_start3A_241 = arith.constant 0 : i32
      %dma_start3A_242 = tpu.memref_slice %arg7[%dma_start3A_240, %dma_start3A_241] : memref<16x80xi32, #tpu.memory_space<vmem>> -> memref<1x80xi32, #tpu.memory_space<vmem>>
      %dma_start3A_243 = tpu.memref_squeeze %dma_start3A_242 : memref<1x80xi32, #tpu.memory_space<vmem>> -> memref<80xi32, #tpu.memory_space<vmem>>
      %dma_start3A_244 = arith.constant 0 : i32
      %dma_start3A_245 = arith.constant 0 : i32
      %dma_start3A_246 = tpu.memref_slice %arg4[%dma_start3A_244, %dma_start3A_245] : memref<10240x128xf32, #tpu.memory_space<hbm>> -> memref<10240x128xf32, #tpu.memory_space<hbm>>
      tpu.enqueue_indirect_dma source(%dma_start3A_246 : memref<10240x128xf32, #tpu.memory_space<hbm>>) target(%arg10 : memref<80x128xf32, #tpu.memory_space<vmem>>) offsets(%dma_start3A_243 : memref<80xi32, #tpu.memory_space<vmem>>) semaphore(%arg13 : memref<!tpu.dma_semaphore, #tpu.memory_space<semaphore_mem>>)
      %dma_wait3A_247 = arith.constant 0 : i32
      %dma_wait3A_248 = arith.constant 0 : i32
      %dma_wait3A_249 = tpu.memref_slice %arg4[%dma_wait3A_247, %dma_wait3A_248] : memref<10240x128xf32, #tpu.memory_space<hbm>> -> memref<80x128xf32, #tpu.memory_space<hbm>>
      %dma_wait3A_250 = arith.constant 0 : i32
      %dma_wait3A_251 = arith.constant 0 : i32
      %dma_wait3A_252 = tpu.memref_slice %arg4[%dma_wait3A_250, %dma_wait3A_251] : memref<10240x128xf32, #tpu.memory_space<hbm>> -> memref<80x128xf32, #tpu.memory_space<hbm>>
      tpu.wait_dma2 semaphore(%arg14 : memref<!tpu.dma_semaphore, #tpu.memory_space<semaphore_mem>>) src(%dma_wait3A_252 : memref<80x128xf32, #tpu.memory_space<hbm>>) dst(%arg11 : memref<80x128xf32, #tpu.memory_space<vmem>>)
      %dma_start3A_253 = arith.constant 8 : i32
      %dma_start3A_254 = arith.constant 0 : i32
      %dma_start3A_255 = tpu.memref_slice %arg8[%dma_start3A_253, %dma_start3A_254] : memref<16x80xi32, #tpu.memory_space<vmem>> -> memref<1x80xi32, #tpu.memory_space<vmem>>
      %dma_start3A_256 = tpu.memref_squeeze %dma_start3A_255 : memref<1x80xi32, #tpu.memory_space<vmem>> -> memref<80xi32, #tpu.memory_space<vmem>>
      %dma_start3A_257 = arith.constant 0 : i32
      %dma_start3A_258 = arith.constant 0 : i32
      %dma_start3A_259 = tpu.memref_slice %arg18[%dma_start3A_257, %dma_start3A_258] : memref<10240x128xf32, #tpu.memory_space<vmem_shared>> -> memref<10240x128xf32, #tpu.memory_space<vmem_shared>>
      tpu.enqueue_indirect_dma source(%arg11 : memref<80x128xf32, #tpu.memory_space<vmem>>) target(%dma_start3A_259 : memref<10240x128xf32, #tpu.memory_space<vmem_shared>>) offsets(%dma_start3A_256 : memref<80xi32, #tpu.memory_space<vmem>>) semaphore(%arg17 : memref<!tpu.dma_semaphore, #tpu.memory_space<semaphore_mem>>) {add = true}
      %dma_wait3A_260 = arith.constant 0 : i32
      %dma_wait3A_261 = arith.constant 0 : i32
      %dma_wait3A_262 = tpu.memref_slice %arg4[%dma_wait3A_260, %dma_wait3A_261] : memref<10240x128xf32, #tpu.memory_space<hbm>> -> memref<80x128xf32, #tpu.memory_space<hbm>>
      %dma_wait3A_263 = arith.constant 0 : i32
      %dma_wait3A_264 = arith.constant 0 : i32
      %dma_wait3A_265 = tpu.memref_slice %arg4[%dma_wait3A_263, %dma_wait3A_264] : memref<10240x128xf32, #tpu.memory_space<hbm>> -> memref<80x128xf32, #tpu.memory_space<hbm>>
      tpu.wait_dma2 semaphore(%arg17 : memref<!tpu.dma_semaphore, #tpu.memory_space<semaphore_mem>>) src(%dma_wait3A_265 : memref<80x128xf32, #tpu.memory_space<hbm>>) dst(%arg11 : memref<80x128xf32, #tpu.memory_space<vmem>>)
      %dma_start3A_266 = arith.constant 11 : i32
      %dma_start3A_267 = arith.constant 0 : i32
      %dma_start3A_268 = tpu.memref_slice %arg7[%dma_start3A_266, %dma_start3A_267] : memref<16x80xi32, #tpu.memory_space<vmem>> -> memref<1x80xi32, #tpu.memory_space<vmem>>
      %dma_start3A_269 = tpu.memref_squeeze %dma_start3A_268 : memref<1x80xi32, #tpu.memory_space<vmem>> -> memref<80xi32, #tpu.memory_space<vmem>>
      %dma_start3A_270 = arith.constant 0 : i32
      %dma_start3A_271 = arith.constant 0 : i32
      %dma_start3A_272 = tpu.memref_slice %arg4[%dma_start3A_270, %dma_start3A_271] : memref<10240x128xf32, #tpu.memory_space<hbm>> -> memref<10240x128xf32, #tpu.memory_space<hbm>>
      tpu.enqueue_indirect_dma source(%dma_start3A_272 : memref<10240x128xf32, #tpu.memory_space<hbm>>) target(%arg11 : memref<80x128xf32, #tpu.memory_space<vmem>>) offsets(%dma_start3A_269 : memref<80xi32, #tpu.memory_space<vmem>>) semaphore(%arg14 : memref<!tpu.dma_semaphore, #tpu.memory_space<semaphore_mem>>)
      %dma_wait3A_273 = arith.constant 0 : i32
      %dma_wait3A_274 = arith.constant 0 : i32
      %dma_wait3A_275 = tpu.memref_slice %arg4[%dma_wait3A_273, %dma_wait3A_274] : memref<10240x128xf32, #tpu.memory_space<hbm>> -> memref<80x128xf32, #tpu.memory_space<hbm>>
      %dma_wait3A_276 = arith.constant 0 : i32
      %dma_wait3A_277 = arith.constant 0 : i32
      %dma_wait3A_278 = tpu.memref_slice %arg4[%dma_wait3A_276, %dma_wait3A_277] : memref<10240x128xf32, #tpu.memory_space<hbm>> -> memref<80x128xf32, #tpu.memory_space<hbm>>
      tpu.wait_dma2 semaphore(%arg12 : memref<!tpu.dma_semaphore, #tpu.memory_space<semaphore_mem>>) src(%dma_wait3A_278 : memref<80x128xf32, #tpu.memory_space<hbm>>) dst(%arg9 : memref<80x128xf32, #tpu.memory_space<vmem>>)
      %dma_start3A_279 = arith.constant 9 : i32
      %dma_start3A_280 = arith.constant 0 : i32
      %dma_start3A_281 = tpu.memref_slice %arg8[%dma_start3A_279, %dma_start3A_280] : memref<16x80xi32, #tpu.memory_space<vmem>> -> memref<1x80xi32, #tpu.memory_space<vmem>>
      %dma_start3A_282 = tpu.memref_squeeze %dma_start3A_281 : memref<1x80xi32, #tpu.memory_space<vmem>> -> memref<80xi32, #tpu.memory_space<vmem>>
      %dma_start3A_283 = arith.constant 0 : i32
      %dma_start3A_284 = arith.constant 0 : i32
      %dma_start3A_285 = tpu.memref_slice %arg18[%dma_start3A_283, %dma_start3A_284] : memref<10240x128xf32, #tpu.memory_space<vmem_shared>> -> memref<10240x128xf32, #tpu.memory_space<vmem_shared>>
      tpu.enqueue_indirect_dma source(%arg9 : memref<80x128xf32, #tpu.memory_space<vmem>>) target(%dma_start3A_285 : memref<10240x128xf32, #tpu.memory_space<vmem_shared>>) offsets(%dma_start3A_282 : memref<80xi32, #tpu.memory_space<vmem>>) semaphore(%arg15 : memref<!tpu.dma_semaphore, #tpu.memory_space<semaphore_mem>>) {add = true}
      %dma_wait3A_286 = arith.constant 0 : i32
      %dma_wait3A_287 = arith.constant 0 : i32
      %dma_wait3A_288 = tpu.memref_slice %arg4[%dma_wait3A_286, %dma_wait3A_287] : memref<10240x128xf32, #tpu.memory_space<hbm>> -> memref<80x128xf32, #tpu.memory_space<hbm>>
      %dma_wait3A_289 = arith.constant 0 : i32
      %dma_wait3A_290 = arith.constant 0 : i32
      %dma_wait3A_291 = tpu.memref_slice %arg4[%dma_wait3A_289, %dma_wait3A_290] : memref<10240x128xf32, #tpu.memory_space<hbm>> -> memref<80x128xf32, #tpu.memory_space<hbm>>
      tpu.wait_dma2 semaphore(%arg15 : memref<!tpu.dma_semaphore, #tpu.memory_space<semaphore_mem>>) src(%dma_wait3A_291 : memref<80x128xf32, #tpu.memory_space<hbm>>) dst(%arg9 : memref<80x128xf32, #tpu.memory_space<vmem>>)
      %dma_start3A_292 = arith.constant 12 : i32
      %dma_start3A_293 = arith.constant 0 : i32
      %dma_start3A_294 = tpu.memref_slice %arg7[%dma_start3A_292, %dma_start3A_293] : memref<16x80xi32, #tpu.memory_space<vmem>> -> memref<1x80xi32, #tpu.memory_space<vmem>>
      %dma_start3A_295 = tpu.memref_squeeze %dma_start3A_294 : memref<1x80xi32, #tpu.memory_space<vmem>> -> memref<80xi32, #tpu.memory_space<vmem>>
      %dma_start3A_296 = arith.constant 0 : i32
      %dma_start3A_297 = arith.constant 0 : i32
      %dma_start3A_298 = tpu.memref_slice %arg4[%dma_start3A_296, %dma_start3A_297] : memref<10240x128xf32, #tpu.memory_space<hbm>> -> memref<10240x128xf32, #tpu.memory_space<hbm>>
      tpu.enqueue_indirect_dma source(%dma_start3A_298 : memref<10240x128xf32, #tpu.memory_space<hbm>>) target(%arg9 : memref<80x128xf32, #tpu.memory_space<vmem>>) offsets(%dma_start3A_295 : memref<80xi32, #tpu.memory_space<vmem>>) semaphore(%arg12 : memref<!tpu.dma_semaphore, #tpu.memory_space<semaphore_mem>>)
      %dma_wait3A_299 = arith.constant 0 : i32
      %dma_wait3A_300 = arith.constant 0 : i32
      %dma_wait3A_301 = tpu.memref_slice %arg4[%dma_wait3A_299, %dma_wait3A_300] : memref<10240x128xf32, #tpu.memory_space<hbm>> -> memref<80x128xf32, #tpu.memory_space<hbm>>
      %dma_wait3A_302 = arith.constant 0 : i32
      %dma_wait3A_303 = arith.constant 0 : i32
      %dma_wait3A_304 = tpu.memref_slice %arg4[%dma_wait3A_302, %dma_wait3A_303] : memref<10240x128xf32, #tpu.memory_space<hbm>> -> memref<80x128xf32, #tpu.memory_space<hbm>>
      tpu.wait_dma2 semaphore(%arg13 : memref<!tpu.dma_semaphore, #tpu.memory_space<semaphore_mem>>) src(%dma_wait3A_304 : memref<80x128xf32, #tpu.memory_space<hbm>>) dst(%arg10 : memref<80x128xf32, #tpu.memory_space<vmem>>)
      %dma_start3A_305 = arith.constant 10 : i32
      %dma_start3A_306 = arith.constant 0 : i32
      %dma_start3A_307 = tpu.memref_slice %arg8[%dma_start3A_305, %dma_start3A_306] : memref<16x80xi32, #tpu.memory_space<vmem>> -> memref<1x80xi32, #tpu.memory_space<vmem>>
      %dma_start3A_308 = tpu.memref_squeeze %dma_start3A_307 : memref<1x80xi32, #tpu.memory_space<vmem>> -> memref<80xi32, #tpu.memory_space<vmem>>
      %dma_start3A_309 = arith.constant 0 : i32
      %dma_start3A_310 = arith.constant 0 : i32
      %dma_start3A_311 = tpu.memref_slice %arg18[%dma_start3A_309, %dma_start3A_310] : memref<10240x128xf32, #tpu.memory_space<vmem_shared>> -> memref<10240x128xf32, #tpu.memory_space<vmem_shared>>
      tpu.enqueue_indirect_dma source(%arg10 : memref<80x128xf32, #tpu.memory_space<vmem>>) target(%dma_start3A_311 : memref<10240x128xf32, #tpu.memory_space<vmem_shared>>) offsets(%dma_start3A_308 : memref<80xi32, #tpu.memory_space<vmem>>) semaphore(%arg16 : memref<!tpu.dma_semaphore, #tpu.memory_space<semaphore_mem>>) {add = true}
      %dma_wait3A_312 = arith.constant 0 : i32
      %dma_wait3A_313 = arith.constant 0 : i32
      %dma_wait3A_314 = tpu.memref_slice %arg4[%dma_wait3A_312, %dma_wait3A_313] : memref<10240x128xf32, #tpu.memory_space<hbm>> -> memref<80x128xf32, #tpu.memory_space<hbm>>
      %dma_wait3A_315 = arith.constant 0 : i32
      %dma_wait3A_316 = arith.constant 0 : i32
      %dma_wait3A_317 = tpu.memref_slice %arg4[%dma_wait3A_315, %dma_wait3A_316] : memref<10240x128xf32, #tpu.memory_space<hbm>> -> memref<80x128xf32, #tpu.memory_space<hbm>>
      tpu.wait_dma2 semaphore(%arg16 : memref<!tpu.dma_semaphore, #tpu.memory_space<semaphore_mem>>) src(%dma_wait3A_317 : memref<80x128xf32, #tpu.memory_space<hbm>>) dst(%arg10 : memref<80x128xf32, #tpu.memory_space<vmem>>)
      %dma_start3A_318 = arith.constant 13 : i32
      %dma_start3A_319 = arith.constant 0 : i32
      %dma_start3A_320 = tpu.memref_slice %arg7[%dma_start3A_318, %dma_start3A_319] : memref<16x80xi32, #tpu.memory_space<vmem>> -> memref<1x80xi32, #tpu.memory_space<vmem>>
      %dma_start3A_321 = tpu.memref_squeeze %dma_start3A_320 : memref<1x80xi32, #tpu.memory_space<vmem>> -> memref<80xi32, #tpu.memory_space<vmem>>
      %dma_start3A_322 = arith.constant 0 : i32
      %dma_start3A_323 = arith.constant 0 : i32
      %dma_start3A_324 = tpu.memref_slice %arg4[%dma_start3A_322, %dma_start3A_323] : memref<10240x128xf32, #tpu.memory_space<hbm>> -> memref<10240x128xf32, #tpu.memory_space<hbm>>
      tpu.enqueue_indirect_dma source(%dma_start3A_324 : memref<10240x128xf32, #tpu.memory_space<hbm>>) target(%arg10 : memref<80x128xf32, #tpu.memory_space<vmem>>) offsets(%dma_start3A_321 : memref<80xi32, #tpu.memory_space<vmem>>) semaphore(%arg13 : memref<!tpu.dma_semaphore, #tpu.memory_space<semaphore_mem>>)
      %dma_wait3A_325 = arith.constant 0 : i32
      %dma_wait3A_326 = arith.constant 0 : i32
      %dma_wait3A_327 = tpu.memref_slice %arg4[%dma_wait3A_325, %dma_wait3A_326] : memref<10240x128xf32, #tpu.memory_space<hbm>> -> memref<80x128xf32, #tpu.memory_space<hbm>>
      %dma_wait3A_328 = arith.constant 0 : i32
      %dma_wait3A_329 = arith.constant 0 : i32
      %dma_wait3A_330 = tpu.memref_slice %arg4[%dma_wait3A_328, %dma_wait3A_329] : memref<10240x128xf32, #tpu.memory_space<hbm>> -> memref<80x128xf32, #tpu.memory_space<hbm>>
      tpu.wait_dma2 semaphore(%arg14 : memref<!tpu.dma_semaphore, #tpu.memory_space<semaphore_mem>>) src(%dma_wait3A_330 : memref<80x128xf32, #tpu.memory_space<hbm>>) dst(%arg11 : memref<80x128xf32, #tpu.memory_space<vmem>>)
      %dma_start3A_331 = arith.constant 11 : i32
      %dma_start3A_332 = arith.constant 0 : i32
      %dma_start3A_333 = tpu.memref_slice %arg8[%dma_start3A_331, %dma_start3A_332] : memref<16x80xi32, #tpu.memory_space<vmem>> -> memref<1x80xi32, #tpu.memory_space<vmem>>
      %dma_start3A_334 = tpu.memref_squeeze %dma_start3A_333 : memref<1x80xi32, #tpu.memory_space<vmem>> -> memref<80xi32, #tpu.memory_space<vmem>>
      %dma_start3A_335 = arith.constant 0 : i32
      %dma_start3A_336 = arith.constant 0 : i32
      %dma_start3A_337 = tpu.memref_slice %arg18[%dma_start3A_335, %dma_start3A_336] : memref<10240x128xf32, #tpu.memory_space<vmem_shared>> -> memref<10240x128xf32, #tpu.memory_space<vmem_shared>>
      tpu.enqueue_indirect_dma source(%arg11 : memref<80x128xf32, #tpu.memory_space<vmem>>) target(%dma_start3A_337 : memref<10240x128xf32, #tpu.memory_space<vmem_shared>>) offsets(%dma_start3A_334 : memref<80xi32, #tpu.memory_space<vmem>>) semaphore(%arg17 : memref<!tpu.dma_semaphore, #tpu.memory_space<semaphore_mem>>) {add = true}
      %dma_wait3A_338 = arith.constant 0 : i32
      %dma_wait3A_339 = arith.constant 0 : i32
      %dma_wait3A_340 = tpu.memref_slice %arg4[%dma_wait3A_338, %dma_wait3A_339] : memref<10240x128xf32, #tpu.memory_space<hbm>> -> memref<80x128xf32, #tpu.memory_space<hbm>>
      %dma_wait3A_341 = arith.constant 0 : i32
      %dma_wait3A_342 = arith.constant 0 : i32
      %dma_wait3A_343 = tpu.memref_slice %arg4[%dma_wait3A_341, %dma_wait3A_342] : memref<10240x128xf32, #tpu.memory_space<hbm>> -> memref<80x128xf32, #tpu.memory_space<hbm>>
      tpu.wait_dma2 semaphore(%arg17 : memref<!tpu.dma_semaphore, #tpu.memory_space<semaphore_mem>>) src(%dma_wait3A_343 : memref<80x128xf32, #tpu.memory_space<hbm>>) dst(%arg11 : memref<80x128xf32, #tpu.memory_space<vmem>>)
      %dma_start3A_344 = arith.constant 14 : i32
      %dma_start3A_345 = arith.constant 0 : i32
      %dma_start3A_346 = tpu.memref_slice %arg7[%dma_start3A_344, %dma_start3A_345] : memref<16x80xi32, #tpu.memory_space<vmem>> -> memref<1x80xi32, #tpu.memory_space<vmem>>
      %dma_start3A_347 = tpu.memref_squeeze %dma_start3A_346 : memref<1x80xi32, #tpu.memory_space<vmem>> -> memref<80xi32, #tpu.memory_space<vmem>>
      %dma_start3A_348 = arith.constant 0 : i32
      %dma_start3A_349 = arith.constant 0 : i32
      %dma_start3A_350 = tpu.memref_slice %arg4[%dma_start3A_348, %dma_start3A_349] : memref<10240x128xf32, #tpu.memory_space<hbm>> -> memref<10240x128xf32, #tpu.memory_space<hbm>>
      tpu.enqueue_indirect_dma source(%dma_start3A_350 : memref<10240x128xf32, #tpu.memory_space<hbm>>) target(%arg11 : memref<80x128xf32, #tpu.memory_space<vmem>>) offsets(%dma_start3A_347 : memref<80xi32, #tpu.memory_space<vmem>>) semaphore(%arg14 : memref<!tpu.dma_semaphore, #tpu.memory_space<semaphore_mem>>)
      %dma_wait3A_351 = arith.constant 0 : i32
      %dma_wait3A_352 = arith.constant 0 : i32
      %dma_wait3A_353 = tpu.memref_slice %arg4[%dma_wait3A_351, %dma_wait3A_352] : memref<10240x128xf32, #tpu.memory_space<hbm>> -> memref<80x128xf32, #tpu.memory_space<hbm>>
      %dma_wait3A_354 = arith.constant 0 : i32
      %dma_wait3A_355 = arith.constant 0 : i32
      %dma_wait3A_356 = tpu.memref_slice %arg4[%dma_wait3A_354, %dma_wait3A_355] : memref<10240x128xf32, #tpu.memory_space<hbm>> -> memref<80x128xf32, #tpu.memory_space<hbm>>
      tpu.wait_dma2 semaphore(%arg12 : memref<!tpu.dma_semaphore, #tpu.memory_space<semaphore_mem>>) src(%dma_wait3A_356 : memref<80x128xf32, #tpu.memory_space<hbm>>) dst(%arg9 : memref<80x128xf32, #tpu.memory_space<vmem>>)
      %dma_start3A_357 = arith.constant 12 : i32
      %dma_start3A_358 = arith.constant 0 : i32
      %dma_start3A_359 = tpu.memref_slice %arg8[%dma_start3A_357, %dma_start3A_358] : memref<16x80xi32, #tpu.memory_space<vmem>> -> memref<1x80xi32, #tpu.memory_space<vmem>>
      %dma_start3A_360 = tpu.memref_squeeze %dma_start3A_359 : memref<1x80xi32, #tpu.memory_space<vmem>> -> memref<80xi32, #tpu.memory_space<vmem>>
      %dma_start3A_361 = arith.constant 0 : i32
      %dma_start3A_362 = arith.constant 0 : i32
      %dma_start3A_363 = tpu.memref_slice %arg18[%dma_start3A_361, %dma_start3A_362] : memref<10240x128xf32, #tpu.memory_space<vmem_shared>> -> memref<10240x128xf32, #tpu.memory_space<vmem_shared>>
      tpu.enqueue_indirect_dma source(%arg9 : memref<80x128xf32, #tpu.memory_space<vmem>>) target(%dma_start3A_363 : memref<10240x128xf32, #tpu.memory_space<vmem_shared>>) offsets(%dma_start3A_360 : memref<80xi32, #tpu.memory_space<vmem>>) semaphore(%arg15 : memref<!tpu.dma_semaphore, #tpu.memory_space<semaphore_mem>>) {add = true}
      %dma_wait3A_364 = arith.constant 0 : i32
      %dma_wait3A_365 = arith.constant 0 : i32
      %dma_wait3A_366 = tpu.memref_slice %arg4[%dma_wait3A_364, %dma_wait3A_365] : memref<10240x128xf32, #tpu.memory_space<hbm>> -> memref<80x128xf32, #tpu.memory_space<hbm>>
      %dma_wait3A_367 = arith.constant 0 : i32
      %dma_wait3A_368 = arith.constant 0 : i32
      %dma_wait3A_369 = tpu.memref_slice %arg4[%dma_wait3A_367, %dma_wait3A_368] : memref<10240x128xf32, #tpu.memory_space<hbm>> -> memref<80x128xf32, #tpu.memory_space<hbm>>
      tpu.wait_dma2 semaphore(%arg15 : memref<!tpu.dma_semaphore, #tpu.memory_space<semaphore_mem>>) src(%dma_wait3A_369 : memref<80x128xf32, #tpu.memory_space<hbm>>) dst(%arg9 : memref<80x128xf32, #tpu.memory_space<vmem>>)
      %dma_start3A_370 = arith.constant 15 : i32
      %dma_start3A_371 = arith.constant 0 : i32
      %dma_start3A_372 = tpu.memref_slice %arg7[%dma_start3A_370, %dma_start3A_371] : memref<16x80xi32, #tpu.memory_space<vmem>> -> memref<1x80xi32, #tpu.memory_space<vmem>>
      %dma_start3A_373 = tpu.memref_squeeze %dma_start3A_372 : memref<1x80xi32, #tpu.memory_space<vmem>> -> memref<80xi32, #tpu.memory_space<vmem>>
      %dma_start3A_374 = arith.constant 0 : i32
      %dma_start3A_375 = arith.constant 0 : i32
      %dma_start3A_376 = tpu.memref_slice %arg4[%dma_start3A_374, %dma_start3A_375] : memref<10240x128xf32, #tpu.memory_space<hbm>> -> memref<10240x128xf32, #tpu.memory_space<hbm>>
      tpu.enqueue_indirect_dma source(%dma_start3A_376 : memref<10240x128xf32, #tpu.memory_space<hbm>>) target(%arg9 : memref<80x128xf32, #tpu.memory_space<vmem>>) offsets(%dma_start3A_373 : memref<80xi32, #tpu.memory_space<vmem>>) semaphore(%arg12 : memref<!tpu.dma_semaphore, #tpu.memory_space<semaphore_mem>>)
      %dma_wait3A_377 = arith.constant 0 : i32
      %dma_wait3A_378 = arith.constant 0 : i32
      %dma_wait3A_379 = tpu.memref_slice %arg4[%dma_wait3A_377, %dma_wait3A_378] : memref<10240x128xf32, #tpu.memory_space<hbm>> -> memref<80x128xf32, #tpu.memory_space<hbm>>
      %dma_wait3A_380 = arith.constant 0 : i32
      %dma_wait3A_381 = arith.constant 0 : i32
      %dma_wait3A_382 = tpu.memref_slice %arg4[%dma_wait3A_380, %dma_wait3A_381] : memref<10240x128xf32, #tpu.memory_space<hbm>> -> memref<80x128xf32, #tpu.memory_space<hbm>>
      tpu.wait_dma2 semaphore(%arg13 : memref<!tpu.dma_semaphore, #tpu.memory_space<semaphore_mem>>) src(%dma_wait3A_382 : memref<80x128xf32, #tpu.memory_space<hbm>>) dst(%arg10 : memref<80x128xf32, #tpu.memory_space<vmem>>)
      %dma_start3A_383 = arith.constant 13 : i32
      %dma_start3A_384 = arith.constant 0 : i32
      %dma_start3A_385 = tpu.memref_slice %arg8[%dma_start3A_383, %dma_start3A_384] : memref<16x80xi32, #tpu.memory_space<vmem>> -> memref<1x80xi32, #tpu.memory_space<vmem>>
      %dma_start3A_386 = tpu.memref_squeeze %dma_start3A_385 : memref<1x80xi32, #tpu.memory_space<vmem>> -> memref<80xi32, #tpu.memory_space<vmem>>
      %dma_start3A_387 = arith.constant 0 : i32
      %dma_start3A_388 = arith.constant 0 : i32
      %dma_start3A_389 = tpu.memref_slice %arg18[%dma_start3A_387, %dma_start3A_388] : memref<10240x128xf32, #tpu.memory_space<vmem_shared>> -> memref<10240x128xf32, #tpu.memory_space<vmem_shared>>
      tpu.enqueue_indirect_dma source(%arg10 : memref<80x128xf32, #tpu.memory_space<vmem>>) target(%dma_start3A_389 : memref<10240x128xf32, #tpu.memory_space<vmem_shared>>) offsets(%dma_start3A_386 : memref<80xi32, #tpu.memory_space<vmem>>) semaphore(%arg16 : memref<!tpu.dma_semaphore, #tpu.memory_space<semaphore_mem>>) {add = true}
      %dma_wait3A_390 = arith.constant 0 : i32
      %dma_wait3A_391 = arith.constant 0 : i32
      %dma_wait3A_392 = tpu.memref_slice %arg4[%dma_wait3A_390, %dma_wait3A_391] : memref<10240x128xf32, #tpu.memory_space<hbm>> -> memref<80x128xf32, #tpu.memory_space<hbm>>
      %dma_wait3A_393 = arith.constant 0 : i32
      %dma_wait3A_394 = arith.constant 0 : i32
      %dma_wait3A_395 = tpu.memref_slice %arg4[%dma_wait3A_393, %dma_wait3A_394] : memref<10240x128xf32, #tpu.memory_space<hbm>> -> memref<80x128xf32, #tpu.memory_space<hbm>>
      tpu.wait_dma2 semaphore(%arg14 : memref<!tpu.dma_semaphore, #tpu.memory_space<semaphore_mem>>) src(%dma_wait3A_395 : memref<80x128xf32, #tpu.memory_space<hbm>>) dst(%arg11 : memref<80x128xf32, #tpu.memory_space<vmem>>)
      %dma_start3A_396 = arith.constant 14 : i32
      %dma_start3A_397 = arith.constant 0 : i32
      %dma_start3A_398 = tpu.memref_slice %arg8[%dma_start3A_396, %dma_start3A_397] : memref<16x80xi32, #tpu.memory_space<vmem>> -> memref<1x80xi32, #tpu.memory_space<vmem>>
      %dma_start3A_399 = tpu.memref_squeeze %dma_start3A_398 : memref<1x80xi32, #tpu.memory_space<vmem>> -> memref<80xi32, #tpu.memory_space<vmem>>
      %dma_start3A_400 = arith.constant 0 : i32
      %dma_start3A_401 = arith.constant 0 : i32
      %dma_start3A_402 = tpu.memref_slice %arg18[%dma_start3A_400, %dma_start3A_401] : memref<10240x128xf32, #tpu.memory_space<vmem_shared>> -> memref<10240x128xf32, #tpu.memory_space<vmem_shared>>
      tpu.enqueue_indirect_dma source(%arg11 : memref<80x128xf32, #tpu.memory_space<vmem>>) target(%dma_start3A_402 : memref<10240x128xf32, #tpu.memory_space<vmem_shared>>) offsets(%dma_start3A_399 : memref<80xi32, #tpu.memory_space<vmem>>) semaphore(%arg17 : memref<!tpu.dma_semaphore, #tpu.memory_space<semaphore_mem>>) {add = true}
      %dma_wait3A_403 = arith.constant 0 : i32
      %dma_wait3A_404 = arith.constant 0 : i32
      %dma_wait3A_405 = tpu.memref_slice %arg4[%dma_wait3A_403, %dma_wait3A_404] : memref<10240x128xf32, #tpu.memory_space<hbm>> -> memref<80x128xf32, #tpu.memory_space<hbm>>
      %dma_wait3A_406 = arith.constant 0 : i32
      %dma_wait3A_407 = arith.constant 0 : i32
      %dma_wait3A_408 = tpu.memref_slice %arg4[%dma_wait3A_406, %dma_wait3A_407] : memref<10240x128xf32, #tpu.memory_space<hbm>> -> memref<80x128xf32, #tpu.memory_space<hbm>>
      tpu.wait_dma2 semaphore(%arg12 : memref<!tpu.dma_semaphore, #tpu.memory_space<semaphore_mem>>) src(%dma_wait3A_408 : memref<80x128xf32, #tpu.memory_space<hbm>>) dst(%arg9 : memref<80x128xf32, #tpu.memory_space<vmem>>)
      %dma_start3A_409 = arith.constant 15 : i32
      %dma_start3A_410 = arith.constant 0 : i32
      %dma_start3A_411 = tpu.memref_slice %arg8[%dma_start3A_409, %dma_start3A_410] : memref<16x80xi32, #tpu.memory_space<vmem>> -> memref<1x80xi32, #tpu.memory_space<vmem>>
      %dma_start3A_412 = tpu.memref_squeeze %dma_start3A_411 : memref<1x80xi32, #tpu.memory_space<vmem>> -> memref<80xi32, #tpu.memory_space<vmem>>
      %dma_start3A_413 = arith.constant 0 : i32
      %dma_start3A_414 = arith.constant 0 : i32
      %dma_start3A_415 = tpu.memref_slice %arg18[%dma_start3A_413, %dma_start3A_414] : memref<10240x128xf32, #tpu.memory_space<vmem_shared>> -> memref<10240x128xf32, #tpu.memory_space<vmem_shared>>
      tpu.enqueue_indirect_dma source(%arg9 : memref<80x128xf32, #tpu.memory_space<vmem>>) target(%dma_start3A_415 : memref<10240x128xf32, #tpu.memory_space<vmem_shared>>) offsets(%dma_start3A_412 : memref<80xi32, #tpu.memory_space<vmem>>) semaphore(%arg15 : memref<!tpu.dma_semaphore, #tpu.memory_space<semaphore_mem>>) {add = true}
      %dma_wait3A_416 = arith.constant 0 : i32
      %dma_wait3A_417 = arith.constant 0 : i32
      %dma_wait3A_418 = tpu.memref_slice %arg4[%dma_wait3A_416, %dma_wait3A_417] : memref<10240x128xf32, #tpu.memory_space<hbm>> -> memref<80x128xf32, #tpu.memory_space<hbm>>
      %dma_wait3A_419 = arith.constant 0 : i32
      %dma_wait3A_420 = arith.constant 0 : i32
      %dma_wait3A_421 = tpu.memref_slice %arg4[%dma_wait3A_419, %dma_wait3A_420] : memref<10240x128xf32, #tpu.memory_space<hbm>> -> memref<80x128xf32, #tpu.memory_space<hbm>>
      tpu.wait_dma2 semaphore(%arg16 : memref<!tpu.dma_semaphore, #tpu.memory_space<semaphore_mem>>) src(%dma_wait3A_421 : memref<80x128xf32, #tpu.memory_space<hbm>>) dst(%arg10 : memref<80x128xf32, #tpu.memory_space<vmem>>)
      %dma_wait3A_422 = arith.constant 0 : i32
      %dma_wait3A_423 = arith.constant 0 : i32
      %dma_wait3A_424 = tpu.memref_slice %arg4[%dma_wait3A_422, %dma_wait3A_423] : memref<10240x128xf32, #tpu.memory_space<hbm>> -> memref<80x128xf32, #tpu.memory_space<hbm>>
      %dma_wait3A_425 = arith.constant 0 : i32
      %dma_wait3A_426 = arith.constant 0 : i32
      %dma_wait3A_427 = tpu.memref_slice %arg4[%dma_wait3A_425, %dma_wait3A_426] : memref<10240x128xf32, #tpu.memory_space<hbm>> -> memref<80x128xf32, #tpu.memory_space<hbm>>
      tpu.wait_dma2 semaphore(%arg17 : memref<!tpu.dma_semaphore, #tpu.memory_space<semaphore_mem>>) src(%dma_wait3A_427 : memref<80x128xf32, #tpu.memory_space<hbm>>) dst(%arg11 : memref<80x128xf32, #tpu.memory_space<vmem>>)
      %dma_wait3A_428 = arith.constant 0 : i32
      %dma_wait3A_429 = arith.constant 0 : i32
      %dma_wait3A_430 = tpu.memref_slice %arg4[%dma_wait3A_428, %dma_wait3A_429] : memref<10240x128xf32, #tpu.memory_space<hbm>> -> memref<80x128xf32, #tpu.memory_space<hbm>>
      %dma_wait3A_431 = arith.constant 0 : i32
      %dma_wait3A_432 = arith.constant 0 : i32
      %dma_wait3A_433 = tpu.memref_slice %arg4[%dma_wait3A_431, %dma_wait3A_432] : memref<10240x128xf32, #tpu.memory_space<hbm>> -> memref<80x128xf32, #tpu.memory_space<hbm>>
      tpu.wait_dma2 semaphore(%arg15 : memref<!tpu.dma_semaphore, #tpu.memory_space<semaphore_mem>>) src(%dma_wait3A_433 : memref<80x128xf32, #tpu.memory_space<hbm>>) dst(%arg9 : memref<80x128xf32, #tpu.memory_space<vmem>>)
    }
    %scan3A_9 = arith.constant 8 : i32
    %barrier3A_10 = arith.constant 0 : index
    tpu.barrier barrier_id(%barrier3A_10)
    %mul3A_11 = arith.constant 640 : i32
    %mul3A_12 = arith.muli %arg1, %mul3A_11 : i32
    %mul3A_13 = arith.constant 640 : i32
    %mul3A_14 = arith.muli %arg1, %mul3A_13 : i32
    "tpu.region"() ({
      %run_scoped3A = tpu.sem_alloc : memref<!tpu.dma_semaphore, #tpu.memory_space<semaphore_mem>>
      %dma_start3A = arith.constant 0 : i32
      %dma_start3A_15 = arith.constant 0 : i32
      %dma_start3A_16 = tpu.memref_slice %arg6[%arg0, %dma_start3A, %dma_start3A_15] : memref<2x10240x128xf32, #tpu.memory_space<hbm>> -> memref<1x10240x128xf32, #tpu.memory_space<hbm>>
      %dma_start3A_17 = tpu.memref_squeeze %dma_start3A_16 : memref<1x10240x128xf32, #tpu.memory_space<hbm>> -> memref<10240x128xf32, #tpu.memory_space<hbm>>
      %dma_start3A_18 = arith.constant 0 : i32
      %dma_start3A_19 = tpu.memref_slice %dma_start3A_17[%mul3A_14, %dma_start3A_18] : memref<10240x128xf32, #tpu.memory_space<hbm>> -> memref<640x128xf32, #tpu.memory_space<hbm>>
      %dma_start3A_20 = arith.constant 0 : i32
      %dma_start3A_21 = tpu.memref_slice %arg18[%mul3A_12, %dma_start3A_20] : memref<10240x128xf32, #tpu.memory_space<vmem_shared>> -> memref<640x128xf32, #tpu.memory_space<vmem_shared>>
      tpu.enqueue_dma source(%dma_start3A_21 : memref<640x128xf32, #tpu.memory_space<vmem_shared>>) target(%dma_start3A_19 : memref<640x128xf32, #tpu.memory_space<hbm>>) target_semaphore(%run_scoped3A : memref<!tpu.dma_semaphore, #tpu.memory_space<semaphore_mem>>)
      %dma_wait3A = arith.constant 0 : i32
      %dma_wait3A_22 = arith.constant 0 : i32
      %dma_wait3A_23 = tpu.memref_slice %arg6[%arg0, %dma_wait3A, %dma_wait3A_22] : memref<2x10240x128xf32, #tpu.memory_space<hbm>> -> memref<1x10240x128xf32, #tpu.memory_space<hbm>>
      %dma_wait3A_24 = tpu.memref_squeeze %dma_wait3A_23 : memref<1x10240x128xf32, #tpu.memory_space<hbm>> -> memref<10240x128xf32, #tpu.memory_space<hbm>>
      %dma_wait3A_25 = arith.constant 0 : i32
      %dma_wait3A_26 = tpu.memref_slice %dma_wait3A_24[%mul3A_14, %dma_wait3A_25] : memref<10240x128xf32, #tpu.memory_space<hbm>> -> memref<640x128xf32, #tpu.memory_space<hbm>>
      %dma_wait3A_27 = arith.constant 0 : i32
      %dma_wait3A_28 = tpu.memref_slice %arg18[%mul3A_12, %dma_wait3A_27] : memref<10240x128xf32, #tpu.memory_space<vmem_shared>> -> memref<640x128xf32, #tpu.memory_space<vmem_shared>>
      tpu.wait_dma2 semaphore(%run_scoped3A : memref<!tpu.dma_semaphore, #tpu.memory_space<semaphore_mem>>) src(%dma_wait3A_28 : memref<640x128xf32, #tpu.memory_space<vmem_shared>>) dst(%dma_wait3A_26 : memref<640x128xf32, #tpu.memory_space<hbm>>)
      tpu.yield
    }) : () -> ()
    return
  }
}

module attributes {stable_mosaic.version = 14 : i64} {
  func.func @kern(%arg0: memref<2x80x128xf32, #tpu.memory_space<vmem>>, %arg1: memref<80x128xf32, #tpu.memory_space<vmem>>, %arg2: memref<80x128xf32, #tpu.memory_space<vmem>>, %arg3: memref<80x128xf32, #tpu.memory_space<vmem>>) attributes {dimension_semantics = [], scalar_prefetch = 0 : i64, scratch_operands = 0 : i64, tpu.core_type = #tpu.core_type<tc>} {
    %get3A = arith.constant 0 : index
    %get3A_0 = arith.constant 0 : index
    %get3A_1 = arith.constant 0 : index
    %get3A_2 = vector.load %arg0[%get3A, %get3A_0, %get3A_1] : memref<2x80x128xf32, #tpu.memory_space<vmem>>, vector<1x80x128xf32>
    %get3A_3 = vector.shape_cast %get3A_2 : vector<1x80x128xf32> to vector<80x128xf32>
    %get3A_4 = arith.constant 1 : index
    %get3A_5 = arith.constant 0 : index
    %get3A_6 = arith.constant 0 : index
    %get3A_7 = vector.load %arg0[%get3A_4, %get3A_5, %get3A_6] : memref<2x80x128xf32, #tpu.memory_space<vmem>>, vector<1x80x128xf32>
    %get3A_8 = vector.shape_cast %get3A_7 : vector<1x80x128xf32> to vector<80x128xf32>
    %add3A = arith.addf %get3A_3, %get3A_8 : vector<80x128xf32>
    %add3A_9 = arith.constant 1.000000e+00 : f32
    %add3A_10 = vector.broadcast %add3A_9 : f32 to vector<80x128xf32>
    %add3A_11 = arith.addf %add3A, %add3A_10 : vector<80x128xf32>
    %rsqrt3A = math.rsqrt %add3A_11 : vector<80x128xf32>
    %swap3A = arith.constant 0 : index
    %swap3A_12 = arith.constant 0 : index
    %swap3A_13 = vector.load %arg2[%swap3A, %swap3A_12] : memref<80x128xf32, #tpu.memory_space<vmem>>, vector<80x128xf32>
    tpu.vector_store %arg2[%swap3A, %swap3A_12], %rsqrt3A {strides = array<i32>} : memref<80x128xf32, #tpu.memory_space<vmem>>, vector<80x128xf32>,
    %get3A_14 = arith.constant 0 : index
    %get3A_15 = arith.constant 0 : index
    %get3A_16 = vector.load %arg1[%get3A_14, %get3A_15] : memref<80x128xf32, #tpu.memory_space<vmem>>, vector<80x128xf32>
    %mul3A = arith.mulf %rsqrt3A, %get3A_16 : vector<80x128xf32>
    %swap3A_17 = arith.constant 0 : index
    %swap3A_18 = arith.constant 0 : index
    %swap3A_19 = vector.load %arg3[%swap3A_17, %swap3A_18] : memref<80x128xf32, #tpu.memory_space<vmem>>, vector<80x128xf32>
    tpu.vector_store %arg3[%swap3A_17, %swap3A_18], %mul3A {strides = array<i32>} : memref<80x128xf32, #tpu.memory_space<vmem>>, vector<80x128xf32>,
    return
  }
}

module attributes {stable_mosaic.version = 14 : i64} {
  func.func @kern(%arg0: memref<2x80x128xf32, #tpu.memory_space<vmem>>, %arg1: memref<80x128xf32, #tpu.memory_space<vmem>>, %arg2: memref<80x128xf32, #tpu.memory_space<vmem>>, %arg3: memref<80x128xf32, #tpu.memory_space<vmem>>) attributes {dimension_semantics = [], scalar_prefetch = 0 : i64, scratch_operands = 0 : i64, tpu.core_type = #tpu.core_type<tc>} {
    %get3A = arith.constant 0 : index
    %get3A_0 = arith.constant 0 : index
    %get3A_1 = vector.load %arg1[%get3A, %get3A_0] : memref<80x128xf32, #tpu.memory_space<vmem>>, vector<80x128xf32>
    %mul3A = arith.mulf %get3A_1, %get3A_1 : vector<80x128xf32>
    %get3A_2 = arith.constant 0 : index
    %get3A_3 = arith.constant 0 : index
    %get3A_4 = arith.constant 0 : index
    %get3A_5 = vector.load %arg0[%get3A_2, %get3A_3, %get3A_4] : memref<2x80x128xf32, #tpu.memory_space<vmem>>, vector<1x80x128xf32>
    %get3A_6 = vector.shape_cast %get3A_5 : vector<1x80x128xf32> to vector<80x128xf32>
    %get3A_7 = arith.constant 1 : index
    %get3A_8 = arith.constant 0 : index
    %get3A_9 = arith.constant 0 : index
    %get3A_10 = vector.load %arg0[%get3A_7, %get3A_8, %get3A_9] : memref<2x80x128xf32, #tpu.memory_space<vmem>>, vector<1x80x128xf32>
    %get3A_11 = vector.shape_cast %get3A_10 : vector<1x80x128xf32> to vector<80x128xf32>
    %add3A = arith.addf %get3A_6, %get3A_11 : vector<80x128xf32>
    %get3A_12 = arith.constant 0 : index
    %get3A_13 = arith.constant 0 : index
    %get3A_14 = vector.load %arg2[%get3A_12, %get3A_13] : memref<80x128xf32, #tpu.memory_space<vmem>>, vector<80x128xf32>
    %add3A_15 = arith.addf %add3A, %get3A_14 : vector<80x128xf32>
    %mul3A_16 = arith.mulf %mul3A, %add3A_15 : vector<80x128xf32>
    %swap3A = arith.constant 0 : index
    %swap3A_17 = arith.constant 0 : index
    %swap3A_18 = vector.load %arg3[%swap3A, %swap3A_17] : memref<80x128xf32, #tpu.memory_space<vmem>>, vector<80x128xf32>
    tpu.vector_store %arg3[%swap3A, %swap3A_17], %mul3A_16 {strides = array<i32>} : memref<80x128xf32, #tpu.memory_space<vmem>>, vector<80x128xf32>,
    return
  }
}

module attributes {stable_mosaic.version = 14 : i64} {
  func.func @kern(%arg0: i32, %arg1: memref<2x2048x2xf32, #tpu.memory_space<vmem>>, %arg2: memref<2048x1xf32, #tpu.memory_space<vmem>>, %arg3: memref<2048x1xf32, #tpu.memory_space<vmem>>, %arg4: memref<1x128xf32, #tpu.memory_space<vmem>>, %arg5: memref<128x128xf32, #tpu.memory_space<vmem>>, %arg6: memref<1x128xf32, #tpu.memory_space<vmem>>, %arg7: memref<2048x128xf32, #tpu.memory_space<vmem>>) attributes {dimension_semantics = [#tpu.dimension_semantics<arbitrary>], iteration_bounds = array<i64: 5>, scalar_prefetch = 0 : i64, scratch_operands = 0 : i64, tpu.core_type = #tpu.core_type<tc>, window_params = [{transform_indices = @transform_0, window_bounds = array<i64: 2, 2048, 2>}, {transform_indices = @transform_1, window_bounds = array<i64: 2048, 1>}, {transform_indices = @transform_2, window_bounds = array<i64: 2048, 1>}, {pipeline_mode = #tpu.pipeline_mode<synchronous>, transform_indices = @transform_3, window_bounds = array<i64: 1, 128>}, {pipeline_mode = #tpu.pipeline_mode<synchronous>, transform_indices = @transform_4, window_bounds = array<i64: 128, 128>}, {pipeline_mode = #tpu.pipeline_mode<synchronous>, transform_indices = @transform_5, window_bounds = array<i64: 1, 128>}, {transform_indices = @transform_6, window_bounds = array<i64: 2048, 128>}]} {
    %get3A = arith.constant 0 : index
    %get3A_0 = arith.constant 0 : index
    %get3A_1 = vector.load %arg2[%get3A, %get3A_0] : memref<2048x1xf32, #tpu.memory_space<vmem>>, vector<2048x1xf32>
    %get3A_2 = arith.constant 0 : index
    %get3A_3 = arith.constant 0 : index
    %get3A_4 = vector.load %arg3[%get3A_2, %get3A_3] : memref<2048x1xf32, #tpu.memory_space<vmem>>, vector<2048x1xf32>
    %get3A_5 = arith.constant 0 : index
    %get3A_6 = arith.constant 0 : index
    %get3A_7 = arith.constant 0 : index
    %get3A_8 = vector.load %arg1[%get3A_5, %get3A_6, %get3A_7] : memref<2x2048x2xf32, #tpu.memory_space<vmem>>, vector<1x2048x1xf32>
    %get3A_9 = vector.shape_cast %get3A_8 : vector<1x2048x1xf32> to vector<2048x1xf32>
    %get3A_10 = arith.constant 1 : index
    %get3A_11 = arith.constant 0 : index
    %get3A_12 = arith.constant 0 : index
    %get3A_13 = vector.load %arg1[%get3A_10, %get3A_11, %get3A_12] : memref<2x2048x2xf32, #tpu.memory_space<vmem>>, vector<1x2048x1xf32>
    %get3A_14 = vector.shape_cast %get3A_13 : vector<1x2048x1xf32> to vector<2048x1xf32>
    %add3A = arith.addf %get3A_9, %get3A_14 : vector<2048x1xf32>
    %max3A = arith.constant 0.000000e+00 : f32
    %max3A_15 = vector.broadcast %max3A : f32 to vector<2048x1xf32>
    %max3A_16 = arith.maximumf %get3A_1, %max3A_15 : vector<2048x1xf32>
    %add3A_17 = arith.addf %add3A, %max3A_16 : vector<2048x1xf32>
    %mul3A = arith.mulf %get3A_4, %add3A_17 : vector<2048x1xf32>
    %get3A_18 = arith.constant 0 : index
    %get3A_19 = arith.constant 0 : index
    %get3A_20 = arith.constant 1 : index
    %get3A_21 = vector.load %arg1[%get3A_18, %get3A_19, %get3A_20] : memref<2x2048x2xf32, #tpu.memory_space<vmem>>, vector<1x2048x1xf32>
    %get3A_22 = vector.shape_cast %get3A_21 : vector<1x2048x1xf32> to vector<2048x1xf32>
    %neg3A = arith.constant 0.000000e+00 : f32
    %neg3A_23 = vector.broadcast %neg3A : f32 to vector<2048x1xf32>
    %neg3A_24 = arith.subf %neg3A_23, %get3A_22 : vector<2048x1xf32>
    %get3A_25 = arith.constant 1 : index
    %get3A_26 = arith.constant 0 : index
    %get3A_27 = arith.constant 1 : index
    %get3A_28 = vector.load %arg1[%get3A_25, %get3A_26, %get3A_27] : memref<2x2048x2xf32, #tpu.memory_space<vmem>>, vector<1x2048x1xf32>
    %get3A_29 = vector.shape_cast %get3A_28 : vector<1x2048x1xf32> to vector<2048x1xf32>
    %sub3A = arith.subf %neg3A_24, %get3A_29 : vector<2048x1xf32>
    %neg3A_30 = arith.constant 0.000000e+00 : f32
    %neg3A_31 = vector.broadcast %neg3A_30 : f32 to vector<2048x1xf32>
    %neg3A_32 = arith.subf %neg3A_31, %get3A_1 : vector<2048x1xf32>
    %max3A_33 = arith.constant 0.000000e+00 : f32
    %max3A_34 = vector.broadcast %max3A_33 : f32 to vector<2048x1xf32>
    %max3A_35 = arith.maximumf %neg3A_32, %max3A_34 : vector<2048x1xf32>
    %add3A_36 = arith.addf %sub3A, %max3A_35 : vector<2048x1xf32>
    %mul3A_37 = arith.mulf %get3A_4, %add3A_36 : vector<2048x1xf32>
    %get3A_38 = arith.constant 0 : index
    %get3A_39 = arith.constant 0 : index
    %get3A_40 = vector.load %arg4[%get3A_38, %get3A_39] : memref<1x128xf32, #tpu.memory_space<vmem>>, vector<1x128xf32>
    %max3A_41 = arith.constant 0.000000e+00 : f32
    %max3A_42 = vector.broadcast %max3A_41 : f32 to vector<1x128xf32>
    %max3A_43 = arith.maximumf %get3A_40, %max3A_42 : vector<1x128xf32>
    %get3A_44 = arith.constant 0 : index
    %get3A_45 = arith.constant 0 : index
    %get3A_46 = vector.load %arg4[%get3A_44, %get3A_45] : memref<1x128xf32, #tpu.memory_space<vmem>>, vector<1x128xf32>
    %neg3A_47 = arith.constant 0.000000e+00 : f32
    %neg3A_48 = vector.broadcast %neg3A_47 : f32 to vector<1x128xf32>
    %neg3A_49 = arith.subf %neg3A_48, %get3A_46 : vector<1x128xf32>
    %max3A_50 = arith.constant 0.000000e+00 : f32
    %max3A_51 = vector.broadcast %max3A_50 : f32 to vector<1x128xf32>
    %max3A_52 = arith.maximumf %neg3A_49, %max3A_51 : vector<1x128xf32>
    %get3A_53 = arith.constant 0 : index
    %get3A_54 = arith.constant 0 : index
    %get3A_55 = vector.load %arg5[%get3A_53, %get3A_54] : memref<128x128xf32, #tpu.memory_space<vmem>>, vector<128x128xf32>
    %dot_general3A = arith.constant dense<0.000000e+00> : vector<1x128xf32>
    %dot_general3A_56 = tpu.matmul %max3A_43, %get3A_55, %dot_general3A {dimension_numbers = #tpu.dot_dimension_numbers<[1], [0], [0], [1], [0, 0, 1, 1], [], []>, transpose_lhs_hint = false} : vector<1x128xf32>, vector<128x128xf32>, vector<1x128xf32> -> vector<1x128xf32>
    %get3A_57 = arith.constant 0 : index
    %get3A_58 = arith.constant 0 : index
    %get3A_59 = vector.load %arg5[%get3A_57, %get3A_58] : memref<128x128xf32, #tpu.memory_space<vmem>>, vector<128x128xf32>
    %dot_general3A_60 = arith.constant dense<0.000000e+00> : vector<1x128xf32>
    %dot_general3A_61 = tpu.matmul %max3A_52, %get3A_59, %dot_general3A_60 {dimension_numbers = #tpu.dot_dimension_numbers<[1], [0], [0], [1], [0, 0, 1, 1], [], []>, transpose_lhs_hint = false} : vector<1x128xf32>, vector<128x128xf32>, vector<1x128xf32> -> vector<1x128xf32>
    %mul3A_62 = vector.broadcast %mul3A : vector<2048x1xf32> to vector<2048x128xf32>
    %mul3A_63 = vector.broadcast %dot_general3A_56 : vector<1x128xf32> to vector<2048x128xf32>
    %mul3A_64 = arith.mulf %mul3A_62, %mul3A_63 : vector<2048x128xf32>
    %mul3A_65 = vector.broadcast %mul3A_37 : vector<2048x1xf32> to vector<2048x128xf32>
    %mul3A_66 = vector.broadcast %dot_general3A_61 : vector<1x128xf32> to vector<2048x128xf32>
    %mul3A_67 = arith.mulf %mul3A_65, %mul3A_66 : vector<2048x128xf32>
    %add3A_68 = arith.addf %mul3A_64, %mul3A_67 : vector<2048x128xf32>
    %get3A_69 = arith.constant 0 : index
    %get3A_70 = arith.constant 0 : index
    %get3A_71 = vector.load %arg6[%get3A_69, %get3A_70] : memref<1x128xf32, #tpu.memory_space<vmem>>, vector<1x128xf32>
    %add3A_72 = vector.broadcast %get3A_71 : vector<1x128xf32> to vector<2048x128xf32>
    %add3A_73 = arith.addf %add3A_68, %add3A_72 : vector<2048x128xf32>
    %max3A_74 = arith.constant 0.000000e+00 : f32
    %max3A_75 = vector.broadcast %max3A_74 : f32 to vector<2048x128xf32>
    %max3A_76 = arith.maximumf %add3A_73, %max3A_75 : vector<2048x128xf32>
    %mul3A_77 = vector.broadcast %get3A_4 : vector<2048x1xf32> to vector<2048x128xf32>
    %mul3A_78 = arith.mulf %mul3A_77, %max3A_76 : vector<2048x128xf32>
    %swap3A = arith.constant 0 : index
    %swap3A_79 = arith.constant 0 : index
    %swap3A_80 = vector.load %arg7[%swap3A, %swap3A_79] : memref<2048x128xf32, #tpu.memory_space<vmem>>, vector<2048x128xf32>
    tpu.vector_store %arg7[%swap3A, %swap3A_79], %mul3A_78 {strides = array<i32>} : memref<2048x128xf32, #tpu.memory_space<vmem>>, vector<2048x128xf32>,
    return
  }
  func.func @transform_0(%arg0: i32) -> (i32, i32, i32) {
    %c0_i32 = arith.constant 0 : i32
    %c0_i32_0 = arith.constant 0 : i32
    %c0_i32_1 = arith.constant 0 : i32
    return %c0_i32, %arg0, %c0_i32_0 : i32, i32, i32
  }
  func.func @transform_1(%arg0: i32) -> (i32, i32) {
    %c0_i32 = arith.constant 0 : i32
    %c0_i32_0 = arith.constant 0 : i32
    return %arg0, %c0_i32 : i32, i32
  }
  func.func @transform_2(%arg0: i32) -> (i32, i32) {
    %c0_i32 = arith.constant 0 : i32
    %c0_i32_0 = arith.constant 0 : i32
    return %arg0, %c0_i32 : i32, i32
  }
  func.func @transform_3(%arg0: i32) -> (i32, i32) {
    %c0_i32 = arith.constant 0 : i32
    %c0_i32_0 = arith.constant 0 : i32
    %c0_i32_1 = arith.constant 0 : i32
    return %c0_i32, %c0_i32_0 : i32, i32
  }
  func.func @transform_4(%arg0: i32) -> (i32, i32) {
    %c0_i32 = arith.constant 0 : i32
    %c0_i32_0 = arith.constant 0 : i32
    %c0_i32_1 = arith.constant 0 : i32
    return %c0_i32, %c0_i32_0 : i32, i32
  }
  func.func @transform_5(%arg0: i32) -> (i32, i32) {
    %c0_i32 = arith.constant 0 : i32
    %c0_i32_0 = arith.constant 0 : i32
    %c0_i32_1 = arith.constant 0 : i32
    return %c0_i32, %c0_i32_0 : i32, i32
  }
  func.func @transform_6(%arg0: i32) -> (i32, i32) {
    %c0_i32 = arith.constant 0 : i32
    %c0_i32_0 = arith.constant 0 : i32
    return %arg0, %c0_i32 : i32, i32
  }
}

module attributes {stable_mosaic.version = 14 : i64} {
  func.func @kern(%arg0: i32, %arg1: memref<2x1024x128xf32, #tpu.memory_space<vmem>>, %arg2: memref<1024x128xf32, #tpu.memory_space<vmem>>, %arg3: memref<1024x1xf32, #tpu.memory_space<vmem>>, %arg4: memref<1x1024xi32, #tpu.memory_space<vmem>>, %arg5: memref<128x128xf32, #tpu.memory_space<vmem>>, %arg6: memref<1x128xf32, #tpu.memory_space<vmem>>, %arg7: memref<16x128xf32, #tpu.memory_space<vmem>>, %arg8: memref<16x128xf32, #tpu.memory_space<vmem>>, %arg9: memref<16x1xf32, #tpu.memory_space<vmem>>) attributes {dimension_semantics = [#tpu.dimension_semantics<arbitrary>], iteration_bounds = array<i64: 10>, scalar_prefetch = 0 : i64, scratch_operands = 2 : i64, tpu.core_type = #tpu.core_type<tc>, window_params = [{transform_indices = @transform_0, window_bounds = array<i64: 2, 1024, 128>}, {transform_indices = @transform_1, window_bounds = array<i64: 1024, 128>}, {transform_indices = @transform_2, window_bounds = array<i64: 1024, 1>}, {transform_indices = @transform_3, window_bounds = array<i64: 1, 1024>}, {pipeline_mode = #tpu.pipeline_mode<synchronous>, transform_indices = @transform_4, window_bounds = array<i64: 128, 128>}, {pipeline_mode = #tpu.pipeline_mode<synchronous>, transform_indices = @transform_5, window_bounds = array<i64: 1, 128>}, {pipeline_mode = #tpu.pipeline_mode<synchronous>, transform_indices = @transform_6, window_bounds = array<i64: 16, 128>}]} {
    %eq3A = arith.constant 0 : i32
    %eq3A_0 = arith.cmpi eq, %arg0, %eq3A : i32
    %convert_element_type3A = arith.extui %eq3A_0 : i1 to i32
    %cond3A = arith.constant 0 : i32
    %cond3A_1 = arith.cmpi ne, %convert_element_type3A, %cond3A : i32
    scf.if %cond3A_1 {
      %broadcast_in_dim3A_59 = arith.constant 0.000000e+00 : f32
      %broadcast_in_dim3A_60 = vector.broadcast %broadcast_in_dim3A_59 : f32 to vector<16x128xf32>
      %swap3A_61 = arith.constant 0 : index
      %swap3A_62 = arith.constant 0 : index
      %swap3A_63 = vector.load %arg8[%swap3A_61, %swap3A_62] : memref<16x128xf32, #tpu.memory_space<vmem>>, vector<16x128xf32>
      tpu.vector_store %arg8[%swap3A_61, %swap3A_62], %broadcast_in_dim3A_60 {strides = array<i32>} : memref<16x128xf32, #tpu.memory_space<vmem>>, vector<16x128xf32>,
      %broadcast_in_dim3A_64 = arith.constant 0.000000e+00 : f32
      %broadcast_in_dim3A_65 = vector.broadcast %broadcast_in_dim3A_64 : f32 to vector<16x1xf32>
      %swap3A_66 = arith.constant 0 : index
      %swap3A_67 = arith.constant 0 : index
      %swap3A_68 = vector.load %arg9[%swap3A_66, %swap3A_67] : memref<16x1xf32, #tpu.memory_space<vmem>>, vector<16x1xf32>
      tpu.vector_store %arg9[%swap3A_66, %swap3A_67], %broadcast_in_dim3A_65 {strides = array<i32>} : memref<16x1xf32, #tpu.memory_space<vmem>>, vector<16x1xf32>,
    } else {
    }
    %get3A = arith.constant 0 : index
    %get3A_2 = arith.constant 0 : index
    %get3A_3 = vector.load %arg3[%get3A, %get3A_2] : memref<1024x1xf32, #tpu.memory_space<vmem>>, vector<1024x1xf32>
    %get3A_4 = arith.constant 0 : index
    %get3A_5 = arith.constant 0 : index
    %get3A_6 = arith.constant 0 : index
    %get3A_7 = vector.load %arg1[%get3A_4, %get3A_5, %get3A_6] : memref<2x1024x128xf32, #tpu.memory_space<vmem>>, vector<1x1024x128xf32>
    %get3A_8 = vector.shape_cast %get3A_7 : vector<1x1024x128xf32> to vector<1024x128xf32>
    %get3A_9 = arith.constant 1 : index
    %get3A_10 = arith.constant 0 : index
    %get3A_11 = arith.constant 0 : index
    %get3A_12 = vector.load %arg1[%get3A_9, %get3A_10, %get3A_11] : memref<2x1024x128xf32, #tpu.memory_space<vmem>>, vector<1x1024x128xf32>
    %get3A_13 = vector.shape_cast %get3A_12 : vector<1x1024x128xf32> to vector<1024x128xf32>
    %add3A = arith.addf %get3A_8, %get3A_13 : vector<1024x128xf32>
    %get3A_14 = arith.constant 0 : index
    %get3A_15 = arith.constant 0 : index
    %get3A_16 = vector.load %arg2[%get3A_14, %get3A_15] : memref<1024x128xf32, #tpu.memory_space<vmem>>, vector<1024x128xf32>
    %add3A_17 = arith.addf %add3A, %get3A_16 : vector<1024x128xf32>
    %mul3A = vector.broadcast %get3A_3 : vector<1024x1xf32> to vector<1024x128xf32>
    %mul3A_18 = arith.mulf %mul3A, %add3A_17 : vector<1024x128xf32>
    %get3A_19 = arith.constant 0 : index
    %get3A_20 = arith.constant 0 : index
    %get3A_21 = vector.load %arg5[%get3A_19, %get3A_20] : memref<128x128xf32, #tpu.memory_space<vmem>>, vector<128x128xf32>
    %dot_general3A = arith.constant dense<0.000000e+00> : vector<1024x128xf32>
    %dot_general3A_22 = tpu.matmul %mul3A_18, %get3A_21, %dot_general3A {dimension_numbers = #tpu.dot_dimension_numbers<[1], [0], [0], [1], [0, 0, 1, 1], [], []>, transpose_lhs_hint = false} : vector<1024x128xf32>, vector<128x128xf32>, vector<1024x128xf32> -> vector<1024x128xf32>
    %get3A_23 = arith.constant 0 : index
    %get3A_24 = arith.constant 0 : index
    %get3A_25 = vector.load %arg6[%get3A_23, %get3A_24] : memref<1x128xf32, #tpu.memory_space<vmem>>, vector<1x128xf32>
    %add3A_26 = vector.broadcast %get3A_25 : vector<1x128xf32> to vector<1024x128xf32>
    %add3A_27 = arith.addf %dot_general3A_22, %add3A_26 : vector<1024x128xf32>
    %max3A = arith.constant 0.000000e+00 : f32
    %max3A_28 = vector.broadcast %max3A : f32 to vector<1024x128xf32>
    %max3A_29 = arith.maximumf %add3A_27, %max3A_28 : vector<1024x128xf32>
    %get3A_30 = arith.constant 0 : index
    %get3A_31 = arith.constant 0 : index
    %get3A_32 = vector.load %arg4[%get3A_30, %get3A_31] : memref<1x1024xi32, #tpu.memory_space<vmem>>, vector<1x1024xi32>
    %iota3A = tpu.iota {dimensions = array<i32: 0>} : vector<16x1xi32>
    %eq3A_33 = vector.broadcast %get3A_32 : vector<1x1024xi32> to vector<16x1024xi32>
    %eq3A_34 = vector.broadcast %iota3A : vector<16x1xi32> to vector<16x1024xi32>
    %eq3A_35 = arith.cmpi eq, %eq3A_33, %eq3A_34 : vector<16x1024xi32>
    %convert_element_type3A_36 = arith.extui %eq3A_35 : vector<16x1024xi1> to vector<16x1024xi32>
    %convert_element_type3A_37 = arith.sitofp %convert_element_type3A_36 : vector<16x1024xi32> to vector<16x1024xf32>
    %get3A_38 = arith.constant 0 : index
    %get3A_39 = arith.constant 0 : index
    %get3A_40 = vector.load %arg8[%get3A_38, %get3A_39] : memref<16x128xf32, #tpu.memory_space<vmem>>, vector<16x128xf32>
    %dot_general3A_41 = arith.constant dense<0.000000e+00> : vector<16x128xf32>
    %dot_general3A_42 = tpu.matmul %convert_element_type3A_37, %max3A_29, %dot_general3A_41 {dimension_numbers = #tpu.dot_dimension_numbers<[1], [0], [0], [1], [0, 0, 1, 1], [], []>, transpose_lhs_hint = false} : vector<16x1024xf32>, vector<1024x128xf32>, vector<16x128xf32> -> vector<16x128xf32>
    %add3A_43 = arith.addf %get3A_40, %dot_general3A_42 : vector<16x128xf32>
    %swap3A = arith.constant 0 : index
    %swap3A_44 = arith.constant 0 : index
    %swap3A_45 = vector.load %arg8[%swap3A, %swap3A_44] : memref<16x128xf32, #tpu.memory_space<vmem>>, vector<16x128xf32>
    tpu.vector_store %arg8[%swap3A, %swap3A_44], %add3A_43 {strides = array<i32>} : memref<16x128xf32, #tpu.memory_space<vmem>>, vector<16x128xf32>,
    %get3A_46 = arith.constant 0 : index
    %get3A_47 = arith.constant 0 : index
    %get3A_48 = vector.load %arg9[%get3A_46, %get3A_47] : memref<16x1xf32, #tpu.memory_space<vmem>>, vector<16x1xf32>
    %reduce_sum3A = arith.constant dense<0.000000e+00> : vector<16xf32>
    %reduce_sum3A_49 = vector.multi_reduction <add>, %convert_element_type3A_37, %reduce_sum3A [1] : vector<16x1024xf32> to vector<16xf32>
    %broadcast_in_dim3A = vector.shape_cast %reduce_sum3A_49 : vector<16xf32> to vector<16x1xf32>
    %add3A_50 = arith.addf %get3A_48, %broadcast_in_dim3A : vector<16x1xf32>
    %swap3A_51 = arith.constant 0 : index
    %swap3A_52 = arith.constant 0 : index
    %swap3A_53 = vector.load %arg9[%swap3A_51, %swap3A_52] : memref<16x1xf32, #tpu.memory_space<vmem>>, vector<16x1xf32>
    tpu.vector_store %arg9[%swap3A_51, %swap3A_52], %add3A_50 {strides = array<i32>} : memref<16x1xf32, #tpu.memory_space<vmem>>, vector<16x1xf32>,
    %eq3A_54 = arith.constant 9 : i32
    %eq3A_55 = arith.cmpi eq, %arg0, %eq3A_54 : i32
    %convert_element_type3A_56 = arith.extui %eq3A_55 : i1 to i32
    %cond3A_57 = arith.constant 0 : i32
    %cond3A_58 = arith.cmpi ne, %convert_element_type3A_56, %cond3A_57 : i32
    scf.if %cond3A_58 {
      %get3A_59 = arith.constant 0 : index
      %get3A_60 = arith.constant 0 : index
      %get3A_61 = vector.load %arg8[%get3A_59, %get3A_60] : memref<16x128xf32, #tpu.memory_space<vmem>>, vector<16x128xf32>
      %get3A_62 = arith.constant 0 : index
      %get3A_63 = arith.constant 0 : index
      %get3A_64 = vector.load %arg9[%get3A_62, %get3A_63] : memref<16x1xf32, #tpu.memory_space<vmem>>, vector<16x1xf32>
      %max3A_65 = arith.constant 1.000000e+00 : f32
      %max3A_66 = vector.broadcast %max3A_65 : f32 to vector<16x1xf32>
      %max3A_67 = arith.maximumf %get3A_64, %max3A_66 : vector<16x1xf32>
      %div3A = vector.broadcast %max3A_67 : vector<16x1xf32> to vector<16x128xf32>
      %div3A_68 = arith.divf %get3A_61, %div3A : vector<16x128xf32>
      %swap3A_69 = arith.constant 0 : index
      %swap3A_70 = arith.constant 0 : index
      %swap3A_71 = vector.load %arg7[%swap3A_69, %swap3A_70] : memref<16x128xf32, #tpu.memory_space<vmem>>, vector<16x128xf32>
      tpu.vector_store %arg7[%swap3A_69, %swap3A_70], %div3A_68 {strides = array<i32>} : memref<16x128xf32, #tpu.memory_space<vmem>>, vector<16x128xf32>,
    } else {
    }
    return
  }
  func.func @transform_0(%arg0: i32) -> (i32, i32, i32) {
    %c0_i32 = arith.constant 0 : i32
    %c0_i32_0 = arith.constant 0 : i32
    %c0_i32_1 = arith.constant 0 : i32
    return %c0_i32, %arg0, %c0_i32_0 : i32, i32, i32
  }
  func.func @transform_1(%arg0: i32) -> (i32, i32) {
    %c0_i32 = arith.constant 0 : i32
    %c0_i32_0 = arith.constant 0 : i32
    return %arg0, %c0_i32 : i32, i32
  }
  func.func @transform_2(%arg0: i32) -> (i32, i32) {
    %c0_i32 = arith.constant 0 : i32
    %c0_i32_0 = arith.constant 0 : i32
    return %arg0, %c0_i32 : i32, i32
  }
  func.func @transform_3(%arg0: i32) -> (i32, i32) {
    %c0_i32 = arith.constant 0 : i32
    %c0_i32_0 = arith.constant 0 : i32
    return %c0_i32, %arg0 : i32, i32
  }
  func.func @transform_4(%arg0: i32) -> (i32, i32) {
    %c0_i32 = arith.constant 0 : i32
    %c0_i32_0 = arith.constant 0 : i32
    %c0_i32_1 = arith.constant 0 : i32
    return %c0_i32, %c0_i32_0 : i32, i32
  }
  func.func @transform_5(%arg0: i32) -> (i32, i32) {
    %c0_i32 = arith.constant 0 : i32
    %c0_i32_0 = arith.constant 0 : i32
    %c0_i32_1 = arith.constant 0 : i32
    return %c0_i32, %c0_i32_0 : i32, i32
  }
  func.func @transform_6(%arg0: i32) -> (i32, i32) {
    %c0_i32 = arith.constant 0 : i32
    %c0_i32_0 = arith.constant 0 : i32
    %c0_i32_1 = arith.constant 0 : i32
    return %c0_i32, %c0_i32_0 : i32, i32
  }
}

</mosaic_0001>

<sc_bundles>
// kernel: kernel.10.cloned.1.call-start
scs
__scs_entry_jumppad:
0x0: {  	(pc) =	sbr.rel $0x88, $3  }
0x1: {  	(tag) =	ssettag $0x0;
	lr =	simm.s32 $0x1  }
0x2: {  	[smem:$0x3F99] =	sst lr;
	_ =	strace $0xD0000000  }
0x3: {  	_ = 	snop  }
0x4: {  	_ = 	snop  }
0x5: {  	_ = 	snop  }
0x6: {  	_ = 	snop  }
0x7: {  	_ = 	snop  }
__scs_overlays_trampoline_lowered:
0x8: {  	[smem:$0x3FA8] =	sst s0  }
0x9: {  	[smem:$0x3FA9] =	sst s1  }
0xa: {  	[smem:$0x3FAA] =	sst s2  }
0xb: {  	[smem:$0x3FAB] =	sst s3  }
0xc: {  	[smem:$0x3FAC] =	sst s4  }
0xd: {  	[smem:$0x3FAD] =	sst s5  }
0xe: {  	[smem:$0x3FAE] =	sst s6  }
0xf: {  	[smem:$0x3FAF] =	sst s7  }
0x10: {  	[smem:$0x3FB0] =	sst s8  }
0x11: {  	[smem:$0x3FB1] =	sst s9;
	s0 =	simm.s32 @!p0 $0x0  }
0x12: {  	s1 =	sld [smem:$0x3F97];
	s0 =	simm.s32 @p0 $0x1  }
0x13: {  	[smem:$0x3FB2] =	sst s0;
	s0 =	simm.s32 @!p1 $0x0  }
0x14: {  	s2 =	sld [smem:$0x3F96];
	s0 =	simm.s32 @p1 $0x1  }
0x15: {  	[smem:$0x3FB3] =	sst s0;
	s0 =	simm.s32 @!p2 $0x0  }
0x16: {  	s3 =	sld [smem:$0x3FDB];
	s0 =	simm.s32 @p2 $0x1  }
0x17: {  	s4 =	simm.s32 $0x1BF5;
	[smem:$0x3FB5] =	sst s0  }
0x18: {  	s0 =	sld [smem:$0x3F98];
	_ =	swait.ge [sflag:s4], $0x0  }
0x19: {  	s7 =	sld [smem:$0x3F99]  }
0x1a: {  	s8 =	sadd.s32 $0xFFFFE003, lr  }
0x1b: {  	s9 =	sadd.s32 $0xFFFFFEF7, lr;
	s5 =	simm.s32 $0xFFFFFFFF;
	p2 =	slt.u32 s8, $0xFFFFF086  }
0x1c: {  	p1 =	slt.u32 s9, $0xF7A;
	s5 =	simm.s32 @!p2 $0x0  }
0x1d: {  	s5 =	simm.s32 @p1 $0x1;
	p0 =	seq.s32 s7, s2  }
0x1e: {  	s7 =	smul.u32 @!p0 $0xF7A, s2;
	p2 =	seq.s32 @!p0 s5, $0x0  }
0x1f: {  	s9 =	smul.u32 $0xF7A, s1;
	s8 =	simm.s32 @!p0 $0x1BF5;
	p2 =	por !p2, p0  }
0x20: {  	[sflag:s8] =	ssyncset.s32 @!p0 $0xFFFFF086;
	s6 =	sadd.s32 @!p0 s3, s7;
	s7 =	simm.s32 @!p0 $0x108  }
0x21: {  	s3 =	sadd.s32 s3, s9;
	s6 =	sadd.s32 @!p0 $0x88, s6;
	s7 =	simm.s32 @p2 $0x1082  }
0x22: {  	[simem:s7], [sflag:s8] =	dma.local @!p0 [hbm:s6], $0xF7A  }
0x23: {  	s9 =	sor.u32 $0xD0000000, s2;
	s6 =	simm.s32 $0x108;
	_ =	swait.ge @!p0 [sflag:s8], $0x0  }
0x24: {  	s3 =	sadd.s32 $0x88, s3;
	s6 =	simm.s32 @!p1 $0x1082;
	[sflag:s4] =	ssyncset.s32 $0xFFFFF086  }
0x25: {  	[simem:s6], [sflag:s4] =	dma.local [hbm:s3], $0xF7A  }
0x26: {  	[smem:$0x3F99] =	sst s1;
	(tag) =	ssettag s2;
	_ =	strace s9  }
0x27: {  	s1 =	sld [smem:$0x3FA9]  }
0x28: {  	s2 =	sld [smem:$0x3FAA]  }
0x29: {  	s4 =	sld [smem:$0x3FAC]  }
0x2a: {  	p0 =	seq.s32 s5, $0x0;
	s5 =	sld [smem:$0x3FAD]  }
0x2b: {  	s6 =	sld [smem:$0x3FAE]  }
0x2c: {  	s7 =	sld [smem:$0x3FAF]  }
0x2d: {  	s3 =	simm.s32 $0x108;
	s8 =	sld [smem:$0x3FB0]  }
0x2e: {  	s3 =	simm.s32 @!p0 $0x1082;
	s9 =	sld [smem:$0x3FB1]  }
0x2f: {  	lr =	sadd.s32 s0, s3;
	s0 =	sld [smem:$0x3FA8]  }
0x30: {  	s3 =	sld [smem:$0x3FAB]  }
0x31: {  	[smem:$0x3FB4] =	sst s10  }
0x32: {  	s10 =	sld [smem:$0x3FB2];
	_ =	sdelay $0x3  }
0x33: {  	p0 =	seq.s32 s10, $0x1;
	s10 =	sld [smem:$0x3FB4];
	_ =	sdelay $0x3  }
0x34: {  	[smem:$0x3FB4] =	sst s10  }
0x35: {  	s10 =	sld [smem:$0x3FB3];
	_ =	sdelay $0x3  }
0x36: {  	p1 =	seq.s32 s10, $0x1;
	s10 =	sld [smem:$0x3FB4];
	_ =	sdelay $0x3  }
0x37: {  	[smem:$0x3FB4] =	sst s10  }
0x38: {  	s10 =	sld [smem:$0x3FB5]  }
0x39: {  	_ = 	snop;
	(pc) =	sbr.ind lr, $3  }
0x3a: {  	_ = 	snop  }
0x3b: {  	_ = 	snop  }
0x3c: {  	p2 =	seq.s32 s10, $0x1;
	s10 =	sld [smem:$0x3FB4]  }
0x3d: {  	_ =	shalt  }
0x3e: {  	_ =	shalt  }
0x3f: {  	_ =	shalt  }
0x40: {  	_ =	shalt  }
0x41: {  	_ =	shalt  }
0x42: {  	_ =	shalt  }
0x43: {  	_ =	shalt  }
0x44: {  	_ =	shalt  }
0x45: {  	_ =	shalt  }
0x46: {  	_ =	shalt  }
0x47: {  	_ =	shalt  }
0x48: {  	_ =	shalt  }
0x49: {  	_ =	shalt  }
0x4a: {  	_ =	shalt  }
0x4b: {  	_ =	shalt  }
0x4c: {  	_ =	shalt  }
0x4d: {  	_ =	shalt  }
0x4e: {  	_ =	shalt  }
0x4f: {  	_ =	shalt  }
0x50: {  	_ =	shalt  }
0x51: {  	_ =	shalt  }
0x52: {  	_ =	shalt  }
0x53: {  	_ =	shalt  }
0x54: {  	_ =	shalt  }
0x55: {  	_ =	shalt  }
0x56: {  	_ =	shalt  }
0x57: {  	_ =	shalt  }
0x58: {  	_ =	shalt  }
0x59: {  	_ =	shalt  }
0x5a: {  	_ =	shalt  }
0x5b: {  	_ =	shalt  }
0x5c: {  	_ =	shalt  }
0x5d: {  	_ =	shalt  }
0x5e: {  	_ =	shalt  }
0x5f: {  	_ =	shalt  }
0x60: {  	_ =	shalt  }
0x61: {  	_ =	shalt  }
0x62: {  	_ =	shalt  }
0x63: {  	_ =	shalt  }
0x64: {  	_ =	shalt  }
0x65: {  	_ =	shalt  }
0x66: {  	_ =	shalt  }
0x67: {  	_ =	shalt  }
0x68: {  	_ =	shalt  }
0x69: {  	_ =	shalt  }
0x6a: {  	_ =	shalt  }
0x6b: {  	_ =	shalt  }
0x6c: {  	_ =	shalt  }
0x6d: {  	_ =	shalt  }
0x6e: {  	_ =	shalt  }
0x6f: {  	_ =	shalt  }
0x70: {  	_ =	shalt  }
0x71: {  	_ =	shalt  }
0x72: {  	_ =	shalt  }
0x73: {  	_ =	shalt  }
0x74: {  	_ =	shalt  }
0x75: {  	_ =	shalt  }
0x76: {  	_ =	shalt  }
0x77: {  	_ =	shalt  }
0x78: {  	_ =	shalt  }
0x79: {  	_ =	shalt  }
0x7a: {  	_ =	shalt  }
0x7b: {  	_ =	shalt  }
0x7c: {  	_ =	shalt  }
0x7d: {  	_ =	shalt  }
0x7e: {  	_ =	shalt  }
0x7f: {  	_ =	shalt  }
0x80: {  	_ =	shalt  }
0x81: {  	_ =	shalt  }
0x82: {  	_ =	shalt  }
0x83: {  	_ =	shalt  }
0x84: {  	_ =	shalt  }
0x85: {  	_ =	shalt  }
0x86: {  	_ =	shalt  }
0x87: {  	_ =	shalt  }
.Lfunc_end0:
.L_simem_size_0:
called_computation_lowered:
.L_overlay_start_0:
0x88: {  	s2 =	sld [smem:$0x3FD9]  }
0x89: {  	s3 =	sld [smem:$0x3FFE];
	_ =	sdelay $0x1  }
0x8a: {  	s1 =	srdreg.scid  }
0x8b: {  	s0 =	sand.u32 $0x1, s1  }
0x8c: {  	s17 =	sshll.u32 s0, $0xA;
	s2 =	sadd.s32 s3, s2  }
0x8d: {  	s2 =	sadd.s32 s2, s17  }
0x8e: {  	[smem:$0x3FC0] =	sst s2  }
0x8f: {  	_ = 	snop  }
0x90: {  	s2 =	sld [smem:$0x3FD0];
	(tm) =	ssettm $0x1  }
0x91: {  	s18 =	sld [smem:$0x3FFB];
	_ =	sdelay $0x3  }
0x92: {  	_ =	strace s18  }
0x93: {  	s3 =	sld [smem:$0x3FFC];
	_ =	sdelay $0x3  }
0x94: {  	_ =	strace s3  }
0x95: {  	s3 =	sld [smem:$0x3FFD];
	_ =	sdelay $0x3  }
0x96: {  	_ =	strace s3  }
0x97: {  	_ =	strace $0x8FFFFFFF  }
0x98: {  	s19 =	sld [smem:$0x3FDB];
	_ =	sdelay $0x1  }
0x99: {  	s4 =	simm.s32 $_scs_section_size  }
0x9a: {  	s5 =	simm.s32 $_size__tile_overlayer_lowered;
	s6 =	simm.s32 $_tile_overlayer_lowered  }
0x9b: {  	s22 =	simm.s32 $0x1BFF;
	s21 =	sshll.u32 s6, $0x1;
	s3 =	sadd.s32 s4, s19  }
0x9c: {  	s7 =	simm.s32 $0x0;
	s20 =	sshll.u32 s5, $0x1;
	s5 =	sadd.s32 s21, s3  }
0x9d: {  	[timem:s7], [sflag:s22] =	dma.local [hbm:s5], s20  }
0x9e: {  	_ =	swait.ge [sflag:s22], s20  }
0x9f: {  	s4 =	ssub.s32 $0x0, s20;
	[sflag:s22] =	ssyncset.done $0x0  }
0xa0: {  	[sflag:s22] =	ssyncadd.s32 s4;
	_ =	sdelay $0x1  }
0xa1: {  	s23 =	simm.s32 $0x1B8B  }
0xa2: {  	_ =	swait.ge [sflag:s23], $0x1  }
0xa3: {  	[sflag:s23] =	ssyncset.done $0x0  }
0xa4: {  	s25 =	simm.s32 $0x1B8E;
	s24 =	sld [smem:$0x3FFE];
	[sflag:s23] =	ssyncadd.s32 $0xFFFFFFFF  }
0xa5: {  	s26 =	simm.s32 $execute0_lowered;
	[smem:$0x3FD2] =	sst s25  }
0xa6: {  	s5 =	sshll.u32 s26, $0x1;
	_ =	strace $0x80000046;
	[dreg:$0x1] =	wrdreg $0xFFFFFFFF  }
0xa7: {  	s28 =	simm.s32 $_size_execute0_lowered;
	s3 =	sadd.s32 s3, s5;
	[dreg:$0x0] =	wrdreg $0x0  }
0xa8: {  	s5 =	sshll.u32 s28, $0x1;
	[dreg:$0x2] =	wrdreg s3  }
0xa9: {  	[dreg:$0x3] =	wrdreg s5  }
0xaa: {  	[dreg:$0x4] =	wrdreg $0xC0  }
0xab: {  	_ =	task [dreg:s7], $0x5FFFF  }
0xac: {  	[dreg:$0x1] =	wrdreg $0xFFFFFFFF  }
0xad: {  	[dreg:$0x0] =	wrdreg $0x60  }
0xae: {  	[dreg:$0x2] =	wrdreg s24  }
0xaf: {  	[dreg:$0x3] =	wrdreg s2  }
0xb0: {  	[dreg:$0x4] =	wrdreg $0x28800  }
0xb1: {  	[dreg:$0x5] =	wrdreg $0x9  }
0xb2: {  	_ =	task.clear_ibuf [dreg:s7], $0x6FFFF;
	_ =	strace $0x90000046  }
0xb3: {  	s29 =	simm.s32 $0x9;
	_ =	strace $0x80000048  }
0xb4: {  	_ =	swait.ge [sflag:s29], $0x1  }
0xb5: {  	[sflag:s29] =	ssyncadd.s32 $0xFFFFFFFF  }
0xb6: {  	_ =	strace $0x90000048  }
0xb7: {  	_ =	sfence  }
0xb8: {  	s30 =	sld [smem:$0x0];
	_ =	sdelay $0x2  }
0xb9: {  	s31 =	sshll.u32 s1, $0xD;
	s1 =	sshrl.u32 s1, $0x2  }
0xba: {  	s3 =	sand.u32 $0x4000, s31;
	s1 =	sadd.s32 s1, s30  }
0xbb: {  	s0 =	sor.u32 s3, s0;
	s1 =	sshll.u32 s1, $0x11  }
0xbc: {  	s0 =	sor.u32 s1, s0  }
0xbd: {  	s0 =	sadd.s32 $0x8F2B, s0  }
0xbe: {  	[sflag:s0] =	ssyncadd.remote.s32 $0x1  }
0xbf: {  	_ =	sfence.sel $0xFFFF  }
0xc0: {  	[dreg:$0x0] =	wrdreg $0xFFFFFFFF;
	(pc) =	sbr.abs _section_cstart, $3  }
0xc1: {  	[dreg:$0x1] =	wrdreg $0xFFFFFFFF  }
0xc2: {  	_ =	task.clear_ibuf [dreg:s7], $0x2FFFF;
	_ =	strace $0x9FFFFFFF  }
0xc3: {  	(tm) =	ssettm $0x7FFFFFFF  }
tec
execute0_lowered:
.L_overlay_start_1:
0x0: {  	(tag) =	ssettag $0x1  }
0x1: {  	s6 =	rddreg [dreg:$0x0]  }
0x2: {  	s0 =	srdreg.scid;
	s2 =	rddreg [dreg:$0x1]  }
0x3: {  	s3 =	rddreg [dreg:$0x2];
	s4 =	simm.s32 $0x0;
	s13 =	simm.s32 $0x80  }
0x4: {  	s14 =	simm.s32 $0x100;
	s15 =	simm.s32 $0x180;
	s16 =	simm.s32 $0x1  }
0x5: {  	s17 =	simm.s32 $0x2;
	s18 =	simm.s32 $0x3;
	s19 =	simm.s32 $0x4  }
0x6: {  	s20 =	simm.s32 $0x20;
	s5 =	sand.u32 $0x1, s0;
	s0 =	stileid.u32  }
0x7: {  	s21 =	simm.s32 $0x10;
	s22 =	simm.s32 $0x0;
	s8 =	smul.u32 $0x500, s0  }
0x8: {  	[smem:$0x7FF] =	sst s4;
	s1 =	sshll.u32 s5, $0x4;
	s9 =	smul.u32 $0x280, s0  }
0x9: {  	s10 =	sshll.u32 s5, $0x7;
	s5 =	ssub.s32 $0x2, s5;
	s1 =	sor.u32 s0, s1  }
0xa: {  	s31 =	sshll.u32 s0, $0x6;
	s30 =	sshrl.u32 s5, $0x1;
	s7 =	smul.u32 $0x500, s1  }
0xb: {  	s1 =	rddreg [dreg:$0x3];
	_ =	strace $0x80000047;
	s8 =	sor.u32 s10, s8  }
0xc: {  	s29 =	sshrl.u32 s9, $0x3;
	s11 =	ssub.s32 s5, s30;
	s12 =	sadd.s32 s9, s3  }
0xd: {  	s8 =	sshrl.u32 s8, $0x3;
	s10 =	sadd.s32 s29, s6;
	s9 =	smax.u32 s11, $0x1  }
0xe: {  	s11 =	simm.s32 $0x5;
	s7 =	sadd.s32 s7, s6;
	s8 =	sadd.s32 s8, s6  }
0xf: {  	s5 =	sadd.s32 $0x16600, s10;
	s6 =	sor.u32 $0x1C05, s31;
	s10 =	sshrl.u32 s12, $0x3  }
0x10: {  	s12 =	simm.s32 $0x2800;
	s7 =	sadd.s32 $0x2600, s7;
	s8 =	sadd.s32 $0x16C00, s8  }
.LBB2_1:
0x11: {  	[spmem:s10], [sflag:s6] =	dma.local [hbm:s5], $0x50  }
0x12: {  	_ =	swait.ge [sflag:s11], $0x50  }
0x13: {  	[sflag:s11] =	ssyncset.done $0x0  }
0x14: {  	[sflag:s11] =	ssyncadd.s32 $0xFFFFFFB0  }
0x15: {  	[tilespmem:s4], [sflag:$0x5] =	stream.linear.gather [hbm4b:s7+s4], $0x2800, $0x38;
	[tilespmem:$0x2B00] =	vst v63  }
0x16: {  	_ =	swait.ge [sflag:s11], $0x2800  }
0x17: {  	[sflag:s11] =	ssyncset.done $0x0  }
0x18: {  	[sflag:s11] =	ssyncadd.s32 $0xFFFFD800  }
0x19: {  	[tilespmem:s12], [sflag:$0x5] =	stream.linear.gather [hbm4b:s2+s4], $0x80, $0x38;
	[tilespmem:$0x2B00] =	vst v63  }
0x1a: {  	_ =	swait.ge [sflag:s11], $0x80  }
0x1b: {  	[sflag:s11] =	ssyncset.done $0x0  }
0x1c: {  	[sflag:s11] =	ssyncadd.s32 $0xFFFFFF80  }
0x1d: {  	[bflag:$0x0] =	sbarrier.arrive $0xFFFF  }
0x1e: {  	[spmem:s3] =	stream.indirect.scatter.add.f32 [tilespmem:s12], [sflag:$0x1], $0x1, s4, s13, $0xb8;
	[tilespmem:$0x2B00] =	vst v63  }
0x1f: {  	_ = 	snop  }
0x20: {  	[spmem:s3] =	stream.indirect.scatter.add.f32 [tilespmem:s12], [sflag:$0x2], $0x1, s13, s13, $0xb8;
	[tilespmem:$0x2B00] =	vst v63  }
0x21: {  	_ = 	snop  }
0x22: {  	[spmem:s3] =	stream.indirect.scatter.add.f32 [tilespmem:s12], [sflag:$0x3], $0x1, s14, s13, $0xb8;
	[tilespmem:$0x2B00] =	vst v63  }
0x23: {  	_ = 	snop  }
0x24: {  	[spmem:s3] =	stream.indirect.scatter.add.f32 [tilespmem:s12], [sflag:$0x4], $0x1, s15, s13, $0xb8;
	[tilespmem:$0x2B00] =	vst v63  }
0x25: {  	_ =	swait.ge [sflag:s16], $0x80  }
0x26: {  	[sflag:s16] =	ssyncset.done $0x0  }
0x27: {  	s23 =	simm.s32 $0x200;
	[sflag:s16] =	ssyncadd.s32 $0xFFFFFF80  }
0x28: {  	[spmem:s3] =	stream.indirect.scatter.add.f32 [tilespmem:s12], [sflag:$0x1], $0x1, s23, s13, $0xb8;
	[tilespmem:$0x2B00] =	vst v63  }
0x29: {  	_ =	swait.ge [sflag:s17], $0x80  }
0x2a: {  	[sflag:s17] =	ssyncset.done $0x0  }
0x2b: {  	s30 =	simm.s32 $0x280;
	[sflag:s17] =	ssyncadd.s32 $0xFFFFFF80  }
0x2c: {  	[spmem:s3] =	stream.indirect.scatter.add.f32 [tilespmem:s12], [sflag:$0x2], $0x1, s30, s13, $0xb8;
	[tilespmem:$0x2B00] =	vst v63  }
0x2d: {  	_ =	swait.ge [sflag:s18], $0x80  }
0x2e: {  	[sflag:s18] =	ssyncset.done $0x0  }
0x2f: {  	s31 =	simm.s32 $0x300;
	[sflag:s18] =	ssyncadd.s32 $0xFFFFFF80  }
0x30: {  	[spmem:s3] =	stream.indirect.scatter.add.f32 [tilespmem:s12], [sflag:$0x3], $0x1, s31, s13, $0xb8;
	[tilespmem:$0x2B00] =	vst v63  }
0x31: {  	_ =	swait.ge [sflag:s19], $0x80  }
0x32: {  	[sflag:s19] =	ssyncset.done $0x0  }
0x33: {  	s24 =	simm.s32 $0x380;
	s23 =	simm.s32 $0xFFFF7000;
	[sflag:s19] =	ssyncadd.s32 $0xFFFFFF80  }
.LBB2_2:
0x34: {  	[spmem:s3] =	stream.indirect.scatter.add.f32 [tilespmem:s12], [sflag:$0x4], $0x1, s24, s13, $0xb8;
	[tilespmem:$0x2B00] =	vst v63  }
0x35: {  	s24 =	smov.u32 s23  }
0x36: {  	p0 =	sne.s32 s23, $0xFFFFF800;
	s23 =	sadd.s32 $0x800, s23;
	_ =	swait.ge [sflag:s16], $0x80  }
0x37: {  	s24 =	sshra.s32 s24, $0x2;
	[sflag:s16] =	ssyncset.done $0x0  }
0x38: {  	s25 =	sadd.s32 $0x2800, s24;
	[sflag:s16] =	ssyncadd.s32 $0xFFFFFF80  }
0x39: {  	[spmem:s3] =	stream.indirect.scatter.add.f32 [tilespmem:s12], [sflag:$0x1], $0x1, s25, s13, $0xb8;
	[tilespmem:$0x2B00] =	vst v63  }
0x3a: {  	_ =	swait.ge [sflag:s17], $0x80  }
0x3b: {  	[sflag:s17] =	ssyncset.done $0x0  }
0x3c: {  	s25 =	sadd.s32 $0x2880, s24;
	[sflag:s17] =	ssyncadd.s32 $0xFFFFFF80  }
0x3d: {  	[spmem:s3] =	stream.indirect.scatter.add.f32 [tilespmem:s12], [sflag:$0x2], $0x1, s25, s13, $0xb8;
	[tilespmem:$0x2B00] =	vst v63  }
0x3e: {  	_ =	swait.ge [sflag:s18], $0x80  }
0x3f: {  	[sflag:s18] =	ssyncset.done $0x0  }
.Ltmp0:
0x40: {  	s25 =	sadd.s32 $0x2900, s24;
	[sflag:s18] =	ssyncadd.s32 $0xFFFFFF80;
	(pc) =	sbr.rel @p0 .LBB2_2-.Ltmp0, $4  }
0x41: {  	[spmem:s3] =	stream.indirect.scatter.add.f32 [tilespmem:s12], [sflag:$0x3], $0x1, s25, s13, $0xb8;
	[tilespmem:$0x2B00] =	vst v63  }
0x42: {  	_ =	swait.ge [sflag:s19], $0x80  }
0x43: {  	[sflag:s19] =	ssyncset.done $0x0  }
0x44: {  	s24 =	sadd.s32 $0x2980, s24;
	[sflag:s19] =	ssyncadd.s32 $0xFFFFFF80  }
0x45: {  	[spmem:s3] =	stream.indirect.scatter.add.f32 [tilespmem:s12], [sflag:$0x4], $0x1, s24, s13, $0xb8;
	[tilespmem:$0x2B00] =	vst v63  }
0x46: {  	_ =	swait.ge [sflag:s16], $0x80  }
0x47: {  	[sflag:s16] =	ssyncset.done $0x0  }
0x48: {  	[sflag:s16] =	ssyncadd.s32 $0xFFFFFF80  }
0x49: {  	_ =	swait.ge [sflag:s17], $0x80  }
0x4a: {  	[sflag:s17] =	ssyncset.done $0x0  }
0x4b: {  	[sflag:s17] =	ssyncadd.s32 $0xFFFFFF80  }
0x4c: {  	_ =	swait.ge [sflag:s18], $0x80  }
0x4d: {  	[sflag:s18] =	ssyncset.done $0x0  }
0x4e: {  	[sflag:s18] =	ssyncadd.s32 $0xFFFFFF80  }
0x4f: {  	_ =	swait.ge [sflag:s19], $0x80  }
0x50: {  	s22 =	sadd.s32 $0x1, s22;
	[sflag:s19] =	ssyncset.done $0x0  }
0x51: {  	p0 =	sne.s32 s22, s9;
	[sflag:s19] =	ssyncadd.s32 $0xFFFFFF80  }
.Ltmp1:
0x52: {  	[bflag:$0x0] =	sbarrier.arrive $0xFFFF;
	(pc) =	sbr.rel @p0 .LBB2_1-.Ltmp1, $4  }
0x53: {  	[hbm:s8@s20], [sflag:s6] =	dma.strided [spmem:s10@s21], $0x50, s16, $0x10   }
0x54: {  	_ =	swait.ge [sflag:s11], $0x50  }
0x55: {  	[sflag:s11] =	ssyncset.done $0x0  }
0x56: {  	[sflag:s11] =	ssyncadd.s32 $0xFFFFFFB0  }
0x57: {  	_ =	sfence.sel $0x180000  }
0x58: {  	[bflag:$0x0] =	sbarrier.arrive $0xFFFF  }
0x59: {  	p0 =	sne.s32 s0, $0x0;
	_ =	strace $0x90000047  }
0x5a: {  	s0 =	sadd.s32 @!p0 $0x100000, s1;
	[bflag:$0x2] =	sbarrier.arrive $0xFFFF  }
0x5b: {  	[sflag:s0] =	ssyncadd.tile.s32 @!p0 $0x1;
	_ =	shalt  }
.Lfunc_end2:
_tile_overlayer_lowered:
.L_overlay_start_2:
0x5c: {  	(tag) =	ssettag $0x2  }
0x5d: {  	s0 =	rddreg [dreg:$0x0];
	s2 =	stileid.u32  }
0x5e: {  	s1 =	rddreg [dreg:$0x1];
	p0 =	sne.s32 s2, $0x0  }
0x5f: {  	s3 =	rddreg [dreg:$0x2];
	[bflag:$0x3] =	sbarrier.arrive $0xFFFF;
	s2 =	simm.s32 @!p0 $0x1C05  }
0x60: {  	[timem:s3], [sflag:s2] =	dma.local @!p0 [hbm:s0], s1  }
0x61: {  	s0 =	simm.s32 @!p0 $0x5  }
0x62: {  	_ =	swait.ge @!p0 [sflag:s0], s1  }
0x63: {  	s1 =	ssub.s32 @!p0 $0x0, s1;
	[sflag:s0] =	ssyncset.done @!p0 $0x0  }
0x64: {  	[sflag:s0] =	ssyncadd.s32 @!p0 s1  }
0x65: {  	[bflag:$0x3] =	sbarrier.arrive $0xFFFF  }
0x66: {  	_ =	shalt  }

// kernel: kernel.13.cloned.1.call-start
scs
__scs_entry_jumppad:
0x0: {  	(pc) =	sbr.rel $0x88, $3  }
0x1: {  	(tag) =	ssettag $0x0;
	lr =	simm.s32 $0x1  }
0x2: {  	[smem:$0x3F99] =	sst lr;
	_ =	strace $0xD0000000  }
0x3: {  	_ = 	snop  }
0x4: {  	_ = 	snop  }
0x5: {  	_ = 	snop  }
0x6: {  	_ = 	snop  }
0x7: {  	_ = 	snop  }
__scs_overlays_trampoline_lowered:
0x8: {  	[smem:$0x3FA8] =	sst s0  }
0x9: {  	[smem:$0x3FA9] =	sst s1  }
0xa: {  	[smem:$0x3FAA] =	sst s2  }
0xb: {  	[smem:$0x3FAB] =	sst s3  }
0xc: {  	[smem:$0x3FAC] =	sst s4  }
0xd: {  	[smem:$0x3FAD] =	sst s5  }
0xe: {  	[smem:$0x3FAE] =	sst s6  }
0xf: {  	[smem:$0x3FAF] =	sst s7  }
0x10: {  	[smem:$0x3FB0] =	sst s8  }
0x11: {  	[smem:$0x3FB1] =	sst s9;
	s0 =	simm.s32 @!p0 $0x0  }
0x12: {  	s1 =	sld [smem:$0x3F97];
	s0 =	simm.s32 @p0 $0x1  }
0x13: {  	[smem:$0x3FB2] =	sst s0;
	s0 =	simm.s32 @!p1 $0x0  }
0x14: {  	s2 =	sld [smem:$0x3F96];
	s0 =	simm.s32 @p1 $0x1  }
0x15: {  	[smem:$0x3FB3] =	sst s0;
	s0 =	simm.s32 @!p2 $0x0  }
0x16: {  	s3 =	sld [smem:$0x3FDB];
	s0 =	simm.s32 @p2 $0x1  }
0x17: {  	s4 =	simm.s32 $0x1BF5;
	[smem:$0x3FB5] =	sst s0  }
0x18: {  	s0 =	sld [smem:$0x3F98];
	_ =	swait.ge [sflag:s4], $0x0  }
0x19: {  	s7 =	sld [smem:$0x3F99]  }
0x1a: {  	s8 =	sadd.s32 $0xFFFFE003, lr  }
0x1b: {  	s9 =	sadd.s32 $0xFFFFFEF7, lr;
	s5 =	simm.s32 $0xFFFFFFFF;
	p2 =	slt.u32 s8, $0xFFFFF086  }
0x1c: {  	p1 =	slt.u32 s9, $0xF7A;
	s5 =	simm.s32 @!p2 $0x0  }
0x1d: {  	s5 =	simm.s32 @p1 $0x1;
	p0 =	seq.s32 s7, s2  }
0x1e: {  	s7 =	smul.u32 @!p0 $0xF7A, s2;
	p2 =	seq.s32 @!p0 s5, $0x0  }
0x1f: {  	s9 =	smul.u32 $0xF7A, s1;
	s8 =	simm.s32 @!p0 $0x1BF5;
	p2 =	por !p2, p0  }
0x20: {  	[sflag:s8] =	ssyncset.s32 @!p0 $0xFFFFF086;
	s6 =	sadd.s32 @!p0 s3, s7;
	s7 =	simm.s32 @!p0 $0x108  }
0x21: {  	s3 =	sadd.s32 s3, s9;
	s6 =	sadd.s32 @!p0 $0x88, s6;
	s7 =	simm.s32 @p2 $0x1082  }
0x22: {  	[simem:s7], [sflag:s8] =	dma.local @!p0 [hbm:s6], $0xF7A  }
0x23: {  	s9 =	sor.u32 $0xD0000000, s2;
	s6 =	simm.s32 $0x108;
	_ =	swait.ge @!p0 [sflag:s8], $0x0  }
0x24: {  	s3 =	sadd.s32 $0x88, s3;
	s6 =	simm.s32 @!p1 $0x1082;
	[sflag:s4] =	ssyncset.s32 $0xFFFFF086  }
0x25: {  	[simem:s6], [sflag:s4] =	dma.local [hbm:s3], $0xF7A  }
0x26: {  	[smem:$0x3F99] =	sst s1;
	(tag) =	ssettag s2;
	_ =	strace s9  }
0x27: {  	s1 =	sld [smem:$0x3FA9]  }
0x28: {  	s2 =	sld [smem:$0x3FAA]  }
0x29: {  	s4 =	sld [smem:$0x3FAC]  }
0x2a: {  	p0 =	seq.s32 s5, $0x0;
	s5 =	sld [smem:$0x3FAD]  }
0x2b: {  	s6 =	sld [smem:$0x3FAE]  }
0x2c: {  	s7 =	sld [smem:$0x3FAF]  }
0x2d: {  	s3 =	simm.s32 $0x108;
	s8 =	sld [smem:$0x3FB0]  }
0x2e: {  	s3 =	simm.s32 @!p0 $0x1082;
	s9 =	sld [smem:$0x3FB1]  }
0x2f: {  	lr =	sadd.s32 s0, s3;
	s0 =	sld [smem:$0x3FA8]  }
0x30: {  	s3 =	sld [smem:$0x3FAB]  }
0x31: {  	[smem:$0x3FB4] =	sst s10  }
0x32: {  	s10 =	sld [smem:$0x3FB2];
	_ =	sdelay $0x3  }
0x33: {  	p0 =	seq.s32 s10, $0x1;
	s10 =	sld [smem:$0x3FB4];
	_ =	sdelay $0x3  }
0x34: {  	[smem:$0x3FB4] =	sst s10  }
0x35: {  	s10 =	sld [smem:$0x3FB3];
	_ =	sdelay $0x3  }
0x36: {  	p1 =	seq.s32 s10, $0x1;
	s10 =	sld [smem:$0x3FB4];
	_ =	sdelay $0x3  }
0x37: {  	[smem:$0x3FB4] =	sst s10  }
0x38: {  	s10 =	sld [smem:$0x3FB5]  }
0x39: {  	_ = 	snop;
	(pc) =	sbr.ind lr, $3  }
0x3a: {  	_ = 	snop  }
0x3b: {  	_ = 	snop  }
0x3c: {  	p2 =	seq.s32 s10, $0x1;
	s10 =	sld [smem:$0x3FB4]  }
0x3d: {  	_ =	shalt  }
0x3e: {  	_ =	shalt  }
0x3f: {  	_ =	shalt  }
0x40: {  	_ =	shalt  }
0x41: {  	_ =	shalt  }
0x42: {  	_ =	shalt  }
0x43: {  	_ =	shalt  }
0x44: {  	_ =	shalt  }
0x45: {  	_ =	shalt  }
0x46: {  	_ =	shalt  }
0x47: {  	_ =	shalt  }
0x48: {  	_ =	shalt  }
0x49: {  	_ =	shalt  }
0x4a: {  	_ =	shalt  }
0x4b: {  	_ =	shalt  }
0x4c: {  	_ =	shalt  }
0x4d: {  	_ =	shalt  }
0x4e: {  	_ =	shalt  }
0x4f: {  	_ =	shalt  }
0x50: {  	_ =	shalt  }
0x51: {  	_ =	shalt  }
0x52: {  	_ =	shalt  }
0x53: {  	_ =	shalt  }
0x54: {  	_ =	shalt  }
0x55: {  	_ =	shalt  }
0x56: {  	_ =	shalt  }
0x57: {  	_ =	shalt  }
0x58: {  	_ =	shalt  }
0x59: {  	_ =	shalt  }
0x5a: {  	_ =	shalt  }
0x5b: {  	_ =	shalt  }
0x5c: {  	_ =	shalt  }
0x5d: {  	_ =	shalt  }
0x5e: {  	_ =	shalt  }
0x5f: {  	_ =	shalt  }
0x60: {  	_ =	shalt  }
0x61: {  	_ =	shalt  }
0x62: {  	_ =	shalt  }
0x63: {  	_ =	shalt  }
0x64: {  	_ =	shalt  }
0x65: {  	_ =	shalt  }
0x66: {  	_ =	shalt  }
0x67: {  	_ =	shalt  }
0x68: {  	_ =	shalt  }
0x69: {  	_ =	shalt  }
0x6a: {  	_ =	shalt  }
0x6b: {  	_ =	shalt  }
0x6c: {  	_ =	shalt  }
0x6d: {  	_ =	shalt  }
0x6e: {  	_ =	shalt  }
0x6f: {  	_ =	shalt  }
0x70: {  	_ =	shalt  }
0x71: {  	_ =	shalt  }
0x72: {  	_ =	shalt  }
0x73: {  	_ =	shalt  }
0x74: {  	_ =	shalt  }
0x75: {  	_ =	shalt  }
0x76: {  	_ =	shalt  }
0x77: {  	_ =	shalt  }
0x78: {  	_ =	shalt  }
0x79: {  	_ =	shalt  }
0x7a: {  	_ =	shalt  }
0x7b: {  	_ =	shalt  }
0x7c: {  	_ =	shalt  }
0x7d: {  	_ =	shalt  }
0x7e: {  	_ =	shalt  }
0x7f: {  	_ =	shalt  }
0x80: {  	_ =	shalt  }
0x81: {  	_ =	shalt  }
0x82: {  	_ =	shalt  }
0x83: {  	_ =	shalt  }
0x84: {  	_ =	shalt  }
0x85: {  	_ =	shalt  }
0x86: {  	_ =	shalt  }
0x87: {  	_ =	shalt  }
.Lfunc_end0:
.L_simem_size_0:
called_computation.1_lowered:
.L_overlay_start_0:
0x88: {  	s2 =	sld [smem:$0x3FD9]  }
0x89: {  	s3 =	sld [smem:$0x3FFE];
	_ =	sdelay $0x1  }
0x8a: {  	s1 =	srdreg.scid  }
0x8b: {  	s0 =	sand.u32 $0x1, s1  }
0x8c: {  	s16 =	sshll.u32 s0, $0xA;
	s2 =	sadd.s32 s3, s2  }
0x8d: {  	s2 =	sadd.s32 s2, s16  }
0x8e: {  	[smem:$0x3FC0] =	sst s2  }
0x8f: {  	_ = 	snop  }
0x90: {  	(tm) =	ssettm $0x1  }
0x91: {  	s17 =	sld [smem:$0x3FFB];
	_ =	sdelay $0x3  }
0x92: {  	_ =	strace s17  }
0x93: {  	s2 =	sld [smem:$0x3FFC];
	_ =	sdelay $0x3  }
0x94: {  	_ =	strace s2  }
0x95: {  	s2 =	sld [smem:$0x3FFD];
	_ =	sdelay $0x3  }
0x96: {  	_ =	strace s2  }
0x97: {  	_ =	strace $0x8FFFFFFF  }
0x98: {  	s18 =	sld [smem:$0x3FDB];
	_ =	sdelay $0x1  }
0x99: {  	s19 =	simm.s32 $_scs_section_size  }
0x9a: {  	s4 =	simm.s32 $_size__tile_overlayer_lowered;
	s5 =	simm.s32 $_tile_overlayer_lowered  }
0x9b: {  	s22 =	simm.s32 $0x1BFF;
	s21 =	sshll.u32 s5, $0x1;
	s2 =	sadd.s32 s19, s18  }
0x9c: {  	s6 =	simm.s32 $0x0;
	s20 =	sshll.u32 s4, $0x1;
	s4 =	sadd.s32 s21, s2  }
0x9d: {  	[timem:s6], [sflag:s22] =	dma.local [hbm:s4], s20  }
0x9e: {  	_ =	swait.ge [sflag:s22], s20  }
0x9f: {  	s3 =	ssub.s32 $0x0, s20;
	[sflag:s22] =	ssyncset.done $0x0  }
0xa0: {  	[sflag:s22] =	ssyncadd.s32 s3;
	_ =	sdelay $0x1  }
0xa1: {  	s23 =	simm.s32 $0x1B8B  }
0xa2: {  	_ =	swait.ge [sflag:s23], $0x1  }
0xa3: {  	[sflag:s23] =	ssyncset.done $0x0  }
0xa4: {  	s25 =	simm.s32 $0x1B8E;
	s24 =	sld [smem:$0x3FFE];
	[sflag:s23] =	ssyncadd.s32 $0xFFFFFFFF  }
0xa5: {  	s26 =	simm.s32 $execute0_lowered;
	[smem:$0x3FD2] =	sst s25  }
0xa6: {  	s4 =	sshll.u32 s26, $0x1;
	_ =	strace $0x80000049;
	[dreg:$0x1] =	wrdreg $0xFFFFFFFF  }
0xa7: {  	s28 =	simm.s32 $_size_execute0_lowered;
	s2 =	sadd.s32 s2, s4;
	[dreg:$0x0] =	wrdreg $0x0  }
0xa8: {  	s4 =	sshll.u32 s28, $0x1;
	[dreg:$0x2] =	wrdreg s2  }
0xa9: {  	[dreg:$0x3] =	wrdreg s4  }
0xaa: {  	[dreg:$0x4] =	wrdreg $0xC0  }
0xab: {  	_ =	task [dreg:s6], $0x5FFFF  }
0xac: {  	[dreg:$0x1] =	wrdreg $0xFFFFFFFF  }
0xad: {  	[dreg:$0x0] =	wrdreg $0x60  }
0xae: {  	[dreg:$0x2] =	wrdreg s24  }
0xaf: {  	[dreg:$0x3] =	wrdreg $0x52000  }
0xb0: {  	[dreg:$0x4] =	wrdreg $0x9  }
0xb1: {  	_ =	task.clear_ibuf [dreg:s6], $0x5FFFF;
	_ =	strace $0x90000049  }
0xb2: {  	s29 =	simm.s32 $0x9;
	_ =	strace $0x8000004B  }
0xb3: {  	_ =	swait.ge [sflag:s29], $0x1  }
0xb4: {  	[sflag:s29] =	ssyncadd.s32 $0xFFFFFFFF  }
0xb5: {  	_ =	strace $0x9000004B  }
0xb6: {  	_ =	sfence  }
0xb7: {  	s30 =	sld [smem:$0x0];
	_ =	sdelay $0x2  }
0xb8: {  	s31 =	sshll.u32 s1, $0xD;
	s1 =	sshrl.u32 s1, $0x2  }
0xb9: {  	s3 =	sand.u32 $0x4000, s31;
	s1 =	sadd.s32 s1, s30  }
0xba: {  	s0 =	sor.u32 s3, s0;
	s1 =	sshll.u32 s1, $0x11  }
0xbb: {  	s0 =	sor.u32 s1, s0  }
0xbc: {  	s0 =	sadd.s32 $0x8F2B, s0  }
0xbd: {  	[sflag:s0] =	ssyncadd.remote.s32 $0x1  }
0xbe: {  	_ =	sfence.sel $0xFFFF  }
0xbf: {  	[dreg:$0x0] =	wrdreg $0xFFFFFFFF;
	(pc) =	sbr.abs _section_cstart, $3  }
0xc0: {  	[dreg:$0x1] =	wrdreg $0xFFFFFFFF  }
0xc1: {  	_ =	task.clear_ibuf [dreg:s6], $0x2FFFF;
	_ =	strace $0x9FFFFFFF  }
0xc2: {  	(tm) =	ssettm $0x7FFFFFFF  }
0xc3: {  	_ =	shalt  }
tec
execute0_lowered:
.L_overlay_start_1:
0x0: {  	(tag) =	ssettag $0x1  }
0x1: {  	s0 =	srdreg.scid  }
0x2: {  	s1 =	rddreg [dreg:$0x0];
	s9 =	stileid.u32  }
0x3: {  	s2 =	rddreg [dreg:$0x1];
	s12 =	simm.s32 $0x9;
	s14 =	simm.s32 $0x80  }
0x4: {  	s15 =	simm.s32 $0x5000;
	s16 =	simm.s32 $0x5080;
	s18 =	simm.s32 $0x5100  }
0x5: {  	s20 =	simm.s32 $0x5180;
	s21 =	simm.s32 $0x1;
	s22 =	simm.s32 $0x2  }
0x6: {  	s23 =	simm.s32 $0x3;
	s28 =	simm.s32 $0x7;
	s29 =	simm.s32 $0x8  }
0x7: {  	s30 =	simm.s32 $0x2780;
	s17 =	simm.s32 $0x20;
	s19 =	simm.s32 $0x10  }
0x8: {  	s31 =	simm.s32 $0x0;
	s0 =	sand.u32 $0x1, s0;
	s5 =	smul.u32 $0x500, s9  }
0x9: {  	s6 =	smul.u32 $0x280, s9;
	s26 =	sshll.u32 s9, $0x6;
	s3 =	sshll.u32 s0, $0x4  }
0xa: {  	s7 =	sshll.u32 s0, $0x7;
	s0 =	ssub.s32 $0x2, s0;
	s4 =	sor.u32 s9, s3  }
0xb: {  	s3 =	simm.s32 $0x0;
	s5 =	sor.u32 s7, s5;
	s24 =	sshrl.u32 s6, $0x3  }
0xc: {  	s25 =	sshrl.u32 s0, $0x1;
	s11 =	sadd.s32 s6, s2;
	s6 =	sor.u32 $0x1C09, s26  }
0xd: {  	s26 =	simm.s32 $0x6;
	s4 =	smul.u32 $0x500, s4;
	[smem:$0x7FF] =	sst s3  }
0xe: {  	s5 =	sshrl.u32 s5, $0x3;
	s7 =	sadd.s32 s24, s1;
	s0 =	ssub.s32 s0, s25  }
0xf: {  	s11 =	sshrl.u32 s11, $0x3;
	s24 =	simm.s32 $0x4;
	s25 =	simm.s32 $0x5  }
0x10: {  	_ =	strace $0x8000004A;
	s10 =	smax.u32 s0, $0x1;
	s8 =	sadd.s32 s4, s1  }
0x11: {  	s4 =	sadd.s32 $0x16C00, s1;
	s1 =	sadd.s32 s5, s1;
	s5 =	sadd.s32 $0x16600, s7  }
0x12: {  	s7 =	sadd.s32 $0xC600, s8;
	s8 =	sadd.s32 $0x2600, s8;
	s9 =	sadd.s32 $0x17200, s1  }
.LBB2_1:
0x13: {  	[spmem:s11], [sflag:s6] =	dma.local [hbm:s5], $0x50  }
0x14: {  	_ =	swait.ge [sflag:s12], $0x50  }
0x15: {  	[sflag:s12] =	ssyncset.done $0x0  }
0x16: {  	[sflag:s12] =	ssyncadd.s32 $0xFFFFFFB0  }
0x17: {  	[tilespmem:s3], [sflag:$0x9] =	stream.linear.gather [hbm4b:s7+s3], $0x2800, $0x38;
	[tilespmem:$0x5480] =	vst v63  }
0x18: {  	_ =	swait.ge [sflag:s12], $0x2800  }
0x19: {  	[sflag:s12] =	ssyncset.done $0x0  }
0x1a: {  	s0 =	simm.s32 $0x2800;
	[sflag:s12] =	ssyncadd.s32 $0xFFFFD800  }
0x1b: {  	[tilespmem:s0], [sflag:$0x9] =	stream.linear.gather [hbm4b:s8+s3], $0x2800, $0x38;
	[tilespmem:$0x5480] =	vst v63  }
0x1c: {  	_ =	swait.ge [sflag:s12], $0x2800  }
0x1d: {  	[sflag:s12] =	ssyncset.done $0x0  }
0x1e: {  	[sflag:s12] =	ssyncadd.s32 $0xFFFFD800  }
0x1f: {  	[bflag:$0x0] =	sbarrier.arrive $0xFFFF  }
0x20: {  	[tilespmem:s15], [sflag:$0x1] =	stream.indirect.gather [hbm4b:s4+s14], $0x1, s3, s14, $0xb8;
	[tilespmem:$0x5480] =	vst v63  }
0x21: {  	_ = 	snop  }
0x22: {  	[tilespmem:s16], [sflag:$0x2] =	stream.indirect.gather [hbm4b:s4+s14], $0x1, s14, s14, $0xb8;
	[tilespmem:$0x5480] =	vst v63  }
0x23: {  	s13 =	simm.s32 $0x100  }
0x24: {  	[tilespmem:s18], [sflag:$0x3] =	stream.indirect.gather [hbm4b:s4+s14], $0x1, s13, s14, $0xb8;
	[tilespmem:$0x5480] =	vst v63  }
0x25: {  	s1 =	simm.s32 $0x180  }
0x26: {  	[tilespmem:s20], [sflag:$0x4] =	stream.indirect.gather [hbm4b:s4+s14], $0x1, s1, s14, $0xb8;
	[tilespmem:$0x5480] =	vst v63  }
0x27: {  	_ =	swait.ge [sflag:s21], $0x80  }
0x28: {  	[sflag:s21] =	ssyncset.done $0x0  }
0x29: {  	s13 =	simm.s32 $0x2800;
	[sflag:s21] =	ssyncadd.s32 $0xFFFFFF80  }
0x2a: {  	[spmem:s2] =	stream.indirect.scatter.add.f32 [tilespmem:s15], [sflag:$0x5], $0x1, s13, s14, $0xb8;
	[tilespmem:$0x5480] =	vst v63  }
0x2b: {  	_ =	swait.ge [sflag:s22], $0x80  }
0x2c: {  	[sflag:s22] =	ssyncset.done $0x0  }
0x2d: {  	s1 =	simm.s32 $0x2880;
	[sflag:s22] =	ssyncadd.s32 $0xFFFFFF80  }
0x2e: {  	[spmem:s2] =	stream.indirect.scatter.add.f32 [tilespmem:s16], [sflag:$0x6], $0x1, s1, s14, $0xb8;
	[tilespmem:$0x5480] =	vst v63  }
0x2f: {  	_ =	swait.ge [sflag:s23], $0x80  }
0x30: {  	[sflag:s23] =	ssyncset.done $0x0  }
0x31: {  	s13 =	simm.s32 $0x2900;
	[sflag:s23] =	ssyncadd.s32 $0xFFFFFF80  }
0x32: {  	[spmem:s2] =	stream.indirect.scatter.add.f32 [tilespmem:s18], [sflag:$0x7], $0x1, s13, s14, $0xb8;
	[tilespmem:$0x5480] =	vst v63  }
0x33: {  	_ =	swait.ge [sflag:s24], $0x80  }
0x34: {  	[sflag:s24] =	ssyncset.done $0x0  }
0x35: {  	s1 =	simm.s32 $0x2980;
	[sflag:s24] =	ssyncadd.s32 $0xFFFFFF80  }
0x36: {  	[spmem:s2] =	stream.indirect.scatter.add.f32 [tilespmem:s20], [sflag:$0x8], $0x1, s1, s14, $0xb8;
	[tilespmem:$0x5480] =	vst v63  }
0x37: {  	_ =	swait.ge [sflag:s25], $0x80  }
0x38: {  	[sflag:s25] =	ssyncset.done $0x0  }
0x39: {  	s13 =	simm.s32 $0x200;
	[sflag:s25] =	ssyncadd.s32 $0xFFFFFF80  }
0x3a: {  	[tilespmem:s15], [sflag:$0x1] =	stream.indirect.gather [hbm4b:s4+s14], $0x1, s13, s14, $0xb8;
	[tilespmem:$0x5480] =	vst v63  }
0x3b: {  	_ =	swait.ge [sflag:s26], $0x80  }
0x3c: {  	[sflag:s26] =	ssyncset.done $0x0  }
0x3d: {  	s1 =	simm.s32 $0x280;
	[sflag:s26] =	ssyncadd.s32 $0xFFFFFF80  }
0x3e: {  	[tilespmem:s16], [sflag:$0x2] =	stream.indirect.gather [hbm4b:s4+s14], $0x1, s1, s14, $0xb8;
	[tilespmem:$0x5480] =	vst v63  }
0x3f: {  	_ =	swait.ge [sflag:s28], $0x80  }
0x40: {  	[sflag:s28] =	ssyncset.done $0x0  }
0x41: {  	s13 =	simm.s32 $0x300;
	[sflag:s28] =	ssyncadd.s32 $0xFFFFFF80  }
0x42: {  	[tilespmem:s18], [sflag:$0x3] =	stream.indirect.gather [hbm4b:s4+s14], $0x1, s13, s14, $0xb8;
	[tilespmem:$0x5480] =	vst v63  }
0x43: {  	_ =	swait.ge [sflag:s29], $0x80  }
0x44: {  	[sflag:s29] =	ssyncset.done $0x0  }
0x45: {  	s0 =	simm.s32 $0x380;
	s1 =	simm.s32 $0x800;
	[sflag:s29] =	ssyncadd.s32 $0xFFFFFF80  }
.LBB2_2:
0x46: {  	[tilespmem:s20], [sflag:$0x4] =	stream.indirect.gather [hbm4b:s4+s14], $0x1, s0, s14, $0xb8;
	[tilespmem:$0x5480] =	vst v63  }
0x47: {  	s0 =	smov.u32 s1  }
0x48: {  	p0 =	sne.s32 s1, $0x8800;
	s1 =	sadd.s32 $0x800, s1;
	_ =	swait.ge [sflag:s21], $0x80  }
0x49: {  	s0 =	sshra.s32 s0, $0x2;
	[sflag:s21] =	ssyncset.done $0x0  }
0x4a: {  	s13 =	sadd.s32 $0x2800, s0;
	[sflag:s21] =	ssyncadd.s32 $0xFFFFFF80  }
0x4b: {  	[spmem:s2] =	stream.indirect.scatter.add.f32 [tilespmem:s15], [sflag:$0x5], $0x1, s13, s14, $0xb8;
	[tilespmem:$0x5480] =	vst v63  }
0x4c: {  	_ =	swait.ge [sflag:s22], $0x80  }
0x4d: {  	[sflag:s22] =	ssyncset.done $0x0  }
0x4e: {  	s13 =	sadd.s32 $0x2880, s0;
	[sflag:s22] =	ssyncadd.s32 $0xFFFFFF80  }
0x4f: {  	[spmem:s2] =	stream.indirect.scatter.add.f32 [tilespmem:s16], [sflag:$0x6], $0x1, s13, s14, $0xb8;
	[tilespmem:$0x5480] =	vst v63  }
0x50: {  	_ =	swait.ge [sflag:s23], $0x80  }
0x51: {  	[sflag:s23] =	ssyncset.done $0x0  }
0x52: {  	s13 =	sadd.s32 $0x2900, s0;
	[sflag:s23] =	ssyncadd.s32 $0xFFFFFF80  }
0x53: {  	[spmem:s2] =	stream.indirect.scatter.add.f32 [tilespmem:s18], [sflag:$0x7], $0x1, s13, s14, $0xb8;
	[tilespmem:$0x5480] =	vst v63  }
0x54: {  	_ =	swait.ge [sflag:s24], $0x80  }
0x55: {  	[sflag:s24] =	ssyncset.done $0x0  }
0x56: {  	s13 =	sadd.s32 $0x2980, s0;
	[sflag:s24] =	ssyncadd.s32 $0xFFFFFF80  }
0x57: {  	[spmem:s2] =	stream.indirect.scatter.add.f32 [tilespmem:s20], [sflag:$0x8], $0x1, s13, s14, $0xb8;
	[tilespmem:$0x5480] =	vst v63  }
0x58: {  	_ =	swait.ge [sflag:s25], $0x80  }
0x59: {  	[sflag:s25] =	ssyncset.done $0x0  }
0x5a: {  	s13 =	sadd.s32 $0x200, s0;
	[sflag:s25] =	ssyncadd.s32 $0xFFFFFF80  }
0x5b: {  	[tilespmem:s15], [sflag:$0x1] =	stream.indirect.gather [hbm4b:s4+s14], $0x1, s13, s14, $0xb8;
	[tilespmem:$0x5480] =	vst v63  }
0x5c: {  	_ =	swait.ge [sflag:s26], $0x80  }
0x5d: {  	[sflag:s26] =	ssyncset.done $0x0  }
0x5e: {  	s13 =	sadd.s32 $0x280, s0;
	[sflag:s26] =	ssyncadd.s32 $0xFFFFFF80  }
0x5f: {  	[tilespmem:s16], [sflag:$0x2] =	stream.indirect.gather [hbm4b:s4+s14], $0x1, s13, s14, $0xb8;
	[tilespmem:$0x5480] =	vst v63  }
0x60: {  	_ =	swait.ge [sflag:s28], $0x80  }
0x61: {  	[sflag:s28] =	ssyncset.done $0x0  }
.Ltmp0:
0x62: {  	s13 =	sadd.s32 $0x300, s0;
	[sflag:s28] =	ssyncadd.s32 $0xFFFFFF80;
	(pc) =	sbr.rel @p0 .LBB2_2-.Ltmp0, $4  }
0x63: {  	[tilespmem:s18], [sflag:$0x3] =	stream.indirect.gather [hbm4b:s4+s14], $0x1, s13, s14, $0xb8;
	[tilespmem:$0x5480] =	vst v63  }
0x64: {  	_ =	swait.ge [sflag:s29], $0x80  }
0x65: {  	[sflag:s29] =	ssyncset.done $0x0  }
0x66: {  	s0 =	sadd.s32 $0x380, s0;
	[sflag:s29] =	ssyncadd.s32 $0xFFFFFF80  }
0x67: {  	[tilespmem:s20], [sflag:$0x4] =	stream.indirect.gather [hbm4b:s4+s14], $0x1, s0, s14, $0xb8;
	[tilespmem:$0x5480] =	vst v63  }
0x68: {  	_ =	swait.ge [sflag:s21], $0x80  }
0x69: {  	[sflag:s21] =	ssyncset.done $0x0  }
0x6a: {  	s13 =	simm.s32 $0x4C00;
	[sflag:s21] =	ssyncadd.s32 $0xFFFFFF80  }
0x6b: {  	[spmem:s2] =	stream.indirect.scatter.add.f32 [tilespmem:s15], [sflag:$0x5], $0x1, s13, s14, $0xb8;
	[tilespmem:$0x5480] =	vst v63  }
0x6c: {  	_ =	swait.ge [sflag:s22], $0x80  }
0x6d: {  	[sflag:s22] =	ssyncset.done $0x0  }
0x6e: {  	s1 =	simm.s32 $0x4C80;
	[sflag:s22] =	ssyncadd.s32 $0xFFFFFF80  }
0x6f: {  	[spmem:s2] =	stream.indirect.scatter.add.f32 [tilespmem:s16], [sflag:$0x6], $0x1, s1, s14, $0xb8;
	[tilespmem:$0x5480] =	vst v63  }
0x70: {  	_ =	swait.ge [sflag:s23], $0x80  }
0x71: {  	[sflag:s23] =	ssyncset.done $0x0  }
0x72: {  	s13 =	simm.s32 $0x4D00;
	[sflag:s23] =	ssyncadd.s32 $0xFFFFFF80  }
0x73: {  	[spmem:s2] =	stream.indirect.scatter.add.f32 [tilespmem:s18], [sflag:$0x7], $0x1, s13, s14, $0xb8;
	[tilespmem:$0x5480] =	vst v63  }
0x74: {  	_ =	swait.ge [sflag:s24], $0x80  }
0x75: {  	[sflag:s24] =	ssyncset.done $0x0  }
0x76: {  	s1 =	simm.s32 $0x4D80;
	[sflag:s24] =	ssyncadd.s32 $0xFFFFFF80  }
0x77: {  	[spmem:s2] =	stream.indirect.scatter.add.f32 [tilespmem:s20], [sflag:$0x8], $0x1, s1, s14, $0xb8;
	[tilespmem:$0x5480] =	vst v63  }
0x78: {  	_ =	swait.ge [sflag:s25], $0x80  }
0x79: {  	[sflag:s25] =	ssyncset.done $0x0  }
0x7a: {  	s13 =	simm.s32 $0x2600;
	[sflag:s25] =	ssyncadd.s32 $0xFFFFFF80  }
0x7b: {  	[tilespmem:s15], [sflag:$0x1] =	stream.indirect.gather [hbm4b:s4+s14], $0x1, s13, s14, $0xb8;
	[tilespmem:$0x5480] =	vst v63  }
0x7c: {  	_ =	swait.ge [sflag:s26], $0x80  }
0x7d: {  	[sflag:s26] =	ssyncset.done $0x0  }
0x7e: {  	s1 =	simm.s32 $0x2680;
	[sflag:s26] =	ssyncadd.s32 $0xFFFFFF80  }
0x7f: {  	[tilespmem:s16], [sflag:$0x2] =	stream.indirect.gather [hbm4b:s4+s14], $0x1, s1, s14, $0xb8;
	[tilespmem:$0x5480] =	vst v63  }
0x80: {  	_ =	swait.ge [sflag:s28], $0x80  }
0x81: {  	[sflag:s28] =	ssyncset.done $0x0  }
0x82: {  	s13 =	simm.s32 $0x2700;
	[sflag:s28] =	ssyncadd.s32 $0xFFFFFF80  }
0x83: {  	[tilespmem:s18], [sflag:$0x3] =	stream.indirect.gather [hbm4b:s4+s14], $0x1, s13, s14, $0xb8;
	[tilespmem:$0x5480] =	vst v63  }
0x84: {  	_ =	swait.ge [sflag:s29], $0x80  }
0x85: {  	[sflag:s29] =	ssyncset.done $0x0  }
0x86: {  	[sflag:s29] =	ssyncadd.s32 $0xFFFFFF80  }
0x87: {  	[tilespmem:s20], [sflag:$0x4] =	stream.indirect.gather [hbm4b:s4+s14], $0x1, s30, s14, $0xb8;
	[tilespmem:$0x5480] =	vst v63  }
0x88: {  	_ =	swait.ge [sflag:s21], $0x80  }
0x89: {  	[sflag:s21] =	ssyncset.done $0x0  }
0x8a: {  	s1 =	simm.s32 $0x4E00;
	[sflag:s21] =	ssyncadd.s32 $0xFFFFFF80  }
0x8b: {  	[spmem:s2] =	stream.indirect.scatter.add.f32 [tilespmem:s15], [sflag:$0x5], $0x1, s1, s14, $0xb8;
	[tilespmem:$0x5480] =	vst v63  }
0x8c: {  	_ =	swait.ge [sflag:s22], $0x80  }
0x8d: {  	[sflag:s22] =	ssyncset.done $0x0  }
0x8e: {  	s13 =	simm.s32 $0x4E80;
	[sflag:s22] =	ssyncadd.s32 $0xFFFFFF80  }
0x8f: {  	[spmem:s2] =	stream.indirect.scatter.add.f32 [tilespmem:s16], [sflag:$0x6], $0x1, s13, s14, $0xb8;
	[tilespmem:$0x5480] =	vst v63  }
0x90: {  	_ =	swait.ge [sflag:s23], $0x80  }
0x91: {  	[sflag:s23] =	ssyncset.done $0x0  }
0x92: {  	s1 =	simm.s32 $0x4F00;
	[sflag:s23] =	ssyncadd.s32 $0xFFFFFF80  }
0x93: {  	[spmem:s2] =	stream.indirect.scatter.add.f32 [tilespmem:s18], [sflag:$0x7], $0x1, s1, s14, $0xb8;
	[tilespmem:$0x5480] =	vst v63  }
0x94: {  	_ =	swait.ge [sflag:s24], $0x80  }
0x95: {  	[sflag:s24] =	ssyncset.done $0x0  }
0x96: {  	s13 =	simm.s32 $0x4F80;
	[sflag:s24] =	ssyncadd.s32 $0xFFFFFF80  }
0x97: {  	[spmem:s2] =	stream.indirect.scatter.add.f32 [tilespmem:s20], [sflag:$0x8], $0x1, s13, s14, $0xb8;
	[tilespmem:$0x5480] =	vst v63  }
0x98: {  	_ =	swait.ge [sflag:s25], $0x80  }
0x99: {  	[sflag:s25] =	ssyncset.done $0x0  }
0x9a: {  	[sflag:s25] =	ssyncadd.s32 $0xFFFFFF80  }
0x9b: {  	[tilespmem:s15], [sflag:$0x1] =	stream.indirect.gather [hbm4b:s4+s14], $0x1, s30, s14, $0xb8;
	[tilespmem:$0x5480] =	vst v63  }
0x9c: {  	_ =	swait.ge [sflag:s26], $0x80  }
0x9d: {  	[sflag:s26] =	ssyncset.done $0x0  }
0x9e: {  	[sflag:s26] =	ssyncadd.s32 $0xFFFFFF80  }
0x9f: {  	[tilespmem:s16], [sflag:$0x2] =	stream.indirect.gather [hbm4b:s4+s14], $0x1, s30, s14, $0xb8;
	[tilespmem:$0x5480] =	vst v63  }
0xa0: {  	_ =	swait.ge [sflag:s28], $0x80  }
0xa1: {  	[sflag:s28] =	ssyncset.done $0x0  }
0xa2: {  	[sflag:s28] =	ssyncadd.s32 $0xFFFFFF80  }
0xa3: {  	[tilespmem:s18], [sflag:$0x3] =	stream.indirect.gather [hbm4b:s4+s14], $0x1, s30, s14, $0xb8;
	[tilespmem:$0x5480] =	vst v63  }
0xa4: {  	_ =	swait.ge [sflag:s29], $0x80  }
0xa5: {  	[sflag:s29] =	ssyncset.done $0x0  }
0xa6: {  	[sflag:s29] =	ssyncadd.s32 $0xFFFFFF80  }
0xa7: {  	[tilespmem:s20], [sflag:$0x4] =	stream.indirect.gather [hbm4b:s4+s14], $0x1, s30, s14, $0xb8;
	[tilespmem:$0x5480] =	vst v63  }
0xa8: {  	_ =	swait.ge [sflag:s21], $0x80  }
0xa9: {  	[sflag:s21] =	ssyncset.done $0x0  }
0xaa: {  	[sflag:s21] =	ssyncadd.s32 $0xFFFFFF80  }
0xab: {  	_ =	swait.ge [sflag:s22], $0x80  }
0xac: {  	[sflag:s22] =	ssyncset.done $0x0  }
0xad: {  	[sflag:s22] =	ssyncadd.s32 $0xFFFFFF80  }
0xae: {  	_ =	swait.ge [sflag:s23], $0x80  }
0xaf: {  	[sflag:s23] =	ssyncset.done $0x0  }
0xb0: {  	[sflag:s23] =	ssyncadd.s32 $0xFFFFFF80  }
0xb1: {  	_ =	swait.ge [sflag:s24], $0x80  }
0xb2: {  	s31 =	sadd.s32 $0x1, s31;
	[sflag:s24] =	ssyncset.done $0x0  }
0xb3: {  	p0 =	sne.s32 s31, s10;
	[sflag:s24] =	ssyncadd.s32 $0xFFFFFF80  }
.Ltmp1:
0xb4: {  	[bflag:$0x0] =	sbarrier.arrive $0xFFFF;
	(pc) =	sbr.rel @p0 .LBB2_1-.Ltmp1, $4  }
0xb5: {  	[hbm:s9@s17], [sflag:s6] =	dma.strided [spmem:s11@s19], $0x50, s21, $0x10   }
0xb6: {  	_ =	swait.ge [sflag:s12], $0x50  }
0xb7: {  	[sflag:s12] =	ssyncset.done $0x0  }
0xb8: {  	[sflag:s12] =	ssyncadd.s32 $0xFFFFFFB0  }
0xb9: {  	_ =	sfence.sel $0x180000  }
0xba: {  	[bflag:$0x0] =	sbarrier.arrive $0xFFFF  }
0xbb: {  	_ =	strace $0x9000004A  }
0xbc: {  	s0 =	stileid.u32;
	[bflag:$0x2] =	sbarrier.arrive $0xFFFF  }
0xbd: {  	p0 =	sne.s32 s0, $0x0;
	s0 =	rddreg [dreg:$0x2]  }
0xbe: {  	s0 =	sadd.s32 @!p0 $0x100000, s0  }
0xbf: {  	[sflag:s0] =	ssyncadd.tile.s32 @!p0 $0x1;
	_ =	shalt  }
.Lfunc_end2:
_tile_overlayer_lowered:
.L_overlay_start_2:
0xc0: {  	(tag) =	ssettag $0x2  }
0xc1: {  	s0 =	rddreg [dreg:$0x0];
	s2 =	stileid.u32  }
0xc2: {  	s1 =	rddreg [dreg:$0x1];
	p0 =	sne.s32 s2, $0x0  }
0xc3: {  	s3 =	rddreg [dreg:$0x2];
	[bflag:$0x3] =	sbarrier.arrive $0xFFFF;
	s2 =	simm.s32 @!p0 $0x1C09  }
0xc4: {  	[timem:s3], [sflag:s2] =	dma.local @!p0 [hbm:s0], s1  }
0xc5: {  	s0 =	simm.s32 @!p0 $0x9  }
0xc6: {  	_ =	swait.ge @!p0 [sflag:s0], s1  }
0xc7: {  	s1 =	ssub.s32 @!p0 $0x0, s1;
	[sflag:s0] =	ssyncset.done @!p0 $0x0  }
0xc8: {  	[sflag:s0] =	ssyncadd.s32 @!p0 s1  }
0xc9: {  	[bflag:$0x3] =	sbarrier.arrive $0xFFFF  }
0xca: {  	_ =	shalt  }

// kernel: kernel.16.cloned.1.call-start
scs
__scs_entry_jumppad:
0x0: {  	(pc) =	sbr.rel $0x88, $3  }
0x1: {  	(tag) =	ssettag $0x0;
	lr =	simm.s32 $0x1  }
0x2: {  	[smem:$0x3F99] =	sst lr;
	_ =	strace $0xD0000000  }
0x3: {  	_ = 	snop  }
0x4: {  	_ = 	snop  }
0x5: {  	_ = 	snop  }
0x6: {  	_ = 	snop  }
0x7: {  	_ = 	snop  }
__scs_overlays_trampoline_lowered:
0x8: {  	[smem:$0x3FA8] =	sst s0  }
0x9: {  	[smem:$0x3FA9] =	sst s1  }
0xa: {  	[smem:$0x3FAA] =	sst s2  }
0xb: {  	[smem:$0x3FAB] =	sst s3  }
0xc: {  	[smem:$0x3FAC] =	sst s4  }
0xd: {  	[smem:$0x3FAD] =	sst s5  }
0xe: {  	[smem:$0x3FAE] =	sst s6  }
0xf: {  	[smem:$0x3FAF] =	sst s7  }
0x10: {  	[smem:$0x3FB0] =	sst s8  }
0x11: {  	[smem:$0x3FB1] =	sst s9;
	s0 =	simm.s32 @!p0 $0x0  }
0x12: {  	s1 =	sld [smem:$0x3F97];
	s0 =	simm.s32 @p0 $0x1  }
0x13: {  	[smem:$0x3FB2] =	sst s0;
	s0 =	simm.s32 @!p1 $0x0  }
0x14: {  	s2 =	sld [smem:$0x3F96];
	s0 =	simm.s32 @p1 $0x1  }
0x15: {  	[smem:$0x3FB3] =	sst s0;
	s0 =	simm.s32 @!p2 $0x0  }
0x16: {  	s3 =	sld [smem:$0x3FDB];
	s0 =	simm.s32 @p2 $0x1  }
0x17: {  	s4 =	simm.s32 $0x1BF5;
	[smem:$0x3FB5] =	sst s0  }
0x18: {  	s0 =	sld [smem:$0x3F98];
	_ =	swait.ge [sflag:s4], $0x0  }
0x19: {  	s7 =	sld [smem:$0x3F99]  }
0x1a: {  	s8 =	sadd.s32 $0xFFFFE003, lr  }
0x1b: {  	s9 =	sadd.s32 $0xFFFFFEF7, lr;
	s5 =	simm.s32 $0xFFFFFFFF;
	p2 =	slt.u32 s8, $0xFFFFF086  }
0x1c: {  	p1 =	slt.u32 s9, $0xF7A;
	s5 =	simm.s32 @!p2 $0x0  }
0x1d: {  	s5 =	simm.s32 @p1 $0x1;
	p0 =	seq.s32 s7, s2  }
0x1e: {  	s7 =	smul.u32 @!p0 $0xF7A, s2;
	p2 =	seq.s32 @!p0 s5, $0x0  }
0x1f: {  	s9 =	smul.u32 $0xF7A, s1;
	s8 =	simm.s32 @!p0 $0x1BF5;
	p2 =	por !p2, p0  }
0x20: {  	[sflag:s8] =	ssyncset.s32 @!p0 $0xFFFFF086;
	s6 =	sadd.s32 @!p0 s3, s7;
	s7 =	simm.s32 @!p0 $0x108  }
0x21: {  	s3 =	sadd.s32 s3, s9;
	s6 =	sadd.s32 @!p0 $0x88, s6;
	s7 =	simm.s32 @p2 $0x1082  }
0x22: {  	[simem:s7], [sflag:s8] =	dma.local @!p0 [hbm:s6], $0xF7A  }
0x23: {  	s9 =	sor.u32 $0xD0000000, s2;
	s6 =	simm.s32 $0x108;
	_ =	swait.ge @!p0 [sflag:s8], $0x0  }
0x24: {  	s3 =	sadd.s32 $0x88, s3;
	s6 =	simm.s32 @!p1 $0x1082;
	[sflag:s4] =	ssyncset.s32 $0xFFFFF086  }
0x25: {  	[simem:s6], [sflag:s4] =	dma.local [hbm:s3], $0xF7A  }
0x26: {  	[smem:$0x3F99] =	sst s1;
	(tag) =	ssettag s2;
	_ =	strace s9  }
0x27: {  	s1 =	sld [smem:$0x3FA9]  }
0x28: {  	s2 =	sld [smem:$0x3FAA]  }
0x29: {  	s4 =	sld [smem:$0x3FAC]  }
0x2a: {  	p0 =	seq.s32 s5, $0x0;
	s5 =	sld [smem:$0x3FAD]  }
0x2b: {  	s6 =	sld [smem:$0x3FAE]  }
0x2c: {  	s7 =	sld [smem:$0x3FAF]  }
0x2d: {  	s3 =	simm.s32 $0x108;
	s8 =	sld [smem:$0x3FB0]  }
0x2e: {  	s3 =	simm.s32 @!p0 $0x1082;
	s9 =	sld [smem:$0x3FB1]  }
0x2f: {  	lr =	sadd.s32 s0, s3;
	s0 =	sld [smem:$0x3FA8]  }
0x30: {  	s3 =	sld [smem:$0x3FAB]  }
0x31: {  	[smem:$0x3FB4] =	sst s10  }
0x32: {  	s10 =	sld [smem:$0x3FB2];
	_ =	sdelay $0x3  }
0x33: {  	p0 =	seq.s32 s10, $0x1;
	s10 =	sld [smem:$0x3FB4];
	_ =	sdelay $0x3  }
0x34: {  	[smem:$0x3FB4] =	sst s10  }
0x35: {  	s10 =	sld [smem:$0x3FB3];
	_ =	sdelay $0x3  }
0x36: {  	p1 =	seq.s32 s10, $0x1;
	s10 =	sld [smem:$0x3FB4];
	_ =	sdelay $0x3  }
0x37: {  	[smem:$0x3FB4] =	sst s10  }
0x38: {  	s10 =	sld [smem:$0x3FB5]  }
0x39: {  	_ = 	snop;
	(pc) =	sbr.ind lr, $3  }
0x3a: {  	_ = 	snop  }
0x3b: {  	_ = 	snop  }
0x3c: {  	p2 =	seq.s32 s10, $0x1;
	s10 =	sld [smem:$0x3FB4]  }
0x3d: {  	_ =	shalt  }
0x3e: {  	_ =	shalt  }
0x3f: {  	_ =	shalt  }
0x40: {  	_ =	shalt  }
0x41: {  	_ =	shalt  }
0x42: {  	_ =	shalt  }
0x43: {  	_ =	shalt  }
0x44: {  	_ =	shalt  }
0x45: {  	_ =	shalt  }
0x46: {  	_ =	shalt  }
0x47: {  	_ =	shalt  }
0x48: {  	_ =	shalt  }
0x49: {  	_ =	shalt  }
0x4a: {  	_ =	shalt  }
0x4b: {  	_ =	shalt  }
0x4c: {  	_ =	shalt  }
0x4d: {  	_ =	shalt  }
0x4e: {  	_ =	shalt  }
0x4f: {  	_ =	shalt  }
0x50: {  	_ =	shalt  }
0x51: {  	_ =	shalt  }
0x52: {  	_ =	shalt  }
0x53: {  	_ =	shalt  }
0x54: {  	_ =	shalt  }
0x55: {  	_ =	shalt  }
0x56: {  	_ =	shalt  }
0x57: {  	_ =	shalt  }
0x58: {  	_ =	shalt  }
0x59: {  	_ =	shalt  }
0x5a: {  	_ =	shalt  }
0x5b: {  	_ =	shalt  }
0x5c: {  	_ =	shalt  }
0x5d: {  	_ =	shalt  }
0x5e: {  	_ =	shalt  }
0x5f: {  	_ =	shalt  }
0x60: {  	_ =	shalt  }
0x61: {  	_ =	shalt  }
0x62: {  	_ =	shalt  }
0x63: {  	_ =	shalt  }
0x64: {  	_ =	shalt  }
0x65: {  	_ =	shalt  }
0x66: {  	_ =	shalt  }
0x67: {  	_ =	shalt  }
0x68: {  	_ =	shalt  }
0x69: {  	_ =	shalt  }
0x6a: {  	_ =	shalt  }
0x6b: {  	_ =	shalt  }
0x6c: {  	_ =	shalt  }
0x6d: {  	_ =	shalt  }
0x6e: {  	_ =	shalt  }
0x6f: {  	_ =	shalt  }
0x70: {  	_ =	shalt  }
0x71: {  	_ =	shalt  }
0x72: {  	_ =	shalt  }
0x73: {  	_ =	shalt  }
0x74: {  	_ =	shalt  }
0x75: {  	_ =	shalt  }
0x76: {  	_ =	shalt  }
0x77: {  	_ =	shalt  }
0x78: {  	_ =	shalt  }
0x79: {  	_ =	shalt  }
0x7a: {  	_ =	shalt  }
0x7b: {  	_ =	shalt  }
0x7c: {  	_ =	shalt  }
0x7d: {  	_ =	shalt  }
0x7e: {  	_ =	shalt  }
0x7f: {  	_ =	shalt  }
0x80: {  	_ =	shalt  }
0x81: {  	_ =	shalt  }
0x82: {  	_ =	shalt  }
0x83: {  	_ =	shalt  }
0x84: {  	_ =	shalt  }
0x85: {  	_ =	shalt  }
0x86: {  	_ =	shalt  }
0x87: {  	_ =	shalt  }
.Lfunc_end0:
.L_simem_size_0:
called_computation.2_lowered:
.L_overlay_start_0:
0x88: {  	s2 =	sld [smem:$0x3FD9]  }
0x89: {  	s3 =	sld [smem:$0x3FFE];
	_ =	sdelay $0x1  }
0x8a: {  	s1 =	srdreg.scid  }
0x8b: {  	s0 =	sand.u32 $0x1, s1  }
0x8c: {  	s16 =	sshll.u32 s0, $0xA;
	s2 =	sadd.s32 s3, s2  }
0x8d: {  	s2 =	sadd.s32 s2, s16  }
0x8e: {  	[smem:$0x3FC0] =	sst s2  }
0x8f: {  	_ = 	snop  }
0x90: {  	(tm) =	ssettm $0x1  }
0x91: {  	s17 =	sld [smem:$0x3FFB];
	_ =	sdelay $0x3  }
0x92: {  	_ =	strace s17  }
0x93: {  	s2 =	sld [smem:$0x3FFC];
	_ =	sdelay $0x3  }
0x94: {  	_ =	strace s2  }
0x95: {  	s2 =	sld [smem:$0x3FFD];
	_ =	sdelay $0x3  }
0x96: {  	_ =	strace s2  }
0x97: {  	_ =	strace $0x8FFFFFFF  }
0x98: {  	s18 =	sld [smem:$0x3FDB];
	_ =	sdelay $0x1  }
0x99: {  	s19 =	simm.s32 $_scs_section_size  }
0x9a: {  	s4 =	simm.s32 $_size__tile_overlayer_lowered;
	s5 =	simm.s32 $_tile_overlayer_lowered  }
0x9b: {  	s22 =	simm.s32 $0x1BFF;
	s21 =	sshll.u32 s5, $0x1;
	s2 =	sadd.s32 s19, s18  }
0x9c: {  	s6 =	simm.s32 $0x0;
	s20 =	sshll.u32 s4, $0x1;
	s4 =	sadd.s32 s21, s2  }
0x9d: {  	[timem:s6], [sflag:s22] =	dma.local [hbm:s4], s20  }
0x9e: {  	_ =	swait.ge [sflag:s22], s20  }
0x9f: {  	s3 =	ssub.s32 $0x0, s20;
	[sflag:s22] =	ssyncset.done $0x0  }
0xa0: {  	[sflag:s22] =	ssyncadd.s32 s3;
	_ =	sdelay $0x1  }
0xa1: {  	s23 =	simm.s32 $0x1B8B  }
0xa2: {  	_ =	swait.ge [sflag:s23], $0x1  }
0xa3: {  	[sflag:s23] =	ssyncset.done $0x0  }
0xa4: {  	s25 =	simm.s32 $0x1B8E;
	s24 =	sld [smem:$0x3FFE];
	[sflag:s23] =	ssyncadd.s32 $0xFFFFFFFF  }
0xa5: {  	s26 =	simm.s32 $execute0_lowered;
	[smem:$0x3FD2] =	sst s25  }
0xa6: {  	s4 =	sshll.u32 s26, $0x1;
	_ =	strace $0x8000004C;
	[dreg:$0x1] =	wrdreg $0xFFFFFFFF  }
0xa7: {  	s28 =	simm.s32 $_size_execute0_lowered;
	s2 =	sadd.s32 s2, s4;
	[dreg:$0x0] =	wrdreg $0x0  }
0xa8: {  	s4 =	sshll.u32 s28, $0x1;
	[dreg:$0x2] =	wrdreg s2  }
0xa9: {  	[dreg:$0x3] =	wrdreg s4  }
0xaa: {  	[dreg:$0x4] =	wrdreg $0xC0  }
0xab: {  	_ =	task [dreg:s6], $0x5FFFF  }
0xac: {  	[dreg:$0x1] =	wrdreg $0xFFFFFFFF  }
0xad: {  	[dreg:$0x0] =	wrdreg $0x60  }
0xae: {  	[dreg:$0x2] =	wrdreg s24  }
0xaf: {  	[dreg:$0x3] =	wrdreg $0x54000  }
0xb0: {  	[dreg:$0x4] =	wrdreg $0x9  }
0xb1: {  	_ =	task.clear_ibuf [dreg:s6], $0x5FFFF;
	_ =	strace $0x9000004C  }
0xb2: {  	s29 =	simm.s32 $0x9;
	_ =	strace $0x8000004E  }
0xb3: {  	_ =	swait.ge [sflag:s29], $0x1  }
0xb4: {  	[sflag:s29] =	ssyncadd.s32 $0xFFFFFFFF  }
0xb5: {  	_ =	strace $0x9000004E  }
0xb6: {  	_ =	sfence  }
0xb7: {  	s30 =	sld [smem:$0x0];
	_ =	sdelay $0x2  }
0xb8: {  	s31 =	sshll.u32 s1, $0xD;
	s1 =	sshrl.u32 s1, $0x2  }
0xb9: {  	s3 =	sand.u32 $0x4000, s31;
	s1 =	sadd.s32 s1, s30  }
0xba: {  	s0 =	sor.u32 s3, s0;
	s1 =	sshll.u32 s1, $0x11  }
0xbb: {  	s0 =	sor.u32 s1, s0  }
0xbc: {  	s0 =	sadd.s32 $0x8F2B, s0  }
0xbd: {  	[sflag:s0] =	ssyncadd.remote.s32 $0x1  }
0xbe: {  	_ =	sfence.sel $0xFFFF  }
0xbf: {  	[dreg:$0x0] =	wrdreg $0xFFFFFFFF;
	(pc) =	sbr.abs _section_cstart, $3  }
0xc0: {  	[dreg:$0x1] =	wrdreg $0xFFFFFFFF  }
0xc1: {  	_ =	task.clear_ibuf [dreg:s6], $0x2FFFF;
	_ =	strace $0x9FFFFFFF  }
0xc2: {  	(tm) =	ssettm $0x7FFFFFFF  }
0xc3: {  	_ =	shalt  }
tec
execute0_lowered:
.L_overlay_start_1:
0x0: {  	(tag) =	ssettag $0x1  }
0x1: {  	s0 =	srdreg.scid  }
0x2: {  	s1 =	rddreg [dreg:$0x0];
	s9 =	stileid.u32  }
0x3: {  	s2 =	rddreg [dreg:$0x1];
	s12 =	simm.s32 $0x9;
	s14 =	simm.s32 $0x80  }
0x4: {  	s15 =	simm.s32 $0x5000;
	s16 =	simm.s32 $0x5080;
	s18 =	simm.s32 $0x5100  }
0x5: {  	s20 =	simm.s32 $0x5180;
	s21 =	simm.s32 $0x1;
	s25 =	simm.s32 $0x5200  }
0x6: {  	s26 =	simm.s32 $0x5280;
	s28 =	simm.s32 $0x5;
	s29 =	simm.s32 $0x6  }
0x7: {  	s30 =	simm.s32 $0x7;
	s31 =	simm.s32 $0x8;
	s5 =	smul.u32 $0xA00, s9  }
0x8: {  	s13 =	simm.s32 $0x0;
	s0 =	sand.u32 $0x1, s0;
	s6 =	smul.u32 $0x500, s9  }
0x9: {  	s24 =	sshll.u32 s9, $0x6;
	s3 =	sshll.u32 s0, $0x4;
	s7 =	sshll.u32 s0, $0x7  }
0xa: {  	s0 =	ssub.s32 $0x2, s0;
	s4 =	sor.u32 s9, s3;
	s3 =	simm.s32 $0x0  }
0xb: {  	s5 =	sor.u32 s7, s5;
	s22 =	sshrl.u32 s6, $0x3;
	s23 =	sshrl.u32 s0, $0x1  }
0xc: {  	s11 =	sadd.s32 s6, s2;
	s6 =	sor.u32 $0x1C09, s24;
	s24 =	simm.s32 $0x5300  }
0xd: {  	s4 =	smul.u32 $0x500, s4;
	[smem:$0x7FF] =	sst s3;
	s5 =	sshrl.u32 s5, $0x3  }
0xe: {  	s7 =	sadd.s32 s22, s1;
	s0 =	ssub.s32 s0, s23;
	s11 =	sshrl.u32 s11, $0x3  }
0xf: {  	s22 =	simm.s32 $0x2;
	_ =	strace $0x8000004D;
	[dreg:$0x3] =	wrdreg s25  }
0x10: {  	s23 =	simm.s32 $0x3;
	s10 =	smax.u32 s0, $0x1;
	[dreg:$0x4] =	wrdreg s26  }
0x11: {  	s25 =	simm.s32 $0x4;
	s26 =	simm.s32 $0x5380;
	s8 =	sadd.s32 s4, s1  }
0x12: {  	s4 =	sadd.s32 $0x16600, s1;
	s1 =	sadd.s32 s5, s1;
	s5 =	sadd.s32 $0x16C00, s7  }
0x13: {  	v0 =	vimm.s32 $0x0;
	s7 =	sadd.s32 $0xC600, s8;
	s8 =	sadd.s32 $0x2600, s8;
	s9 =	sadd.s32 $0x17600, s1  }
.LBB2_1:
0x14: {  	[spmem:s11], [sflag:s6] =	dma.local [hbm:s5], $0xA0  }
0x15: {  	_ =	swait.ge [sflag:s12], $0xA0  }
0x16: {  	[sflag:s12] =	ssyncset.done $0x0  }
0x17: {  	[sflag:s12] =	ssyncadd.s32 $0xFFFFFF60  }
0x18: {  	[tilespmem:s3], [sflag:$0x9] =	stream.linear.gather [hbm4b:s7+s3], $0x2800, $0x38;
	[tilespmem:$0x5900] =	vst v63  }
0x19: {  	_ =	swait.ge [sflag:s12], $0x2800  }
0x1a: {  	[sflag:s12] =	ssyncset.done $0x0  }
0x1b: {  	s0 =	simm.s32 $0x2800;
	[sflag:s12] =	ssyncadd.s32 $0xFFFFD800  }
0x1c: {  	[tilespmem:s0], [sflag:$0x9] =	stream.linear.gather [hbm4b:s8+s3], $0x2800, $0x38;
	[tilespmem:$0x5900] =	vst v63  }
0x1d: {  	_ =	swait.ge [sflag:s12], $0x2800  }
0x1e: {  	[sflag:s12] =	ssyncset.done $0x0  }
0x1f: {  	[sflag:s12] =	ssyncadd.s32 $0xFFFFD800  }
0x20: {  	[bflag:$0x0] =	sbarrier.arrive $0xFFFF  }
0x21: {  	[tilespmem:s15], [sflag:$0x1] =	stream.indirect.gather [hbm4b:s4+s14], $0x1, s3, s14, $0xb8;
	[tilespmem:$0x5900] =	vst v63  }
0x22: {  	_ = 	snop  }
0x23: {  	[tilespmem:s16], [sflag:$0x2] =	stream.indirect.gather [hbm4b:s4+s14], $0x1, s14, s14, $0xb8;
	[tilespmem:$0x5900] =	vst v63  }
0x24: {  	s17 =	simm.s32 $0x100  }
0x25: {  	[tilespmem:s18], [sflag:$0x3] =	stream.indirect.gather [hbm4b:s4+s14], $0x1, s17, s14, $0xb8;
	[tilespmem:$0x5900] =	vst v63  }
0x26: {  	s19 =	simm.s32 $0x180  }
0x27: {  	[tilespmem:s20], [sflag:$0x4] =	stream.indirect.gather [hbm4b:s4+s14], $0x1, s19, s14, $0xb8;
	[tilespmem:$0x5900] =	vst v63  }
0x28: {  	_ =	swait.ge [sflag:s21], $0x80  }
0x29: {  	[sflag:s21] =	ssyncset.done $0x0  }
0x2a: {  	[sflag:s21] =	ssyncadd.s32 $0xFFFFFF80  }
0x2b: {  	s1 =	simm.s32 $0x2900;
	v1 =	vld [tilespmem:$0x5000]  }
0x2c: {  	v2 =	vld [tilespmem:s1+$0xFFFFFF00];
	_ =	sdelay $0x3  }
0x2d: {  	vm0 =	vlt.f32 v1, $0.0e+00  }
0x2e: {  	v2 =	vshll.u32 v2, $0x1;
	v1 =	vsel vm0, $0x1, v0  }
0x2f: {  	v1 =	vor.u32 v1, v2  }
0x30: {  	v2 =	vld [tilespmem:$0x5010];
	[tilespmem:$0x5200] =	vst v1  }
0x31: {  	v1 =	vld [tilespmem:s1+$0xFFFFFF10];
	_ =	sdelay $0x3  }
0x32: {  	vm9 =	vlt.f32 v2, $0.0e+00  }
0x33: {  	v2 =	vsel vm9, $0x1, v0;
	v1 =	vshll.u32 v1, $0x1  }
0x34: {  	v1 =	vor.u32 v2, v1  }
0x35: {  	v2 =	vld [tilespmem:$0x5020];
	[tilespmem:$0x5210] =	vst v1  }
0x36: {  	v1 =	vld [tilespmem:s1+$0xFFFFFF20];
	_ =	sdelay $0x3  }
0x37: {  	vm10 =	vlt.f32 v2, $0.0e+00  }
0x38: {  	v2 =	vsel vm10, $0x1, v0;
	v1 =	vshll.u32 v1, $0x1  }
0x39: {  	v1 =	vor.u32 v2, v1  }
0x3a: {  	v2 =	vld [tilespmem:$0x5030];
	[tilespmem:$0x5220] =	vst v1  }
0x3b: {  	v1 =	vld [tilespmem:s1+$0xFFFFFF30];
	_ =	sdelay $0x3  }
0x3c: {  	vm11 =	vlt.f32 v2, $0.0e+00  }
0x3d: {  	v2 =	vsel vm11, $0x1, v0;
	v1 =	vshll.u32 v1, $0x1  }
0x3e: {  	v1 =	vor.u32 v2, v1  }
0x3f: {  	v2 =	vld [tilespmem:$0x5040];
	[tilespmem:$0x5230] =	vst v1  }
0x40: {  	v1 =	vld [tilespmem:s1+$0xFFFFFF40];
	_ =	sdelay $0x3  }
0x41: {  	vm12 =	vlt.f32 v2, $0.0e+00  }
0x42: {  	v2 =	vsel vm12, $0x1, v0;
	v1 =	vshll.u32 v1, $0x1  }
0x43: {  	v1 =	vor.u32 v2, v1  }
0x44: {  	v2 =	vld [tilespmem:$0x5050];
	[tilespmem:$0x5240] =	vst v1  }
0x45: {  	v1 =	vld [tilespmem:s1+$0xFFFFFF50];
	_ =	sdelay $0x3  }
0x46: {  	vm13 =	vlt.f32 v2, $0.0e+00  }
0x47: {  	v2 =	vsel vm13, $0x1, v0;
	v1 =	vshll.u32 v1, $0x1  }
0x48: {  	v1 =	vor.u32 v2, v1  }
0x49: {  	v2 =	vld [tilespmem:$0x5060];
	[tilespmem:$0x5250] =	vst v1  }
0x4a: {  	v1 =	vld [tilespmem:s1+$0xFFFFFF60];
	_ =	sdelay $0x3  }
0x4b: {  	vm14 =	vlt.f32 v2, $0.0e+00  }
0x4c: {  	v2 =	vsel vm14, $0x1, v0;
	v1 =	vshll.u32 v1, $0x1  }
0x4d: {  	v1 =	vor.u32 v2, v1  }
0x4e: {  	v2 =	vld [tilespmem:$0x5070];
	[tilespmem:$0x5260] =	vst v1  }
0x4f: {  	v1 =	vld [tilespmem:s1+$0xFFFFFF70];
	_ =	sdelay $0x3  }
0x50: {  	vm15 =	vlt.f32 v2, $0.0e+00  }
0x51: {  	v2 =	vsel vm15, $0x1, v0;
	v1 =	vshll.u32 v1, $0x1  }
0x52: {  	v1 =	vor.u32 v2, v1  }
0x53: {  	s17 =	rddreg [dreg:$0x3];
	[tilespmem:$0x5270] =	vst v1  }
0x54: {  	[spmem:s2] =	stream.indirect.scatter.add.f32 [tilespmem:s15], [sflag:$0x5], $0x1, s17, s14, $0xb8;
	[tilespmem:$0x5900] =	vst v63  }
0x55: {  	_ =	swait.ge [sflag:s22], $0x80  }
0x56: {  	[sflag:s22] =	ssyncset.done $0x0  }
0x57: {  	[sflag:s22] =	ssyncadd.s32 $0xFFFFFF80  }
0x58: {  	v1 =	vld [tilespmem:$0x5080]  }
0x59: {  	v2 =	vld [tilespmem:s1+$0xFFFFFF80];
	_ =	sdelay $0x3  }
0x5a: {  	vm4 =	vlt.f32 v1, $0.0e+00  }
0x5b: {  	v2 =	vshll.u32 v2, $0x1;
	v1 =	vsel vm4, $0x1, v0  }
0x5c: {  	v1 =	vor.u32 v1, v2  }
0x5d: {  	v2 =	vld [tilespmem:$0x5090];
	[tilespmem:$0x5280] =	vst v1  }
0x5e: {  	v1 =	vld [tilespmem:s1+$0xFFFFFF90];
	_ =	sdelay $0x3  }
0x5f: {  	vm5 =	vlt.f32 v2, $0.0e+00  }
0x60: {  	v2 =	vsel vm5, $0x1, v0;
	v1 =	vshll.u32 v1, $0x1  }
0x61: {  	v1 =	vor.u32 v2, v1  }
0x62: {  	v2 =	vld [tilespmem:$0x50A0];
	[tilespmem:$0x5290] =	vst v1  }
0x63: {  	v1 =	vld [tilespmem:s1+$0xFFFFFFA0];
	_ =	sdelay $0x3  }
0x64: {  	vm6 =	vlt.f32 v2, $0.0e+00  }
0x65: {  	v2 =	vsel vm6, $0x1, v0;
	v1 =	vshll.u32 v1, $0x1  }
0x66: {  	v1 =	vor.u32 v2, v1  }
0x67: {  	v2 =	vld [tilespmem:$0x50B0];
	[tilespmem:$0x52A0] =	vst v1  }
0x68: {  	v1 =	vld [tilespmem:s1+$0xFFFFFFB0];
	_ =	sdelay $0x3  }
0x69: {  	vm7 =	vlt.f32 v2, $0.0e+00  }
0x6a: {  	v2 =	vsel vm7, $0x1, v0;
	v1 =	vshll.u32 v1, $0x1  }
0x6b: {  	v1 =	vor.u32 v2, v1  }
0x6c: {  	v2 =	vld [tilespmem:$0x50C0];
	[tilespmem:$0x52B0] =	vst v1  }
0x6d: {  	v1 =	vld [tilespmem:s1+$0xFFFFFFC0];
	_ =	sdelay $0x3  }
0x6e: {  	vm8 =	vlt.f32 v2, $0.0e+00  }
0x6f: {  	v2 =	vsel vm8, $0x1, v0;
	v1 =	vshll.u32 v1, $0x1  }
0x70: {  	v1 =	vor.u32 v2, v1  }
0x71: {  	v2 =	vld [tilespmem:$0x50D0];
	[tilespmem:$0x52C0] =	vst v1  }
0x72: {  	v1 =	vld [tilespmem:s1+$0xFFFFFFD0];
	_ =	sdelay $0x3  }
0x73: {  	vm9 =	vlt.f32 v2, $0.0e+00  }
0x74: {  	v2 =	vsel vm9, $0x1, v0;
	v1 =	vshll.u32 v1, $0x1  }
0x75: {  	v1 =	vor.u32 v2, v1  }
0x76: {  	v2 =	vld [tilespmem:$0x50E0];
	[tilespmem:$0x52D0] =	vst v1  }
0x77: {  	v1 =	vld [tilespmem:s1+$0xFFFFFFE0];
	_ =	sdelay $0x3  }
0x78: {  	vm10 =	vlt.f32 v2, $0.0e+00  }
0x79: {  	v2 =	vsel vm10, $0x1, v0;
	v1 =	vshll.u32 v1, $0x1  }
0x7a: {  	v1 =	vor.u32 v2, v1  }
0x7b: {  	v2 =	vld [tilespmem:$0x50F0];
	[tilespmem:$0x52E0] =	vst v1  }
0x7c: {  	v1 =	vld [tilespmem:s1+$0xFFFFFFF0];
	_ =	sdelay $0x3  }
0x7d: {  	vm11 =	vlt.f32 v2, $0.0e+00  }
0x7e: {  	v2 =	vsel vm11, $0x1, v0;
	v1 =	vshll.u32 v1, $0x1  }
0x7f: {  	v1 =	vor.u32 v2, v1  }
0x80: {  	s0 =	rddreg [dreg:$0x4];
	[tilespmem:$0x52F0] =	vst v1  }
0x81: {  	[spmem:s2] =	stream.indirect.scatter.add.f32 [tilespmem:s16], [sflag:$0x6], $0x1, s0, s14, $0xb8;
	[tilespmem:$0x5900] =	vst v63  }
0x82: {  	_ =	swait.ge [sflag:s23], $0x80  }
0x83: {  	[sflag:s23] =	ssyncset.done $0x0  }
0x84: {  	[sflag:s23] =	ssyncadd.s32 $0xFFFFFF80  }
0x85: {  	v1 =	vld [tilespmem:$0x5100]  }
0x86: {  	v2 =	vld [tilespmem:s1+$0x0];
	_ =	sdelay $0x3  }
0x87: {  	vm12 =	vlt.f32 v1, $0.0e+00  }
0x88: {  	v2 =	vshll.u32 v2, $0x1;
	v1 =	vsel vm12, $0x1, v0  }
0x89: {  	v1 =	vor.u32 v1, v2  }
0x8a: {  	v2 =	vld [tilespmem:$0x5110];
	[tilespmem:$0x5300] =	vst v1  }
0x8b: {  	v1 =	vld [tilespmem:s1+$0x10];
	_ =	sdelay $0x3  }
0x8c: {  	vm13 =	vlt.f32 v2, $0.0e+00  }
0x8d: {  	v2 =	vsel vm13, $0x1, v0;
	v1 =	vshll.u32 v1, $0x1  }
0x8e: {  	v1 =	vor.u32 v2, v1  }
0x8f: {  	v2 =	vld [tilespmem:$0x5120];
	[tilespmem:$0x5310] =	vst v1  }
0x90: {  	v1 =	vld [tilespmem:s1+$0x20];
	_ =	sdelay $0x3  }
0x91: {  	vm14 =	vlt.f32 v2, $0.0e+00  }
0x92: {  	v2 =	vsel vm14, $0x1, v0;
	v1 =	vshll.u32 v1, $0x1  }
0x93: {  	v1 =	vor.u32 v2, v1  }
0x94: {  	v2 =	vld [tilespmem:$0x5130];
	[tilespmem:$0x5320] =	vst v1  }
0x95: {  	v1 =	vld [tilespmem:s1+$0x30];
	_ =	sdelay $0x3  }
0x96: {  	vm15 =	vlt.f32 v2, $0.0e+00  }
0x97: {  	v2 =	vsel vm15, $0x1, v0;
	v1 =	vshll.u32 v1, $0x1  }
0x98: {  	v1 =	vor.u32 v2, v1  }
0x99: {  	v2 =	vld [tilespmem:$0x5140];
	[tilespmem:$0x5330] =	vst v1  }
0x9a: {  	v1 =	vld [tilespmem:s1+$0x40];
	_ =	sdelay $0x3  }
0x9b: {  	vm4 =	vlt.f32 v2, $0.0e+00  }
0x9c: {  	v2 =	vsel vm4, $0x1, v0;
	v1 =	vshll.u32 v1, $0x1  }
0x9d: {  	v1 =	vor.u32 v2, v1  }
0x9e: {  	v2 =	vld [tilespmem:$0x5150];
	[tilespmem:$0x5340] =	vst v1  }
0x9f: {  	v1 =	vld [tilespmem:s1+$0x50];
	_ =	sdelay $0x3  }
0xa0: {  	vm5 =	vlt.f32 v2, $0.0e+00  }
0xa1: {  	v2 =	vsel vm5, $0x1, v0;
	v1 =	vshll.u32 v1, $0x1  }
0xa2: {  	v1 =	vor.u32 v2, v1  }
0xa3: {  	v2 =	vld [tilespmem:$0x5160];
	[tilespmem:$0x5350] =	vst v1  }
0xa4: {  	v1 =	vld [tilespmem:s1+$0x60];
	_ =	sdelay $0x3  }
0xa5: {  	vm6 =	vlt.f32 v2, $0.0e+00  }
0xa6: {  	v2 =	vsel vm6, $0x1, v0;
	v1 =	vshll.u32 v1, $0x1  }
0xa7: {  	v1 =	vor.u32 v2, v1  }
0xa8: {  	v2 =	vld [tilespmem:$0x5170];
	[tilespmem:$0x5360] =	vst v1  }
0xa9: {  	v1 =	vld [tilespmem:s1+$0x70];
	_ =	sdelay $0x3  }
0xaa: {  	vm7 =	vlt.f32 v2, $0.0e+00  }
0xab: {  	v2 =	vsel vm7, $0x1, v0;
	v1 =	vshll.u32 v1, $0x1  }
0xac: {  	v1 =	vor.u32 v2, v1  }
0xad: {  	[tilespmem:$0x5370] =	vst v1  }
0xae: {  	[spmem:s2] =	stream.indirect.scatter.add.f32 [tilespmem:s18], [sflag:$0x7], $0x1, s24, s14, $0xb8;
	[tilespmem:$0x5900] =	vst v63  }
0xaf: {  	_ =	swait.ge [sflag:s25], $0x80  }
0xb0: {  	[sflag:s25] =	ssyncset.done $0x0  }
0xb1: {  	[sflag:s25] =	ssyncadd.s32 $0xFFFFFF80  }
0xb2: {  	v1 =	vld [tilespmem:$0x5180]  }
0xb3: {  	v2 =	vld [tilespmem:s1+$0x80];
	_ =	sdelay $0x3  }
0xb4: {  	vm8 =	vlt.f32 v1, $0.0e+00  }
0xb5: {  	v2 =	vshll.u32 v2, $0x1;
	v1 =	vsel vm8, $0x1, v0  }
0xb6: {  	v1 =	vor.u32 v1, v2  }
0xb7: {  	v2 =	vld [tilespmem:$0x5190];
	[tilespmem:$0x5380] =	vst v1  }
0xb8: {  	v1 =	vld [tilespmem:s1+$0x90];
	_ =	sdelay $0x3  }
0xb9: {  	vm9 =	vlt.f32 v2, $0.0e+00  }
0xba: {  	v2 =	vsel vm9, $0x1, v0;
	v1 =	vshll.u32 v1, $0x1  }
0xbb: {  	v1 =	vor.u32 v2, v1  }
0xbc: {  	v2 =	vld [tilespmem:$0x51A0];
	[tilespmem:$0x5390] =	vst v1  }
0xbd: {  	v1 =	vld [tilespmem:s1+$0xA0];
	_ =	sdelay $0x3  }
0xbe: {  	vm10 =	vlt.f32 v2, $0.0e+00  }
0xbf: {  	v2 =	vsel vm10, $0x1, v0;
	v1 =	vshll.u32 v1, $0x1  }
0xc0: {  	v1 =	vor.u32 v2, v1  }
0xc1: {  	v2 =	vld [tilespmem:$0x51B0];
	[tilespmem:$0x53A0] =	vst v1  }
0xc2: {  	v1 =	vld [tilespmem:s1+$0xB0];
	_ =	sdelay $0x3  }
0xc3: {  	vm11 =	vlt.f32 v2, $0.0e+00  }
0xc4: {  	v2 =	vsel vm11, $0x1, v0;
	v1 =	vshll.u32 v1, $0x1  }
0xc5: {  	v1 =	vor.u32 v2, v1  }
0xc6: {  	v2 =	vld [tilespmem:$0x51C0];
	[tilespmem:$0x53B0] =	vst v1  }
0xc7: {  	v1 =	vld [tilespmem:s1+$0xC0];
	_ =	sdelay $0x3  }
0xc8: {  	vm12 =	vlt.f32 v2, $0.0e+00  }
0xc9: {  	v2 =	vsel vm12, $0x1, v0;
	v1 =	vshll.u32 v1, $0x1  }
0xca: {  	v1 =	vor.u32 v2, v1  }
0xcb: {  	v2 =	vld [tilespmem:$0x51D0];
	[tilespmem:$0x53C0] =	vst v1  }
0xcc: {  	v1 =	vld [tilespmem:s1+$0xD0];
	_ =	sdelay $0x3  }
0xcd: {  	vm13 =	vlt.f32 v2, $0.0e+00  }
0xce: {  	v2 =	vsel vm13, $0x1, v0;
	v1 =	vshll.u32 v1, $0x1  }
0xcf: {  	v1 =	vor.u32 v2, v1  }
0xd0: {  	v2 =	vld [tilespmem:$0x51E0];
	[tilespmem:$0x53D0] =	vst v1  }
0xd1: {  	v1 =	vld [tilespmem:s1+$0xE0];
	_ =	sdelay $0x3  }
0xd2: {  	vm14 =	vlt.f32 v2, $0.0e+00  }
0xd3: {  	v2 =	vsel vm14, $0x1, v0;
	v1 =	vshll.u32 v1, $0x1  }
0xd4: {  	v1 =	vor.u32 v2, v1  }
0xd5: {  	v2 =	vld [tilespmem:$0x51F0];
	[tilespmem:$0x53E0] =	vst v1  }
0xd6: {  	v1 =	vld [tilespmem:s1+$0xF0];
	_ =	sdelay $0x3  }
0xd7: {  	vm15 =	vlt.f32 v2, $0.0e+00  }
0xd8: {  	v2 =	vsel vm15, $0x1, v0;
	v1 =	vshll.u32 v1, $0x1  }
0xd9: {  	v1 =	vor.u32 v2, v1  }
0xda: {  	[tilespmem:$0x53F0] =	vst v1  }
0xdb: {  	[spmem:s2] =	stream.indirect.scatter.add.f32 [tilespmem:s20], [sflag:$0x8], $0x1, s26, s14, $0xb8;
	[tilespmem:$0x5900] =	vst v63  }
0xdc: {  	s19 =	smin.u32 s3, $0x4B;
	_ =	swait.ge [sflag:s28], $0x80  }
0xdd: {  	s1 =	sshll.u32 s19, $0x7;
	[sflag:s28] =	ssyncset.done $0x0  }
0xde: {  	s1 =	sadd.s32 $0x200, s1;
	[sflag:s28] =	ssyncadd.s32 $0xFFFFFF80  }
0xdf: {  	[tilespmem:s15], [sflag:$0x1] =	stream.indirect.gather [hbm4b:s4+s14], $0x1, s1, s14, $0xb8;
	[tilespmem:$0x5900] =	vst v63  }
0xe0: {  	s0 =	smin.u32 s3, $0x4A;
	_ =	swait.ge [sflag:s29], $0x80  }
0xe1: {  	s1 =	sshll.u32 s0, $0x7;
	[sflag:s29] =	ssyncset.done $0x0  }
0xe2: {  	s1 =	sadd.s32 $0x280, s1;
	[sflag:s29] =	ssyncadd.s32 $0xFFFFFF80  }
0xe3: {  	[tilespmem:s16], [sflag:$0x2] =	stream.indirect.gather [hbm4b:s4+s14], $0x1, s1, s14, $0xb8;
	[tilespmem:$0x5900] =	vst v63  }
0xe4: {  	s17 =	smin.u32 s3, $0x49;
	_ =	swait.ge [sflag:s30], $0x80  }
0xe5: {  	s1 =	sshll.u32 s17, $0x7;
	[sflag:s30] =	ssyncset.done $0x0  }
0xe6: {  	s1 =	sadd.s32 $0x300, s1;
	[sflag:s30] =	ssyncadd.s32 $0xFFFFFF80  }
0xe7: {  	[tilespmem:s18], [sflag:$0x3] =	stream.indirect.gather [hbm4b:s4+s14], $0x1, s1, s14, $0xb8;
	[tilespmem:$0x5900] =	vst v63  }
0xe8: {  	s19 =	smin.u32 s3, $0x48;
	_ =	swait.ge [sflag:s31], $0x80  }
0xe9: {  	s17 =	simm.s32 $0x4;
	s1 =	sshll.u32 s19, $0x7;
	[sflag:s31] =	ssyncset.done $0x0  }
0xea: {  	s19 =	simm.s32 $0x2B00;
	s1 =	sadd.s32 $0x380, s1;
	[sflag:s31] =	ssyncadd.s32 $0xFFFFFF80  }
.LBB2_2:
0xeb: {  	[tilespmem:s20], [sflag:$0x4] =	stream.indirect.gather [hbm4b:s4+s14], $0x1, s1, s14, $0xb8;
	[tilespmem:$0x5900] =	vst v63  }
0xec: {  	_ =	swait.ge [sflag:s21], $0x80  }
0xed: {  	[sflag:s21] =	ssyncset.done $0x0  }
0xee: {  	[sflag:s21] =	ssyncadd.s32 $0xFFFFFF80  }
0xef: {  	v1 =	vld [tilespmem:$0x5000]  }
0xf0: {  	v2 =	vld [tilespmem:s19+$0xFFFFFF00];
	_ =	sdelay $0x3  }
0xf1: {  	vm0 =	vlt.f32 v1, $0.0e+00  }
0xf2: {  	v3 =	vld [tilespmem:$0x5010];
	v2 =	vshll.u32 v2, $0x1;
	v6 =	vsel vm0, $0x1, v0  }
0xf3: {  	v1 =	vld [tilespmem:$0x5040];
	v2 =	vor.u32 v6, v2  }
0xf4: {  	[tilespmem:$0x5200] =	vst v2;
	v2 =	vld [tilespmem:$0x5070]  }
0xf5: {  	v48 =	vld [tilespmem:s19+$0xFFFFFF10];
	_ =	sdelay $0x3  }
0xf6: {  	vm5 =	vlt.f32 v3, $0.0e+00;
	vm3 =	vlt.f32 v1, $0.0e+00  }
0xf7: {  	v1 =	vsel vm5, $0x1, v0;
	vm9 =	vlt.f32 v2, $0.0e+00;
	v2 =	vshll.u32 v48, $0x1  }
0xf8: {  	v1 =	vor.u32 v1, v2  }
0xf9: {  	v4 =	vld [tilespmem:$0x5020];
	[tilespmem:$0x5210] =	vst v1  }
0xfa: {  	v1 =	vld [tilespmem:s19+$0xFFFFFF20];
	_ =	sdelay $0x3  }
0xfb: {  	vm6 =	vlt.f32 v4, $0.0e+00  }
0xfc: {  	v2 =	vsel vm6, $0x1, v0;
	v1 =	vshll.u32 v1, $0x1  }
0xfd: {  	v1 =	vor.u32 v2, v1  }
0xfe: {  	v5 =	vld [tilespmem:$0x5030];
	[tilespmem:$0x5220] =	vst v1  }
0xff: {  	v1 =	vld [tilespmem:s19+$0xFFFFFF30];
	_ =	sdelay $0x3  }
0x100: {  	vm4 =	vlt.f32 v5, $0.0e+00  }
0x101: {  	v2 =	vsel vm4, $0x1, v0;
	v1 =	vshll.u32 v1, $0x1  }
0x102: {  	v1 =	vor.u32 v2, v1  }
0x103: {  	[tilespmem:$0x5230] =	vst v1  }
0x104: {  	v1 =	vld [tilespmem:s19+$0xFFFFFF40];
	_ =	sdelay $0x4  }
0x105: {  	v2 =	vsel vm3, $0x1, v0;
	v1 =	vshll.u32 v1, $0x1  }
0x106: {  	v1 =	vor.u32 v2, v1  }
0x107: {  	v7 =	vld [tilespmem:$0x5050];
	[tilespmem:$0x5240] =	vst v1  }
0x108: {  	v1 =	vld [tilespmem:s19+$0xFFFFFF50];
	_ =	sdelay $0x3  }
0x109: {  	vm2 =	vlt.f32 v7, $0.0e+00  }
0x10a: {  	v2 =	vsel vm2, $0x1, v0;
	v1 =	vshll.u32 v1, $0x1  }
0x10b: {  	v1 =	vor.u32 v2, v1  }
0x10c: {  	v3 =	vld [tilespmem:$0x5060];
	[tilespmem:$0x5250] =	vst v1  }
0x10d: {  	v1 =	vld [tilespmem:s19+$0xFFFFFF60];
	_ =	sdelay $0x3  }
0x10e: {  	vm1 =	vlt.f32 v3, $0.0e+00  }
0x10f: {  	v2 =	vsel vm1, $0x1, v0;
	v1 =	vshll.u32 v1, $0x1  }
0x110: {  	v1 =	vor.u32 v2, v1  }
0x111: {  	[tilespmem:$0x5260] =	vst v1  }
0x112: {  	v1 =	vld [tilespmem:s19+$0xFFFFFF70];
	_ =	sdelay $0x4  }
0x113: {  	v2 =	vsel vm9, $0x1, v0;
	v1 =	vshll.u32 v1, $0x1  }
0x114: {  	v1 =	vor.u32 v2, v1  }
0x115: {  	s0 =	rddreg [dreg:$0x3];
	[tilespmem:$0x5270] =	vst v1  }
0x116: {  	[spmem:s2] =	stream.indirect.scatter.add.f32 [tilespmem:s15], [sflag:$0x5], $0x1, s0, s14, $0xb8;
	[tilespmem:$0x5900] =	vst v63  }
0x117: {  	_ =	swait.ge [sflag:s22], $0x80  }
0x118: {  	[sflag:s22] =	ssyncset.done $0x0  }
0x119: {  	[sflag:s22] =	ssyncadd.s32 $0xFFFFFF80  }
0x11a: {  	v1 =	vld [tilespmem:$0x5080]  }
0x11b: {  	v2 =	vld [tilespmem:s19+$0xFFFFFF80];
	_ =	sdelay $0x3  }
0x11c: {  	vm10 =	vlt.f32 v1, $0.0e+00  }
0x11d: {  	v3 =	vld [tilespmem:$0x5090];
	v2 =	vshll.u32 v2, $0x1;
	v51 =	vsel vm10, $0x1, v0  }
0x11e: {  	v1 =	vld [tilespmem:$0x50C0];
	v2 =	vor.u32 v51, v2  }
0x11f: {  	[tilespmem:$0x5280] =	vst v2;
	v2 =	vld [tilespmem:$0x50F0]  }
0x120: {  	v53 =	vld [tilespmem:s19+$0xFFFFFF90];
	_ =	sdelay $0x3  }
0x121: {  	vm11 =	vlt.f32 v3, $0.0e+00;
	vm14 =	vlt.f32 v1, $0.0e+00  }
0x122: {  	v1 =	vsel vm11, $0x1, v0;
	vm8 =	vlt.f32 v2, $0.0e+00;
	v2 =	vshll.u32 v53, $0x1  }
0x123: {  	v1 =	vor.u32 v1, v2  }
0x124: {  	v49 =	vld [tilespmem:$0x50A0];
	[tilespmem:$0x5290] =	vst v1  }
0x125: {  	v1 =	vld [tilespmem:s19+$0xFFFFFFA0];
	_ =	sdelay $0x3  }
0x126: {  	vm12 =	vlt.f32 v49, $0.0e+00  }
0x127: {  	v2 =	vsel vm12, $0x1, v0;
	v1 =	vshll.u32 v1, $0x1  }
0x128: {  	v1 =	vor.u32 v2, v1  }
0x129: {  	v50 =	vld [tilespmem:$0x50B0];
	[tilespmem:$0x52A0] =	vst v1  }
0x12a: {  	v1 =	vld [tilespmem:s19+$0xFFFFFFB0];
	_ =	sdelay $0x3  }
0x12b: {  	vm13 =	vlt.f32 v50, $0.0e+00  }
0x12c: {  	v2 =	vsel vm13, $0x1, v0;
	v1 =	vshll.u32 v1, $0x1  }
0x12d: {  	v1 =	vor.u32 v2, v1  }
0x12e: {  	[tilespmem:$0x52B0] =	vst v1  }
0x12f: {  	v1 =	vld [tilespmem:s19+$0xFFFFFFC0];
	_ =	sdelay $0x4  }
0x130: {  	v2 =	vsel vm14, $0x1, v0;
	v1 =	vshll.u32 v1, $0x1  }
0x131: {  	v1 =	vor.u32 v2, v1  }
0x132: {  	v52 =	vld [tilespmem:$0x50D0];
	[tilespmem:$0x52C0] =	vst v1  }
0x133: {  	v1 =	vld [tilespmem:s19+$0xFFFFFFD0];
	_ =	sdelay $0x3  }
0x134: {  	vm15 =	vlt.f32 v52, $0.0e+00  }
0x135: {  	v2 =	vsel vm15, $0x1, v0;
	v1 =	vshll.u32 v1, $0x1  }
0x136: {  	v1 =	vor.u32 v2, v1  }
0x137: {  	v3 =	vld [tilespmem:$0x50E0];
	[tilespmem:$0x52D0] =	vst v1  }
0x138: {  	v1 =	vld [tilespmem:s19+$0xFFFFFFE0];
	_ =	sdelay $0x3  }
0x139: {  	vm7 =	vlt.f32 v3, $0.0e+00  }
0x13a: {  	v2 =	vsel vm7, $0x1, v0;
	v1 =	vshll.u32 v1, $0x1  }
0x13b: {  	v1 =	vor.u32 v2, v1  }
0x13c: {  	[tilespmem:$0x52E0] =	vst v1  }
0x13d: {  	v1 =	vld [tilespmem:s19+$0xFFFFFFF0];
	_ =	sdelay $0x4  }
0x13e: {  	v2 =	vsel vm8, $0x1, v0;
	v1 =	vshll.u32 v1, $0x1  }
0x13f: {  	v1 =	vor.u32 v2, v1  }
0x140: {  	s0 =	rddreg [dreg:$0x4];
	[tilespmem:$0x52F0] =	vst v1  }
0x141: {  	[spmem:s2] =	stream.indirect.scatter.add.f32 [tilespmem:s16], [sflag:$0x6], $0x1, s0, s14, $0xb8;
	[tilespmem:$0x5900] =	vst v63  }
0x142: {  	_ =	swait.ge [sflag:s23], $0x80  }
0x143: {  	[sflag:s23] =	ssyncset.done $0x0  }
0x144: {  	[sflag:s23] =	ssyncadd.s32 $0xFFFFFF80  }
0x145: {  	v1 =	vld [tilespmem:$0x5100]  }
0x146: {  	v2 =	vld [tilespmem:s19+$0x0];
	_ =	sdelay $0x3  }
0x147: {  	vm9 =	vlt.f32 v1, $0.0e+00  }
0x148: {  	v3 =	vld [tilespmem:$0x5110];
	v2 =	vshll.u32 v2, $0x1;
	v56 =	vsel vm9, $0x1, v0  }
0x149: {  	v1 =	vld [tilespmem:$0x5140];
	v2 =	vor.u32 v56, v2  }
0x14a: {  	[tilespmem:$0x5300] =	vst v2;
	v2 =	vld [tilespmem:$0x5170]  }
0x14b: {  	v58 =	vld [tilespmem:s19+$0x10];
	_ =	sdelay $0x3  }
0x14c: {  	vm10 =	vlt.f32 v3, $0.0e+00;
	vm13 =	vlt.f32 v1, $0.0e+00  }
0x14d: {  	v1 =	vsel vm10, $0x1, v0;
	vm7 =	vlt.f32 v2, $0.0e+00;
	v2 =	vshll.u32 v58, $0x1  }
0x14e: {  	v1 =	vor.u32 v1, v2  }
0x14f: {  	v54 =	vld [tilespmem:$0x5120];
	[tilespmem:$0x5310] =	vst v1  }
0x150: {  	v1 =	vld [tilespmem:s19+$0x20];
	_ =	sdelay $0x3  }
0x151: {  	vm11 =	vlt.f32 v54, $0.0e+00  }
0x152: {  	v2 =	vsel vm11, $0x1, v0;
	v1 =	vshll.u32 v1, $0x1  }
0x153: {  	v1 =	vor.u32 v2, v1  }
0x154: {  	v55 =	vld [tilespmem:$0x5130];
	[tilespmem:$0x5320] =	vst v1  }
0x155: {  	v1 =	vld [tilespmem:s19+$0x30];
	_ =	sdelay $0x3  }
0x156: {  	vm12 =	vlt.f32 v55, $0.0e+00  }
0x157: {  	v2 =	vsel vm12, $0x1, v0;
	v1 =	vshll.u32 v1, $0x1  }
0x158: {  	v1 =	vor.u32 v2, v1  }
0x159: {  	[tilespmem:$0x5330] =	vst v1  }
0x15a: {  	v1 =	vld [tilespmem:s19+$0x40];
	_ =	sdelay $0x4  }
0x15b: {  	v2 =	vsel vm13, $0x1, v0;
	v1 =	vshll.u32 v1, $0x1  }
0x15c: {  	v1 =	vor.u32 v2, v1  }
0x15d: {  	v57 =	vld [tilespmem:$0x5150];
	[tilespmem:$0x5340] =	vst v1  }
0x15e: {  	v1 =	vld [tilespmem:s19+$0x50];
	_ =	sdelay $0x3  }
0x15f: {  	vm14 =	vlt.f32 v57, $0.0e+00  }
0x160: {  	v2 =	vsel vm14, $0x1, v0;
	v1 =	vshll.u32 v1, $0x1  }
0x161: {  	v1 =	vor.u32 v2, v1  }
0x162: {  	v3 =	vld [tilespmem:$0x5160];
	[tilespmem:$0x5350] =	vst v1  }
0x163: {  	v1 =	vld [tilespmem:s19+$0x60];
	_ =	sdelay $0x3  }
0x164: {  	vm15 =	vlt.f32 v3, $0.0e+00  }
0x165: {  	v2 =	vsel vm15, $0x1, v0;
	v1 =	vshll.u32 v1, $0x1  }
0x166: {  	v1 =	vor.u32 v2, v1  }
0x167: {  	[tilespmem:$0x5360] =	vst v1  }
0x168: {  	v1 =	vld [tilespmem:s19+$0x70];
	_ =	sdelay $0x4  }
0x169: {  	v2 =	vsel vm7, $0x1, v0;
	v1 =	vshll.u32 v1, $0x1  }
0x16a: {  	v1 =	vor.u32 v2, v1  }
0x16b: {  	[tilespmem:$0x5370] =	vst v1  }
0x16c: {  	[spmem:s2] =	stream.indirect.scatter.add.f32 [tilespmem:s18], [sflag:$0x7], $0x1, s24, s14, $0xb8;
	[tilespmem:$0x5900] =	vst v63  }
0x16d: {  	_ =	swait.ge [sflag:s25], $0x80  }
0x16e: {  	[sflag:s25] =	ssyncset.done $0x0  }
0x16f: {  	[sflag:s25] =	ssyncadd.s32 $0xFFFFFF80  }
0x170: {  	v1 =	vld [tilespmem:$0x5180]  }
0x171: {  	v2 =	vld [tilespmem:s19+$0x80];
	_ =	sdelay $0x3  }
0x172: {  	vm8 =	vlt.f32 v1, $0.0e+00  }
0x173: {  	v3 =	vld [tilespmem:$0x5190];
	v2 =	vshll.u32 v2, $0x1;
	v61 =	vsel vm8, $0x1, v0  }
0x174: {  	v1 =	vld [tilespmem:$0x51C0];
	v2 =	vor.u32 v61, v2  }
0x175: {  	[tilespmem:$0x5380] =	vst v2;
	v2 =	vld [tilespmem:$0x51F0]  }
0x176: {  	v63 =	vld [tilespmem:s19+$0x90];
	_ =	sdelay $0x3  }
0x177: {  	vm9 =	vlt.f32 v3, $0.0e+00;
	vm12 =	vlt.f32 v1, $0.0e+00  }
0x178: {  	v1 =	vsel vm9, $0x1, v0;
	vm15 =	vlt.f32 v2, $0.0e+00;
	v2 =	vshll.u32 v63, $0x1  }
0x179: {  	v1 =	vor.u32 v1, v2  }
0x17a: {  	v59 =	vld [tilespmem:$0x51A0];
	[tilespmem:$0x5390] =	vst v1  }
0x17b: {  	v1 =	vld [tilespmem:s19+$0xA0];
	_ =	sdelay $0x3  }
0x17c: {  	vm10 =	vlt.f32 v59, $0.0e+00  }
0x17d: {  	v2 =	vsel vm10, $0x1, v0;
	v1 =	vshll.u32 v1, $0x1  }
0x17e: {  	v1 =	vor.u32 v2, v1  }
0x17f: {  	v60 =	vld [tilespmem:$0x51B0];
	[tilespmem:$0x53A0] =	vst v1  }
0x180: {  	v1 =	vld [tilespmem:s19+$0xB0];
	_ =	sdelay $0x3  }
0x181: {  	vm11 =	vlt.f32 v60, $0.0e+00  }
0x182: {  	v2 =	vsel vm11, $0x1, v0;
	v1 =	vshll.u32 v1, $0x1  }
0x183: {  	v1 =	vor.u32 v2, v1  }
0x184: {  	[tilespmem:$0x53B0] =	vst v1  }
0x185: {  	v1 =	vld [tilespmem:s19+$0xC0];
	_ =	sdelay $0x4  }
0x186: {  	v2 =	vsel vm12, $0x1, v0;
	v1 =	vshll.u32 v1, $0x1  }
0x187: {  	v1 =	vor.u32 v2, v1  }
0x188: {  	v62 =	vld [tilespmem:$0x51D0];
	[tilespmem:$0x53C0] =	vst v1  }
0x189: {  	v1 =	vld [tilespmem:s19+$0xD0];
	_ =	sdelay $0x3  }
0x18a: {  	vm13 =	vlt.f32 v62, $0.0e+00  }
0x18b: {  	v2 =	vsel vm13, $0x1, v0;
	v1 =	vshll.u32 v1, $0x1  }
0x18c: {  	v1 =	vor.u32 v2, v1  }
0x18d: {  	v3 =	vld [tilespmem:$0x51E0];
	[tilespmem:$0x53D0] =	vst v1  }
0x18e: {  	v1 =	vld [tilespmem:s19+$0xE0];
	_ =	sdelay $0x3  }
0x18f: {  	vm14 =	vlt.f32 v3, $0.0e+00  }
0x190: {  	v2 =	vsel vm14, $0x1, v0;
	v1 =	vshll.u32 v1, $0x1  }
0x191: {  	v1 =	vor.u32 v2, v1  }
0x192: {  	[tilespmem:$0x53E0] =	vst v1  }
0x193: {  	v1 =	vld [tilespmem:s19+$0xF0];
	_ =	sdelay $0x4  }
0x194: {  	v2 =	vsel vm15, $0x1, v0;
	v1 =	vshll.u32 v1, $0x1  }
0x195: {  	v1 =	vor.u32 v2, v1  }
0x196: {  	s1 =	smov.u32 s17;
	[tilespmem:$0x53F0] =	vst v1  }
0x197: {  	[spmem:s2] =	stream.indirect.scatter.add.f32 [tilespmem:s20], [sflag:$0x8], $0x1, s26, s14, $0xb8;
	[tilespmem:$0x5900] =	vst v63  }
0x198: {  	s0 =	smin.u32 s1, $0x4B;
	_ =	swait.ge [sflag:s28], $0x80  }
0x199: {  	s0 =	sshll.u32 s0, $0x7;
	[sflag:s28] =	ssyncset.done $0x0  }
0x19a: {  	s0 =	sadd.s32 $0x200, s0;
	[sflag:s28] =	ssyncadd.s32 $0xFFFFFF80  }
0x19b: {  	[tilespmem:s15], [sflag:$0x1] =	stream.indirect.gather [hbm4b:s4+s14], $0x1, s0, s14, $0xb8;
	[tilespmem:$0x5900] =	vst v63  }
0x19c: {  	s0 =	smin.u32 s1, $0x4A;
	_ =	swait.ge [sflag:s29], $0x80  }
0x19d: {  	s0 =	sshll.u32 s0, $0x7;
	[sflag:s29] =	ssyncset.done $0x0  }
0x19e: {  	s0 =	sadd.s32 $0x280, s0;
	[sflag:s29] =	ssyncadd.s32 $0xFFFFFF80  }
0x19f: {  	[tilespmem:s16], [sflag:$0x2] =	stream.indirect.gather [hbm4b:s4+s14], $0x1, s0, s14, $0xb8;
	[tilespmem:$0x5900] =	vst v63  }
0x1a0: {  	s0 =	smin.u32 s1, $0x49;
	_ =	swait.ge [sflag:s30], $0x80  }
0x1a1: {  	p0 =	sne.s32 s17, $0x4C;
	s0 =	sshll.u32 s0, $0x7;
	[sflag:s30] =	ssyncset.done $0x0  }
.Ltmp0:
0x1a2: {  	s0 =	sadd.s32 $0x300, s0;
	[sflag:s30] =	ssyncadd.s32 $0xFFFFFF80;
	(pc) =	sbr.rel @p0 .LBB2_2-.Ltmp0, $4  }
0x1a3: {  	[tilespmem:s18], [sflag:$0x3] =	stream.indirect.gather [hbm4b:s4+s14], $0x1, s0, s14, $0xb8;
	[tilespmem:$0x5900] =	vst v63  }
0x1a4: {  	s1 =	smin.u32 s1, $0x48;
	_ =	swait.ge [sflag:s31], $0x80  }
0x1a5: {  	s17 =	sadd.s32 $0x4, s17;
	s0 =	sshll.u32 s1, $0x7;
	[sflag:s31] =	ssyncset.done $0x0  }
0x1a6: {  	s19 =	sadd.s32 $0x200, s19;
	s1 =	sadd.s32 $0x380, s0;
	[sflag:s31] =	ssyncadd.s32 $0xFFFFFF80  }
0x1a7: {  	[tilespmem:s20], [sflag:$0x4] =	stream.indirect.gather [hbm4b:s4+s14], $0x1, s1, s14, $0xb8;
	[tilespmem:$0x5900] =	vst v63  }
0x1a8: {  	_ =	swait.ge [sflag:s21], $0x80  }
0x1a9: {  	[sflag:s21] =	ssyncset.done $0x0  }
0x1aa: {  	[sflag:s21] =	ssyncadd.s32 $0xFFFFFF80  }
0x1ab: {  	_ =	swait.ge [sflag:s22], $0x80  }
0x1ac: {  	[sflag:s22] =	ssyncset.done $0x0  }
0x1ad: {  	[sflag:s22] =	ssyncadd.s32 $0xFFFFFF80  }
0x1ae: {  	_ =	swait.ge [sflag:s23], $0x80  }
0x1af: {  	[sflag:s23] =	ssyncset.done $0x0  }
0x1b0: {  	[sflag:s23] =	ssyncadd.s32 $0xFFFFFF80  }
0x1b1: {  	_ =	swait.ge [sflag:s25], $0x80  }
0x1b2: {  	s13 =	sadd.s32 $0x1, s13;
	[sflag:s25] =	ssyncset.done $0x0  }
0x1b3: {  	s0 =	simm.s32 $0x20;
	p0 =	sne.s32 s13, s10;
	[sflag:s25] =	ssyncadd.s32 $0xFFFFFF80  }
.Ltmp1:
0x1b4: {  	s19 =	simm.s32 $0x10;
	[bflag:$0x0] =	sbarrier.arrive $0xFFFF;
	(pc) =	sbr.rel @p0 .LBB2_1-.Ltmp1, $4  }
0x1b5: {  	[hbm:s9@s0], [sflag:s6] =	dma.strided [spmem:s11@s19], $0xA0, s21, $0x10   }
0x1b6: {  	_ =	swait.ge [sflag:s12], $0xA0  }
0x1b7: {  	[sflag:s12] =	ssyncset.done $0x0  }
0x1b8: {  	[sflag:s12] =	ssyncadd.s32 $0xFFFFFF60  }
0x1b9: {  	_ =	sfence.sel $0x180000  }
0x1ba: {  	[bflag:$0x0] =	sbarrier.arrive $0xFFFF  }
0x1bb: {  	_ =	strace $0x9000004D  }
0x1bc: {  	s0 =	stileid.u32;
	[bflag:$0x2] =	sbarrier.arrive $0xFFFF  }
0x1bd: {  	p0 =	sne.s32 s0, $0x0;
	s0 =	rddreg [dreg:$0x2]  }
0x1be: {  	s0 =	sadd.s32 @!p0 $0x100000, s0  }
0x1bf: {  	[sflag:s0] =	ssyncadd.tile.s32 @!p0 $0x1;
	_ =	shalt  }
.Lfunc_end2:
_tile_overlayer_lowered:
.L_overlay_start_2:
0x1c0: {  	(tag) =	ssettag $0x2  }
0x1c1: {  	s0 =	rddreg [dreg:$0x0];
	s2 =	stileid.u32  }
0x1c2: {  	s1 =	rddreg [dreg:$0x1];
	p0 =	sne.s32 s2, $0x0  }
0x1c3: {  	s3 =	rddreg [dreg:$0x2];
	[bflag:$0x3] =	sbarrier.arrive $0xFFFF;
	s2 =	simm.s32 @!p0 $0x1C09  }
0x1c4: {  	[timem:s3], [sflag:s2] =	dma.local @!p0 [hbm:s0], s1  }
0x1c5: {  	s0 =	simm.s32 @!p0 $0x9  }
0x1c6: {  	_ =	swait.ge @!p0 [sflag:s0], s1  }
0x1c7: {  	s1 =	ssub.s32 @!p0 $0x0, s1;
	[sflag:s0] =	ssyncset.done @!p0 $0x0  }
0x1c8: {  	[sflag:s0] =	ssyncadd.s32 @!p0 s1  }
0x1c9: {  	[bflag:$0x3] =	sbarrier.arrive $0xFFFF  }
0x1ca: {  	_ =	shalt  }

// kernel: kernel.19.cloned.1.call-start
scs
__scs_entry_jumppad:
0x0: {  	(pc) =	sbr.rel $0x88, $3  }
0x1: {  	(tag) =	ssettag $0x0;
	lr =	simm.s32 $0x1  }
0x2: {  	[smem:$0x3F99] =	sst lr;
	_ =	strace $0xD0000000  }
0x3: {  	_ = 	snop  }
0x4: {  	_ = 	snop  }
0x5: {  	_ = 	snop  }
0x6: {  	_ = 	snop  }
0x7: {  	_ = 	snop  }
__scs_overlays_trampoline_lowered:
0x8: {  	[smem:$0x3FA8] =	sst s0  }
0x9: {  	[smem:$0x3FA9] =	sst s1  }
0xa: {  	[smem:$0x3FAA] =	sst s2  }
0xb: {  	[smem:$0x3FAB] =	sst s3  }
0xc: {  	[smem:$0x3FAC] =	sst s4  }
0xd: {  	[smem:$0x3FAD] =	sst s5  }
0xe: {  	[smem:$0x3FAE] =	sst s6  }
0xf: {  	[smem:$0x3FAF] =	sst s7  }
0x10: {  	[smem:$0x3FB0] =	sst s8  }
0x11: {  	[smem:$0x3FB1] =	sst s9;
	s0 =	simm.s32 @!p0 $0x0  }
0x12: {  	s1 =	sld [smem:$0x3F97];
	s0 =	simm.s32 @p0 $0x1  }
0x13: {  	[smem:$0x3FB2] =	sst s0;
	s0 =	simm.s32 @!p1 $0x0  }
0x14: {  	s2 =	sld [smem:$0x3F96];
	s0 =	simm.s32 @p1 $0x1  }
0x15: {  	[smem:$0x3FB3] =	sst s0;
	s0 =	simm.s32 @!p2 $0x0  }
0x16: {  	s3 =	sld [smem:$0x3FDB];
	s0 =	simm.s32 @p2 $0x1  }
0x17: {  	s4 =	simm.s32 $0x1BF5;
	[smem:$0x3FB5] =	sst s0  }
0x18: {  	s0 =	sld [smem:$0x3F98];
	_ =	swait.ge [sflag:s4], $0x0  }
0x19: {  	s7 =	sld [smem:$0x3F99]  }
0x1a: {  	s8 =	sadd.s32 $0xFFFFE003, lr  }
0x1b: {  	s9 =	sadd.s32 $0xFFFFFEF7, lr;
	s5 =	simm.s32 $0xFFFFFFFF;
	p2 =	slt.u32 s8, $0xFFFFF086  }
0x1c: {  	p1 =	slt.u32 s9, $0xF7A;
	s5 =	simm.s32 @!p2 $0x0  }
0x1d: {  	s5 =	simm.s32 @p1 $0x1;
	p0 =	seq.s32 s7, s2  }
0x1e: {  	s7 =	smul.u32 @!p0 $0xF7A, s2;
	p2 =	seq.s32 @!p0 s5, $0x0  }
0x1f: {  	s9 =	smul.u32 $0xF7A, s1;
	s8 =	simm.s32 @!p0 $0x1BF5;
	p2 =	por !p2, p0  }
0x20: {  	[sflag:s8] =	ssyncset.s32 @!p0 $0xFFFFF086;
	s6 =	sadd.s32 @!p0 s3, s7;
	s7 =	simm.s32 @!p0 $0x108  }
0x21: {  	s3 =	sadd.s32 s3, s9;
	s6 =	sadd.s32 @!p0 $0x88, s6;
	s7 =	simm.s32 @p2 $0x1082  }
0x22: {  	[simem:s7], [sflag:s8] =	dma.local @!p0 [hbm:s6], $0xF7A  }
0x23: {  	s9 =	sor.u32 $0xD0000000, s2;
	s6 =	simm.s32 $0x108;
	_ =	swait.ge @!p0 [sflag:s8], $0x0  }
0x24: {  	s3 =	sadd.s32 $0x88, s3;
	s6 =	simm.s32 @!p1 $0x1082;
	[sflag:s4] =	ssyncset.s32 $0xFFFFF086  }
0x25: {  	[simem:s6], [sflag:s4] =	dma.local [hbm:s3], $0xF7A  }
0x26: {  	[smem:$0x3F99] =	sst s1;
	(tag) =	ssettag s2;
	_ =	strace s9  }
0x27: {  	s1 =	sld [smem:$0x3FA9]  }
0x28: {  	s2 =	sld [smem:$0x3FAA]  }
0x29: {  	s4 =	sld [smem:$0x3FAC]  }
0x2a: {  	p0 =	seq.s32 s5, $0x0;
	s5 =	sld [smem:$0x3FAD]  }
0x2b: {  	s6 =	sld [smem:$0x3FAE]  }
0x2c: {  	s7 =	sld [smem:$0x3FAF]  }
0x2d: {  	s3 =	simm.s32 $0x108;
	s8 =	sld [smem:$0x3FB0]  }
0x2e: {  	s3 =	simm.s32 @!p0 $0x1082;
	s9 =	sld [smem:$0x3FB1]  }
0x2f: {  	lr =	sadd.s32 s0, s3;
	s0 =	sld [smem:$0x3FA8]  }
0x30: {  	s3 =	sld [smem:$0x3FAB]  }
0x31: {  	[smem:$0x3FB4] =	sst s10  }
0x32: {  	s10 =	sld [smem:$0x3FB2];
	_ =	sdelay $0x3  }
0x33: {  	p0 =	seq.s32 s10, $0x1;
	s10 =	sld [smem:$0x3FB4];
	_ =	sdelay $0x3  }
0x34: {  	[smem:$0x3FB4] =	sst s10  }
0x35: {  	s10 =	sld [smem:$0x3FB3];
	_ =	sdelay $0x3  }
0x36: {  	p1 =	seq.s32 s10, $0x1;
	s10 =	sld [smem:$0x3FB4];
	_ =	sdelay $0x3  }
0x37: {  	[smem:$0x3FB4] =	sst s10  }
0x38: {  	s10 =	sld [smem:$0x3FB5]  }
0x39: {  	_ = 	snop;
	(pc) =	sbr.ind lr, $3  }
0x3a: {  	_ = 	snop  }
0x3b: {  	_ = 	snop  }
0x3c: {  	p2 =	seq.s32 s10, $0x1;
	s10 =	sld [smem:$0x3FB4]  }
0x3d: {  	_ =	shalt  }
0x3e: {  	_ =	shalt  }
0x3f: {  	_ =	shalt  }
0x40: {  	_ =	shalt  }
0x41: {  	_ =	shalt  }
0x42: {  	_ =	shalt  }
0x43: {  	_ =	shalt  }
0x44: {  	_ =	shalt  }
0x45: {  	_ =	shalt  }
0x46: {  	_ =	shalt  }
0x47: {  	_ =	shalt  }
0x48: {  	_ =	shalt  }
0x49: {  	_ =	shalt  }
0x4a: {  	_ =	shalt  }
0x4b: {  	_ =	shalt  }
0x4c: {  	_ =	shalt  }
0x4d: {  	_ =	shalt  }
0x4e: {  	_ =	shalt  }
0x4f: {  	_ =	shalt  }
0x50: {  	_ =	shalt  }
0x51: {  	_ =	shalt  }
0x52: {  	_ =	shalt  }
0x53: {  	_ =	shalt  }
0x54: {  	_ =	shalt  }
0x55: {  	_ =	shalt  }
0x56: {  	_ =	shalt  }
0x57: {  	_ =	shalt  }
0x58: {  	_ =	shalt  }
0x59: {  	_ =	shalt  }
0x5a: {  	_ =	shalt  }
0x5b: {  	_ =	shalt  }
0x5c: {  	_ =	shalt  }
0x5d: {  	_ =	shalt  }
0x5e: {  	_ =	shalt  }
0x5f: {  	_ =	shalt  }
0x60: {  	_ =	shalt  }
0x61: {  	_ =	shalt  }
0x62: {  	_ =	shalt  }
0x63: {  	_ =	shalt  }
0x64: {  	_ =	shalt  }
0x65: {  	_ =	shalt  }
0x66: {  	_ =	shalt  }
0x67: {  	_ =	shalt  }
0x68: {  	_ =	shalt  }
0x69: {  	_ =	shalt  }
0x6a: {  	_ =	shalt  }
0x6b: {  	_ =	shalt  }
0x6c: {  	_ =	shalt  }
0x6d: {  	_ =	shalt  }
0x6e: {  	_ =	shalt  }
0x6f: {  	_ =	shalt  }
0x70: {  	_ =	shalt  }
0x71: {  	_ =	shalt  }
0x72: {  	_ =	shalt  }
0x73: {  	_ =	shalt  }
0x74: {  	_ =	shalt  }
0x75: {  	_ =	shalt  }
0x76: {  	_ =	shalt  }
0x77: {  	_ =	shalt  }
0x78: {  	_ =	shalt  }
0x79: {  	_ =	shalt  }
0x7a: {  	_ =	shalt  }
0x7b: {  	_ =	shalt  }
0x7c: {  	_ =	shalt  }
0x7d: {  	_ =	shalt  }
0x7e: {  	_ =	shalt  }
0x7f: {  	_ =	shalt  }
0x80: {  	_ =	shalt  }
0x81: {  	_ =	shalt  }
0x82: {  	_ =	shalt  }
0x83: {  	_ =	shalt  }
0x84: {  	_ =	shalt  }
0x85: {  	_ =	shalt  }
0x86: {  	_ =	shalt  }
0x87: {  	_ =	shalt  }
.Lfunc_end0:
.L_simem_size_0:
called_computation.3_lowered:
.L_overlay_start_0:
0x88: {  	s2 =	sld [smem:$0x3FD9]  }
0x89: {  	s3 =	sld [smem:$0x3FFE];
	_ =	sdelay $0x1  }
0x8a: {  	s1 =	srdreg.scid  }
0x8b: {  	s0 =	sand.u32 $0x1, s1  }
0x8c: {  	s16 =	sshll.u32 s0, $0xA;
	s2 =	sadd.s32 s3, s2  }
0x8d: {  	s2 =	sadd.s32 s2, s16  }
0x8e: {  	[smem:$0x3FC0] =	sst s2  }
0x8f: {  	_ = 	snop  }
0x90: {  	(tm) =	ssettm $0x1  }
0x91: {  	s17 =	sld [smem:$0x3FFB];
	_ =	sdelay $0x3  }
0x92: {  	_ =	strace s17  }
0x93: {  	s2 =	sld [smem:$0x3FFC];
	_ =	sdelay $0x3  }
0x94: {  	_ =	strace s2  }
0x95: {  	s2 =	sld [smem:$0x3FFD];
	_ =	sdelay $0x3  }
0x96: {  	_ =	strace s2  }
0x97: {  	_ =	strace $0x8FFFFFFF  }
0x98: {  	s18 =	sld [smem:$0x3FDB];
	_ =	sdelay $0x1  }
0x99: {  	s19 =	simm.s32 $_scs_section_size  }
0x9a: {  	s4 =	simm.s32 $_size__tile_overlayer_lowered;
	s5 =	simm.s32 $_tile_overlayer_lowered  }
0x9b: {  	s22 =	simm.s32 $0x1BFF;
	s21 =	sshll.u32 s5, $0x1;
	s2 =	sadd.s32 s19, s18  }
0x9c: {  	s6 =	simm.s32 $0x0;
	s20 =	sshll.u32 s4, $0x1;
	s4 =	sadd.s32 s21, s2  }
0x9d: {  	[timem:s6], [sflag:s22] =	dma.local [hbm:s4], s20  }
0x9e: {  	_ =	swait.ge [sflag:s22], s20  }
0x9f: {  	s3 =	ssub.s32 $0x0, s20;
	[sflag:s22] =	ssyncset.done $0x0  }
0xa0: {  	[sflag:s22] =	ssyncadd.s32 s3;
	_ =	sdelay $0x1  }
0xa1: {  	s23 =	simm.s32 $0x1B8B  }
0xa2: {  	_ =	swait.ge [sflag:s23], $0x1  }
0xa3: {  	[sflag:s23] =	ssyncset.done $0x0  }
0xa4: {  	s25 =	simm.s32 $0x1B8E;
	s24 =	sld [smem:$0x3FFE];
	[sflag:s23] =	ssyncadd.s32 $0xFFFFFFFF  }
0xa5: {  	s26 =	simm.s32 $execute0_lowered;
	[smem:$0x3FD2] =	sst s25  }
0xa6: {  	s4 =	sshll.u32 s26, $0x1;
	_ =	strace $0x8000004F;
	[dreg:$0x1] =	wrdreg $0xFFFFFFFF  }
0xa7: {  	s28 =	simm.s32 $_size_execute0_lowered;
	s2 =	sadd.s32 s2, s4;
	[dreg:$0x0] =	wrdreg $0x0  }
0xa8: {  	s4 =	sshll.u32 s28, $0x1;
	[dreg:$0x2] =	wrdreg s2  }
0xa9: {  	[dreg:$0x3] =	wrdreg s4  }
0xaa: {  	[dreg:$0x4] =	wrdreg $0xC0  }
0xab: {  	_ =	task [dreg:s6], $0x5FFFF  }
0xac: {  	[dreg:$0x1] =	wrdreg $0xFFFFFFFF  }
0xad: {  	[dreg:$0x0] =	wrdreg $0x60  }
0xae: {  	[dreg:$0x2] =	wrdreg s24  }
0xaf: {  	[dreg:$0x3] =	wrdreg $0x88000  }
0xb0: {  	[dreg:$0x4] =	wrdreg $0x9  }
0xb1: {  	_ =	task.clear_ibuf [dreg:s6], $0x5FFFF;
	_ =	strace $0x9000004F  }
0xb2: {  	s29 =	simm.s32 $0x9;
	_ =	strace $0x80000051  }
0xb3: {  	_ =	swait.ge [sflag:s29], $0x1  }
0xb4: {  	[sflag:s29] =	ssyncadd.s32 $0xFFFFFFFF  }
0xb5: {  	_ =	strace $0x90000051  }
0xb6: {  	_ =	sfence  }
0xb7: {  	s30 =	sld [smem:$0x0];
	_ =	sdelay $0x2  }
0xb8: {  	s31 =	sshll.u32 s1, $0xD;
	s1 =	sshrl.u32 s1, $0x2  }
0xb9: {  	s3 =	sand.u32 $0x4000, s31;
	s1 =	sadd.s32 s1, s30  }
0xba: {  	s0 =	sor.u32 s3, s0;
	s1 =	sshll.u32 s1, $0x11  }
0xbb: {  	s0 =	sor.u32 s1, s0  }
0xbc: {  	s0 =	sadd.s32 $0x8F2B, s0  }
0xbd: {  	[sflag:s0] =	ssyncadd.remote.s32 $0x1  }
0xbe: {  	_ =	sfence.sel $0xFFFF  }
0xbf: {  	[dreg:$0x0] =	wrdreg $0xFFFFFFFF;
	(pc) =	sbr.abs _section_cstart, $3  }
0xc0: {  	[dreg:$0x1] =	wrdreg $0xFFFFFFFF  }
0xc1: {  	_ =	task.clear_ibuf [dreg:s6], $0x2FFFF;
	_ =	strace $0x9FFFFFFF  }
0xc2: {  	(tm) =	ssettm $0x7FFFFFFF  }
0xc3: {  	_ =	shalt  }
tec
execute0_lowered:
.L_overlay_start_1:
0x0: {  	(tag) =	ssettag $0x1  }
0x1: {  	s2 =	rddreg [dreg:$0x0]  }
0x2: {  	s1 =	rddreg [dreg:$0x1];
	s0 =	srdreg.scid;
	s3 =	simm.s32 $0x0  }
0x3: {  	s11 =	stileid.u32;
	s12 =	simm.s32 $0x880;
	s13 =	simm.s32 $0x200  }
0x4: {  	s14 =	simm.s32 $0x900;
	s15 =	simm.s32 $0x280;
	s16 =	simm.s32 $0x980  }
0x5: {  	s17 =	simm.s32 $0x300;
	s18 =	simm.s32 $0xA00;
	[smem:$0x7FF] =	sst s3  }
0x6: {  	s19 =	simm.s32 $0x380;
	_ =	strace $0x80000050;
	[dreg:$0x8] =	wrdreg s12  }
0x7: {  	s20 =	simm.s32 $0xA80;
	s21 =	simm.s32 $0x400;
	[dreg:$0x9] =	wrdreg s13  }
0x8: {  	s22 =	simm.s32 $0xB00;
	s23 =	simm.s32 $0x480;
	[dreg:$0xa] =	wrdreg s14  }
0x9: {  	s28 =	simm.s32 $0xD80;
	s29 =	simm.s32 $0x700;
	[dreg:$0xb] =	wrdreg s15  }
0xa: {  	s30 =	simm.s32 $0xE00;
	s31 =	simm.s32 $0x780;
	[dreg:$0xc] =	wrdreg s16  }
0xb: {  	s5 =	sand.u32 $0x1, s0;
	s0 =	smul.u32 $0x2800, s11;
	[dreg:$0xd] =	wrdreg s17  }
0xc: {  	s9 =	smul.u32 $0x50000, s11;
	s10 =	sshll.u32 s11, $0xB;
	[dreg:$0xe] =	wrdreg s18  }
0xd: {  	s4 =	sshll.u32 s5, $0xF;
	s8 =	smul.u32 $0x28000, s5;
	[dreg:$0xf] =	wrdreg s19  }
0xe: {  	s5 =	ssub.s32 $0x2, s5;
	s12 =	simm.s32 $0x1000;
	[dreg:$0x10] =	wrdreg s20  }
0xf: {  	s13 =	simm.s32 $0x3800;
	s14 =	simm.s32 $0x6000;
	[dreg:$0x11] =	wrdreg s21  }
0x10: {  	s15 =	simm.s32 $0x1;
	s16 =	simm.s32 $0x4;
	[dreg:$0x12] =	wrdreg s22  }
0x11: {  	s17 =	simm.s32 $0x2;
	s18 =	simm.s32 $0x5;
	[dreg:$0x13] =	wrdreg s23  }
0x12: {  	s19 =	simm.s32 $0x3;
	s20 =	simm.s32 $0x6;
	s21 =	simm.s32 $0x580  }
0x13: {  	s22 =	simm.s32 $0xC80;
	s23 =	simm.s32 $0x600;
	s6 =	sadd.s32 s4, s2  }
0x14: {  	s4 =	sadd.s32 $0x38A00, s2;
	s7 =	sadd.s32 s0, s2;
	s24 =	sshrl.u32 s5, $0x1  }
0x15: {  	s25 =	sshrl.u32 s9, $0x2;
	s9 =	sshll.u32 s11, $0x6;
	s11 =	simm.s32 $0x180  }
0x16: {  	s2 =	sadd.s32 s8, s2;
	s7 =	sadd.s32 $0x60A00, s7;
	[dreg:$0x7] =	wrdreg s11  }
0x17: {  	s6 =	sadd.s32 s10, s6;
	s10 =	simm.s32 $0x100;
	[dreg:$0x17] =	wrdreg s7  }
0x18: {  	s5 =	ssub.s32 s5, s24;
	s24 =	simm.s32 $0xB80;
	[dreg:$0x6] =	wrdreg s10  }
0x19: {  	s8 =	sadd.s32 s25, s1;
	s25 =	simm.s32 $0x500;
	[dreg:$0x14] =	wrdreg s24  }
0x1a: {  	s11 =	simm.s32 $0x50;
	s26 =	sadd.s32 $0x28A00, s6;
	[dreg:$0x15] =	wrdreg s25  }
0x1b: {  	s6 =	sadd.s32 $0x18A00, s6;
	s7 =	simm.s32 $0x80;
	[dreg:$0x3] =	wrdreg s26  }
0x1c: {  	s2 =	sadd.s32 $0x88A00, s2;
	s5 =	smax.u32 s5, $0x1;
	[dreg:$0x4] =	wrdreg s6  }
0x1d: {  	s8 =	sshrl.u32 s8, $0x3;
	s10 =	simm.s32 $0x800;
	[dreg:$0x5] =	wrdreg s7  }
0x1e: {  	s25 =	simm.s32 $0xD00;
	s24 =	simm.s32 $0x0;
	[dreg:$0x19] =	wrdreg s5  }
0x1f: {  	s7 =	sor.u32 $0x1C07, s9;
	s26 =	simm.s32 $0xC00;
	[dreg:$0x1a] =	wrdreg s8  }
0x20: {  	s9 =	simm.s32 $0x7;
	s0 =	sadd.s32 s0, s2;
	[dreg:$0x16] =	wrdreg s26  }
0x21: {  	s2 =	simm.s32 $0xF00;
	s5 =	simm.s32 $0xF80;
	[dreg:$0x1b] =	wrdreg s0  }
0x22: {  	s26 =	simm.s32 $0x680;
	s0 =	simm.s32 $0xE80;
	[dreg:$0x18] =	wrdreg s7  }
.LBB2_1:
0x23: {  	[dreg:$0x1c] =	wrdreg s24  }
0x24: {  	s6 =	rddreg [dreg:$0x17]  }
0x25: {  	[spmem:s8], [sflag:s7] =	dma.local [hbm:s6], $0x2800  }
0x26: {  	_ =	swait.ge [sflag:s9], $0x2800  }
0x27: {  	[sflag:s9] =	ssyncset.done $0x0  }
0x28: {  	[sflag:s9] =	ssyncadd.s32 $0xFFFFD800  }
0x29: {  	[bflag:$0x0] =	sbarrier.arrive $0xFFFF  }
0x2a: {  	s7 =	rddreg [dreg:$0x4]  }
0x2b: {  	s6 =	sadd.s32 $0x0, s7  }
0x2c: {  	[tilespmem:s3], [sflag:$0x7] =	stream.linear.gather [hbm4b:s6+s3], $0x800, $0x38;
	[tilespmem:$0x1C800] =	vst v63  }
0x2d: {  	_ =	swait.ge [sflag:s9], $0x800  }
0x2e: {  	s8 =	rddreg [dreg:$0x3];
	[sflag:s9] =	ssyncset.done $0x0  }
0x2f: {  	[sflag:s9] =	ssyncadd.s32 $0xFFFFF800;
	s6 =	sadd.s32 $0x0, s8  }
0x30: {  	[tilespmem:s10], [sflag:$0x7] =	stream.linear.gather [hbm4b:s6+s3], $0x800, $0x38;
	[tilespmem:$0x1C800] =	vst v63  }
0x31: {  	_ =	swait.ge [sflag:s9], $0x800  }
0x32: {  	[sflag:s9] =	ssyncset.done $0x0  }
0x33: {  	[sflag:s9] =	ssyncadd.s32 $0xFFFFF800  }
0x34: {  	[tilespmem:s12], [sflag:$0x1] =	stream.indirect.gather [hbm4b:s4+s11], $0x80, s3, s11, $0xb8;
	[tilespmem:$0x1C800] =	vst v63  }
0x35: {  	s24 =	rddreg [dreg:$0x5]  }
0x36: {  	[tilespmem:s13], [sflag:$0x2] =	stream.indirect.gather [hbm4b:s4+s11], $0x80, s24, s11, $0xb8;
	[tilespmem:$0x1C800] =	vst v63  }
0x37: {  	s7 =	rddreg [dreg:$0x6]  }
0x38: {  	[tilespmem:s14], [sflag:$0x3] =	stream.indirect.gather [hbm4b:s4+s11], $0x80, s7, s11, $0xb8;
	[tilespmem:$0x1C800] =	vst v63  }
0x39: {  	_ =	swait.ge [sflag:s15], $0x2800  }
0x3a: {  	[sflag:s15] =	ssyncset.done $0x0  }
0x3b: {  	[sflag:s15] =	ssyncadd.s32 $0xFFFFD800  }
0x3c: {  	[spmem:s1] =	stream.indirect.scatter.add.f32 [tilespmem:s12], [sflag:$0x4], $0x80, s10, s11, $0xb8;
	[tilespmem:$0x1C800] =	vst v63  }
0x3d: {  	_ =	swait.ge [sflag:s16], $0x2800  }
0x3e: {  	[sflag:s16] =	ssyncset.done $0x0  }
0x3f: {  	s24 =	rddreg [dreg:$0x7];
	[sflag:s16] =	ssyncadd.s32 $0xFFFFD800  }
0x40: {  	[tilespmem:s12], [sflag:$0x1] =	stream.indirect.gather [hbm4b:s4+s11], $0x80, s24, s11, $0xb8;
	[tilespmem:$0x1C800] =	vst v63  }
0x41: {  	_ =	swait.ge [sflag:s17], $0x2800  }
0x42: {  	[sflag:s17] =	ssyncset.done $0x0  }
0x43: {  	s7 =	rddreg [dreg:$0x8];
	[sflag:s17] =	ssyncadd.s32 $0xFFFFD800  }
0x44: {  	[spmem:s1] =	stream.indirect.scatter.add.f32 [tilespmem:s13], [sflag:$0x5], $0x80, s7, s11, $0xb8;
	[tilespmem:$0x1C800] =	vst v63  }
0x45: {  	_ =	swait.ge [sflag:s18], $0x2800  }
0x46: {  	[sflag:s18] =	ssyncset.done $0x0  }
0x47: {  	s8 =	rddreg [dreg:$0x9];
	[sflag:s18] =	ssyncadd.s32 $0xFFFFD800  }
0x48: {  	[tilespmem:s13], [sflag:$0x2] =	stream.indirect.gather [hbm4b:s4+s11], $0x80, s8, s11, $0xb8;
	[tilespmem:$0x1C800] =	vst v63  }
0x49: {  	_ =	swait.ge [sflag:s19], $0x2800  }
0x4a: {  	[sflag:s19] =	ssyncset.done $0x0  }
0x4b: {  	s24 =	rddreg [dreg:$0xa];
	[sflag:s19] =	ssyncadd.s32 $0xFFFFD800  }
0x4c: {  	[spmem:s1] =	stream.indirect.scatter.add.f32 [tilespmem:s14], [sflag:$0x6], $0x80, s24, s11, $0xb8;
	[tilespmem:$0x1C800] =	vst v63  }
0x4d: {  	_ =	swait.ge [sflag:s20], $0x2800  }
0x4e: {  	[sflag:s20] =	ssyncset.done $0x0  }
0x4f: {  	s7 =	rddreg [dreg:$0xb];
	[sflag:s20] =	ssyncadd.s32 $0xFFFFD800  }
0x50: {  	[tilespmem:s14], [sflag:$0x3] =	stream.indirect.gather [hbm4b:s4+s11], $0x80, s7, s11, $0xb8;
	[tilespmem:$0x1C800] =	vst v63  }
0x51: {  	_ =	swait.ge [sflag:s15], $0x2800  }
0x52: {  	[sflag:s15] =	ssyncset.done $0x0  }
0x53: {  	s8 =	rddreg [dreg:$0xc];
	[sflag:s15] =	ssyncadd.s32 $0xFFFFD800  }
0x54: {  	[spmem:s1] =	stream.indirect.scatter.add.f32 [tilespmem:s12], [sflag:$0x4], $0x80, s8, s11, $0xb8;
	[tilespmem:$0x1C800] =	vst v63  }
0x55: {  	_ =	swait.ge [sflag:s16], $0x2800  }
0x56: {  	[sflag:s16] =	ssyncset.done $0x0  }
0x57: {  	s24 =	rddreg [dreg:$0xd];
	[sflag:s16] =	ssyncadd.s32 $0xFFFFD800  }
0x58: {  	[tilespmem:s12], [sflag:$0x1] =	stream.indirect.gather [hbm4b:s4+s11], $0x80, s24, s11, $0xb8;
	[tilespmem:$0x1C800] =	vst v63  }
0x59: {  	_ =	swait.ge [sflag:s17], $0x2800  }
0x5a: {  	[sflag:s17] =	ssyncset.done $0x0  }
0x5b: {  	s7 =	rddreg [dreg:$0xe];
	[sflag:s17] =	ssyncadd.s32 $0xFFFFD800  }
0x5c: {  	[spmem:s1] =	stream.indirect.scatter.add.f32 [tilespmem:s13], [sflag:$0x5], $0x80, s7, s11, $0xb8;
	[tilespmem:$0x1C800] =	vst v63  }
0x5d: {  	_ =	swait.ge [sflag:s18], $0x2800  }
0x5e: {  	[sflag:s18] =	ssyncset.done $0x0  }
0x5f: {  	s8 =	rddreg [dreg:$0xf];
	[sflag:s18] =	ssyncadd.s32 $0xFFFFD800  }
0x60: {  	[tilespmem:s13], [sflag:$0x2] =	stream.indirect.gather [hbm4b:s4+s11], $0x80, s8, s11, $0xb8;
	[tilespmem:$0x1C800] =	vst v63  }
0x61: {  	_ =	swait.ge [sflag:s19], $0x2800  }
0x62: {  	[sflag:s19] =	ssyncset.done $0x0  }
0x63: {  	s24 =	rddreg [dreg:$0x10];
	[sflag:s19] =	ssyncadd.s32 $0xFFFFD800  }
0x64: {  	[spmem:s1] =	stream.indirect.scatter.add.f32 [tilespmem:s14], [sflag:$0x6], $0x80, s24, s11, $0xb8;
	[tilespmem:$0x1C800] =	vst v63  }
0x65: {  	_ =	swait.ge [sflag:s20], $0x2800  }
0x66: {  	[sflag:s20] =	ssyncset.done $0x0  }
0x67: {  	s7 =	rddreg [dreg:$0x11];
	[sflag:s20] =	ssyncadd.s32 $0xFFFFD800  }
0x68: {  	[tilespmem:s14], [sflag:$0x3] =	stream.indirect.gather [hbm4b:s4+s11], $0x80, s7, s11, $0xb8;
	[tilespmem:$0x1C800] =	vst v63  }
0x69: {  	_ =	swait.ge [sflag:s15], $0x2800  }
0x6a: {  	[sflag:s15] =	ssyncset.done $0x0  }
0x6b: {  	s8 =	rddreg [dreg:$0x12];
	[sflag:s15] =	ssyncadd.s32 $0xFFFFD800  }
0x6c: {  	[spmem:s1] =	stream.indirect.scatter.add.f32 [tilespmem:s12], [sflag:$0x4], $0x80, s8, s11, $0xb8;
	[tilespmem:$0x1C800] =	vst v63  }
0x6d: {  	_ =	swait.ge [sflag:s16], $0x2800  }
0x6e: {  	[sflag:s16] =	ssyncset.done $0x0  }
0x6f: {  	s24 =	rddreg [dreg:$0x13];
	[sflag:s16] =	ssyncadd.s32 $0xFFFFD800  }
0x70: {  	[tilespmem:s12], [sflag:$0x1] =	stream.indirect.gather [hbm4b:s4+s11], $0x80, s24, s11, $0xb8;
	[tilespmem:$0x1C800] =	vst v63  }
0x71: {  	_ =	swait.ge [sflag:s17], $0x2800  }
0x72: {  	[sflag:s17] =	ssyncset.done $0x0  }
0x73: {  	s7 =	rddreg [dreg:$0x14];
	[sflag:s17] =	ssyncadd.s32 $0xFFFFD800  }
0x74: {  	[spmem:s1] =	stream.indirect.scatter.add.f32 [tilespmem:s13], [sflag:$0x5], $0x80, s7, s11, $0xb8;
	[tilespmem:$0x1C800] =	vst v63  }
0x75: {  	_ =	swait.ge [sflag:s18], $0x2800  }
0x76: {  	[sflag:s18] =	ssyncset.done $0x0  }
0x77: {  	s8 =	rddreg [dreg:$0x15];
	[sflag:s18] =	ssyncadd.s32 $0xFFFFD800  }
0x78: {  	[tilespmem:s13], [sflag:$0x2] =	stream.indirect.gather [hbm4b:s4+s11], $0x80, s8, s11, $0xb8;
	[tilespmem:$0x1C800] =	vst v63  }
0x79: {  	_ =	swait.ge [sflag:s19], $0x2800  }
0x7a: {  	[sflag:s19] =	ssyncset.done $0x0  }
0x7b: {  	s24 =	rddreg [dreg:$0x16];
	[sflag:s19] =	ssyncadd.s32 $0xFFFFD800  }
0x7c: {  	[spmem:s1] =	stream.indirect.scatter.add.f32 [tilespmem:s14], [sflag:$0x6], $0x80, s24, s11, $0xb8;
	[tilespmem:$0x1C800] =	vst v63  }
0x7d: {  	_ =	swait.ge [sflag:s20], $0x2800  }
0x7e: {  	[sflag:s20] =	ssyncset.done $0x0  }
0x7f: {  	[sflag:s20] =	ssyncadd.s32 $0xFFFFD800  }
0x80: {  	[tilespmem:s14], [sflag:$0x3] =	stream.indirect.gather [hbm4b:s4+s11], $0x80, s21, s11, $0xb8;
	[tilespmem:$0x1C800] =	vst v63  }
0x81: {  	_ =	swait.ge [sflag:s15], $0x2800  }
0x82: {  	[sflag:s15] =	ssyncset.done $0x0  }
0x83: {  	[sflag:s15] =	ssyncadd.s32 $0xFFFFD800  }
0x84: {  	[spmem:s1] =	stream.indirect.scatter.add.f32 [tilespmem:s12], [sflag:$0x4], $0x80, s22, s11, $0xb8;
	[tilespmem:$0x1C800] =	vst v63  }
0x85: {  	_ =	swait.ge [sflag:s16], $0x2800  }
0x86: {  	[sflag:s16] =	ssyncset.done $0x0  }
0x87: {  	[sflag:s16] =	ssyncadd.s32 $0xFFFFD800  }
0x88: {  	[tilespmem:s12], [sflag:$0x1] =	stream.indirect.gather [hbm4b:s4+s11], $0x80, s23, s11, $0xb8;
	[tilespmem:$0x1C800] =	vst v63  }
0x89: {  	_ =	swait.ge [sflag:s17], $0x2800  }
0x8a: {  	[sflag:s17] =	ssyncset.done $0x0  }
0x8b: {  	[sflag:s17] =	ssyncadd.s32 $0xFFFFD800  }
0x8c: {  	[spmem:s1] =	stream.indirect.scatter.add.f32 [tilespmem:s13], [sflag:$0x5], $0x80, s25, s11, $0xb8;
	[tilespmem:$0x1C800] =	vst v63  }
0x8d: {  	_ =	swait.ge [sflag:s18], $0x2800  }
0x8e: {  	[sflag:s18] =	ssyncset.done $0x0  }
0x8f: {  	[sflag:s18] =	ssyncadd.s32 $0xFFFFD800  }
0x90: {  	[tilespmem:s13], [sflag:$0x2] =	stream.indirect.gather [hbm4b:s4+s11], $0x80, s26, s11, $0xb8;
	[tilespmem:$0x1C800] =	vst v63  }
0x91: {  	_ =	swait.ge [sflag:s19], $0x2800  }
0x92: {  	[sflag:s19] =	ssyncset.done $0x0  }
0x93: {  	[sflag:s19] =	ssyncadd.s32 $0xFFFFD800  }
0x94: {  	[spmem:s1] =	stream.indirect.scatter.add.f32 [tilespmem:s14], [sflag:$0x6], $0x80, s28, s11, $0xb8;
	[tilespmem:$0x1C800] =	vst v63  }
0x95: {  	_ =	swait.ge [sflag:s20], $0x2800  }
0x96: {  	[sflag:s20] =	ssyncset.done $0x0  }
0x97: {  	[sflag:s20] =	ssyncadd.s32 $0xFFFFD800  }
0x98: {  	[tilespmem:s14], [sflag:$0x3] =	stream.indirect.gather [hbm4b:s4+s11], $0x80, s29, s11, $0xb8;
	[tilespmem:$0x1C800] =	vst v63  }
0x99: {  	_ =	swait.ge [sflag:s15], $0x2800  }
0x9a: {  	[sflag:s15] =	ssyncset.done $0x0  }
0x9b: {  	[sflag:s15] =	ssyncadd.s32 $0xFFFFD800  }
0x9c: {  	[spmem:s1] =	stream.indirect.scatter.add.f32 [tilespmem:s12], [sflag:$0x4], $0x80, s30, s11, $0xb8;
	[tilespmem:$0x1C800] =	vst v63  }
0x9d: {  	_ =	swait.ge [sflag:s16], $0x2800  }
0x9e: {  	[sflag:s16] =	ssyncset.done $0x0  }
0x9f: {  	[sflag:s16] =	ssyncadd.s32 $0xFFFFD800  }
0xa0: {  	[tilespmem:s12], [sflag:$0x1] =	stream.indirect.gather [hbm4b:s4+s11], $0x80, s31, s11, $0xb8;
	[tilespmem:$0x1C800] =	vst v63  }
0xa1: {  	_ =	swait.ge [sflag:s17], $0x2800  }
0xa2: {  	[sflag:s17] =	ssyncset.done $0x0  }
0xa3: {  	[sflag:s17] =	ssyncadd.s32 $0xFFFFD800  }
0xa4: {  	[spmem:s1] =	stream.indirect.scatter.add.f32 [tilespmem:s13], [sflag:$0x5], $0x80, s0, s11, $0xb8;
	[tilespmem:$0x1C800] =	vst v63  }
0xa5: {  	_ =	swait.ge [sflag:s19], $0x2800  }
0xa6: {  	[sflag:s19] =	ssyncset.done $0x0  }
0xa7: {  	[sflag:s19] =	ssyncadd.s32 $0xFFFFD800  }
0xa8: {  	[spmem:s1] =	stream.indirect.scatter.add.f32 [tilespmem:s14], [sflag:$0x6], $0x80, s2, s11, $0xb8;
	[tilespmem:$0x1C800] =	vst v63  }
0xa9: {  	_ =	swait.ge [sflag:s15], $0x2800  }
0xaa: {  	[sflag:s15] =	ssyncset.done $0x0  }
0xab: {  	[sflag:s15] =	ssyncadd.s32 $0xFFFFD800  }
0xac: {  	[spmem:s1] =	stream.indirect.scatter.add.f32 [tilespmem:s12], [sflag:$0x4], $0x80, s5, s11, $0xb8;
	[tilespmem:$0x1C800] =	vst v63  }
0xad: {  	_ =	swait.ge [sflag:s18], $0x2800  }
0xae: {  	[sflag:s18] =	ssyncset.done $0x0  }
0xaf: {  	[sflag:s18] =	ssyncadd.s32 $0xFFFFD800  }
0xb0: {  	_ =	swait.ge [sflag:s20], $0x2800  }
0xb1: {  	[sflag:s20] =	ssyncset.done $0x0  }
0xb2: {  	[sflag:s20] =	ssyncadd.s32 $0xFFFFD800  }
0xb3: {  	s6 =	simm.s32 $0x200;
	_ =	swait.ge [sflag:s16], $0x2800  }
0xb4: {  	s24 =	simm.s32 $0x100;
	s8 =	rddreg [dreg:$0x4];
	[sflag:s16] =	ssyncset.done $0x0  }
.LBB2_2:
0xb5: {  	[sflag:s16] =	ssyncadd.s32 $0xFFFFD800;
	s8 =	sadd.s32 s24, s8  }
0xb6: {  	[tilespmem:s3], [sflag:$0x7] =	stream.linear.gather [hbm4b:s8+s3], $0x800, $0x38;
	[tilespmem:$0x1C800] =	vst v63  }
0xb7: {  	_ =	swait.ge [sflag:s9], $0x800  }
0xb8: {  	s8 =	rddreg [dreg:$0x3];
	[sflag:s9] =	ssyncset.done $0x0  }
0xb9: {  	[sflag:s9] =	ssyncadd.s32 $0xFFFFF800;
	s8 =	sadd.s32 s24, s8  }
0xba: {  	[tilespmem:s10], [sflag:$0x7] =	stream.linear.gather [hbm4b:s8+s3], $0x800, $0x38;
	[tilespmem:$0x1C800] =	vst v63  }
0xbb: {  	_ =	swait.ge [sflag:s9], $0x800  }
0xbc: {  	[sflag:s9] =	ssyncset.done $0x0  }
0xbd: {  	s7 =	smov.u32 s6;
	[sflag:s9] =	ssyncadd.s32 $0xFFFFF800  }
0xbe: {  	[tilespmem:s12], [sflag:$0x1] =	stream.indirect.gather [hbm4b:s4+s11], $0x80, s3, s11, $0xb8;
	[tilespmem:$0x1C800] =	vst v63  }
0xbf: {  	s24 =	smov.u32 s7;
	s7 =	rddreg [dreg:$0x5]  }
0xc0: {  	[tilespmem:s13], [sflag:$0x2] =	stream.indirect.gather [hbm4b:s4+s11], $0x80, s7, s11, $0xb8;
	[tilespmem:$0x1C800] =	vst v63  }
0xc1: {  	s8 =	rddreg [dreg:$0x6]  }
0xc2: {  	[tilespmem:s14], [sflag:$0x3] =	stream.indirect.gather [hbm4b:s4+s11], $0x80, s8, s11, $0xb8;
	[tilespmem:$0x1C800] =	vst v63  }
0xc3: {  	_ =	swait.ge [sflag:s15], $0x2800  }
0xc4: {  	[sflag:s15] =	ssyncset.done $0x0  }
0xc5: {  	[sflag:s15] =	ssyncadd.s32 $0xFFFFD800  }
0xc6: {  	[spmem:s1] =	stream.indirect.scatter.add.f32 [tilespmem:s12], [sflag:$0x4], $0x80, s10, s11, $0xb8;
	[tilespmem:$0x1C800] =	vst v63  }
0xc7: {  	_ =	swait.ge [sflag:s16], $0x2800  }
0xc8: {  	[sflag:s16] =	ssyncset.done $0x0  }
0xc9: {  	s8 =	rddreg [dreg:$0x7];
	[sflag:s16] =	ssyncadd.s32 $0xFFFFD800  }
0xca: {  	[tilespmem:s12], [sflag:$0x1] =	stream.indirect.gather [hbm4b:s4+s11], $0x80, s8, s11, $0xb8;
	[tilespmem:$0x1C800] =	vst v63  }
0xcb: {  	_ =	swait.ge [sflag:s17], $0x2800  }
0xcc: {  	[sflag:s17] =	ssyncset.done $0x0  }
0xcd: {  	s8 =	rddreg [dreg:$0x8];
	[sflag:s17] =	ssyncadd.s32 $0xFFFFD800  }
0xce: {  	[spmem:s1] =	stream.indirect.scatter.add.f32 [tilespmem:s13], [sflag:$0x5], $0x80, s8, s11, $0xb8;
	[tilespmem:$0x1C800] =	vst v63  }
0xcf: {  	_ =	swait.ge [sflag:s18], $0x2800  }
0xd0: {  	[sflag:s18] =	ssyncset.done $0x0  }
0xd1: {  	s8 =	rddreg [dreg:$0x9];
	[sflag:s18] =	ssyncadd.s32 $0xFFFFD800  }
0xd2: {  	[tilespmem:s13], [sflag:$0x2] =	stream.indirect.gather [hbm4b:s4+s11], $0x80, s8, s11, $0xb8;
	[tilespmem:$0x1C800] =	vst v63  }
0xd3: {  	_ =	swait.ge [sflag:s19], $0x2800  }
0xd4: {  	[sflag:s19] =	ssyncset.done $0x0  }
0xd5: {  	s8 =	rddreg [dreg:$0xa];
	[sflag:s19] =	ssyncadd.s32 $0xFFFFD800  }
0xd6: {  	[spmem:s1] =	stream.indirect.scatter.add.f32 [tilespmem:s14], [sflag:$0x6], $0x80, s8, s11, $0xb8;
	[tilespmem:$0x1C800] =	vst v63  }
0xd7: {  	_ =	swait.ge [sflag:s20], $0x2800  }
0xd8: {  	[sflag:s20] =	ssyncset.done $0x0  }
0xd9: {  	s8 =	rddreg [dreg:$0xb];
	[sflag:s20] =	ssyncadd.s32 $0xFFFFD800  }
0xda: {  	[tilespmem:s14], [sflag:$0x3] =	stream.indirect.gather [hbm4b:s4+s11], $0x80, s8, s11, $0xb8;
	[tilespmem:$0x1C800] =	vst v63  }
0xdb: {  	_ =	swait.ge [sflag:s15], $0x2800  }
0xdc: {  	[sflag:s15] =	ssyncset.done $0x0  }
0xdd: {  	s8 =	rddreg [dreg:$0xc];
	[sflag:s15] =	ssyncadd.s32 $0xFFFFD800  }
0xde: {  	[spmem:s1] =	stream.indirect.scatter.add.f32 [tilespmem:s12], [sflag:$0x4], $0x80, s8, s11, $0xb8;
	[tilespmem:$0x1C800] =	vst v63  }
0xdf: {  	_ =	swait.ge [sflag:s16], $0x2800  }
0xe0: {  	[sflag:s16] =	ssyncset.done $0x0  }
0xe1: {  	s8 =	rddreg [dreg:$0xd];
	[sflag:s16] =	ssyncadd.s32 $0xFFFFD800  }
0xe2: {  	[tilespmem:s12], [sflag:$0x1] =	stream.indirect.gather [hbm4b:s4+s11], $0x80, s8, s11, $0xb8;
	[tilespmem:$0x1C800] =	vst v63  }
0xe3: {  	_ =	swait.ge [sflag:s17], $0x2800  }
0xe4: {  	[sflag:s17] =	ssyncset.done $0x0  }
0xe5: {  	s8 =	rddreg [dreg:$0xe];
	[sflag:s17] =	ssyncadd.s32 $0xFFFFD800  }
0xe6: {  	[spmem:s1] =	stream.indirect.scatter.add.f32 [tilespmem:s13], [sflag:$0x5], $0x80, s8, s11, $0xb8;
	[tilespmem:$0x1C800] =	vst v63  }
0xe7: {  	_ =	swait.ge [sflag:s18], $0x2800  }
0xe8: {  	[sflag:s18] =	ssyncset.done $0x0  }
0xe9: {  	s8 =	rddreg [dreg:$0xf];
	[sflag:s18] =	ssyncadd.s32 $0xFFFFD800  }
0xea: {  	[tilespmem:s13], [sflag:$0x2] =	stream.indirect.gather [hbm4b:s4+s11], $0x80, s8, s11, $0xb8;
	[tilespmem:$0x1C800] =	vst v63  }
0xeb: {  	_ =	swait.ge [sflag:s19], $0x2800  }
0xec: {  	[sflag:s19] =	ssyncset.done $0x0  }
0xed: {  	s8 =	rddreg [dreg:$0x10];
	[sflag:s19] =	ssyncadd.s32 $0xFFFFD800  }
0xee: {  	[spmem:s1] =	stream.indirect.scatter.add.f32 [tilespmem:s14], [sflag:$0x6], $0x80, s8, s11, $0xb8;
	[tilespmem:$0x1C800] =	vst v63  }
0xef: {  	_ =	swait.ge [sflag:s20], $0x2800  }
0xf0: {  	[sflag:s20] =	ssyncset.done $0x0  }
0xf1: {  	s8 =	rddreg [dreg:$0x11];
	[sflag:s20] =	ssyncadd.s32 $0xFFFFD800  }
0xf2: {  	[tilespmem:s14], [sflag:$0x3] =	stream.indirect.gather [hbm4b:s4+s11], $0x80, s8, s11, $0xb8;
	[tilespmem:$0x1C800] =	vst v63  }
0xf3: {  	_ =	swait.ge [sflag:s15], $0x2800  }
0xf4: {  	[sflag:s15] =	ssyncset.done $0x0  }
0xf5: {  	s8 =	rddreg [dreg:$0x12];
	[sflag:s15] =	ssyncadd.s32 $0xFFFFD800  }
0xf6: {  	[spmem:s1] =	stream.indirect.scatter.add.f32 [tilespmem:s12], [sflag:$0x4], $0x80, s8, s11, $0xb8;
	[tilespmem:$0x1C800] =	vst v63  }
0xf7: {  	_ =	swait.ge [sflag:s16], $0x2800  }
0xf8: {  	[sflag:s16] =	ssyncset.done $0x0  }
0xf9: {  	s8 =	rddreg [dreg:$0x13];
	[sflag:s16] =	ssyncadd.s32 $0xFFFFD800  }
0xfa: {  	[tilespmem:s12], [sflag:$0x1] =	stream.indirect.gather [hbm4b:s4+s11], $0x80, s8, s11, $0xb8;
	[tilespmem:$0x1C800] =	vst v63  }
0xfb: {  	_ =	swait.ge [sflag:s17], $0x2800  }
0xfc: {  	[sflag:s17] =	ssyncset.done $0x0  }
0xfd: {  	s8 =	rddreg [dreg:$0x14];
	[sflag:s17] =	ssyncadd.s32 $0xFFFFD800  }
0xfe: {  	[spmem:s1] =	stream.indirect.scatter.add.f32 [tilespmem:s13], [sflag:$0x5], $0x80, s8, s11, $0xb8;
	[tilespmem:$0x1C800] =	vst v63  }
0xff: {  	_ =	swait.ge [sflag:s18], $0x2800  }
0x100: {  	[sflag:s18] =	ssyncset.done $0x0  }
0x101: {  	s8 =	rddreg [dreg:$0x15];
	[sflag:s18] =	ssyncadd.s32 $0xFFFFD800  }
0x102: {  	[tilespmem:s13], [sflag:$0x2] =	stream.indirect.gather [hbm4b:s4+s11], $0x80, s8, s11, $0xb8;
	[tilespmem:$0x1C800] =	vst v63  }
0x103: {  	_ =	swait.ge [sflag:s19], $0x2800  }
0x104: {  	[sflag:s19] =	ssyncset.done $0x0  }
0x105: {  	s8 =	rddreg [dreg:$0x16];
	[sflag:s19] =	ssyncadd.s32 $0xFFFFD800  }
0x106: {  	[spmem:s1] =	stream.indirect.scatter.add.f32 [tilespmem:s14], [sflag:$0x6], $0x80, s8, s11, $0xb8;
	[tilespmem:$0x1C800] =	vst v63  }
0x107: {  	_ =	swait.ge [sflag:s20], $0x2800  }
0x108: {  	[sflag:s20] =	ssyncset.done $0x0  }
0x109: {  	[sflag:s20] =	ssyncadd.s32 $0xFFFFD800  }
0x10a: {  	[tilespmem:s14], [sflag:$0x3] =	stream.indirect.gather [hbm4b:s4+s11], $0x80, s21, s11, $0xb8;
	[tilespmem:$0x1C800] =	vst v63  }
0x10b: {  	_ =	swait.ge [sflag:s15], $0x2800  }
0x10c: {  	[sflag:s15] =	ssyncset.done $0x0  }
0x10d: {  	[sflag:s15] =	ssyncadd.s32 $0xFFFFD800  }
0x10e: {  	[spmem:s1] =	stream.indirect.scatter.add.f32 [tilespmem:s12], [sflag:$0x4], $0x80, s22, s11, $0xb8;
	[tilespmem:$0x1C800] =	vst v63  }
0x10f: {  	_ =	swait.ge [sflag:s16], $0x2800  }
0x110: {  	[sflag:s16] =	ssyncset.done $0x0  }
0x111: {  	[sflag:s16] =	ssyncadd.s32 $0xFFFFD800  }
0x112: {  	[tilespmem:s12], [sflag:$0x1] =	stream.indirect.gather [hbm4b:s4+s11], $0x80, s23, s11, $0xb8;
	[tilespmem:$0x1C800] =	vst v63  }
0x113: {  	_ =	swait.ge [sflag:s17], $0x2800  }
0x114: {  	[sflag:s17] =	ssyncset.done $0x0  }
0x115: {  	[sflag:s17] =	ssyncadd.s32 $0xFFFFD800  }
0x116: {  	[spmem:s1] =	stream.indirect.scatter.add.f32 [tilespmem:s13], [sflag:$0x5], $0x80, s25, s11, $0xb8;
	[tilespmem:$0x1C800] =	vst v63  }
0x117: {  	_ =	swait.ge [sflag:s18], $0x2800  }
0x118: {  	[sflag:s18] =	ssyncset.done $0x0  }
0x119: {  	[sflag:s18] =	ssyncadd.s32 $0xFFFFD800  }
0x11a: {  	[tilespmem:s13], [sflag:$0x2] =	stream.indirect.gather [hbm4b:s4+s11], $0x80, s26, s11, $0xb8;
	[tilespmem:$0x1C800] =	vst v63  }
0x11b: {  	_ =	swait.ge [sflag:s19], $0x2800  }
0x11c: {  	[sflag:s19] =	ssyncset.done $0x0  }
0x11d: {  	[sflag:s19] =	ssyncadd.s32 $0xFFFFD800  }
0x11e: {  	[spmem:s1] =	stream.indirect.scatter.add.f32 [tilespmem:s14], [sflag:$0x6], $0x80, s28, s11, $0xb8;
	[tilespmem:$0x1C800] =	vst v63  }
0x11f: {  	_ =	swait.ge [sflag:s20], $0x2800  }
0x120: {  	[sflag:s20] =	ssyncset.done $0x0  }
0x121: {  	[sflag:s20] =	ssyncadd.s32 $0xFFFFD800  }
0x122: {  	[tilespmem:s14], [sflag:$0x3] =	stream.indirect.gather [hbm4b:s4+s11], $0x80, s29, s11, $0xb8;
	[tilespmem:$0x1C800] =	vst v63  }
0x123: {  	_ =	swait.ge [sflag:s15], $0x2800  }
0x124: {  	[sflag:s15] =	ssyncset.done $0x0  }
0x125: {  	[sflag:s15] =	ssyncadd.s32 $0xFFFFD800  }
0x126: {  	[spmem:s1] =	stream.indirect.scatter.add.f32 [tilespmem:s12], [sflag:$0x4], $0x80, s30, s11, $0xb8;
	[tilespmem:$0x1C800] =	vst v63  }
0x127: {  	_ =	swait.ge [sflag:s16], $0x2800  }
0x128: {  	[sflag:s16] =	ssyncset.done $0x0  }
0x129: {  	[sflag:s16] =	ssyncadd.s32 $0xFFFFD800  }
0x12a: {  	[tilespmem:s12], [sflag:$0x1] =	stream.indirect.gather [hbm4b:s4+s11], $0x80, s31, s11, $0xb8;
	[tilespmem:$0x1C800] =	vst v63  }
0x12b: {  	_ =	swait.ge [sflag:s17], $0x2800  }
0x12c: {  	[sflag:s17] =	ssyncset.done $0x0  }
0x12d: {  	[sflag:s17] =	ssyncadd.s32 $0xFFFFD800  }
0x12e: {  	[spmem:s1] =	stream.indirect.scatter.add.f32 [tilespmem:s13], [sflag:$0x5], $0x80, s0, s11, $0xb8;
	[tilespmem:$0x1C800] =	vst v63  }
0x12f: {  	_ =	swait.ge [sflag:s19], $0x2800  }
0x130: {  	[sflag:s19] =	ssyncset.done $0x0  }
0x131: {  	[sflag:s19] =	ssyncadd.s32 $0xFFFFD800  }
0x132: {  	[spmem:s1] =	stream.indirect.scatter.add.f32 [tilespmem:s14], [sflag:$0x6], $0x80, s2, s11, $0xb8;
	[tilespmem:$0x1C800] =	vst v63  }
0x133: {  	_ =	swait.ge [sflag:s15], $0x2800  }
0x134: {  	[sflag:s15] =	ssyncset.done $0x0  }
0x135: {  	[sflag:s15] =	ssyncadd.s32 $0xFFFFD800  }
0x136: {  	[spmem:s1] =	stream.indirect.scatter.add.f32 [tilespmem:s12], [sflag:$0x4], $0x80, s5, s11, $0xb8;
	[tilespmem:$0x1C800] =	vst v63  }
0x137: {  	_ =	swait.ge [sflag:s18], $0x2800  }
0x138: {  	[sflag:s18] =	ssyncset.done $0x0  }
0x139: {  	p0 =	sne.s32 s6, $0x700;
	[sflag:s18] =	ssyncadd.s32 $0xFFFFD800  }
.Ltmp0:
0x13a: {  	_ =	swait.ge [sflag:s20], $0x2800;
	(pc) =	sbr.rel @p0 .LBB2_2-.Ltmp0, $4  }
0x13b: {  	[sflag:s20] =	ssyncset.done $0x0  }
0x13c: {  	[sflag:s20] =	ssyncadd.s32 $0xFFFFD800  }
0x13d: {  	_ =	swait.ge [sflag:s16], $0x2800  }
0x13e: {  	s6 =	sadd.s32 $0x100, s6;
	s8 =	rddreg [dreg:$0x4];
	[sflag:s16] =	ssyncset.done $0x0  }
0x13f: {  	[sflag:s16] =	ssyncadd.s32 $0xFFFFD800;
	s6 =	sadd.s32 s24, s8  }
0x140: {  	[tilespmem:s3], [sflag:$0x7] =	stream.linear.gather [hbm4b:s6+s3], $0x800, $0x38;
	[tilespmem:$0x1C800] =	vst v63  }
0x141: {  	_ =	swait.ge [sflag:s9], $0x800  }
0x142: {  	s8 =	rddreg [dreg:$0x3];
	[sflag:s9] =	ssyncset.done $0x0  }
0x143: {  	[sflag:s9] =	ssyncadd.s32 $0xFFFFF800;
	s6 =	sadd.s32 s24, s8  }
0x144: {  	[tilespmem:s10], [sflag:$0x7] =	stream.linear.gather [hbm4b:s6+s3], $0x800, $0x38;
	[tilespmem:$0x1C800] =	vst v63  }
0x145: {  	_ =	swait.ge [sflag:s9], $0x800  }
0x146: {  	[sflag:s9] =	ssyncset.done $0x0  }
0x147: {  	[sflag:s9] =	ssyncadd.s32 $0xFFFFF800  }
0x148: {  	[tilespmem:s12], [sflag:$0x1] =	stream.indirect.gather [hbm4b:s4+s11], $0x80, s3, s11, $0xb8;
	[tilespmem:$0x1C800] =	vst v63  }
0x149: {  	s24 =	rddreg [dreg:$0x5]  }
0x14a: {  	[tilespmem:s13], [sflag:$0x2] =	stream.indirect.gather [hbm4b:s4+s11], $0x80, s24, s11, $0xb8;
	[tilespmem:$0x1C800] =	vst v63  }
0x14b: {  	s7 =	rddreg [dreg:$0x6]  }
0x14c: {  	[tilespmem:s14], [sflag:$0x3] =	stream.indirect.gather [hbm4b:s4+s11], $0x80, s7, s11, $0xb8;
	[tilespmem:$0x1C800] =	vst v63  }
0x14d: {  	_ =	swait.ge [sflag:s15], $0x2800  }
0x14e: {  	[sflag:s15] =	ssyncset.done $0x0  }
0x14f: {  	[sflag:s15] =	ssyncadd.s32 $0xFFFFD800  }
0x150: {  	[spmem:s1] =	stream.indirect.scatter.add.f32 [tilespmem:s12], [sflag:$0x4], $0x80, s10, s11, $0xb8;
	[tilespmem:$0x1C800] =	vst v63  }
0x151: {  	_ =	swait.ge [sflag:s16], $0x2800  }
0x152: {  	[sflag:s16] =	ssyncset.done $0x0  }
0x153: {  	s8 =	rddreg [dreg:$0x7];
	[sflag:s16] =	ssyncadd.s32 $0xFFFFD800  }
0x154: {  	[tilespmem:s12], [sflag:$0x1] =	stream.indirect.gather [hbm4b:s4+s11], $0x80, s8, s11, $0xb8;
	[tilespmem:$0x1C800] =	vst v63  }
0x155: {  	_ =	swait.ge [sflag:s17], $0x2800  }
0x156: {  	[sflag:s17] =	ssyncset.done $0x0  }
0x157: {  	s24 =	rddreg [dreg:$0x8];
	[sflag:s17] =	ssyncadd.s32 $0xFFFFD800  }
0x158: {  	[spmem:s1] =	stream.indirect.scatter.add.f32 [tilespmem:s13], [sflag:$0x5], $0x80, s24, s11, $0xb8;
	[tilespmem:$0x1C800] =	vst v63  }
0x159: {  	_ =	swait.ge [sflag:s18], $0x2800  }
0x15a: {  	[sflag:s18] =	ssyncset.done $0x0  }
0x15b: {  	s7 =	rddreg [dreg:$0x9];
	[sflag:s18] =	ssyncadd.s32 $0xFFFFD800  }
0x15c: {  	[tilespmem:s13], [sflag:$0x2] =	stream.indirect.gather [hbm4b:s4+s11], $0x80, s7, s11, $0xb8;
	[tilespmem:$0x1C800] =	vst v63  }
0x15d: {  	_ =	swait.ge [sflag:s19], $0x2800  }
0x15e: {  	[sflag:s19] =	ssyncset.done $0x0  }
0x15f: {  	s8 =	rddreg [dreg:$0xa];
	[sflag:s19] =	ssyncadd.s32 $0xFFFFD800  }
0x160: {  	[spmem:s1] =	stream.indirect.scatter.add.f32 [tilespmem:s14], [sflag:$0x6], $0x80, s8, s11, $0xb8;
	[tilespmem:$0x1C800] =	vst v63  }
0x161: {  	_ =	swait.ge [sflag:s20], $0x2800  }
0x162: {  	[sflag:s20] =	ssyncset.done $0x0  }
0x163: {  	s24 =	rddreg [dreg:$0xb];
	[sflag:s20] =	ssyncadd.s32 $0xFFFFD800  }
0x164: {  	[tilespmem:s14], [sflag:$0x3] =	stream.indirect.gather [hbm4b:s4+s11], $0x80, s24, s11, $0xb8;
	[tilespmem:$0x1C800] =	vst v63  }
0x165: {  	_ =	swait.ge [sflag:s15], $0x2800  }
0x166: {  	[sflag:s15] =	ssyncset.done $0x0  }
0x167: {  	s7 =	rddreg [dreg:$0xc];
	[sflag:s15] =	ssyncadd.s32 $0xFFFFD800  }
0x168: {  	[spmem:s1] =	stream.indirect.scatter.add.f32 [tilespmem:s12], [sflag:$0x4], $0x80, s7, s11, $0xb8;
	[tilespmem:$0x1C800] =	vst v63  }
0x169: {  	_ =	swait.ge [sflag:s16], $0x2800  }
0x16a: {  	[sflag:s16] =	ssyncset.done $0x0  }
0x16b: {  	s8 =	rddreg [dreg:$0xd];
	[sflag:s16] =	ssyncadd.s32 $0xFFFFD800  }
0x16c: {  	[tilespmem:s12], [sflag:$0x1] =	stream.indirect.gather [hbm4b:s4+s11], $0x80, s8, s11, $0xb8;
	[tilespmem:$0x1C800] =	vst v63  }
0x16d: {  	_ =	swait.ge [sflag:s17], $0x2800  }
0x16e: {  	[sflag:s17] =	ssyncset.done $0x0  }
0x16f: {  	s24 =	rddreg [dreg:$0xe];
	[sflag:s17] =	ssyncadd.s32 $0xFFFFD800  }
0x170: {  	[spmem:s1] =	stream.indirect.scatter.add.f32 [tilespmem:s13], [sflag:$0x5], $0x80, s24, s11, $0xb8;
	[tilespmem:$0x1C800] =	vst v63  }
0x171: {  	_ =	swait.ge [sflag:s18], $0x2800  }
0x172: {  	[sflag:s18] =	ssyncset.done $0x0  }
0x173: {  	s7 =	rddreg [dreg:$0xf];
	[sflag:s18] =	ssyncadd.s32 $0xFFFFD800  }
0x174: {  	[tilespmem:s13], [sflag:$0x2] =	stream.indirect.gather [hbm4b:s4+s11], $0x80, s7, s11, $0xb8;
	[tilespmem:$0x1C800] =	vst v63  }
0x175: {  	_ =	swait.ge [sflag:s19], $0x2800  }
0x176: {  	[sflag:s19] =	ssyncset.done $0x0  }
0x177: {  	s8 =	rddreg [dreg:$0x10];
	[sflag:s19] =	ssyncadd.s32 $0xFFFFD800  }
0x178: {  	[spmem:s1] =	stream.indirect.scatter.add.f32 [tilespmem:s14], [sflag:$0x6], $0x80, s8, s11, $0xb8;
	[tilespmem:$0x1C800] =	vst v63  }
0x179: {  	_ =	swait.ge [sflag:s20], $0x2800  }
0x17a: {  	[sflag:s20] =	ssyncset.done $0x0  }
0x17b: {  	s24 =	rddreg [dreg:$0x11];
	[sflag:s20] =	ssyncadd.s32 $0xFFFFD800  }
0x17c: {  	[tilespmem:s14], [sflag:$0x3] =	stream.indirect.gather [hbm4b:s4+s11], $0x80, s24, s11, $0xb8;
	[tilespmem:$0x1C800] =	vst v63  }
0x17d: {  	_ =	swait.ge [sflag:s15], $0x2800  }
0x17e: {  	[sflag:s15] =	ssyncset.done $0x0  }
0x17f: {  	s7 =	rddreg [dreg:$0x12];
	[sflag:s15] =	ssyncadd.s32 $0xFFFFD800  }
0x180: {  	[spmem:s1] =	stream.indirect.scatter.add.f32 [tilespmem:s12], [sflag:$0x4], $0x80, s7, s11, $0xb8;
	[tilespmem:$0x1C800] =	vst v63  }
0x181: {  	_ =	swait.ge [sflag:s16], $0x2800  }
0x182: {  	[sflag:s16] =	ssyncset.done $0x0  }
0x183: {  	s8 =	rddreg [dreg:$0x13];
	[sflag:s16] =	ssyncadd.s32 $0xFFFFD800  }
0x184: {  	[tilespmem:s12], [sflag:$0x1] =	stream.indirect.gather [hbm4b:s4+s11], $0x80, s8, s11, $0xb8;
	[tilespmem:$0x1C800] =	vst v63  }
0x185: {  	_ =	swait.ge [sflag:s17], $0x2800  }
0x186: {  	[sflag:s17] =	ssyncset.done $0x0  }
0x187: {  	s24 =	rddreg [dreg:$0x14];
	[sflag:s17] =	ssyncadd.s32 $0xFFFFD800  }
0x188: {  	[spmem:s1] =	stream.indirect.scatter.add.f32 [tilespmem:s13], [sflag:$0x5], $0x80, s24, s11, $0xb8;
	[tilespmem:$0x1C800] =	vst v63  }
0x189: {  	_ =	swait.ge [sflag:s18], $0x2800  }
0x18a: {  	[sflag:s18] =	ssyncset.done $0x0  }
0x18b: {  	s7 =	rddreg [dreg:$0x15];
	[sflag:s18] =	ssyncadd.s32 $0xFFFFD800  }
0x18c: {  	[tilespmem:s13], [sflag:$0x2] =	stream.indirect.gather [hbm4b:s4+s11], $0x80, s7, s11, $0xb8;
	[tilespmem:$0x1C800] =	vst v63  }
0x18d: {  	_ =	swait.ge [sflag:s19], $0x2800  }
0x18e: {  	[sflag:s19] =	ssyncset.done $0x0  }
0x18f: {  	s8 =	rddreg [dreg:$0x16];
	[sflag:s19] =	ssyncadd.s32 $0xFFFFD800  }
0x190: {  	[spmem:s1] =	stream.indirect.scatter.add.f32 [tilespmem:s14], [sflag:$0x6], $0x80, s8, s11, $0xb8;
	[tilespmem:$0x1C800] =	vst v63  }
0x191: {  	_ =	swait.ge [sflag:s20], $0x2800  }
0x192: {  	[sflag:s20] =	ssyncset.done $0x0  }
0x193: {  	[sflag:s20] =	ssyncadd.s32 $0xFFFFD800  }
0x194: {  	[tilespmem:s14], [sflag:$0x3] =	stream.indirect.gather [hbm4b:s4+s11], $0x80, s21, s11, $0xb8;
	[tilespmem:$0x1C800] =	vst v63  }
0x195: {  	_ =	swait.ge [sflag:s15], $0x2800  }
0x196: {  	[sflag:s15] =	ssyncset.done $0x0  }
0x197: {  	[sflag:s15] =	ssyncadd.s32 $0xFFFFD800  }
0x198: {  	[spmem:s1] =	stream.indirect.scatter.add.f32 [tilespmem:s12], [sflag:$0x4], $0x80, s22, s11, $0xb8;
	[tilespmem:$0x1C800] =	vst v63  }
0x199: {  	_ =	swait.ge [sflag:s16], $0x2800  }
0x19a: {  	[sflag:s16] =	ssyncset.done $0x0  }
0x19b: {  	[sflag:s16] =	ssyncadd.s32 $0xFFFFD800  }
0x19c: {  	[tilespmem:s12], [sflag:$0x1] =	stream.indirect.gather [hbm4b:s4+s11], $0x80, s23, s11, $0xb8;
	[tilespmem:$0x1C800] =	vst v63  }
0x19d: {  	_ =	swait.ge [sflag:s17], $0x2800  }
0x19e: {  	[sflag:s17] =	ssyncset.done $0x0  }
0x19f: {  	[sflag:s17] =	ssyncadd.s32 $0xFFFFD800  }
0x1a0: {  	[spmem:s1] =	stream.indirect.scatter.add.f32 [tilespmem:s13], [sflag:$0x5], $0x80, s25, s11, $0xb8;
	[tilespmem:$0x1C800] =	vst v63  }
0x1a1: {  	_ =	swait.ge [sflag:s18], $0x2800  }
0x1a2: {  	[sflag:s18] =	ssyncset.done $0x0  }
0x1a3: {  	[sflag:s18] =	ssyncadd.s32 $0xFFFFD800  }
0x1a4: {  	[tilespmem:s13], [sflag:$0x2] =	stream.indirect.gather [hbm4b:s4+s11], $0x80, s26, s11, $0xb8;
	[tilespmem:$0x1C800] =	vst v63  }
0x1a5: {  	_ =	swait.ge [sflag:s19], $0x2800  }
0x1a6: {  	[sflag:s19] =	ssyncset.done $0x0  }
0x1a7: {  	[sflag:s19] =	ssyncadd.s32 $0xFFFFD800  }
0x1a8: {  	[spmem:s1] =	stream.indirect.scatter.add.f32 [tilespmem:s14], [sflag:$0x6], $0x80, s28, s11, $0xb8;
	[tilespmem:$0x1C800] =	vst v63  }
0x1a9: {  	_ =	swait.ge [sflag:s20], $0x2800  }
0x1aa: {  	[sflag:s20] =	ssyncset.done $0x0  }
0x1ab: {  	[sflag:s20] =	ssyncadd.s32 $0xFFFFD800  }
0x1ac: {  	[tilespmem:s14], [sflag:$0x3] =	stream.indirect.gather [hbm4b:s4+s11], $0x80, s29, s11, $0xb8;
	[tilespmem:$0x1C800] =	vst v63  }
0x1ad: {  	_ =	swait.ge [sflag:s15], $0x2800  }
0x1ae: {  	[sflag:s15] =	ssyncset.done $0x0  }
0x1af: {  	[sflag:s15] =	ssyncadd.s32 $0xFFFFD800  }
0x1b0: {  	[spmem:s1] =	stream.indirect.scatter.add.f32 [tilespmem:s12], [sflag:$0x4], $0x80, s30, s11, $0xb8;
	[tilespmem:$0x1C800] =	vst v63  }
0x1b1: {  	_ =	swait.ge [sflag:s16], $0x2800  }
0x1b2: {  	[sflag:s16] =	ssyncset.done $0x0  }
0x1b3: {  	[sflag:s16] =	ssyncadd.s32 $0xFFFFD800  }
0x1b4: {  	[tilespmem:s12], [sflag:$0x1] =	stream.indirect.gather [hbm4b:s4+s11], $0x80, s31, s11, $0xb8;
	[tilespmem:$0x1C800] =	vst v63  }
0x1b5: {  	_ =	swait.ge [sflag:s17], $0x2800  }
0x1b6: {  	[sflag:s17] =	ssyncset.done $0x0  }
0x1b7: {  	[sflag:s17] =	ssyncadd.s32 $0xFFFFD800  }
0x1b8: {  	[spmem:s1] =	stream.indirect.scatter.add.f32 [tilespmem:s13], [sflag:$0x5], $0x80, s0, s11, $0xb8;
	[tilespmem:$0x1C800] =	vst v63  }
0x1b9: {  	_ =	swait.ge [sflag:s19], $0x2800  }
0x1ba: {  	[sflag:s19] =	ssyncset.done $0x0  }
0x1bb: {  	[sflag:s19] =	ssyncadd.s32 $0xFFFFD800  }
0x1bc: {  	[spmem:s1] =	stream.indirect.scatter.add.f32 [tilespmem:s14], [sflag:$0x6], $0x80, s2, s11, $0xb8;
	[tilespmem:$0x1C800] =	vst v63  }
0x1bd: {  	_ =	swait.ge [sflag:s15], $0x2800  }
0x1be: {  	[sflag:s15] =	ssyncset.done $0x0  }
0x1bf: {  	[sflag:s15] =	ssyncadd.s32 $0xFFFFD800  }
0x1c0: {  	[spmem:s1] =	stream.indirect.scatter.add.f32 [tilespmem:s12], [sflag:$0x4], $0x80, s5, s11, $0xb8;
	[tilespmem:$0x1C800] =	vst v63  }
0x1c1: {  	_ =	swait.ge [sflag:s18], $0x2800  }
0x1c2: {  	[sflag:s18] =	ssyncset.done $0x0  }
0x1c3: {  	[sflag:s18] =	ssyncadd.s32 $0xFFFFD800  }
0x1c4: {  	_ =	swait.ge [sflag:s20], $0x2800  }
0x1c5: {  	[sflag:s20] =	ssyncset.done $0x0  }
0x1c6: {  	[sflag:s20] =	ssyncadd.s32 $0xFFFFD800  }
0x1c7: {  	_ =	swait.ge [sflag:s16], $0x2800  }
0x1c8: {  	[sflag:s16] =	ssyncset.done $0x0  }
0x1c9: {  	[sflag:s16] =	ssyncadd.s32 $0xFFFFD800  }
0x1ca: {  	[bflag:$0x0] =	sbarrier.arrive $0xFFFF  }
0x1cb: {  	s7 =	rddreg [dreg:$0x18]  }
0x1cc: {  	s8 =	rddreg [dreg:$0x1a]  }
0x1cd: {  	s24 =	rddreg [dreg:$0x1b]  }
0x1ce: {  	[hbm:s24], [sflag:s7] =	dma.local [spmem:s8], $0x2800  }
0x1cf: {  	_ =	swait.ge [sflag:s9], $0x2800  }
0x1d0: {  	s6 =	rddreg [dreg:$0x1c]  }
0x1d1: {  	s24 =	sadd.s32 $0x1, s6;
	s6 =	rddreg [dreg:$0x19]  }
0x1d2: {  	p0 =	sne.s32 s24, s6  }
.Ltmp1:
0x1d3: {  	_ = 	snop;
	(pc) =	sbr.rel @p0 .LBB2_1-.Ltmp1, $3  }
0x1d4: {  	_ =	sdelay $0x1  }
0x1d5: {  	[sflag:s9] =	ssyncset.done $0x0  }
0x1d6: {  	[sflag:s9] =	ssyncadd.s32 $0xFFFFD800  }
0x1d7: {  	_ =	sfence.sel $0x180000  }
0x1d8: {  	[bflag:$0x0] =	sbarrier.arrive $0xFFFF  }
0x1d9: {  	_ =	strace $0x90000050  }
0x1da: {  	s0 =	stileid.u32;
	[bflag:$0x2] =	sbarrier.arrive $0xFFFF  }
0x1db: {  	p0 =	sne.s32 s0, $0x0;
	s0 =	rddreg [dreg:$0x2]  }
0x1dc: {  	s0 =	sadd.s32 @!p0 $0x100000, s0  }
0x1dd: {  	[sflag:s0] =	ssyncadd.tile.s32 @!p0 $0x1;
	_ =	shalt  }
.Lfunc_end2:
_tile_overlayer_lowered:
.L_overlay_start_2:
0x1de: {  	(tag) =	ssettag $0x2  }
0x1df: {  	s0 =	rddreg [dreg:$0x0];
	s2 =	stileid.u32  }
0x1e0: {  	s1 =	rddreg [dreg:$0x1];
	p0 =	sne.s32 s2, $0x0  }
0x1e1: {  	s3 =	rddreg [dreg:$0x2];
	[bflag:$0x3] =	sbarrier.arrive $0xFFFF;
	s2 =	simm.s32 @!p0 $0x1C07  }
0x1e2: {  	[timem:s3], [sflag:s2] =	dma.local @!p0 [hbm:s0], s1  }
0x1e3: {  	s0 =	simm.s32 @!p0 $0x7  }
0x1e4: {  	_ =	swait.ge @!p0 [sflag:s0], s1  }
0x1e5: {  	s1 =	ssub.s32 @!p0 $0x0, s1;
	[sflag:s0] =	ssyncset.done @!p0 $0x0  }
0x1e6: {  	[sflag:s0] =	ssyncadd.s32 @!p0 s1  }
0x1e7: {  	[bflag:$0x3] =	sbarrier.arrive $0xFFFF  }
0x1e8: {  	_ =	shalt  }

</sc_bundles>
